<compile_context>
chip_gen: v7x
topology: tpu7x:2x2x1
jax: 0.10.2.dev20260603
libtpu: 0.0.44.dev20260713+nightly
codegen_flags: <defaults>
</compile_context>

<pallas_src>
import functools

import jax
import jax.numpy as jnp
from jax import lax
from jax.experimental import pallas as pl
from jax.experimental.pallas import tpu as pltpu
from jax.experimental.pallas import tpu_sc as plsc

N = 10000
NP = 10240
E = 320000
EP = 327680
D = 128
H = 128
G = 128

NC = 2
NS = 16
NW = NC * NS
EPW = EP // NW
CH = 128
NCH = EPW // CH
RPT = NP // NS

BR = 2560
NB = NP // BR

@functools.cache
def _mesh():
    return plsc.VectorSubcoreMesh(core_axis_name="c", subcore_axis_name="s",
                                  num_cores=NC, num_subcores=NS)



def _sc_deg_body(dst_hbm, zdeg_hbm, out_hbm, dstv, onesv, acc_sh, sem):
    c = lax.axis_index("c")
    s = lax.axis_index("s")
    wid = c * NS + s
    pltpu.sync_copy(zdeg_hbm.at[pl.ds(s * RPT, RPT)],
                    acc_sh.at[pl.ds(s * RPT, RPT)])
    pltpu.sync_copy(dst_hbm.at[wid], dstv)
    for i in range(CH // 16):
        onesv[pl.ds(i * 16, 16)] = jnp.ones((16,), jnp.float32)
    plsc.subcore_barrier()

    @pl.loop(0, NCH // 8)
    def _group(g):
        cps = [pltpu.async_copy(onesv, acc_sh.at[dstv.at[g * 8 + j]], sem,
                                add=True)
               for j in range(8)]
        for cp in cps:
            cp.wait()

    plsc.subcore_barrier()
    pltpu.sync_copy(acc_sh.at[pl.ds(s * RPT, RPT)],
                    out_hbm.at[c, pl.ds(s * RPT, RPT)])


def _sc_deg(dstp, zdeg):
    return pl.kernel(
        _sc_deg_body,
        out_type=jax.ShapeDtypeStruct((NC, NP), jnp.float32),
        mesh=_mesh(),
        scratch_types=[
            pltpu.VMEM((NCH, CH), jnp.int32),
            pltpu.VMEM((CH,), jnp.float32),
            pltpu.VMEM_SHARED((NP,), jnp.float32),
            pltpu.SemaphoreType.DMA,
        ],
    )(dstp, zdeg)


GRP = 40
NGRP = NCH // GRP


def _sc_agg_body(src_hbm, dst_hbm, tab_hbm, ztab_hbm, out_hbm,
                 srcv, dstv, rows0, rows1, acc_sh, sem0, sem1):
    c = lax.axis_index("c")
    s = lax.axis_index("s")
    wid = c * NS + s
    @pl.when(c == 0)
    def _():
        pltpu.sync_copy(tab_hbm.at[pl.ds(s * RPT, RPT)],
                        acc_sh.at[pl.ds(s * RPT, RPT)])

    @pl.when(c == 1)
    def _():
        pltpu.sync_copy(ztab_hbm.at[pl.ds(s * RPT, RPT)],
                        acc_sh.at[pl.ds(s * RPT, RPT)])

    plsc.subcore_barrier()

    rows = (rows0, rows1)
    sems = (sem0, sem1)
    for g in range(NGRP):
        pltpu.sync_copy(src_hbm.at[wid, pl.ds(g * GRP, GRP)], srcv)
        pltpu.sync_copy(dst_hbm.at[wid, pl.ds(g * GRP, GRP)], dstv)
        def _fire(k, b):
            pltpu.async_copy(tab_hbm.at[srcv.at[k, pl.ds(0, CH // 2)]],
                             rows[b].at[pl.ds(0, CH // 2)], sems[b])
            pltpu.async_copy(tab_hbm.at[srcv.at[k, pl.ds(CH // 2, CH // 2)]],
                             rows[b].at[pl.ds(CH // 2, CH // 2)], sems[b])

        def _drain(b):
            for _ in range(2):
                pltpu.make_async_copy(
                    tab_hbm.at[srcv.at[0, pl.ds(0, CH // 2)]],
                    rows[b].at[pl.ds(0, CH // 2)], sems[b]).wait()

        for b in range(2):
            _fire(b, b)

        @pl.loop(0, GRP, step=2)
        def _pair(j):
            for b in range(2):
                jj = j + b
                _drain(b)
                pltpu.sync_copy(rows[b], acc_sh.at[dstv.at[jj]], add=True)
                nxt = jj + 2

                @pl.when(nxt < GRP)
                def _():
                    _fire(nxt, b)

    plsc.subcore_barrier()
    pltpu.sync_copy(acc_sh.at[pl.ds(s * RPT, RPT)],
                    out_hbm.at[c, pl.ds(s * RPT, RPT)])


def _sc_agg(srcp, dstp, table, ztab):
    return pl.kernel(
        _sc_agg_body,
        out_type=jax.ShapeDtypeStruct((NC, NP, H), jnp.float32),
        mesh=_mesh(),
        scratch_types=[
            pltpu.VMEM((GRP, CH), jnp.int32),
            pltpu.VMEM((GRP, CH), jnp.int32),
            pltpu.VMEM((CH, H), jnp.float32),
            pltpu.VMEM((CH, H), jnp.float32),
            pltpu.VMEM_SHARED((NP, H), jnp.float32),
            pltpu.SemaphoreType.DMA,
            pltpu.SemaphoreType.DMA,
        ],
    )(srcp, dstp, table, ztab)



def _dot(a, b):
    return jnp.dot(a, b, preferred_element_type=jnp.float32)


def _tc_u1_body(x_ref, w1_ref, b1_ref, dinv_ref, wg_ref, o_ref):
    h0 = _dot(x_ref[...], w1_ref[...]) + b1_ref[...]
    o_ref[...] = _dot(dinv_ref[...] * h0, wg_ref[...])


def _tc_u1(x_p, W1, b1_2d, dinv2d, Wg0):
    return pl.pallas_call(
        _tc_u1_body,
        grid=(NB,),
        in_specs=[
            pl.BlockSpec((BR, D), lambda i: (i, 0)),
            pl.BlockSpec((D, H), lambda i: (0, 0)),
            pl.BlockSpec((1, H), lambda i: (0, 0)),
            pl.BlockSpec((BR, 1), lambda i: (i, 0)),
            pl.BlockSpec((H, H), lambda i: (0, 0)),
        ],
        out_specs=pl.BlockSpec((BR, H), lambda i: (i, 0)),
        out_shape=jax.ShapeDtypeStruct((NP, H), jnp.float32),
    )(x_p, W1, b1_2d, dinv2d, Wg0)


def _tc_deg_body(p_ref, o_ref):
    deg = jnp.sum(p_ref[...], axis=0, keepdims=True) + 1.0
    o_ref[...] = lax.rsqrt(deg)


def _tc_deg(parts):
    return pl.pallas_call(
        _tc_deg_body,
        grid=(NB,),
        in_specs=[pl.BlockSpec((NC, BR), lambda i: (0, i))],
        out_specs=pl.BlockSpec((1, BR), lambda i: (0, i)),
        out_shape=jax.ShapeDtypeStruct((1, NP), jnp.float32),
    )(parts)


def _tc_layer_body(acc_ref, dinv_ref, b_ref, wn_ref, h_ref, un_ref):
    z = acc_ref[0] + acc_ref[1]
    dinv = dinv_ref[...]
    h = jnp.maximum(dinv * z + b_ref[...], 0.0)
    h_ref[...] = h
    un_ref[...] = _dot(dinv * h, wn_ref[...])


def _tc_layer(accp, dinv2d, b_2d, Wn):
    return pl.pallas_call(
        _tc_layer_body,
        grid=(NB,),
        in_specs=[
            pl.BlockSpec((NC, BR, H), lambda i: (0, i, 0)),
            pl.BlockSpec((BR, 1), lambda i: (i, 0)),
            pl.BlockSpec((1, H), lambda i: (0, 0)),
            pl.BlockSpec((H, H), lambda i: (0, 0)),
        ],
        out_specs=[
            pl.BlockSpec((BR, H), lambda i: (i, 0)),
            pl.BlockSpec((BR, H), lambda i: (i, 0)),
        ],
        out_shape=[
            jax.ShapeDtypeStruct((NP, H), jnp.float32),
            jax.ShapeDtypeStruct((NP, H), jnp.float32),
        ],
    )(accp, dinv2d, b_2d, Wn)


def _tc_final_body(acc_ref, dinv_ref, b_ref, h1_ref, h2_ref,
                   wa_ref, wb_ref, wc_ref, bla_ref, ids_ref, o_ref,
                   sums_ref, cnt_ref):
    i = pl.program_id(0)
    z = acc_ref[0] + acc_ref[1]
    h3 = jnp.maximum(dinv_ref[...] * z + b_ref[...], 0.0)
    hc = (_dot(h1_ref[...], wa_ref[...]) + _dot(h2_ref[...], wb_ref[...])
          + _dot(h3, wc_ref[...]) + bla_ref[...])
    ids = ids_ref[...]
    mask = (lax.broadcasted_iota(jnp.int32, (G, BR), 0) == ids
            ).astype(jnp.float32)
    ps = _dot(mask, hc)
    pc = jnp.sum(mask, axis=1, keepdims=True)

    @pl.when(i == 0)
    def _():
        sums_ref[...] = ps
        cnt_ref[...] = pc

    @pl.when(i > 0)
    def _():
        sums_ref[...] += ps
        cnt_ref[...] += pc

    @pl.when(i == NB - 1)
    def _():
        o_ref[...] = sums_ref[...] / jnp.maximum(cnt_ref[...], 1.0)


def _tc_final(accp, dinv2d, bg2_2d, h1, h2, Wa, Wb, Wc, bla_2d, ids2d):
    return pl.pallas_call(
        _tc_final_body,
        grid=(NB,),
        in_specs=[
            pl.BlockSpec((NC, BR, H), lambda i: (0, i, 0)),
            pl.BlockSpec((BR, 1), lambda i: (i, 0)),
            pl.BlockSpec((1, H), lambda i: (0, 0)),
            pl.BlockSpec((BR, H), lambda i: (i, 0)),
            pl.BlockSpec((BR, H), lambda i: (i, 0)),
            pl.BlockSpec((H, H), lambda i: (0, 0)),
            pl.BlockSpec((H, H), lambda i: (0, 0)),
            pl.BlockSpec((H, H), lambda i: (0, 0)),
            pl.BlockSpec((1, H), lambda i: (0, 0)),
            pl.BlockSpec((1, BR), lambda i: (0, i)),
        ],
        out_specs=pl.BlockSpec((G, H), lambda i: (0, 0)),
        out_shape=jax.ShapeDtypeStruct((G, H), jnp.float32),
        scratch_shapes=[
            pltpu.VMEM((G, H), jnp.float32),
            pltpu.VMEM((G, 1), jnp.float32),
        ],
    )(accp, dinv2d, bg2_2d, h1, h2, Wa, Wb, Wc, bla_2d, ids2d)



def kernel(x, edge_index, batch, W1, b1, Wg0, bg0, Wg1, bg1, Wg2, bg2,
           W_la, b_la):
    f32 = jnp.float32
    pad_ids = (jnp.arange(EP - E, dtype=jnp.int32) % (NP - N)) + N
    srcp = jnp.concatenate([edge_index[0].astype(jnp.int32), pad_ids])
    dstp = jnp.concatenate([edge_index[1].astype(jnp.int32), pad_ids])
    srcp3 = srcp.reshape(NW, NCH, CH)
    dstp3 = dstp.reshape(NW, NCH, CH)

    x_p = jnp.pad(x.astype(f32), ((0, NP - N), (0, 0)))
    ids2d = jnp.pad(batch.astype(jnp.int32), (0, NP - N),
                    constant_values=G).reshape(1, NP)
    ztab = jnp.zeros((NP, H), f32)
    zdeg = jnp.zeros((NP,), f32)

    b1_2d = b1.astype(f32).reshape(1, H)
    bg0_2d = bg0.astype(f32).reshape(1, H)
    bg1_2d = bg1.astype(f32).reshape(1, H)
    bg2_2d = bg2.astype(f32).reshape(1, H)
    bla_2d = b_la.astype(f32).reshape(1, H)
    Wa = W_la[0 * H:1 * H].astype(f32)
    Wb = W_la[1 * H:2 * H].astype(f32)
    Wc = W_la[2 * H:3 * H].astype(f32)

    deg_parts = _sc_deg(dstp3, zdeg)
    dinv_row = _tc_deg(deg_parts)
    dinv2d = dinv_row.reshape(NP, 1)

    u1 = _tc_u1(x_p, W1.astype(f32), b1_2d, dinv2d, Wg0.astype(f32))
    acc1 = _sc_agg(srcp3, dstp3, u1, ztab)
    h1, u2 = _tc_layer(acc1, dinv2d, bg0_2d, Wg1.astype(f32))
    acc2 = _sc_agg(srcp3, dstp3, u2, ztab)
    h2, u3 = _tc_layer(acc2, dinv2d, bg1_2d, Wg2.astype(f32))
    acc3 = _sc_agg(srcp3, dstp3, u3, ztab)
    return _tc_final(acc3, dinv2d, bg2_2d, h1, h2, Wa, Wb, Wc,
                     bla_2d, ids2d)

# --- scband reference (transcript-rebuilt; emitter-appended) ---
"""Pipeline reference for scband-uni-block4-tune-35356170780946 (READ-ONLY COPY).

The authoritative reference and input builder live on the scoring server;
editing this copy changes nothing except your own understanding.
"""

import jax, jax.numpy as jnp
import numpy as np

N = 10000
E = 320000
D = 128
H = 128
G = 128
L = 3


def setup_inputs(seed: int = 0) -> dict:
    key = jax.random.key(seed)
    ks = jax.random.split(key, 16)
    inp = {}
    inp["x"] = jax.random.normal(ks[0], (N, D), dtype=jnp.float32)
    inp["edge_index"] = jax.random.randint(ks[1], (2, E), 0, N)
    inp["batch"] = jnp.sort(jax.random.randint(ks[2], (N,), 0, G))
    scale = 0.05
    inp["W1"] = jax.random.normal(ks[3], (D, H), dtype=jnp.float32) * scale
    inp["b1"] = jnp.zeros((H,), dtype=jnp.float32)
    for i in range(L):
        inp[f"Wg{i}"] = jax.random.normal(ks[4 + i], (H, H), dtype=jnp.float32) * scale
        inp[f"bg{i}"] = jnp.zeros((H,), dtype=jnp.float32)
    inp["W_la"] = jax.random.normal(ks[8], (L * H, H), dtype=jnp.float32) * scale
    inp["b_la"] = jnp.zeros((H,), dtype=jnp.float32)
    return inp


def _gcn_layer(h, W, b, src, dst, n):
    # GCNConv with self-loops and symmetric normalization
    hW = h @ W
    deg = jnp.zeros((n,), h.dtype).at[dst].add(1.0)
    dinv = jax.lax.rsqrt(jnp.maximum(deg, 1.0))
    norm = dinv[src] * dinv[dst]
    msg = jnp.take(hW, src, axis=0) * norm[:, None]
    out = jnp.zeros_like(hW).at[dst].add(msg)
    return out + b


def reference(x, edge_index, batch, W1, b1, Wg0, bg0, Wg1, bg1, Wg2, bg2, W_la, b_la):
    n = x.shape[0]
    loop = jnp.arange(n, dtype=edge_index.dtype)
    src = jnp.concatenate([edge_index[0], loop])
    dst = jnp.concatenate([edge_index[1], loop])
    # lin1 (dropout is a no-op in eval mode)
    h = x @ W1 + b1
    js = []
    for (W, b) in ((Wg0, bg0), (Wg1, bg1), (Wg2, bg2)):
        h = jax.nn.relu(_gcn_layer(h, W, b, src, dst, n))
        js.append(h)  # ScOp 'skip' = identity
    # LaOp 'l_concat' with linear activation
    h = jnp.concatenate(js, axis=1) @ W_la + b_la
    # PoolOp 'global_mean' readout per graph
    sums = jax.ops.segment_sum(h, batch, num_segments=G)
    cnts = jax.ops.segment_sum(jnp.ones((n, 1), h.dtype), batch, num_segments=G)
    return sums / jnp.maximum(cnts, 1.0)

if __name__ == "__main__":
    import jax
    _d = setup_inputs()
    print(jax.jit(kernel)(*tuple(_d.values())))

</pallas_src>

<mosaic_0001>
#map = affine_map<(d0, d1) -> (0, 0, 0)>
#map1 = affine_map<(d0, d1) -> (0, 0)>
module attributes {stable_mosaic.version = 14 : i64} {
  func.func @_sc_agg_body(%arg0: i32, %arg1: i32, %arg2: memref<32x80x128xi32, #tpu.memory_space<hbm>>, %arg3: memref<32x80x128xi32, #tpu.memory_space<hbm>>, %arg4: memref<10240x128xf32, #tpu.memory_space<hbm>>, %arg5: memref<10240x128xf32, #tpu.memory_space<hbm>>, %arg6: memref<2x10240x128xf32, #tpu.memory_space<hbm>>, %arg7: memref<40x128xi32, #tpu.memory_space<vmem>>, %arg8: memref<40x128xi32, #tpu.memory_space<vmem>>, %arg9: memref<128x128xf32, #tpu.memory_space<vmem>>, %arg10: memref<128x128xf32, #tpu.memory_space<vmem>>, %arg11: memref<10240x128xf32, #tpu.memory_space<vmem_shared>>, %arg12: memref<!tpu.dma_semaphore, #tpu.memory_space<semaphore_mem>>, %arg13: memref<!tpu.dma_semaphore, #tpu.memory_space<semaphore_mem>>) attributes {dimension_semantics = [#tpu.dimension_semantics<core_parallel>, #tpu.dimension_semantics<subcore_parallel>], iteration_bounds = array<i64: 2, 16>, scalar_prefetch = 0 : i64, scratch_operands = 7 : i64, tpu.core_type = #tpu.core_type<sc_vector_subcore>, window_params = [{transform_indices = #map}, {transform_indices = #map}, {transform_indices = #map1}, {transform_indices = #map1}, {transform_indices = #map}]} {
    %mul3A = arith.constant 16 : i32
    %mul3A_0 = arith.muli %arg0, %mul3A : i32
    %add3A = arith.addi %mul3A_0, %arg1 : i32
    %eq3A = arith.constant 0 : i32
    %eq3A_1 = arith.cmpi eq, %arg0, %eq3A : i32
    %convert_element_type3A = arith.extui %eq3A_1 : i1 to i32
    %cond3A = arith.constant 0 : i32
    %cond3A_2 = arith.cmpi ne, %convert_element_type3A, %cond3A : i32
    scf.if %cond3A_2 {
      %mul3A_101 = arith.constant 640 : i32
      %mul3A_102 = arith.muli %arg1, %mul3A_101 : i32
      %mul3A_103 = arith.constant 640 : i32
      %mul3A_104 = arith.muli %arg1, %mul3A_103 : i32
      "tpu.region"() ({
        %run_scoped3A = tpu.sem_alloc : memref<!tpu.dma_semaphore, #tpu.memory_space<semaphore_mem>>
        %dma_start3A_105 = arith.constant 0 : i32
        %dma_start3A_106 = tpu.memref_slice %arg11[%mul3A_104, %dma_start3A_105] : memref<10240x128xf32, #tpu.memory_space<vmem_shared>> -> memref<640x128xf32, #tpu.memory_space<vmem_shared>>
        %dma_start3A_107 = arith.constant 0 : i32
        %dma_start3A_108 = tpu.memref_slice %arg4[%mul3A_102, %dma_start3A_107] : memref<10240x128xf32, #tpu.memory_space<hbm>> -> memref<640x128xf32, #tpu.memory_space<hbm>>
        tpu.enqueue_dma source(%dma_start3A_108 : memref<640x128xf32, #tpu.memory_space<hbm>>) target(%dma_start3A_106 : memref<640x128xf32, #tpu.memory_space<vmem_shared>>) target_semaphore(%run_scoped3A : memref<!tpu.dma_semaphore, #tpu.memory_space<semaphore_mem>>)
        %dma_wait3A = arith.constant 0 : i32
        %dma_wait3A_109 = tpu.memref_slice %arg11[%mul3A_104, %dma_wait3A] : memref<10240x128xf32, #tpu.memory_space<vmem_shared>> -> memref<640x128xf32, #tpu.memory_space<vmem_shared>>
        %dma_wait3A_110 = arith.constant 0 : i32
        %dma_wait3A_111 = tpu.memref_slice %arg4[%mul3A_102, %dma_wait3A_110] : memref<10240x128xf32, #tpu.memory_space<hbm>> -> memref<640x128xf32, #tpu.memory_space<hbm>>
        tpu.wait_dma2 semaphore(%run_scoped3A : memref<!tpu.dma_semaphore, #tpu.memory_space<semaphore_mem>>) src(%dma_wait3A_111 : memref<640x128xf32, #tpu.memory_space<hbm>>) dst(%dma_wait3A_109 : memref<640x128xf32, #tpu.memory_space<vmem_shared>>)
        tpu.yield
      }) : () -> ()
    } else {
    }
    %eq3A_3 = arith.constant 1 : i32
    %eq3A_4 = arith.cmpi eq, %arg0, %eq3A_3 : i32
    %convert_element_type3A_5 = arith.extui %eq3A_4 : i1 to i32
    %cond3A_6 = arith.constant 0 : i32
    %cond3A_7 = arith.cmpi ne, %convert_element_type3A_5, %cond3A_6 : i32
    scf.if %cond3A_7 {
      %mul3A_101 = arith.constant 640 : i32
      %mul3A_102 = arith.muli %arg1, %mul3A_101 : i32
      %mul3A_103 = arith.constant 640 : i32
      %mul3A_104 = arith.muli %arg1, %mul3A_103 : i32
      "tpu.region"() ({
        %run_scoped3A = tpu.sem_alloc : memref<!tpu.dma_semaphore, #tpu.memory_space<semaphore_mem>>
        %dma_start3A_105 = arith.constant 0 : i32
        %dma_start3A_106 = tpu.memref_slice %arg11[%mul3A_104, %dma_start3A_105] : memref<10240x128xf32, #tpu.memory_space<vmem_shared>> -> memref<640x128xf32, #tpu.memory_space<vmem_shared>>
        %dma_start3A_107 = arith.constant 0 : i32
        %dma_start3A_108 = tpu.memref_slice %arg5[%mul3A_102, %dma_start3A_107] : memref<10240x128xf32, #tpu.memory_space<hbm>> -> memref<640x128xf32, #tpu.memory_space<hbm>>
        tpu.enqueue_dma source(%dma_start3A_108 : memref<640x128xf32, #tpu.memory_space<hbm>>) target(%dma_start3A_106 : memref<640x128xf32, #tpu.memory_space<vmem_shared>>) target_semaphore(%run_scoped3A : memref<!tpu.dma_semaphore, #tpu.memory_space<semaphore_mem>>)
        %dma_wait3A = arith.constant 0 : i32
        %dma_wait3A_109 = tpu.memref_slice %arg11[%mul3A_104, %dma_wait3A] : memref<10240x128xf32, #tpu.memory_space<vmem_shared>> -> memref<640x128xf32, #tpu.memory_space<vmem_shared>>
        %dma_wait3A_110 = arith.constant 0 : i32
        %dma_wait3A_111 = tpu.memref_slice %arg5[%mul3A_102, %dma_wait3A_110] : memref<10240x128xf32, #tpu.memory_space<hbm>> -> memref<640x128xf32, #tpu.memory_space<hbm>>
        tpu.wait_dma2 semaphore(%run_scoped3A : memref<!tpu.dma_semaphore, #tpu.memory_space<semaphore_mem>>) src(%dma_wait3A_111 : memref<640x128xf32, #tpu.memory_space<hbm>>) dst(%dma_wait3A_109 : memref<640x128xf32, #tpu.memory_space<vmem_shared>>)
        tpu.yield
      }) : () -> ()
    } else {
    }
    %barrier3A = arith.constant 0 : index
    tpu.barrier barrier_id(%barrier3A)
    "tpu.region"() ({
      %run_scoped3A = tpu.sem_alloc : memref<!tpu.dma_semaphore, #tpu.memory_space<semaphore_mem>>
      %dma_start3A_101 = arith.constant 0 : i32
      %dma_start3A_102 = arith.constant 0 : i32
      %dma_start3A_103 = tpu.memref_slice %arg2[%add3A, %dma_start3A_101, %dma_start3A_102] : memref<32x80x128xi32, #tpu.memory_space<hbm>> -> memref<1x40x128xi32, #tpu.memory_space<hbm>>
      %dma_start3A_104 = tpu.memref_squeeze %dma_start3A_103 : memref<1x40x128xi32, #tpu.memory_space<hbm>> -> memref<40x128xi32, #tpu.memory_space<hbm>>
      %dma_start3A_105 = arith.constant 0 : i32
      %dma_start3A_106 = arith.constant 0 : i32
      %dma_start3A_107 = tpu.memref_slice %arg2[%add3A, %dma_start3A_105, %dma_start3A_106] : memref<32x80x128xi32, #tpu.memory_space<hbm>> -> memref<1x40x128xi32, #tpu.memory_space<hbm>>
      %dma_start3A_108 = tpu.memref_squeeze %dma_start3A_107 : memref<1x40x128xi32, #tpu.memory_space<hbm>> -> memref<40x128xi32, #tpu.memory_space<hbm>>
      tpu.enqueue_dma source(%dma_start3A_108 : memref<40x128xi32, #tpu.memory_space<hbm>>) target(%arg7 : memref<40x128xi32, #tpu.memory_space<vmem>>) target_semaphore(%run_scoped3A : memref<!tpu.dma_semaphore, #tpu.memory_space<semaphore_mem>>)
      %dma_wait3A = arith.constant 0 : i32
      %dma_wait3A_109 = arith.constant 0 : i32
      %dma_wait3A_110 = tpu.memref_slice %arg2[%add3A, %dma_wait3A, %dma_wait3A_109] : memref<32x80x128xi32, #tpu.memory_space<hbm>> -> memref<1x40x128xi32, #tpu.memory_space<hbm>>
      %dma_wait3A_111 = tpu.memref_squeeze %dma_wait3A_110 : memref<1x40x128xi32, #tpu.memory_space<hbm>> -> memref<40x128xi32, #tpu.memory_space<hbm>>
      %dma_wait3A_112 = arith.constant 0 : i32
      %dma_wait3A_113 = arith.constant 0 : i32
      %dma_wait3A_114 = tpu.memref_slice %arg2[%add3A, %dma_wait3A_112, %dma_wait3A_113] : memref<32x80x128xi32, #tpu.memory_space<hbm>> -> memref<1x40x128xi32, #tpu.memory_space<hbm>>
      %dma_wait3A_115 = tpu.memref_squeeze %dma_wait3A_114 : memref<1x40x128xi32, #tpu.memory_space<hbm>> -> memref<40x128xi32, #tpu.memory_space<hbm>>
      tpu.wait_dma2 semaphore(%run_scoped3A : memref<!tpu.dma_semaphore, #tpu.memory_space<semaphore_mem>>) src(%dma_wait3A_115 : memref<40x128xi32, #tpu.memory_space<hbm>>) dst(%arg7 : memref<40x128xi32, #tpu.memory_space<vmem>>)
      tpu.yield
    }) : () -> ()
    "tpu.region"() ({
      %run_scoped3A = tpu.sem_alloc : memref<!tpu.dma_semaphore, #tpu.memory_space<semaphore_mem>>
      %dma_start3A_101 = arith.constant 0 : i32
      %dma_start3A_102 = arith.constant 0 : i32
      %dma_start3A_103 = tpu.memref_slice %arg3[%add3A, %dma_start3A_101, %dma_start3A_102] : memref<32x80x128xi32, #tpu.memory_space<hbm>> -> memref<1x40x128xi32, #tpu.memory_space<hbm>>
      %dma_start3A_104 = tpu.memref_squeeze %dma_start3A_103 : memref<1x40x128xi32, #tpu.memory_space<hbm>> -> memref<40x128xi32, #tpu.memory_space<hbm>>
      %dma_start3A_105 = arith.constant 0 : i32
      %dma_start3A_106 = arith.constant 0 : i32
      %dma_start3A_107 = tpu.memref_slice %arg3[%add3A, %dma_start3A_105, %dma_start3A_106] : memref<32x80x128xi32, #tpu.memory_space<hbm>> -> memref<1x40x128xi32, #tpu.memory_space<hbm>>
      %dma_start3A_108 = tpu.memref_squeeze %dma_start3A_107 : memref<1x40x128xi32, #tpu.memory_space<hbm>> -> memref<40x128xi32, #tpu.memory_space<hbm>>
      tpu.enqueue_dma source(%dma_start3A_108 : memref<40x128xi32, #tpu.memory_space<hbm>>) target(%arg8 : memref<40x128xi32, #tpu.memory_space<vmem>>) target_semaphore(%run_scoped3A : memref<!tpu.dma_semaphore, #tpu.memory_space<semaphore_mem>>)
      %dma_wait3A = arith.constant 0 : i32
      %dma_wait3A_109 = arith.constant 0 : i32
      %dma_wait3A_110 = tpu.memref_slice %arg3[%add3A, %dma_wait3A, %dma_wait3A_109] : memref<32x80x128xi32, #tpu.memory_space<hbm>> -> memref<1x40x128xi32, #tpu.memory_space<hbm>>
      %dma_wait3A_111 = tpu.memref_squeeze %dma_wait3A_110 : memref<1x40x128xi32, #tpu.memory_space<hbm>> -> memref<40x128xi32, #tpu.memory_space<hbm>>
      %dma_wait3A_112 = arith.constant 0 : i32
      %dma_wait3A_113 = arith.constant 0 : i32
      %dma_wait3A_114 = tpu.memref_slice %arg3[%add3A, %dma_wait3A_112, %dma_wait3A_113] : memref<32x80x128xi32, #tpu.memory_space<hbm>> -> memref<1x40x128xi32, #tpu.memory_space<hbm>>
      %dma_wait3A_115 = tpu.memref_squeeze %dma_wait3A_114 : memref<1x40x128xi32, #tpu.memory_space<hbm>> -> memref<40x128xi32, #tpu.memory_space<hbm>>
      tpu.wait_dma2 semaphore(%run_scoped3A : memref<!tpu.dma_semaphore, #tpu.memory_space<semaphore_mem>>) src(%dma_wait3A_115 : memref<40x128xi32, #tpu.memory_space<hbm>>) dst(%arg8 : memref<40x128xi32, #tpu.memory_space<vmem>>)
      tpu.yield
    }) : () -> ()
    %dma_start3A = arith.constant 0 : i32
    %dma_start3A_8 = arith.constant 0 : i32
    %dma_start3A_9 = arith.constant 0 : i32
    %dma_start3A_10 = tpu.memref_slice %arg9[%dma_start3A_8, %dma_start3A_9] : memref<128x128xf32, #tpu.memory_space<vmem>> -> memref<64x128xf32, #tpu.memory_space<vmem>>
    %dma_start3A_11 = arith.constant 0 : i32
    %dma_start3A_12 = tpu.memref_slice %arg7[%dma_start3A, %dma_start3A_11] : memref<40x128xi32, #tpu.memory_space<vmem>> -> memref<1x64xi32, #tpu.memory_space<vmem>>
    %dma_start3A_13 = tpu.memref_squeeze %dma_start3A_12 : memref<1x64xi32, #tpu.memory_space<vmem>> -> memref<64xi32, #tpu.memory_space<vmem>>
    %dma_start3A_14 = arith.constant 0 : i32
    %dma_start3A_15 = arith.constant 0 : i32
    %dma_start3A_16 = tpu.memref_slice %arg4[%dma_start3A_14, %dma_start3A_15] : memref<10240x128xf32, #tpu.memory_space<hbm>> -> memref<10240x128xf32, #tpu.memory_space<hbm>>
    tpu.enqueue_indirect_dma source(%dma_start3A_16 : memref<10240x128xf32, #tpu.memory_space<hbm>>) target(%dma_start3A_10 : memref<64x128xf32, #tpu.memory_space<vmem>>) offsets(%dma_start3A_13 : memref<64xi32, #tpu.memory_space<vmem>>) semaphore(%arg12 : memref<!tpu.dma_semaphore, #tpu.memory_space<semaphore_mem>>)
    %dma_start3A_17 = arith.constant 0 : i32
    %dma_start3A_18 = arith.constant 64 : i32
    %dma_start3A_19 = arith.constant 0 : i32
    %dma_start3A_20 = tpu.memref_slice %arg9[%dma_start3A_18, %dma_start3A_19] : memref<128x128xf32, #tpu.memory_space<vmem>> -> memref<64x128xf32, #tpu.memory_space<vmem>>
    %dma_start3A_21 = arith.constant 64 : i32
    %dma_start3A_22 = tpu.memref_slice %arg7[%dma_start3A_17, %dma_start3A_21] : memref<40x128xi32, #tpu.memory_space<vmem>> -> memref<1x64xi32, #tpu.memory_space<vmem>>
    %dma_start3A_23 = tpu.memref_squeeze %dma_start3A_22 : memref<1x64xi32, #tpu.memory_space<vmem>> -> memref<64xi32, #tpu.memory_space<vmem>>
    %dma_start3A_24 = arith.constant 0 : i32
    %dma_start3A_25 = arith.constant 0 : i32
    %dma_start3A_26 = tpu.memref_slice %arg4[%dma_start3A_24, %dma_start3A_25] : memref<10240x128xf32, #tpu.memory_space<hbm>> -> memref<10240x128xf32, #tpu.memory_space<hbm>>
    tpu.enqueue_indirect_dma source(%dma_start3A_26 : memref<10240x128xf32, #tpu.memory_space<hbm>>) target(%dma_start3A_20 : memref<64x128xf32, #tpu.memory_space<vmem>>) offsets(%dma_start3A_23 : memref<64xi32, #tpu.memory_space<vmem>>) semaphore(%arg12 : memref<!tpu.dma_semaphore, #tpu.memory_space<semaphore_mem>>)
    %dma_start3A_27 = arith.constant 1 : i32
    %dma_start3A_28 = arith.constant 0 : i32
    %dma_start3A_29 = arith.constant 0 : i32
    %dma_start3A_30 = tpu.memref_slice %arg10[%dma_start3A_28, %dma_start3A_29] : memref<128x128xf32, #tpu.memory_space<vmem>> -> memref<64x128xf32, #tpu.memory_space<vmem>>
    %dma_start3A_31 = arith.constant 0 : i32
    %dma_start3A_32 = tpu.memref_slice %arg7[%dma_start3A_27, %dma_start3A_31] : memref<40x128xi32, #tpu.memory_space<vmem>> -> memref<1x64xi32, #tpu.memory_space<vmem>>
    %dma_start3A_33 = tpu.memref_squeeze %dma_start3A_32 : memref<1x64xi32, #tpu.memory_space<vmem>> -> memref<64xi32, #tpu.memory_space<vmem>>
    %dma_start3A_34 = arith.constant 0 : i32
    %dma_start3A_35 = arith.constant 0 : i32
    %dma_start3A_36 = tpu.memref_slice %arg4[%dma_start3A_34, %dma_start3A_35] : memref<10240x128xf32, #tpu.memory_space<hbm>> -> memref<10240x128xf32, #tpu.memory_space<hbm>>
    tpu.enqueue_indirect_dma source(%dma_start3A_36 : memref<10240x128xf32, #tpu.memory_space<hbm>>) target(%dma_start3A_30 : memref<64x128xf32, #tpu.memory_space<vmem>>) offsets(%dma_start3A_33 : memref<64xi32, #tpu.memory_space<vmem>>) semaphore(%arg13 : memref<!tpu.dma_semaphore, #tpu.memory_space<semaphore_mem>>)
    %dma_start3A_37 = arith.constant 1 : i32
    %dma_start3A_38 = arith.constant 64 : i32
    %dma_start3A_39 = arith.constant 0 : i32
    %dma_start3A_40 = tpu.memref_slice %arg10[%dma_start3A_38, %dma_start3A_39] : memref<128x128xf32, #tpu.memory_space<vmem>> -> memref<64x128xf32, #tpu.memory_space<vmem>>
    %dma_start3A_41 = arith.constant 64 : i32
    %dma_start3A_42 = tpu.memref_slice %arg7[%dma_start3A_37, %dma_start3A_41] : memref<40x128xi32, #tpu.memory_space<vmem>> -> memref<1x64xi32, #tpu.memory_space<vmem>>
    %dma_start3A_43 = tpu.memref_squeeze %dma_start3A_42 : memref<1x64xi32, #tpu.memory_space<vmem>> -> memref<64xi32, #tpu.memory_space<vmem>>
    %dma_start3A_44 = arith.constant 0 : i32
    %dma_start3A_45 = arith.constant 0 : i32
    %dma_start3A_46 = tpu.memref_slice %arg4[%dma_start3A_44, %dma_start3A_45] : memref<10240x128xf32, #tpu.memory_space<hbm>> -> memref<10240x128xf32, #tpu.memory_space<hbm>>
    tpu.enqueue_indirect_dma source(%dma_start3A_46 : memref<10240x128xf32, #tpu.memory_space<hbm>>) target(%dma_start3A_40 : memref<64x128xf32, #tpu.memory_space<vmem>>) offsets(%dma_start3A_43 : memref<64xi32, #tpu.memory_space<vmem>>) semaphore(%arg13 : memref<!tpu.dma_semaphore, #tpu.memory_space<semaphore_mem>>)
    %scan3A = arith.constant 0 : i32
    %scan3A_47 = arith.constant 20 : i32
    %scan3A_48 = arith.addi %scan3A, %scan3A_47 : i32
    %scan3A_49 = arith.constant 1 : i32
    scf.for %scan3A_101 = %scan3A to %scan3A_48 step %scan3A_49  : i32 {
      %mul3A_102 = arith.constant 2 : i32
      %mul3A_103 = arith.muli %scan3A_101, %mul3A_102 : i32
      %add3A_104 = arith.constant 0 : i32
      %add3A_105 = arith.addi %add3A_104, %mul3A_103 : i32
      %add3A_106 = arith.constant 0 : i32
      %add3A_107 = arith.addi %add3A_105, %add3A_106 : i32
      %dma_wait3A = arith.constant 0 : i32
      %dma_wait3A_108 = arith.constant 0 : i32
      %dma_wait3A_109 = arith.constant 0 : i32
      %dma_wait3A_110 = tpu.memref_slice %arg9[%dma_wait3A_108, %dma_wait3A_109] : memref<128x128xf32, #tpu.memory_space<vmem>> -> memref<64x128xf32, #tpu.memory_space<vmem>>
      %dma_wait3A_111 = arith.constant 0 : i32
      %dma_wait3A_112 = tpu.memref_slice %arg7[%dma_wait3A, %dma_wait3A_111] : memref<40x128xi32, #tpu.memory_space<vmem>> -> memref<1x64xi32, #tpu.memory_space<vmem>>
      %dma_wait3A_113 = tpu.memref_squeeze %dma_wait3A_112 : memref<1x64xi32, #tpu.memory_space<vmem>> -> memref<64xi32, #tpu.memory_space<vmem>>
      %dma_wait3A_114 = arith.constant 0 : i32
      %dma_wait3A_115 = arith.constant 0 : i32
      %dma_wait3A_116 = tpu.memref_slice %arg4[%dma_wait3A_114, %dma_wait3A_115] : memref<10240x128xf32, #tpu.memory_space<hbm>> -> memref<10240x128xf32, #tpu.memory_space<hbm>>
      tpu.wait_indirect_dma semaphore(%arg12 : memref<!tpu.dma_semaphore, #tpu.memory_space<semaphore_mem>>) src(%dma_wait3A_116 : memref<10240x128xf32, #tpu.memory_space<hbm>>) dst(%dma_wait3A_110 : memref<64x128xf32, #tpu.memory_space<vmem>>)
      %dma_wait3A_117 = arith.constant 0 : i32
      %dma_wait3A_118 = arith.constant 0 : i32
      %dma_wait3A_119 = arith.constant 0 : i32
      %dma_wait3A_120 = tpu.memref_slice %arg9[%dma_wait3A_118, %dma_wait3A_119] : memref<128x128xf32, #tpu.memory_space<vmem>> -> memref<64x128xf32, #tpu.memory_space<vmem>>
      %dma_wait3A_121 = arith.constant 0 : i32
      %dma_wait3A_122 = tpu.memref_slice %arg7[%dma_wait3A_117, %dma_wait3A_121] : memref<40x128xi32, #tpu.memory_space<vmem>> -> memref<1x64xi32, #tpu.memory_space<vmem>>
      %dma_wait3A_123 = tpu.memref_squeeze %dma_wait3A_122 : memref<1x64xi32, #tpu.memory_space<vmem>> -> memref<64xi32, #tpu.memory_space<vmem>>
      %dma_wait3A_124 = arith.constant 0 : i32
      %dma_wait3A_125 = arith.constant 0 : i32
      %dma_wait3A_126 = tpu.memref_slice %arg4[%dma_wait3A_124, %dma_wait3A_125] : memref<10240x128xf32, #tpu.memory_space<hbm>> -> memref<10240x128xf32, #tpu.memory_space<hbm>>
      tpu.wait_indirect_dma semaphore(%arg12 : memref<!tpu.dma_semaphore, #tpu.memory_space<semaphore_mem>>) src(%dma_wait3A_126 : memref<10240x128xf32, #tpu.memory_space<hbm>>) dst(%dma_wait3A_120 : memref<64x128xf32, #tpu.memory_space<vmem>>)
      "tpu.region"() ({
        %run_scoped3A = tpu.sem_alloc : memref<!tpu.dma_semaphore, #tpu.memory_space<semaphore_mem>>
        %dma_start3A_162 = arith.constant 0 : i32
        %dma_start3A_163 = tpu.memref_slice %arg8[%add3A_107, %dma_start3A_162] : memref<40x128xi32, #tpu.memory_space<vmem>> -> memref<1x128xi32, #tpu.memory_space<vmem>>
        %dma_start3A_164 = tpu.memref_squeeze %dma_start3A_163 : memref<1x128xi32, #tpu.memory_space<vmem>> -> memref<128xi32, #tpu.memory_space<vmem>>
        %dma_start3A_165 = arith.constant 0 : i32
        %dma_start3A_166 = arith.constant 0 : i32
        %dma_start3A_167 = tpu.memref_slice %arg11[%dma_start3A_165, %dma_start3A_166] : memref<10240x128xf32, #tpu.memory_space<vmem_shared>> -> memref<10240x128xf32, #tpu.memory_space<vmem_shared>>
        tpu.enqueue_indirect_dma source(%arg9 : memref<128x128xf32, #tpu.memory_space<vmem>>) target(%dma_start3A_167 : memref<10240x128xf32, #tpu.memory_space<vmem_shared>>) offsets(%dma_start3A_164 : memref<128xi32, #tpu.memory_space<vmem>>) semaphore(%run_scoped3A : memref<!tpu.dma_semaphore, #tpu.memory_space<semaphore_mem>>) {add = true}
        %dma_wait3A_168 = arith.constant 0 : i32
        %dma_wait3A_169 = tpu.memref_slice %arg8[%add3A_107, %dma_wait3A_168] : memref<40x128xi32, #tpu.memory_space<vmem>> -> memref<1x128xi32, #tpu.memory_space<vmem>>
        %dma_wait3A_170 = tpu.memref_squeeze %dma_wait3A_169 : memref<1x128xi32, #tpu.memory_space<vmem>> -> memref<128xi32, #tpu.memory_space<vmem>>
        %dma_wait3A_171 = arith.constant 0 : i32
        %dma_wait3A_172 = arith.constant 0 : i32
        %dma_wait3A_173 = tpu.memref_slice %arg11[%dma_wait3A_171, %dma_wait3A_172] : memref<10240x128xf32, #tpu.memory_space<vmem_shared>> -> memref<10240x128xf32, #tpu.memory_space<vmem_shared>>
        tpu.wait_indirect_dma semaphore(%run_scoped3A : memref<!tpu.dma_semaphore, #tpu.memory_space<semaphore_mem>>) src(%arg9 : memref<128x128xf32, #tpu.memory_space<vmem>>) dst(%dma_wait3A_173 : memref<10240x128xf32, #tpu.memory_space<vmem_shared>>)
        tpu.yield
      }) : () -> ()
      %add3A_127 = arith.constant 2 : i32
      %add3A_128 = arith.addi %add3A_107, %add3A_127 : i32
      %lt3A = arith.constant 40 : i32
      %lt3A_129 = arith.cmpi slt, %add3A_128, %lt3A : i32
      %convert_element_type3A_130 = arith.extui %lt3A_129 : i1 to i32
      %cond3A_131 = arith.constant 0 : i32
      %cond3A_132 = arith.cmpi ne, %convert_element_type3A_130, %cond3A_131 : i32
      scf.if %cond3A_132 {
        %dma_start3A_162 = arith.constant 0 : i32
        %dma_start3A_163 = arith.constant 0 : i32
        %dma_start3A_164 = tpu.memref_slice %arg9[%dma_start3A_162, %dma_start3A_163] : memref<128x128xf32, #tpu.memory_space<vmem>> -> memref<64x128xf32, #tpu.memory_space<vmem>>
        %dma_start3A_165 = arith.constant 0 : i32
        %dma_start3A_166 = tpu.memref_slice %arg7[%add3A_128, %dma_start3A_165] : memref<40x128xi32, #tpu.memory_space<vmem>> -> memref<1x64xi32, #tpu.memory_space<vmem>>
        %dma_start3A_167 = tpu.memref_squeeze %dma_start3A_166 : memref<1x64xi32, #tpu.memory_space<vmem>> -> memref<64xi32, #tpu.memory_space<vmem>>
        %dma_start3A_168 = arith.constant 0 : i32
        %dma_start3A_169 = arith.constant 0 : i32
        %dma_start3A_170 = tpu.memref_slice %arg4[%dma_start3A_168, %dma_start3A_169] : memref<10240x128xf32, #tpu.memory_space<hbm>> -> memref<10240x128xf32, #tpu.memory_space<hbm>>
        tpu.enqueue_indirect_dma source(%dma_start3A_170 : memref<10240x128xf32, #tpu.memory_space<hbm>>) target(%dma_start3A_164 : memref<64x128xf32, #tpu.memory_space<vmem>>) offsets(%dma_start3A_167 : memref<64xi32, #tpu.memory_space<vmem>>) semaphore(%arg12 : memref<!tpu.dma_semaphore, #tpu.memory_space<semaphore_mem>>)
        %dma_start3A_171 = arith.constant 64 : i32
        %dma_start3A_172 = arith.constant 0 : i32
        %dma_start3A_173 = tpu.memref_slice %arg9[%dma_start3A_171, %dma_start3A_172] : memref<128x128xf32, #tpu.memory_space<vmem>> -> memref<64x128xf32, #tpu.memory_space<vmem>>
        %dma_start3A_174 = arith.constant 64 : i32
        %dma_start3A_175 = tpu.memref_slice %arg7[%add3A_128, %dma_start3A_174] : memref<40x128xi32, #tpu.memory_space<vmem>> -> memref<1x64xi32, #tpu.memory_space<vmem>>
        %dma_start3A_176 = tpu.memref_squeeze %dma_start3A_175 : memref<1x64xi32, #tpu.memory_space<vmem>> -> memref<64xi32, #tpu.memory_space<vmem>>
        %dma_start3A_177 = arith.constant 0 : i32
        %dma_start3A_178 = arith.constant 0 : i32
        %dma_start3A_179 = tpu.memref_slice %arg4[%dma_start3A_177, %dma_start3A_178] : memref<10240x128xf32, #tpu.memory_space<hbm>> -> memref<10240x128xf32, #tpu.memory_space<hbm>>
        tpu.enqueue_indirect_dma source(%dma_start3A_179 : memref<10240x128xf32, #tpu.memory_space<hbm>>) target(%dma_start3A_173 : memref<64x128xf32, #tpu.memory_space<vmem>>) offsets(%dma_start3A_176 : memref<64xi32, #tpu.memory_space<vmem>>) semaphore(%arg12 : memref<!tpu.dma_semaphore, #tpu.memory_space<semaphore_mem>>)
      } else {
      }
      %add3A_133 = arith.constant 1 : i32
      %add3A_134 = arith.addi %add3A_105, %add3A_133 : i32
      %dma_wait3A_135 = arith.constant 0 : i32
      %dma_wait3A_136 = arith.constant 0 : i32
      %dma_wait3A_137 = arith.constant 0 : i32
      %dma_wait3A_138 = tpu.memref_slice %arg10[%dma_wait3A_136, %dma_wait3A_137] : memref<128x128xf32, #tpu.memory_space<vmem>> -> memref<64x128xf32, #tpu.memory_space<vmem>>
      %dma_wait3A_139 = arith.constant 0 : i32
      %dma_wait3A_140 = tpu.memref_slice %arg7[%dma_wait3A_135, %dma_wait3A_139] : memref<40x128xi32, #tpu.memory_space<vmem>> -> memref<1x64xi32, #tpu.memory_space<vmem>>
      %dma_wait3A_141 = tpu.memref_squeeze %dma_wait3A_140 : memref<1x64xi32, #tpu.memory_space<vmem>> -> memref<64xi32, #tpu.memory_space<vmem>>
      %dma_wait3A_142 = arith.constant 0 : i32
      %dma_wait3A_143 = arith.constant 0 : i32
      %dma_wait3A_144 = tpu.memref_slice %arg4[%dma_wait3A_142, %dma_wait3A_143] : memref<10240x128xf32, #tpu.memory_space<hbm>> -> memref<10240x128xf32, #tpu.memory_space<hbm>>
      tpu.wait_indirect_dma semaphore(%arg13 : memref<!tpu.dma_semaphore, #tpu.memory_space<semaphore_mem>>) src(%dma_wait3A_144 : memref<10240x128xf32, #tpu.memory_space<hbm>>) dst(%dma_wait3A_138 : memref<64x128xf32, #tpu.memory_space<vmem>>)
      %dma_wait3A_145 = arith.constant 0 : i32
      %dma_wait3A_146 = arith.constant 0 : i32
      %dma_wait3A_147 = arith.constant 0 : i32
      %dma_wait3A_148 = tpu.memref_slice %arg10[%dma_wait3A_146, %dma_wait3A_147] : memref<128x128xf32, #tpu.memory_space<vmem>> -> memref<64x128xf32, #tpu.memory_space<vmem>>
      %dma_wait3A_149 = arith.constant 0 : i32
      %dma_wait3A_150 = tpu.memref_slice %arg7[%dma_wait3A_145, %dma_wait3A_149] : memref<40x128xi32, #tpu.memory_space<vmem>> -> memref<1x64xi32, #tpu.memory_space<vmem>>
      %dma_wait3A_151 = tpu.memref_squeeze %dma_wait3A_150 : memref<1x64xi32, #tpu.memory_space<vmem>> -> memref<64xi32, #tpu.memory_space<vmem>>
      %dma_wait3A_152 = arith.constant 0 : i32
      %dma_wait3A_153 = arith.constant 0 : i32
      %dma_wait3A_154 = tpu.memref_slice %arg4[%dma_wait3A_152, %dma_wait3A_153] : memref<10240x128xf32, #tpu.memory_space<hbm>> -> memref<10240x128xf32, #tpu.memory_space<hbm>>
      tpu.wait_indirect_dma semaphore(%arg13 : memref<!tpu.dma_semaphore, #tpu.memory_space<semaphore_mem>>) src(%dma_wait3A_154 : memref<10240x128xf32, #tpu.memory_space<hbm>>) dst(%dma_wait3A_148 : memref<64x128xf32, #tpu.memory_space<vmem>>)
      "tpu.region"() ({
        %run_scoped3A = tpu.sem_alloc : memref<!tpu.dma_semaphore, #tpu.memory_space<semaphore_mem>>
        %dma_start3A_162 = arith.constant 0 : i32
        %dma_start3A_163 = tpu.memref_slice %arg8[%add3A_134, %dma_start3A_162] : memref<40x128xi32, #tpu.memory_space<vmem>> -> memref<1x128xi32, #tpu.memory_space<vmem>>
        %dma_start3A_164 = tpu.memref_squeeze %dma_start3A_163 : memref<1x128xi32, #tpu.memory_space<vmem>> -> memref<128xi32, #tpu.memory_space<vmem>>
        %dma_start3A_165 = arith.constant 0 : i32
        %dma_start3A_166 = arith.constant 0 : i32
        %dma_start3A_167 = tpu.memref_slice %arg11[%dma_start3A_165, %dma_start3A_166] : memref<10240x128xf32, #tpu.memory_space<vmem_shared>> -> memref<10240x128xf32, #tpu.memory_space<vmem_shared>>
        tpu.enqueue_indirect_dma source(%arg10 : memref<128x128xf32, #tpu.memory_space<vmem>>) target(%dma_start3A_167 : memref<10240x128xf32, #tpu.memory_space<vmem_shared>>) offsets(%dma_start3A_164 : memref<128xi32, #tpu.memory_space<vmem>>) semaphore(%run_scoped3A : memref<!tpu.dma_semaphore, #tpu.memory_space<semaphore_mem>>) {add = true}
        %dma_wait3A_168 = arith.constant 0 : i32
        %dma_wait3A_169 = tpu.memref_slice %arg8[%add3A_134, %dma_wait3A_168] : memref<40x128xi32, #tpu.memory_space<vmem>> -> memref<1x128xi32, #tpu.memory_space<vmem>>
        %dma_wait3A_170 = tpu.memref_squeeze %dma_wait3A_169 : memref<1x128xi32, #tpu.memory_space<vmem>> -> memref<128xi32, #tpu.memory_space<vmem>>
        %dma_wait3A_171 = arith.constant 0 : i32
        %dma_wait3A_172 = arith.constant 0 : i32
        %dma_wait3A_173 = tpu.memref_slice %arg11[%dma_wait3A_171, %dma_wait3A_172] : memref<10240x128xf32, #tpu.memory_space<vmem_shared>> -> memref<10240x128xf32, #tpu.memory_space<vmem_shared>>
        tpu.wait_indirect_dma semaphore(%run_scoped3A : memref<!tpu.dma_semaphore, #tpu.memory_space<semaphore_mem>>) src(%arg10 : memref<128x128xf32, #tpu.memory_space<vmem>>) dst(%dma_wait3A_173 : memref<10240x128xf32, #tpu.memory_space<vmem_shared>>)
        tpu.yield
      }) : () -> ()
      %add3A_155 = arith.constant 2 : i32
      %add3A_156 = arith.addi %add3A_134, %add3A_155 : i32
      %lt3A_157 = arith.constant 40 : i32
      %lt3A_158 = arith.cmpi slt, %add3A_156, %lt3A_157 : i32
      %convert_element_type3A_159 = arith.extui %lt3A_158 : i1 to i32
      %cond3A_160 = arith.constant 0 : i32
      %cond3A_161 = arith.cmpi ne, %convert_element_type3A_159, %cond3A_160 : i32
      scf.if %cond3A_161 {
        %dma_start3A_162 = arith.constant 0 : i32
        %dma_start3A_163 = arith.constant 0 : i32
        %dma_start3A_164 = tpu.memref_slice %arg10[%dma_start3A_162, %dma_start3A_163] : memref<128x128xf32, #tpu.memory_space<vmem>> -> memref<64x128xf32, #tpu.memory_space<vmem>>
        %dma_start3A_165 = arith.constant 0 : i32
        %dma_start3A_166 = tpu.memref_slice %arg7[%add3A_156, %dma_start3A_165] : memref<40x128xi32, #tpu.memory_space<vmem>> -> memref<1x64xi32, #tpu.memory_space<vmem>>
        %dma_start3A_167 = tpu.memref_squeeze %dma_start3A_166 : memref<1x64xi32, #tpu.memory_space<vmem>> -> memref<64xi32, #tpu.memory_space<vmem>>
        %dma_start3A_168 = arith.constant 0 : i32
        %dma_start3A_169 = arith.constant 0 : i32
        %dma_start3A_170 = tpu.memref_slice %arg4[%dma_start3A_168, %dma_start3A_169] : memref<10240x128xf32, #tpu.memory_space<hbm>> -> memref<10240x128xf32, #tpu.memory_space<hbm>>
        tpu.enqueue_indirect_dma source(%dma_start3A_170 : memref<10240x128xf32, #tpu.memory_space<hbm>>) target(%dma_start3A_164 : memref<64x128xf32, #tpu.memory_space<vmem>>) offsets(%dma_start3A_167 : memref<64xi32, #tpu.memory_space<vmem>>) semaphore(%arg13 : memref<!tpu.dma_semaphore, #tpu.memory_space<semaphore_mem>>)
        %dma_start3A_171 = arith.constant 64 : i32
        %dma_start3A_172 = arith.constant 0 : i32
        %dma_start3A_173 = tpu.memref_slice %arg10[%dma_start3A_171, %dma_start3A_172] : memref<128x128xf32, #tpu.memory_space<vmem>> -> memref<64x128xf32, #tpu.memory_space<vmem>>
        %dma_start3A_174 = arith.constant 64 : i32
        %dma_start3A_175 = tpu.memref_slice %arg7[%add3A_156, %dma_start3A_174] : memref<40x128xi32, #tpu.memory_space<vmem>> -> memref<1x64xi32, #tpu.memory_space<vmem>>
        %dma_start3A_176 = tpu.memref_squeeze %dma_start3A_175 : memref<1x64xi32, #tpu.memory_space<vmem>> -> memref<64xi32, #tpu.memory_space<vmem>>
        %dma_start3A_177 = arith.constant 0 : i32
        %dma_start3A_178 = arith.constant 0 : i32
        %dma_start3A_179 = tpu.memref_slice %arg4[%dma_start3A_177, %dma_start3A_178] : memref<10240x128xf32, #tpu.memory_space<hbm>> -> memref<10240x128xf32, #tpu.memory_space<hbm>>
        tpu.enqueue_indirect_dma source(%dma_start3A_179 : memref<10240x128xf32, #tpu.memory_space<hbm>>) target(%dma_start3A_173 : memref<64x128xf32, #tpu.memory_space<vmem>>) offsets(%dma_start3A_176 : memref<64xi32, #tpu.memory_space<vmem>>) semaphore(%arg13 : memref<!tpu.dma_semaphore, #tpu.memory_space<semaphore_mem>>)
      } else {
      }
    }
    %scan3A_50 = arith.constant 20 : i32
    "tpu.region"() ({
      %run_scoped3A = tpu.sem_alloc : memref<!tpu.dma_semaphore, #tpu.memory_space<semaphore_mem>>
      %dma_start3A_101 = arith.constant 40 : i32
      %dma_start3A_102 = arith.constant 0 : i32
      %dma_start3A_103 = tpu.memref_slice %arg2[%add3A, %dma_start3A_101, %dma_start3A_102] : memref<32x80x128xi32, #tpu.memory_space<hbm>> -> memref<1x40x128xi32, #tpu.memory_space<hbm>>
      %dma_start3A_104 = tpu.memref_squeeze %dma_start3A_103 : memref<1x40x128xi32, #tpu.memory_space<hbm>> -> memref<40x128xi32, #tpu.memory_space<hbm>>
      %dma_start3A_105 = arith.constant 40 : i32
      %dma_start3A_106 = arith.constant 0 : i32
      %dma_start3A_107 = tpu.memref_slice %arg2[%add3A, %dma_start3A_105, %dma_start3A_106] : memref<32x80x128xi32, #tpu.memory_space<hbm>> -> memref<1x40x128xi32, #tpu.memory_space<hbm>>
      %dma_start3A_108 = tpu.memref_squeeze %dma_start3A_107 : memref<1x40x128xi32, #tpu.memory_space<hbm>> -> memref<40x128xi32, #tpu.memory_space<hbm>>
      tpu.enqueue_dma source(%dma_start3A_108 : memref<40x128xi32, #tpu.memory_space<hbm>>) target(%arg7 : memref<40x128xi32, #tpu.memory_space<vmem>>) target_semaphore(%run_scoped3A : memref<!tpu.dma_semaphore, #tpu.memory_space<semaphore_mem>>)
      %dma_wait3A = arith.constant 40 : i32
      %dma_wait3A_109 = arith.constant 0 : i32
      %dma_wait3A_110 = tpu.memref_slice %arg2[%add3A, %dma_wait3A, %dma_wait3A_109] : memref<32x80x128xi32, #tpu.memory_space<hbm>> -> memref<1x40x128xi32, #tpu.memory_space<hbm>>
      %dma_wait3A_111 = tpu.memref_squeeze %dma_wait3A_110 : memref<1x40x128xi32, #tpu.memory_space<hbm>> -> memref<40x128xi32, #tpu.memory_space<hbm>>
      %dma_wait3A_112 = arith.constant 40 : i32
      %dma_wait3A_113 = arith.constant 0 : i32
      %dma_wait3A_114 = tpu.memref_slice %arg2[%add3A, %dma_wait3A_112, %dma_wait3A_113] : memref<32x80x128xi32, #tpu.memory_space<hbm>> -> memref<1x40x128xi32, #tpu.memory_space<hbm>>
      %dma_wait3A_115 = tpu.memref_squeeze %dma_wait3A_114 : memref<1x40x128xi32, #tpu.memory_space<hbm>> -> memref<40x128xi32, #tpu.memory_space<hbm>>
      tpu.wait_dma2 semaphore(%run_scoped3A : memref<!tpu.dma_semaphore, #tpu.memory_space<semaphore_mem>>) src(%dma_wait3A_115 : memref<40x128xi32, #tpu.memory_space<hbm>>) dst(%arg7 : memref<40x128xi32, #tpu.memory_space<vmem>>)
      tpu.yield
    }) : () -> ()
    "tpu.region"() ({
      %run_scoped3A = tpu.sem_alloc : memref<!tpu.dma_semaphore, #tpu.memory_space<semaphore_mem>>
      %dma_start3A_101 = arith.constant 40 : i32
      %dma_start3A_102 = arith.constant 0 : i32
      %dma_start3A_103 = tpu.memref_slice %arg3[%add3A, %dma_start3A_101, %dma_start3A_102] : memref<32x80x128xi32, #tpu.memory_space<hbm>> -> memref<1x40x128xi32, #tpu.memory_space<hbm>>
      %dma_start3A_104 = tpu.memref_squeeze %dma_start3A_103 : memref<1x40x128xi32, #tpu.memory_space<hbm>> -> memref<40x128xi32, #tpu.memory_space<hbm>>
      %dma_start3A_105 = arith.constant 40 : i32
      %dma_start3A_106 = arith.constant 0 : i32
      %dma_start3A_107 = tpu.memref_slice %arg3[%add3A, %dma_start3A_105, %dma_start3A_106] : memref<32x80x128xi32, #tpu.memory_space<hbm>> -> memref<1x40x128xi32, #tpu.memory_space<hbm>>
      %dma_start3A_108 = tpu.memref_squeeze %dma_start3A_107 : memref<1x40x128xi32, #tpu.memory_space<hbm>> -> memref<40x128xi32, #tpu.memory_space<hbm>>
      tpu.enqueue_dma source(%dma_start3A_108 : memref<40x128xi32, #tpu.memory_space<hbm>>) target(%arg8 : memref<40x128xi32, #tpu.memory_space<vmem>>) target_semaphore(%run_scoped3A : memref<!tpu.dma_semaphore, #tpu.memory_space<semaphore_mem>>)
      %dma_wait3A = arith.constant 40 : i32
      %dma_wait3A_109 = arith.constant 0 : i32
      %dma_wait3A_110 = tpu.memref_slice %arg3[%add3A, %dma_wait3A, %dma_wait3A_109] : memref<32x80x128xi32, #tpu.memory_space<hbm>> -> memref<1x40x128xi32, #tpu.memory_space<hbm>>
      %dma_wait3A_111 = tpu.memref_squeeze %dma_wait3A_110 : memref<1x40x128xi32, #tpu.memory_space<hbm>> -> memref<40x128xi32, #tpu.memory_space<hbm>>
      %dma_wait3A_112 = arith.constant 40 : i32
      %dma_wait3A_113 = arith.constant 0 : i32
      %dma_wait3A_114 = tpu.memref_slice %arg3[%add3A, %dma_wait3A_112, %dma_wait3A_113] : memref<32x80x128xi32, #tpu.memory_space<hbm>> -> memref<1x40x128xi32, #tpu.memory_space<hbm>>
      %dma_wait3A_115 = tpu.memref_squeeze %dma_wait3A_114 : memref<1x40x128xi32, #tpu.memory_space<hbm>> -> memref<40x128xi32, #tpu.memory_space<hbm>>
      tpu.wait_dma2 semaphore(%run_scoped3A : memref<!tpu.dma_semaphore, #tpu.memory_space<semaphore_mem>>) src(%dma_wait3A_115 : memref<40x128xi32, #tpu.memory_space<hbm>>) dst(%arg8 : memref<40x128xi32, #tpu.memory_space<vmem>>)
      tpu.yield
    }) : () -> ()
    %dma_start3A_51 = arith.constant 0 : i32
    %dma_start3A_52 = arith.constant 0 : i32
    %dma_start3A_53 = arith.constant 0 : i32
    %dma_start3A_54 = tpu.memref_slice %arg9[%dma_start3A_52, %dma_start3A_53] : memref<128x128xf32, #tpu.memory_space<vmem>> -> memref<64x128xf32, #tpu.memory_space<vmem>>
    %dma_start3A_55 = arith.constant 0 : i32
    %dma_start3A_56 = tpu.memref_slice %arg7[%dma_start3A_51, %dma_start3A_55] : memref<40x128xi32, #tpu.memory_space<vmem>> -> memref<1x64xi32, #tpu.memory_space<vmem>>
    %dma_start3A_57 = tpu.memref_squeeze %dma_start3A_56 : memref<1x64xi32, #tpu.memory_space<vmem>> -> memref<64xi32, #tpu.memory_space<vmem>>
    %dma_start3A_58 = arith.constant 0 : i32
    %dma_start3A_59 = arith.constant 0 : i32
    %dma_start3A_60 = tpu.memref_slice %arg4[%dma_start3A_58, %dma_start3A_59] : memref<10240x128xf32, #tpu.memory_space<hbm>> -> memref<10240x128xf32, #tpu.memory_space<hbm>>
    tpu.enqueue_indirect_dma source(%dma_start3A_60 : memref<10240x128xf32, #tpu.memory_space<hbm>>) target(%dma_start3A_54 : memref<64x128xf32, #tpu.memory_space<vmem>>) offsets(%dma_start3A_57 : memref<64xi32, #tpu.memory_space<vmem>>) semaphore(%arg12 : memref<!tpu.dma_semaphore, #tpu.memory_space<semaphore_mem>>)
    %dma_start3A_61 = arith.constant 0 : i32
    %dma_start3A_62 = arith.constant 64 : i32
    %dma_start3A_63 = arith.constant 0 : i32
    %dma_start3A_64 = tpu.memref_slice %arg9[%dma_start3A_62, %dma_start3A_63] : memref<128x128xf32, #tpu.memory_space<vmem>> -> memref<64x128xf32, #tpu.memory_space<vmem>>
    %dma_start3A_65 = arith.constant 64 : i32
    %dma_start3A_66 = tpu.memref_slice %arg7[%dma_start3A_61, %dma_start3A_65] : memref<40x128xi32, #tpu.memory_space<vmem>> -> memref<1x64xi32, #tpu.memory_space<vmem>>
    %dma_start3A_67 = tpu.memref_squeeze %dma_start3A_66 : memref<1x64xi32, #tpu.memory_space<vmem>> -> memref<64xi32, #tpu.memory_space<vmem>>
    %dma_start3A_68 = arith.constant 0 : i32
    %dma_start3A_69 = arith.constant 0 : i32
    %dma_start3A_70 = tpu.memref_slice %arg4[%dma_start3A_68, %dma_start3A_69] : memref<10240x128xf32, #tpu.memory_space<hbm>> -> memref<10240x128xf32, #tpu.memory_space<hbm>>
    tpu.enqueue_indirect_dma source(%dma_start3A_70 : memref<10240x128xf32, #tpu.memory_space<hbm>>) target(%dma_start3A_64 : memref<64x128xf32, #tpu.memory_space<vmem>>) offsets(%dma_start3A_67 : memref<64xi32, #tpu.memory_space<vmem>>) semaphore(%arg12 : memref<!tpu.dma_semaphore, #tpu.memory_space<semaphore_mem>>)
    %dma_start3A_71 = arith.constant 1 : i32
    %dma_start3A_72 = arith.constant 0 : i32
    %dma_start3A_73 = arith.constant 0 : i32
    %dma_start3A_74 = tpu.memref_slice %arg10[%dma_start3A_72, %dma_start3A_73] : memref<128x128xf32, #tpu.memory_space<vmem>> -> memref<64x128xf32, #tpu.memory_space<vmem>>
    %dma_start3A_75 = arith.constant 0 : i32
    %dma_start3A_76 = tpu.memref_slice %arg7[%dma_start3A_71, %dma_start3A_75] : memref<40x128xi32, #tpu.memory_space<vmem>> -> memref<1x64xi32, #tpu.memory_space<vmem>>
    %dma_start3A_77 = tpu.memref_squeeze %dma_start3A_76 : memref<1x64xi32, #tpu.memory_space<vmem>> -> memref<64xi32, #tpu.memory_space<vmem>>
    %dma_start3A_78 = arith.constant 0 : i32
    %dma_start3A_79 = arith.constant 0 : i32
    %dma_start3A_80 = tpu.memref_slice %arg4[%dma_start3A_78, %dma_start3A_79] : memref<10240x128xf32, #tpu.memory_space<hbm>> -> memref<10240x128xf32, #tpu.memory_space<hbm>>
    tpu.enqueue_indirect_dma source(%dma_start3A_80 : memref<10240x128xf32, #tpu.memory_space<hbm>>) target(%dma_start3A_74 : memref<64x128xf32, #tpu.memory_space<vmem>>) offsets(%dma_start3A_77 : memref<64xi32, #tpu.memory_space<vmem>>) semaphore(%arg13 : memref<!tpu.dma_semaphore, #tpu.memory_space<semaphore_mem>>)
    %dma_start3A_81 = arith.constant 1 : i32
    %dma_start3A_82 = arith.constant 64 : i32
    %dma_start3A_83 = arith.constant 0 : i32
    %dma_start3A_84 = tpu.memref_slice %arg10[%dma_start3A_82, %dma_start3A_83] : memref<128x128xf32, #tpu.memory_space<vmem>> -> memref<64x128xf32, #tpu.memory_space<vmem>>
    %dma_start3A_85 = arith.constant 64 : i32
    %dma_start3A_86 = tpu.memref_slice %arg7[%dma_start3A_81, %dma_start3A_85] : memref<40x128xi32, #tpu.memory_space<vmem>> -> memref<1x64xi32, #tpu.memory_space<vmem>>
    %dma_start3A_87 = tpu.memref_squeeze %dma_start3A_86 : memref<1x64xi32, #tpu.memory_space<vmem>> -> memref<64xi32, #tpu.memory_space<vmem>>
    %dma_start3A_88 = arith.constant 0 : i32
    %dma_start3A_89 = arith.constant 0 : i32
    %dma_start3A_90 = tpu.memref_slice %arg4[%dma_start3A_88, %dma_start3A_89] : memref<10240x128xf32, #tpu.memory_space<hbm>> -> memref<10240x128xf32, #tpu.memory_space<hbm>>
    tpu.enqueue_indirect_dma source(%dma_start3A_90 : memref<10240x128xf32, #tpu.memory_space<hbm>>) target(%dma_start3A_84 : memref<64x128xf32, #tpu.memory_space<vmem>>) offsets(%dma_start3A_87 : memref<64xi32, #tpu.memory_space<vmem>>) semaphore(%arg13 : memref<!tpu.dma_semaphore, #tpu.memory_space<semaphore_mem>>)
    %scan3A_91 = arith.constant 0 : i32
    %scan3A_92 = arith.constant 20 : i32
    %scan3A_93 = arith.addi %scan3A_91, %scan3A_92 : i32
    %scan3A_94 = arith.constant 1 : i32
    scf.for %scan3A_101 = %scan3A_91 to %scan3A_93 step %scan3A_94  : i32 {
      %mul3A_102 = arith.constant 2 : i32
      %mul3A_103 = arith.muli %scan3A_101, %mul3A_102 : i32
      %add3A_104 = arith.constant 0 : i32
      %add3A_105 = arith.addi %add3A_104, %mul3A_103 : i32
      %add3A_106 = arith.constant 0 : i32
      %add3A_107 = arith.addi %add3A_105, %add3A_106 : i32
      %dma_wait3A = arith.constant 0 : i32
      %dma_wait3A_108 = arith.constant 0 : i32
      %dma_wait3A_109 = arith.constant 0 : i32
      %dma_wait3A_110 = tpu.memref_slice %arg9[%dma_wait3A_108, %dma_wait3A_109] : memref<128x128xf32, #tpu.memory_space<vmem>> -> memref<64x128xf32, #tpu.memory_space<vmem>>
      %dma_wait3A_111 = arith.constant 0 : i32
      %dma_wait3A_112 = tpu.memref_slice %arg7[%dma_wait3A, %dma_wait3A_111] : memref<40x128xi32, #tpu.memory_space<vmem>> -> memref<1x64xi32, #tpu.memory_space<vmem>>
      %dma_wait3A_113 = tpu.memref_squeeze %dma_wait3A_112 : memref<1x64xi32, #tpu.memory_space<vmem>> -> memref<64xi32, #tpu.memory_space<vmem>>
      %dma_wait3A_114 = arith.constant 0 : i32
      %dma_wait3A_115 = arith.constant 0 : i32
      %dma_wait3A_116 = tpu.memref_slice %arg4[%dma_wait3A_114, %dma_wait3A_115] : memref<10240x128xf32, #tpu.memory_space<hbm>> -> memref<10240x128xf32, #tpu.memory_space<hbm>>
      tpu.wait_indirect_dma semaphore(%arg12 : memref<!tpu.dma_semaphore, #tpu.memory_space<semaphore_mem>>) src(%dma_wait3A_116 : memref<10240x128xf32, #tpu.memory_space<hbm>>) dst(%dma_wait3A_110 : memref<64x128xf32, #tpu.memory_space<vmem>>)
      %dma_wait3A_117 = arith.constant 0 : i32
      %dma_wait3A_118 = arith.constant 0 : i32
      %dma_wait3A_119 = arith.constant 0 : i32
      %dma_wait3A_120 = tpu.memref_slice %arg9[%dma_wait3A_118, %dma_wait3A_119] : memref<128x128xf32, #tpu.memory_space<vmem>> -> memref<64x128xf32, #tpu.memory_space<vmem>>
      %dma_wait3A_121 = arith.constant 0 : i32
      %dma_wait3A_122 = tpu.memref_slice %arg7[%dma_wait3A_117, %dma_wait3A_121] : memref<40x128xi32, #tpu.memory_space<vmem>> -> memref<1x64xi32, #tpu.memory_space<vmem>>
      %dma_wait3A_123 = tpu.memref_squeeze %dma_wait3A_122 : memref<1x64xi32, #tpu.memory_space<vmem>> -> memref<64xi32, #tpu.memory_space<vmem>>
      %dma_wait3A_124 = arith.constant 0 : i32
      %dma_wait3A_125 = arith.constant 0 : i32
      %dma_wait3A_126 = tpu.memref_slice %arg4[%dma_wait3A_124, %dma_wait3A_125] : memref<10240x128xf32, #tpu.memory_space<hbm>> -> memref<10240x128xf32, #tpu.memory_space<hbm>>
      tpu.wait_indirect_dma semaphore(%arg12 : memref<!tpu.dma_semaphore, #tpu.memory_space<semaphore_mem>>) src(%dma_wait3A_126 : memref<10240x128xf32, #tpu.memory_space<hbm>>) dst(%dma_wait3A_120 : memref<64x128xf32, #tpu.memory_space<vmem>>)
      "tpu.region"() ({
        %run_scoped3A = tpu.sem_alloc : memref<!tpu.dma_semaphore, #tpu.memory_space<semaphore_mem>>
        %dma_start3A_162 = arith.constant 0 : i32
        %dma_start3A_163 = tpu.memref_slice %arg8[%add3A_107, %dma_start3A_162] : memref<40x128xi32, #tpu.memory_space<vmem>> -> memref<1x128xi32, #tpu.memory_space<vmem>>
        %dma_start3A_164 = tpu.memref_squeeze %dma_start3A_163 : memref<1x128xi32, #tpu.memory_space<vmem>> -> memref<128xi32, #tpu.memory_space<vmem>>
        %dma_start3A_165 = arith.constant 0 : i32
        %dma_start3A_166 = arith.constant 0 : i32
        %dma_start3A_167 = tpu.memref_slice %arg11[%dma_start3A_165, %dma_start3A_166] : memref<10240x128xf32, #tpu.memory_space<vmem_shared>> -> memref<10240x128xf32, #tpu.memory_space<vmem_shared>>
        tpu.enqueue_indirect_dma source(%arg9 : memref<128x128xf32, #tpu.memory_space<vmem>>) target(%dma_start3A_167 : memref<10240x128xf32, #tpu.memory_space<vmem_shared>>) offsets(%dma_start3A_164 : memref<128xi32, #tpu.memory_space<vmem>>) semaphore(%run_scoped3A : memref<!tpu.dma_semaphore, #tpu.memory_space<semaphore_mem>>) {add = true}
        %dma_wait3A_168 = arith.constant 0 : i32
        %dma_wait3A_169 = tpu.memref_slice %arg8[%add3A_107, %dma_wait3A_168] : memref<40x128xi32, #tpu.memory_space<vmem>> -> memref<1x128xi32, #tpu.memory_space<vmem>>
        %dma_wait3A_170 = tpu.memref_squeeze %dma_wait3A_169 : memref<1x128xi32, #tpu.memory_space<vmem>> -> memref<128xi32, #tpu.memory_space<vmem>>
        %dma_wait3A_171 = arith.constant 0 : i32
        %dma_wait3A_172 = arith.constant 0 : i32
        %dma_wait3A_173 = tpu.memref_slice %arg11[%dma_wait3A_171, %dma_wait3A_172] : memref<10240x128xf32, #tpu.memory_space<vmem_shared>> -> memref<10240x128xf32, #tpu.memory_space<vmem_shared>>
        tpu.wait_indirect_dma semaphore(%run_scoped3A : memref<!tpu.dma_semaphore, #tpu.memory_space<semaphore_mem>>) src(%arg9 : memref<128x128xf32, #tpu.memory_space<vmem>>) dst(%dma_wait3A_173 : memref<10240x128xf32, #tpu.memory_space<vmem_shared>>)
        tpu.yield
      }) : () -> ()
      %add3A_127 = arith.constant 2 : i32
      %add3A_128 = arith.addi %add3A_107, %add3A_127 : i32
      %lt3A = arith.constant 40 : i32
      %lt3A_129 = arith.cmpi slt, %add3A_128, %lt3A : i32
      %convert_element_type3A_130 = arith.extui %lt3A_129 : i1 to i32
      %cond3A_131 = arith.constant 0 : i32
      %cond3A_132 = arith.cmpi ne, %convert_element_type3A_130, %cond3A_131 : i32
      scf.if %cond3A_132 {
        %dma_start3A_162 = arith.constant 0 : i32
        %dma_start3A_163 = arith.constant 0 : i32
        %dma_start3A_164 = tpu.memref_slice %arg9[%dma_start3A_162, %dma_start3A_163] : memref<128x128xf32, #tpu.memory_space<vmem>> -> memref<64x128xf32, #tpu.memory_space<vmem>>
        %dma_start3A_165 = arith.constant 0 : i32
        %dma_start3A_166 = tpu.memref_slice %arg7[%add3A_128, %dma_start3A_165] : memref<40x128xi32, #tpu.memory_space<vmem>> -> memref<1x64xi32, #tpu.memory_space<vmem>>
        %dma_start3A_167 = tpu.memref_squeeze %dma_start3A_166 : memref<1x64xi32, #tpu.memory_space<vmem>> -> memref<64xi32, #tpu.memory_space<vmem>>
        %dma_start3A_168 = arith.constant 0 : i32
        %dma_start3A_169 = arith.constant 0 : i32
        %dma_start3A_170 = tpu.memref_slice %arg4[%dma_start3A_168, %dma_start3A_169] : memref<10240x128xf32, #tpu.memory_space<hbm>> -> memref<10240x128xf32, #tpu.memory_space<hbm>>
        tpu.enqueue_indirect_dma source(%dma_start3A_170 : memref<10240x128xf32, #tpu.memory_space<hbm>>) target(%dma_start3A_164 : memref<64x128xf32, #tpu.memory_space<vmem>>) offsets(%dma_start3A_167 : memref<64xi32, #tpu.memory_space<vmem>>) semaphore(%arg12 : memref<!tpu.dma_semaphore, #tpu.memory_space<semaphore_mem>>)
        %dma_start3A_171 = arith.constant 64 : i32
        %dma_start3A_172 = arith.constant 0 : i32
        %dma_start3A_173 = tpu.memref_slice %arg9[%dma_start3A_171, %dma_start3A_172] : memref<128x128xf32, #tpu.memory_space<vmem>> -> memref<64x128xf32, #tpu.memory_space<vmem>>
        %dma_start3A_174 = arith.constant 64 : i32
        %dma_start3A_175 = tpu.memref_slice %arg7[%add3A_128, %dma_start3A_174] : memref<40x128xi32, #tpu.memory_space<vmem>> -> memref<1x64xi32, #tpu.memory_space<vmem>>
        %dma_start3A_176 = tpu.memref_squeeze %dma_start3A_175 : memref<1x64xi32, #tpu.memory_space<vmem>> -> memref<64xi32, #tpu.memory_space<vmem>>
        %dma_start3A_177 = arith.constant 0 : i32
        %dma_start3A_178 = arith.constant 0 : i32
        %dma_start3A_179 = tpu.memref_slice %arg4[%dma_start3A_177, %dma_start3A_178] : memref<10240x128xf32, #tpu.memory_space<hbm>> -> memref<10240x128xf32, #tpu.memory_space<hbm>>
        tpu.enqueue_indirect_dma source(%dma_start3A_179 : memref<10240x128xf32, #tpu.memory_space<hbm>>) target(%dma_start3A_173 : memref<64x128xf32, #tpu.memory_space<vmem>>) offsets(%dma_start3A_176 : memref<64xi32, #tpu.memory_space<vmem>>) semaphore(%arg12 : memref<!tpu.dma_semaphore, #tpu.memory_space<semaphore_mem>>)
      } else {
      }
      %add3A_133 = arith.constant 1 : i32
      %add3A_134 = arith.addi %add3A_105, %add3A_133 : i32
      %dma_wait3A_135 = arith.constant 0 : i32
      %dma_wait3A_136 = arith.constant 0 : i32
      %dma_wait3A_137 = arith.constant 0 : i32
      %dma_wait3A_138 = tpu.memref_slice %arg10[%dma_wait3A_136, %dma_wait3A_137] : memref<128x128xf32, #tpu.memory_space<vmem>> -> memref<64x128xf32, #tpu.memory_space<vmem>>
      %dma_wait3A_139 = arith.constant 0 : i32
      %dma_wait3A_140 = tpu.memref_slice %arg7[%dma_wait3A_135, %dma_wait3A_139] : memref<40x128xi32, #tpu.memory_space<vmem>> -> memref<1x64xi32, #tpu.memory_space<vmem>>
      %dma_wait3A_141 = tpu.memref_squeeze %dma_wait3A_140 : memref<1x64xi32, #tpu.memory_space<vmem>> -> memref<64xi32, #tpu.memory_space<vmem>>
      %dma_wait3A_142 = arith.constant 0 : i32
      %dma_wait3A_143 = arith.constant 0 : i32
      %dma_wait3A_144 = tpu.memref_slice %arg4[%dma_wait3A_142, %dma_wait3A_143] : memref<10240x128xf32, #tpu.memory_space<hbm>> -> memref<10240x128xf32, #tpu.memory_space<hbm>>
      tpu.wait_indirect_dma semaphore(%arg13 : memref<!tpu.dma_semaphore, #tpu.memory_space<semaphore_mem>>) src(%dma_wait3A_144 : memref<10240x128xf32, #tpu.memory_space<hbm>>) dst(%dma_wait3A_138 : memref<64x128xf32, #tpu.memory_space<vmem>>)
      %dma_wait3A_145 = arith.constant 0 : i32
      %dma_wait3A_146 = arith.constant 0 : i32
      %dma_wait3A_147 = arith.constant 0 : i32
      %dma_wait3A_148 = tpu.memref_slice %arg10[%dma_wait3A_146, %dma_wait3A_147] : memref<128x128xf32, #tpu.memory_space<vmem>> -> memref<64x128xf32, #tpu.memory_space<vmem>>
      %dma_wait3A_149 = arith.constant 0 : i32
      %dma_wait3A_150 = tpu.memref_slice %arg7[%dma_wait3A_145, %dma_wait3A_149] : memref<40x128xi32, #tpu.memory_space<vmem>> -> memref<1x64xi32, #tpu.memory_space<vmem>>
      %dma_wait3A_151 = tpu.memref_squeeze %dma_wait3A_150 : memref<1x64xi32, #tpu.memory_space<vmem>> -> memref<64xi32, #tpu.memory_space<vmem>>
      %dma_wait3A_152 = arith.constant 0 : i32
      %dma_wait3A_153 = arith.constant 0 : i32
      %dma_wait3A_154 = tpu.memref_slice %arg4[%dma_wait3A_152, %dma_wait3A_153] : memref<10240x128xf32, #tpu.memory_space<hbm>> -> memref<10240x128xf32, #tpu.memory_space<hbm>>
      tpu.wait_indirect_dma semaphore(%arg13 : memref<!tpu.dma_semaphore, #tpu.memory_space<semaphore_mem>>) src(%dma_wait3A_154 : memref<10240x128xf32, #tpu.memory_space<hbm>>) dst(%dma_wait3A_148 : memref<64x128xf32, #tpu.memory_space<vmem>>)
      "tpu.region"() ({
        %run_scoped3A = tpu.sem_alloc : memref<!tpu.dma_semaphore, #tpu.memory_space<semaphore_mem>>
        %dma_start3A_162 = arith.constant 0 : i32
        %dma_start3A_163 = tpu.memref_slice %arg8[%add3A_134, %dma_start3A_162] : memref<40x128xi32, #tpu.memory_space<vmem>> -> memref<1x128xi32, #tpu.memory_space<vmem>>
        %dma_start3A_164 = tpu.memref_squeeze %dma_start3A_163 : memref<1x128xi32, #tpu.memory_space<vmem>> -> memref<128xi32, #tpu.memory_space<vmem>>
        %dma_start3A_165 = arith.constant 0 : i32
        %dma_start3A_166 = arith.constant 0 : i32
        %dma_start3A_167 = tpu.memref_slice %arg11[%dma_start3A_165, %dma_start3A_166] : memref<10240x128xf32, #tpu.memory_space<vmem_shared>> -> memref<10240x128xf32, #tpu.memory_space<vmem_shared>>
        tpu.enqueue_indirect_dma source(%arg10 : memref<128x128xf32, #tpu.memory_space<vmem>>) target(%dma_start3A_167 : memref<10240x128xf32, #tpu.memory_space<vmem_shared>>) offsets(%dma_start3A_164 : memref<128xi32, #tpu.memory_space<vmem>>) semaphore(%run_scoped3A : memref<!tpu.dma_semaphore, #tpu.memory_space<semaphore_mem>>) {add = true}
        %dma_wait3A_168 = arith.constant 0 : i32
        %dma_wait3A_169 = tpu.memref_slice %arg8[%add3A_134, %dma_wait3A_168] : memref<40x128xi32, #tpu.memory_space<vmem>> -> memref<1x128xi32, #tpu.memory_space<vmem>>
        %dma_wait3A_170 = tpu.memref_squeeze %dma_wait3A_169 : memref<1x128xi32, #tpu.memory_space<vmem>> -> memref<128xi32, #tpu.memory_space<vmem>>
        %dma_wait3A_171 = arith.constant 0 : i32
        %dma_wait3A_172 = arith.constant 0 : i32
        %dma_wait3A_173 = tpu.memref_slice %arg11[%dma_wait3A_171, %dma_wait3A_172] : memref<10240x128xf32, #tpu.memory_space<vmem_shared>> -> memref<10240x128xf32, #tpu.memory_space<vmem_shared>>
        tpu.wait_indirect_dma semaphore(%run_scoped3A : memref<!tpu.dma_semaphore, #tpu.memory_space<semaphore_mem>>) src(%arg10 : memref<128x128xf32, #tpu.memory_space<vmem>>) dst(%dma_wait3A_173 : memref<10240x128xf32, #tpu.memory_space<vmem_shared>>)
        tpu.yield
      }) : () -> ()
      %add3A_155 = arith.constant 2 : i32
      %add3A_156 = arith.addi %add3A_134, %add3A_155 : i32
      %lt3A_157 = arith.constant 40 : i32
      %lt3A_158 = arith.cmpi slt, %add3A_156, %lt3A_157 : i32
      %convert_element_type3A_159 = arith.extui %lt3A_158 : i1 to i32
      %cond3A_160 = arith.constant 0 : i32
      %cond3A_161 = arith.cmpi ne, %convert_element_type3A_159, %cond3A_160 : i32
      scf.if %cond3A_161 {
        %dma_start3A_162 = arith.constant 0 : i32
        %dma_start3A_163 = arith.constant 0 : i32
        %dma_start3A_164 = tpu.memref_slice %arg10[%dma_start3A_162, %dma_start3A_163] : memref<128x128xf32, #tpu.memory_space<vmem>> -> memref<64x128xf32, #tpu.memory_space<vmem>>
        %dma_start3A_165 = arith.constant 0 : i32
        %dma_start3A_166 = tpu.memref_slice %arg7[%add3A_156, %dma_start3A_165] : memref<40x128xi32, #tpu.memory_space<vmem>> -> memref<1x64xi32, #tpu.memory_space<vmem>>
        %dma_start3A_167 = tpu.memref_squeeze %dma_start3A_166 : memref<1x64xi32, #tpu.memory_space<vmem>> -> memref<64xi32, #tpu.memory_space<vmem>>
        %dma_start3A_168 = arith.constant 0 : i32
        %dma_start3A_169 = arith.constant 0 : i32
        %dma_start3A_170 = tpu.memref_slice %arg4[%dma_start3A_168, %dma_start3A_169] : memref<10240x128xf32, #tpu.memory_space<hbm>> -> memref<10240x128xf32, #tpu.memory_space<hbm>>
        tpu.enqueue_indirect_dma source(%dma_start3A_170 : memref<10240x128xf32, #tpu.memory_space<hbm>>) target(%dma_start3A_164 : memref<64x128xf32, #tpu.memory_space<vmem>>) offsets(%dma_start3A_167 : memref<64xi32, #tpu.memory_space<vmem>>) semaphore(%arg13 : memref<!tpu.dma_semaphore, #tpu.memory_space<semaphore_mem>>)
        %dma_start3A_171 = arith.constant 64 : i32
        %dma_start3A_172 = arith.constant 0 : i32
        %dma_start3A_173 = tpu.memref_slice %arg10[%dma_start3A_171, %dma_start3A_172] : memref<128x128xf32, #tpu.memory_space<vmem>> -> memref<64x128xf32, #tpu.memory_space<vmem>>
        %dma_start3A_174 = arith.constant 64 : i32
        %dma_start3A_175 = tpu.memref_slice %arg7[%add3A_156, %dma_start3A_174] : memref<40x128xi32, #tpu.memory_space<vmem>> -> memref<1x64xi32, #tpu.memory_space<vmem>>
        %dma_start3A_176 = tpu.memref_squeeze %dma_start3A_175 : memref<1x64xi32, #tpu.memory_space<vmem>> -> memref<64xi32, #tpu.memory_space<vmem>>
        %dma_start3A_177 = arith.constant 0 : i32
        %dma_start3A_178 = arith.constant 0 : i32
        %dma_start3A_179 = tpu.memref_slice %arg4[%dma_start3A_177, %dma_start3A_178] : memref<10240x128xf32, #tpu.memory_space<hbm>> -> memref<10240x128xf32, #tpu.memory_space<hbm>>
        tpu.enqueue_indirect_dma source(%dma_start3A_179 : memref<10240x128xf32, #tpu.memory_space<hbm>>) target(%dma_start3A_173 : memref<64x128xf32, #tpu.memory_space<vmem>>) offsets(%dma_start3A_176 : memref<64xi32, #tpu.memory_space<vmem>>) semaphore(%arg13 : memref<!tpu.dma_semaphore, #tpu.memory_space<semaphore_mem>>)
      } else {
      }
    }
    %scan3A_95 = arith.constant 20 : i32
    %barrier3A_96 = arith.constant 0 : index
    tpu.barrier barrier_id(%barrier3A_96)
    %mul3A_97 = arith.constant 640 : i32
    %mul3A_98 = arith.muli %arg1, %mul3A_97 : i32
    %mul3A_99 = arith.constant 640 : i32
    %mul3A_100 = arith.muli %arg1, %mul3A_99 : i32
    "tpu.region"() ({
      %run_scoped3A = tpu.sem_alloc : memref<!tpu.dma_semaphore, #tpu.memory_space<semaphore_mem>>
      %dma_start3A_101 = arith.constant 0 : i32
      %dma_start3A_102 = tpu.memref_slice %arg6[%arg0, %mul3A_100, %dma_start3A_101] : memref<2x10240x128xf32, #tpu.memory_space<hbm>> -> memref<1x640x128xf32, #tpu.memory_space<hbm>>
      %dma_start3A_103 = tpu.memref_squeeze %dma_start3A_102 : memref<1x640x128xf32, #tpu.memory_space<hbm>> -> memref<640x128xf32, #tpu.memory_space<hbm>>
      %dma_start3A_104 = arith.constant 0 : i32
      %dma_start3A_105 = tpu.memref_slice %arg11[%mul3A_98, %dma_start3A_104] : memref<10240x128xf32, #tpu.memory_space<vmem_shared>> -> memref<640x128xf32, #tpu.memory_space<vmem_shared>>
      tpu.enqueue_dma source(%dma_start3A_105 : memref<640x128xf32, #tpu.memory_space<vmem_shared>>) target(%dma_start3A_103 : memref<640x128xf32, #tpu.memory_space<hbm>>) target_semaphore(%run_scoped3A : memref<!tpu.dma_semaphore, #tpu.memory_space<semaphore_mem>>)
      %dma_wait3A = arith.constant 0 : i32
      %dma_wait3A_106 = tpu.memref_slice %arg6[%arg0, %mul3A_100, %dma_wait3A] : memref<2x10240x128xf32, #tpu.memory_space<hbm>> -> memref<1x640x128xf32, #tpu.memory_space<hbm>>
      %dma_wait3A_107 = tpu.memref_squeeze %dma_wait3A_106 : memref<1x640x128xf32, #tpu.memory_space<hbm>> -> memref<640x128xf32, #tpu.memory_space<hbm>>
      %dma_wait3A_108 = arith.constant 0 : i32
      %dma_wait3A_109 = tpu.memref_slice %arg11[%mul3A_98, %dma_wait3A_108] : memref<10240x128xf32, #tpu.memory_space<vmem_shared>> -> memref<640x128xf32, #tpu.memory_space<vmem_shared>>
      tpu.wait_dma2 semaphore(%run_scoped3A : memref<!tpu.dma_semaphore, #tpu.memory_space<semaphore_mem>>) src(%dma_wait3A_109 : memref<640x128xf32, #tpu.memory_space<vmem_shared>>) dst(%dma_wait3A_107 : memref<640x128xf32, #tpu.memory_space<hbm>>)
      tpu.yield
    }) : () -> ()
    return
  }
}

#map = affine_map<(d0, d1) -> (0, 0, 0)>
#map1 = affine_map<(d0, d1) -> (0)>
#map2 = affine_map<(d0, d1) -> (0, 0)>
module attributes {stable_mosaic.version = 14 : i64} {
  func.func @_sc_deg_body(%arg0: i32, %arg1: i32, %arg2: memref<32x80x128xi32, #tpu.memory_space<hbm>>, %arg3: memref<10240xf32, #tpu.memory_space<hbm>>, %arg4: memref<2x10240xf32, #tpu.memory_space<hbm>>, %arg5: memref<80x128xi32, #tpu.memory_space<vmem>>, %arg6: memref<128xf32, #tpu.memory_space<vmem>>, %arg7: memref<10240xf32, #tpu.memory_space<vmem_shared>>, %arg8: memref<!tpu.dma_semaphore, #tpu.memory_space<semaphore_mem>>) attributes {dimension_semantics = [#tpu.dimension_semantics<core_parallel>, #tpu.dimension_semantics<subcore_parallel>], iteration_bounds = array<i64: 2, 16>, scalar_prefetch = 0 : i64, scratch_operands = 4 : i64, tpu.core_type = #tpu.core_type<sc_vector_subcore>, window_params = [{transform_indices = #map}, {transform_indices = #map1}, {transform_indices = #map2}]} {
    %mul3A = arith.constant 16 : i32
    %mul3A_0 = arith.muli %arg0, %mul3A : i32
    %add3A = arith.addi %mul3A_0, %arg1 : i32
    %mul3A_1 = arith.constant 640 : i32
    %mul3A_2 = arith.muli %arg1, %mul3A_1 : i32
    %mul3A_3 = arith.constant 640 : i32
    %mul3A_4 = arith.muli %arg1, %mul3A_3 : i32
    "tpu.region"() ({
      %run_scoped3A = tpu.sem_alloc : memref<!tpu.dma_semaphore, #tpu.memory_space<semaphore_mem>>
      %dma_start3A = tpu.memref_slice %arg7[%mul3A_4] : memref<10240xf32, #tpu.memory_space<vmem_shared>> -> memref<640xf32, #tpu.memory_space<vmem_shared>>
      %dma_start3A_60 = tpu.memref_slice %arg3[%mul3A_2] : memref<10240xf32, #tpu.memory_space<hbm>> -> memref<640xf32, #tpu.memory_space<hbm>>
      tpu.enqueue_dma source(%dma_start3A_60 : memref<640xf32, #tpu.memory_space<hbm>>) target(%dma_start3A : memref<640xf32, #tpu.memory_space<vmem_shared>>) target_semaphore(%run_scoped3A : memref<!tpu.dma_semaphore, #tpu.memory_space<semaphore_mem>>)
      %dma_wait3A = tpu.memref_slice %arg7[%mul3A_4] : memref<10240xf32, #tpu.memory_space<vmem_shared>> -> memref<640xf32, #tpu.memory_space<vmem_shared>>
      %dma_wait3A_61 = tpu.memref_slice %arg3[%mul3A_2] : memref<10240xf32, #tpu.memory_space<hbm>> -> memref<640xf32, #tpu.memory_space<hbm>>
      tpu.wait_dma2 semaphore(%run_scoped3A : memref<!tpu.dma_semaphore, #tpu.memory_space<semaphore_mem>>) src(%dma_wait3A_61 : memref<640xf32, #tpu.memory_space<hbm>>) dst(%dma_wait3A : memref<640xf32, #tpu.memory_space<vmem_shared>>)
      tpu.yield
    }) : () -> ()
    "tpu.region"() ({
      %run_scoped3A = tpu.sem_alloc : memref<!tpu.dma_semaphore, #tpu.memory_space<semaphore_mem>>
      %dma_start3A = arith.constant 0 : i32
      %dma_start3A_60 = arith.constant 0 : i32
      %dma_start3A_61 = tpu.memref_slice %arg2[%add3A, %dma_start3A, %dma_start3A_60] : memref<32x80x128xi32, #tpu.memory_space<hbm>> -> memref<1x80x128xi32, #tpu.memory_space<hbm>>
      %dma_start3A_62 = tpu.memref_squeeze %dma_start3A_61 : memref<1x80x128xi32, #tpu.memory_space<hbm>> -> memref<80x128xi32, #tpu.memory_space<hbm>>
      %dma_start3A_63 = arith.constant 0 : i32
      %dma_start3A_64 = arith.constant 0 : i32
      %dma_start3A_65 = tpu.memref_slice %arg2[%add3A, %dma_start3A_63, %dma_start3A_64] : memref<32x80x128xi32, #tpu.memory_space<hbm>> -> memref<1x80x128xi32, #tpu.memory_space<hbm>>
      %dma_start3A_66 = tpu.memref_squeeze %dma_start3A_65 : memref<1x80x128xi32, #tpu.memory_space<hbm>> -> memref<80x128xi32, #tpu.memory_space<hbm>>
      tpu.enqueue_dma source(%dma_start3A_66 : memref<80x128xi32, #tpu.memory_space<hbm>>) target(%arg5 : memref<80x128xi32, #tpu.memory_space<vmem>>) target_semaphore(%run_scoped3A : memref<!tpu.dma_semaphore, #tpu.memory_space<semaphore_mem>>)
      %dma_wait3A = arith.constant 0 : i32
      %dma_wait3A_67 = arith.constant 0 : i32
      %dma_wait3A_68 = tpu.memref_slice %arg2[%add3A, %dma_wait3A, %dma_wait3A_67] : memref<32x80x128xi32, #tpu.memory_space<hbm>> -> memref<1x80x128xi32, #tpu.memory_space<hbm>>
      %dma_wait3A_69 = tpu.memref_squeeze %dma_wait3A_68 : memref<1x80x128xi32, #tpu.memory_space<hbm>> -> memref<80x128xi32, #tpu.memory_space<hbm>>
      %dma_wait3A_70 = arith.constant 0 : i32
      %dma_wait3A_71 = arith.constant 0 : i32
      %dma_wait3A_72 = tpu.memref_slice %arg2[%add3A, %dma_wait3A_70, %dma_wait3A_71] : memref<32x80x128xi32, #tpu.memory_space<hbm>> -> memref<1x80x128xi32, #tpu.memory_space<hbm>>
      %dma_wait3A_73 = tpu.memref_squeeze %dma_wait3A_72 : memref<1x80x128xi32, #tpu.memory_space<hbm>> -> memref<80x128xi32, #tpu.memory_space<hbm>>
      tpu.wait_dma2 semaphore(%run_scoped3A : memref<!tpu.dma_semaphore, #tpu.memory_space<semaphore_mem>>) src(%dma_wait3A_73 : memref<80x128xi32, #tpu.memory_space<hbm>>) dst(%arg5 : memref<80x128xi32, #tpu.memory_space<vmem>>)
      tpu.yield
    }) : () -> ()
    %broadcast_in_dim3A = arith.constant 1.000000e+00 : f32
    %broadcast_in_dim3A_5 = vector.broadcast %broadcast_in_dim3A : f32 to vector<16xf32>
    %swap3A = arith.constant 0 : index
    %swap3A_6 = tpu.vector_load %arg6[%swap3A] {strides = array<i32>} : memref<128xf32, #tpu.memory_space<vmem>>, vector<16xf32>,
    %swap3A_7 = vector.shape_cast %swap3A_6 : vector<16xf32> to vector<16xf32>
    %swap3A_8 = vector.shape_cast %broadcast_in_dim3A_5 : vector<16xf32> to vector<16xf32>
    tpu.vector_store %arg6[%swap3A], %swap3A_8 {strides = array<i32>} : memref<128xf32, #tpu.memory_space<vmem>>, vector<16xf32>,
    %broadcast_in_dim3A_9 = arith.constant 1.000000e+00 : f32
    %broadcast_in_dim3A_10 = vector.broadcast %broadcast_in_dim3A_9 : f32 to vector<16xf32>
    %swap3A_11 = arith.constant 16 : index
    %swap3A_12 = tpu.vector_load %arg6[%swap3A_11] {strides = array<i32>} : memref<128xf32, #tpu.memory_space<vmem>>, vector<16xf32>,
    %swap3A_13 = vector.shape_cast %swap3A_12 : vector<16xf32> to vector<16xf32>
    %swap3A_14 = vector.shape_cast %broadcast_in_dim3A_10 : vector<16xf32> to vector<16xf32>
    tpu.vector_store %arg6[%swap3A_11], %swap3A_14 {strides = array<i32>} : memref<128xf32, #tpu.memory_space<vmem>>, vector<16xf32>,
    %broadcast_in_dim3A_15 = arith.constant 1.000000e+00 : f32
    %broadcast_in_dim3A_16 = vector.broadcast %broadcast_in_dim3A_15 : f32 to vector<16xf32>
    %swap3A_17 = arith.constant 32 : index
    %swap3A_18 = tpu.vector_load %arg6[%swap3A_17] {strides = array<i32>} : memref<128xf32, #tpu.memory_space<vmem>>, vector<16xf32>,
    %swap3A_19 = vector.shape_cast %swap3A_18 : vector<16xf32> to vector<16xf32>
    %swap3A_20 = vector.shape_cast %broadcast_in_dim3A_16 : vector<16xf32> to vector<16xf32>
    tpu.vector_store %arg6[%swap3A_17], %swap3A_20 {strides = array<i32>} : memref<128xf32, #tpu.memory_space<vmem>>, vector<16xf32>,
    %broadcast_in_dim3A_21 = arith.constant 1.000000e+00 : f32
    %broadcast_in_dim3A_22 = vector.broadcast %broadcast_in_dim3A_21 : f32 to vector<16xf32>
    %swap3A_23 = arith.constant 48 : index
    %swap3A_24 = tpu.vector_load %arg6[%swap3A_23] {strides = array<i32>} : memref<128xf32, #tpu.memory_space<vmem>>, vector<16xf32>,
    %swap3A_25 = vector.shape_cast %swap3A_24 : vector<16xf32> to vector<16xf32>
    %swap3A_26 = vector.shape_cast %broadcast_in_dim3A_22 : vector<16xf32> to vector<16xf32>
    tpu.vector_store %arg6[%swap3A_23], %swap3A_26 {strides = array<i32>} : memref<128xf32, #tpu.memory_space<vmem>>, vector<16xf32>,
    %broadcast_in_dim3A_27 = arith.constant 1.000000e+00 : f32
    %broadcast_in_dim3A_28 = vector.broadcast %broadcast_in_dim3A_27 : f32 to vector<16xf32>
    %swap3A_29 = arith.constant 64 : index
    %swap3A_30 = tpu.vector_load %arg6[%swap3A_29] {strides = array<i32>} : memref<128xf32, #tpu.memory_space<vmem>>, vector<16xf32>,
    %swap3A_31 = vector.shape_cast %swap3A_30 : vector<16xf32> to vector<16xf32>
    %swap3A_32 = vector.shape_cast %broadcast_in_dim3A_28 : vector<16xf32> to vector<16xf32>
    tpu.vector_store %arg6[%swap3A_29], %swap3A_32 {strides = array<i32>} : memref<128xf32, #tpu.memory_space<vmem>>, vector<16xf32>,
    %broadcast_in_dim3A_33 = arith.constant 1.000000e+00 : f32
    %broadcast_in_dim3A_34 = vector.broadcast %broadcast_in_dim3A_33 : f32 to vector<16xf32>
    %swap3A_35 = arith.constant 80 : index
    %swap3A_36 = tpu.vector_load %arg6[%swap3A_35] {strides = array<i32>} : memref<128xf32, #tpu.memory_space<vmem>>, vector<16xf32>,
    %swap3A_37 = vector.shape_cast %swap3A_36 : vector<16xf32> to vector<16xf32>
    %swap3A_38 = vector.shape_cast %broadcast_in_dim3A_34 : vector<16xf32> to vector<16xf32>
    tpu.vector_store %arg6[%swap3A_35], %swap3A_38 {strides = array<i32>} : memref<128xf32, #tpu.memory_space<vmem>>, vector<16xf32>,
    %broadcast_in_dim3A_39 = arith.constant 1.000000e+00 : f32
    %broadcast_in_dim3A_40 = vector.broadcast %broadcast_in_dim3A_39 : f32 to vector<16xf32>
    %swap3A_41 = arith.constant 96 : index
    %swap3A_42 = tpu.vector_load %arg6[%swap3A_41] {strides = array<i32>} : memref<128xf32, #tpu.memory_space<vmem>>, vector<16xf32>,
    %swap3A_43 = vector.shape_cast %swap3A_42 : vector<16xf32> to vector<16xf32>
    %swap3A_44 = vector.shape_cast %broadcast_in_dim3A_40 : vector<16xf32> to vector<16xf32>
    tpu.vector_store %arg6[%swap3A_41], %swap3A_44 {strides = array<i32>} : memref<128xf32, #tpu.memory_space<vmem>>, vector<16xf32>,
    %broadcast_in_dim3A_45 = arith.constant 1.000000e+00 : f32
    %broadcast_in_dim3A_46 = vector.broadcast %broadcast_in_dim3A_45 : f32 to vector<16xf32>
    %swap3A_47 = arith.constant 112 : index
    %swap3A_48 = tpu.vector_load %arg6[%swap3A_47] {strides = array<i32>} : memref<128xf32, #tpu.memory_space<vmem>>, vector<16xf32>,
    %swap3A_49 = vector.shape_cast %swap3A_48 : vector<16xf32> to vector<16xf32>
    %swap3A_50 = vector.shape_cast %broadcast_in_dim3A_46 : vector<16xf32> to vector<16xf32>
    tpu.vector_store %arg6[%swap3A_47], %swap3A_50 {strides = array<i32>} : memref<128xf32, #tpu.memory_space<vmem>>, vector<16xf32>,
    %barrier3A = arith.constant 0 : index
    tpu.barrier barrier_id(%barrier3A)
    %scan3A = arith.constant 0 : i32
    %scan3A_51 = arith.constant 10 : i32
    %scan3A_52 = arith.addi %scan3A, %scan3A_51 : i32
    %scan3A_53 = arith.constant 1 : i32
    scf.for %scan3A_60 = %scan3A to %scan3A_52 step %scan3A_53  : i32 {
      %mul3A_61 = arith.constant 1 : i32
      %mul3A_62 = arith.muli %scan3A_60, %mul3A_61 : i32
      %add3A_63 = arith.constant 0 : i32
      %add3A_64 = arith.addi %add3A_63, %mul3A_62 : i32
      %mul3A_65 = arith.constant 8 : i32
      %mul3A_66 = arith.muli %add3A_64, %mul3A_65 : i32
      %add3A_67 = arith.constant 0 : i32
      %add3A_68 = arith.addi %mul3A_66, %add3A_67 : i32
      %dma_start3A = arith.constant 0 : i32
      %dma_start3A_69 = tpu.memref_slice %arg5[%add3A_68, %dma_start3A] : memref<80x128xi32, #tpu.memory_space<vmem>> -> memref<1x128xi32, #tpu.memory_space<vmem>>
      %dma_start3A_70 = tpu.memref_squeeze %dma_start3A_69 : memref<1x128xi32, #tpu.memory_space<vmem>> -> memref<128xi32, #tpu.memory_space<vmem>>
      %dma_start3A_71 = arith.constant 0 : i32
      %dma_start3A_72 = tpu.memref_slice %arg7[%dma_start3A_71] : memref<10240xf32, #tpu.memory_space<vmem_shared>> -> memref<10240xf32, #tpu.memory_space<vmem_shared>>
      tpu.enqueue_indirect_dma source(%arg6 : memref<128xf32, #tpu.memory_space<vmem>>) target(%dma_start3A_72 : memref<10240xf32, #tpu.memory_space<vmem_shared>>) offsets(%dma_start3A_70 : memref<128xi32, #tpu.memory_space<vmem>>) semaphore(%arg8 : memref<!tpu.dma_semaphore, #tpu.memory_space<semaphore_mem>>) {add = true}
      %mul3A_73 = arith.constant 8 : i32
      %mul3A_74 = arith.muli %add3A_64, %mul3A_73 : i32
      %add3A_75 = arith.constant 1 : i32
      %add3A_76 = arith.addi %mul3A_74, %add3A_75 : i32
      %dma_start3A_77 = arith.constant 0 : i32
      %dma_start3A_78 = tpu.memref_slice %arg5[%add3A_76, %dma_start3A_77] : memref<80x128xi32, #tpu.memory_space<vmem>> -> memref<1x128xi32, #tpu.memory_space<vmem>>
      %dma_start3A_79 = tpu.memref_squeeze %dma_start3A_78 : memref<1x128xi32, #tpu.memory_space<vmem>> -> memref<128xi32, #tpu.memory_space<vmem>>
      %dma_start3A_80 = arith.constant 0 : i32
      %dma_start3A_81 = tpu.memref_slice %arg7[%dma_start3A_80] : memref<10240xf32, #tpu.memory_space<vmem_shared>> -> memref<10240xf32, #tpu.memory_space<vmem_shared>>
      tpu.enqueue_indirect_dma source(%arg6 : memref<128xf32, #tpu.memory_space<vmem>>) target(%dma_start3A_81 : memref<10240xf32, #tpu.memory_space<vmem_shared>>) offsets(%dma_start3A_79 : memref<128xi32, #tpu.memory_space<vmem>>) semaphore(%arg8 : memref<!tpu.dma_semaphore, #tpu.memory_space<semaphore_mem>>) {add = true}
      %mul3A_82 = arith.constant 8 : i32
      %mul3A_83 = arith.muli %add3A_64, %mul3A_82 : i32
      %add3A_84 = arith.constant 2 : i32
      %add3A_85 = arith.addi %mul3A_83, %add3A_84 : i32
      %dma_start3A_86 = arith.constant 0 : i32
      %dma_start3A_87 = tpu.memref_slice %arg5[%add3A_85, %dma_start3A_86] : memref<80x128xi32, #tpu.memory_space<vmem>> -> memref<1x128xi32, #tpu.memory_space<vmem>>
      %dma_start3A_88 = tpu.memref_squeeze %dma_start3A_87 : memref<1x128xi32, #tpu.memory_space<vmem>> -> memref<128xi32, #tpu.memory_space<vmem>>
      %dma_start3A_89 = arith.constant 0 : i32
      %dma_start3A_90 = tpu.memref_slice %arg7[%dma_start3A_89] : memref<10240xf32, #tpu.memory_space<vmem_shared>> -> memref<10240xf32, #tpu.memory_space<vmem_shared>>
      tpu.enqueue_indirect_dma source(%arg6 : memref<128xf32, #tpu.memory_space<vmem>>) target(%dma_start3A_90 : memref<10240xf32, #tpu.memory_space<vmem_shared>>) offsets(%dma_start3A_88 : memref<128xi32, #tpu.memory_space<vmem>>) semaphore(%arg8 : memref<!tpu.dma_semaphore, #tpu.memory_space<semaphore_mem>>) {add = true}
      %mul3A_91 = arith.constant 8 : i32
      %mul3A_92 = arith.muli %add3A_64, %mul3A_91 : i32
      %add3A_93 = arith.constant 3 : i32
      %add3A_94 = arith.addi %mul3A_92, %add3A_93 : i32
      %dma_start3A_95 = arith.constant 0 : i32
      %dma_start3A_96 = tpu.memref_slice %arg5[%add3A_94, %dma_start3A_95] : memref<80x128xi32, #tpu.memory_space<vmem>> -> memref<1x128xi32, #tpu.memory_space<vmem>>
      %dma_start3A_97 = tpu.memref_squeeze %dma_start3A_96 : memref<1x128xi32, #tpu.memory_space<vmem>> -> memref<128xi32, #tpu.memory_space<vmem>>
      %dma_start3A_98 = arith.constant 0 : i32
      %dma_start3A_99 = tpu.memref_slice %arg7[%dma_start3A_98] : memref<10240xf32, #tpu.memory_space<vmem_shared>> -> memref<10240xf32, #tpu.memory_space<vmem_shared>>
      tpu.enqueue_indirect_dma source(%arg6 : memref<128xf32, #tpu.memory_space<vmem>>) target(%dma_start3A_99 : memref<10240xf32, #tpu.memory_space<vmem_shared>>) offsets(%dma_start3A_97 : memref<128xi32, #tpu.memory_space<vmem>>) semaphore(%arg8 : memref<!tpu.dma_semaphore, #tpu.memory_space<semaphore_mem>>) {add = true}
      %mul3A_100 = arith.constant 8 : i32
      %mul3A_101 = arith.muli %add3A_64, %mul3A_100 : i32
      %add3A_102 = arith.constant 4 : i32
      %add3A_103 = arith.addi %mul3A_101, %add3A_102 : i32
      %dma_start3A_104 = arith.constant 0 : i32
      %dma_start3A_105 = tpu.memref_slice %arg5[%add3A_103, %dma_start3A_104] : memref<80x128xi32, #tpu.memory_space<vmem>> -> memref<1x128xi32, #tpu.memory_space<vmem>>
      %dma_start3A_106 = tpu.memref_squeeze %dma_start3A_105 : memref<1x128xi32, #tpu.memory_space<vmem>> -> memref<128xi32, #tpu.memory_space<vmem>>
      %dma_start3A_107 = arith.constant 0 : i32
      %dma_start3A_108 = tpu.memref_slice %arg7[%dma_start3A_107] : memref<10240xf32, #tpu.memory_space<vmem_shared>> -> memref<10240xf32, #tpu.memory_space<vmem_shared>>
      tpu.enqueue_indirect_dma source(%arg6 : memref<128xf32, #tpu.memory_space<vmem>>) target(%dma_start3A_108 : memref<10240xf32, #tpu.memory_space<vmem_shared>>) offsets(%dma_start3A_106 : memref<128xi32, #tpu.memory_space<vmem>>) semaphore(%arg8 : memref<!tpu.dma_semaphore, #tpu.memory_space<semaphore_mem>>) {add = true}
      %mul3A_109 = arith.constant 8 : i32
      %mul3A_110 = arith.muli %add3A_64, %mul3A_109 : i32
      %add3A_111 = arith.constant 5 : i32
      %add3A_112 = arith.addi %mul3A_110, %add3A_111 : i32
      %dma_start3A_113 = arith.constant 0 : i32
      %dma_start3A_114 = tpu.memref_slice %arg5[%add3A_112, %dma_start3A_113] : memref<80x128xi32, #tpu.memory_space<vmem>> -> memref<1x128xi32, #tpu.memory_space<vmem>>
      %dma_start3A_115 = tpu.memref_squeeze %dma_start3A_114 : memref<1x128xi32, #tpu.memory_space<vmem>> -> memref<128xi32, #tpu.memory_space<vmem>>
      %dma_start3A_116 = arith.constant 0 : i32
      %dma_start3A_117 = tpu.memref_slice %arg7[%dma_start3A_116] : memref<10240xf32, #tpu.memory_space<vmem_shared>> -> memref<10240xf32, #tpu.memory_space<vmem_shared>>
      tpu.enqueue_indirect_dma source(%arg6 : memref<128xf32, #tpu.memory_space<vmem>>) target(%dma_start3A_117 : memref<10240xf32, #tpu.memory_space<vmem_shared>>) offsets(%dma_start3A_115 : memref<128xi32, #tpu.memory_space<vmem>>) semaphore(%arg8 : memref<!tpu.dma_semaphore, #tpu.memory_space<semaphore_mem>>) {add = true}
      %mul3A_118 = arith.constant 8 : i32
      %mul3A_119 = arith.muli %add3A_64, %mul3A_118 : i32
      %add3A_120 = arith.constant 6 : i32
      %add3A_121 = arith.addi %mul3A_119, %add3A_120 : i32
      %dma_start3A_122 = arith.constant 0 : i32
      %dma_start3A_123 = tpu.memref_slice %arg5[%add3A_121, %dma_start3A_122] : memref<80x128xi32, #tpu.memory_space<vmem>> -> memref<1x128xi32, #tpu.memory_space<vmem>>
      %dma_start3A_124 = tpu.memref_squeeze %dma_start3A_123 : memref<1x128xi32, #tpu.memory_space<vmem>> -> memref<128xi32, #tpu.memory_space<vmem>>
      %dma_start3A_125 = arith.constant 0 : i32
      %dma_start3A_126 = tpu.memref_slice %arg7[%dma_start3A_125] : memref<10240xf32, #tpu.memory_space<vmem_shared>> -> memref<10240xf32, #tpu.memory_space<vmem_shared>>
      tpu.enqueue_indirect_dma source(%arg6 : memref<128xf32, #tpu.memory_space<vmem>>) target(%dma_start3A_126 : memref<10240xf32, #tpu.memory_space<vmem_shared>>) offsets(%dma_start3A_124 : memref<128xi32, #tpu.memory_space<vmem>>) semaphore(%arg8 : memref<!tpu.dma_semaphore, #tpu.memory_space<semaphore_mem>>) {add = true}
      %mul3A_127 = arith.constant 8 : i32
      %mul3A_128 = arith.muli %add3A_64, %mul3A_127 : i32
      %add3A_129 = arith.constant 7 : i32
      %add3A_130 = arith.addi %mul3A_128, %add3A_129 : i32
      %dma_start3A_131 = arith.constant 0 : i32
      %dma_start3A_132 = tpu.memref_slice %arg5[%add3A_130, %dma_start3A_131] : memref<80x128xi32, #tpu.memory_space<vmem>> -> memref<1x128xi32, #tpu.memory_space<vmem>>
      %dma_start3A_133 = tpu.memref_squeeze %dma_start3A_132 : memref<1x128xi32, #tpu.memory_space<vmem>> -> memref<128xi32, #tpu.memory_space<vmem>>
      %dma_start3A_134 = arith.constant 0 : i32
      %dma_start3A_135 = tpu.memref_slice %arg7[%dma_start3A_134] : memref<10240xf32, #tpu.memory_space<vmem_shared>> -> memref<10240xf32, #tpu.memory_space<vmem_shared>>
      tpu.enqueue_indirect_dma source(%arg6 : memref<128xf32, #tpu.memory_space<vmem>>) target(%dma_start3A_135 : memref<10240xf32, #tpu.memory_space<vmem_shared>>) offsets(%dma_start3A_133 : memref<128xi32, #tpu.memory_space<vmem>>) semaphore(%arg8 : memref<!tpu.dma_semaphore, #tpu.memory_space<semaphore_mem>>) {add = true}
      %dma_wait3A = arith.constant 0 : i32
      %dma_wait3A_136 = tpu.memref_slice %arg5[%add3A_68, %dma_wait3A] : memref<80x128xi32, #tpu.memory_space<vmem>> -> memref<1x128xi32, #tpu.memory_space<vmem>>
      %dma_wait3A_137 = tpu.memref_squeeze %dma_wait3A_136 : memref<1x128xi32, #tpu.memory_space<vmem>> -> memref<128xi32, #tpu.memory_space<vmem>>
      %dma_wait3A_138 = arith.constant 0 : i32
      %dma_wait3A_139 = tpu.memref_slice %arg7[%dma_wait3A_138] : memref<10240xf32, #tpu.memory_space<vmem_shared>> -> memref<10240xf32, #tpu.memory_space<vmem_shared>>
      tpu.wait_indirect_dma semaphore(%arg8 : memref<!tpu.dma_semaphore, #tpu.memory_space<semaphore_mem>>) src(%arg6 : memref<128xf32, #tpu.memory_space<vmem>>) dst(%dma_wait3A_139 : memref<10240xf32, #tpu.memory_space<vmem_shared>>)
      %dma_wait3A_140 = arith.constant 0 : i32
      %dma_wait3A_141 = tpu.memref_slice %arg5[%add3A_76, %dma_wait3A_140] : memref<80x128xi32, #tpu.memory_space<vmem>> -> memref<1x128xi32, #tpu.memory_space<vmem>>
      %dma_wait3A_142 = tpu.memref_squeeze %dma_wait3A_141 : memref<1x128xi32, #tpu.memory_space<vmem>> -> memref<128xi32, #tpu.memory_space<vmem>>
      %dma_wait3A_143 = arith.constant 0 : i32
      %dma_wait3A_144 = tpu.memref_slice %arg7[%dma_wait3A_143] : memref<10240xf32, #tpu.memory_space<vmem_shared>> -> memref<10240xf32, #tpu.memory_space<vmem_shared>>
      tpu.wait_indirect_dma semaphore(%arg8 : memref<!tpu.dma_semaphore, #tpu.memory_space<semaphore_mem>>) src(%arg6 : memref<128xf32, #tpu.memory_space<vmem>>) dst(%dma_wait3A_144 : memref<10240xf32, #tpu.memory_space<vmem_shared>>)
      %dma_wait3A_145 = arith.constant 0 : i32
      %dma_wait3A_146 = tpu.memref_slice %arg5[%add3A_85, %dma_wait3A_145] : memref<80x128xi32, #tpu.memory_space<vmem>> -> memref<1x128xi32, #tpu.memory_space<vmem>>
      %dma_wait3A_147 = tpu.memref_squeeze %dma_wait3A_146 : memref<1x128xi32, #tpu.memory_space<vmem>> -> memref<128xi32, #tpu.memory_space<vmem>>
      %dma_wait3A_148 = arith.constant 0 : i32
      %dma_wait3A_149 = tpu.memref_slice %arg7[%dma_wait3A_148] : memref<10240xf32, #tpu.memory_space<vmem_shared>> -> memref<10240xf32, #tpu.memory_space<vmem_shared>>
      tpu.wait_indirect_dma semaphore(%arg8 : memref<!tpu.dma_semaphore, #tpu.memory_space<semaphore_mem>>) src(%arg6 : memref<128xf32, #tpu.memory_space<vmem>>) dst(%dma_wait3A_149 : memref<10240xf32, #tpu.memory_space<vmem_shared>>)
      %dma_wait3A_150 = arith.constant 0 : i32
      %dma_wait3A_151 = tpu.memref_slice %arg5[%add3A_94, %dma_wait3A_150] : memref<80x128xi32, #tpu.memory_space<vmem>> -> memref<1x128xi32, #tpu.memory_space<vmem>>
      %dma_wait3A_152 = tpu.memref_squeeze %dma_wait3A_151 : memref<1x128xi32, #tpu.memory_space<vmem>> -> memref<128xi32, #tpu.memory_space<vmem>>
      %dma_wait3A_153 = arith.constant 0 : i32
      %dma_wait3A_154 = tpu.memref_slice %arg7[%dma_wait3A_153] : memref<10240xf32, #tpu.memory_space<vmem_shared>> -> memref<10240xf32, #tpu.memory_space<vmem_shared>>
      tpu.wait_indirect_dma semaphore(%arg8 : memref<!tpu.dma_semaphore, #tpu.memory_space<semaphore_mem>>) src(%arg6 : memref<128xf32, #tpu.memory_space<vmem>>) dst(%dma_wait3A_154 : memref<10240xf32, #tpu.memory_space<vmem_shared>>)
      %dma_wait3A_155 = arith.constant 0 : i32
      %dma_wait3A_156 = tpu.memref_slice %arg5[%add3A_103, %dma_wait3A_155] : memref<80x128xi32, #tpu.memory_space<vmem>> -> memref<1x128xi32, #tpu.memory_space<vmem>>
      %dma_wait3A_157 = tpu.memref_squeeze %dma_wait3A_156 : memref<1x128xi32, #tpu.memory_space<vmem>> -> memref<128xi32, #tpu.memory_space<vmem>>
      %dma_wait3A_158 = arith.constant 0 : i32
      %dma_wait3A_159 = tpu.memref_slice %arg7[%dma_wait3A_158] : memref<10240xf32, #tpu.memory_space<vmem_shared>> -> memref<10240xf32, #tpu.memory_space<vmem_shared>>
      tpu.wait_indirect_dma semaphore(%arg8 : memref<!tpu.dma_semaphore, #tpu.memory_space<semaphore_mem>>) src(%arg6 : memref<128xf32, #tpu.memory_space<vmem>>) dst(%dma_wait3A_159 : memref<10240xf32, #tpu.memory_space<vmem_shared>>)
      %dma_wait3A_160 = arith.constant 0 : i32
      %dma_wait3A_161 = tpu.memref_slice %arg5[%add3A_112, %dma_wait3A_160] : memref<80x128xi32, #tpu.memory_space<vmem>> -> memref<1x128xi32, #tpu.memory_space<vmem>>
      %dma_wait3A_162 = tpu.memref_squeeze %dma_wait3A_161 : memref<1x128xi32, #tpu.memory_space<vmem>> -> memref<128xi32, #tpu.memory_space<vmem>>
      %dma_wait3A_163 = arith.constant 0 : i32
      %dma_wait3A_164 = tpu.memref_slice %arg7[%dma_wait3A_163] : memref<10240xf32, #tpu.memory_space<vmem_shared>> -> memref<10240xf32, #tpu.memory_space<vmem_shared>>
      tpu.wait_indirect_dma semaphore(%arg8 : memref<!tpu.dma_semaphore, #tpu.memory_space<semaphore_mem>>) src(%arg6 : memref<128xf32, #tpu.memory_space<vmem>>) dst(%dma_wait3A_164 : memref<10240xf32, #tpu.memory_space<vmem_shared>>)
      %dma_wait3A_165 = arith.constant 0 : i32
      %dma_wait3A_166 = tpu.memref_slice %arg5[%add3A_121, %dma_wait3A_165] : memref<80x128xi32, #tpu.memory_space<vmem>> -> memref<1x128xi32, #tpu.memory_space<vmem>>
      %dma_wait3A_167 = tpu.memref_squeeze %dma_wait3A_166 : memref<1x128xi32, #tpu.memory_space<vmem>> -> memref<128xi32, #tpu.memory_space<vmem>>
      %dma_wait3A_168 = arith.constant 0 : i32
      %dma_wait3A_169 = tpu.memref_slice %arg7[%dma_wait3A_168] : memref<10240xf32, #tpu.memory_space<vmem_shared>> -> memref<10240xf32, #tpu.memory_space<vmem_shared>>
      tpu.wait_indirect_dma semaphore(%arg8 : memref<!tpu.dma_semaphore, #tpu.memory_space<semaphore_mem>>) src(%arg6 : memref<128xf32, #tpu.memory_space<vmem>>) dst(%dma_wait3A_169 : memref<10240xf32, #tpu.memory_space<vmem_shared>>)
      %dma_wait3A_170 = arith.constant 0 : i32
      %dma_wait3A_171 = tpu.memref_slice %arg5[%add3A_130, %dma_wait3A_170] : memref<80x128xi32, #tpu.memory_space<vmem>> -> memref<1x128xi32, #tpu.memory_space<vmem>>
      %dma_wait3A_172 = tpu.memref_squeeze %dma_wait3A_171 : memref<1x128xi32, #tpu.memory_space<vmem>> -> memref<128xi32, #tpu.memory_space<vmem>>
      %dma_wait3A_173 = arith.constant 0 : i32
      %dma_wait3A_174 = tpu.memref_slice %arg7[%dma_wait3A_173] : memref<10240xf32, #tpu.memory_space<vmem_shared>> -> memref<10240xf32, #tpu.memory_space<vmem_shared>>
      tpu.wait_indirect_dma semaphore(%arg8 : memref<!tpu.dma_semaphore, #tpu.memory_space<semaphore_mem>>) src(%arg6 : memref<128xf32, #tpu.memory_space<vmem>>) dst(%dma_wait3A_174 : memref<10240xf32, #tpu.memory_space<vmem_shared>>)
    }
    %scan3A_54 = arith.constant 10 : i32
    %barrier3A_55 = arith.constant 0 : index
    tpu.barrier barrier_id(%barrier3A_55)
    %mul3A_56 = arith.constant 640 : i32
    %mul3A_57 = arith.muli %arg1, %mul3A_56 : i32
    %mul3A_58 = arith.constant 640 : i32
    %mul3A_59 = arith.muli %arg1, %mul3A_58 : i32
    "tpu.region"() ({
      %run_scoped3A = tpu.sem_alloc : memref<!tpu.dma_semaphore, #tpu.memory_space<semaphore_mem>>
      %dma_start3A = tpu.memref_slice %arg4[%arg0, %mul3A_59] : memref<2x10240xf32, #tpu.memory_space<hbm>> -> memref<1x640xf32, #tpu.memory_space<hbm>>
      %dma_start3A_60 = tpu.memref_squeeze %dma_start3A : memref<1x640xf32, #tpu.memory_space<hbm>> -> memref<640xf32, #tpu.memory_space<hbm>>
      %dma_start3A_61 = tpu.memref_slice %arg7[%mul3A_57] : memref<10240xf32, #tpu.memory_space<vmem_shared>> -> memref<640xf32, #tpu.memory_space<vmem_shared>>
      tpu.enqueue_dma source(%dma_start3A_61 : memref<640xf32, #tpu.memory_space<vmem_shared>>) target(%dma_start3A_60 : memref<640xf32, #tpu.memory_space<hbm>>) target_semaphore(%run_scoped3A : memref<!tpu.dma_semaphore, #tpu.memory_space<semaphore_mem>>)
      %dma_wait3A = tpu.memref_slice %arg4[%arg0, %mul3A_59] : memref<2x10240xf32, #tpu.memory_space<hbm>> -> memref<1x640xf32, #tpu.memory_space<hbm>>
      %dma_wait3A_62 = tpu.memref_squeeze %dma_wait3A : memref<1x640xf32, #tpu.memory_space<hbm>> -> memref<640xf32, #tpu.memory_space<hbm>>
      %dma_wait3A_63 = tpu.memref_slice %arg7[%mul3A_57] : memref<10240xf32, #tpu.memory_space<vmem_shared>> -> memref<640xf32, #tpu.memory_space<vmem_shared>>
      tpu.wait_dma2 semaphore(%run_scoped3A : memref<!tpu.dma_semaphore, #tpu.memory_space<semaphore_mem>>) src(%dma_wait3A_63 : memref<640xf32, #tpu.memory_space<vmem_shared>>) dst(%dma_wait3A_62 : memref<640xf32, #tpu.memory_space<hbm>>)
      tpu.yield
    }) : () -> ()
    return
  }
}

#map = affine_map<(d0, d1) -> (0, 0, 0)>
#map1 = affine_map<(d0, d1) -> (0, 0)>
module attributes {stable_mosaic.version = 14 : i64} {
  func.func @_sc_agg_body(%arg0: i32, %arg1: i32, %arg2: memref<32x80x128xi32, #tpu.memory_space<hbm>>, %arg3: memref<32x80x128xi32, #tpu.memory_space<hbm>>, %arg4: memref<10240x128xf32, #tpu.memory_space<hbm>>, %arg5: memref<10240x128xf32, #tpu.memory_space<hbm>>, %arg6: memref<2x10240x128xf32, #tpu.memory_space<hbm>>, %arg7: memref<40x128xi32, #tpu.memory_space<vmem>>, %arg8: memref<40x128xi32, #tpu.memory_space<vmem>>, %arg9: memref<128x128xf32, #tpu.memory_space<vmem>>, %arg10: memref<128x128xf32, #tpu.memory_space<vmem>>, %arg11: memref<10240x128xf32, #tpu.memory_space<vmem_shared>>, %arg12: memref<!tpu.dma_semaphore, #tpu.memory_space<semaphore_mem>>, %arg13: memref<!tpu.dma_semaphore, #tpu.memory_space<semaphore_mem>>) attributes {dimension_semantics = [#tpu.dimension_semantics<core_parallel>, #tpu.dimension_semantics<subcore_parallel>], iteration_bounds = array<i64: 2, 16>, scalar_prefetch = 0 : i64, scratch_operands = 7 : i64, tpu.core_type = #tpu.core_type<sc_vector_subcore>, window_params = [{transform_indices = #map}, {transform_indices = #map}, {transform_indices = #map1}, {transform_indices = #map1}, {transform_indices = #map}]} {
    %mul3A = arith.constant 16 : i32
    %mul3A_0 = arith.muli %arg0, %mul3A : i32
    %add3A = arith.addi %mul3A_0, %arg1 : i32
    %eq3A = arith.constant 0 : i32
    %eq3A_1 = arith.cmpi eq, %arg0, %eq3A : i32
    %convert_element_type3A = arith.extui %eq3A_1 : i1 to i32
    %cond3A = arith.constant 0 : i32
    %cond3A_2 = arith.cmpi ne, %convert_element_type3A, %cond3A : i32
    scf.if %cond3A_2 {
      %mul3A_101 = arith.constant 640 : i32
      %mul3A_102 = arith.muli %arg1, %mul3A_101 : i32
      %mul3A_103 = arith.constant 640 : i32
      %mul3A_104 = arith.muli %arg1, %mul3A_103 : i32
      "tpu.region"() ({
        %run_scoped3A = tpu.sem_alloc : memref<!tpu.dma_semaphore, #tpu.memory_space<semaphore_mem>>
        %dma_start3A_105 = arith.constant 0 : i32
        %dma_start3A_106 = tpu.memref_slice %arg11[%mul3A_104, %dma_start3A_105] : memref<10240x128xf32, #tpu.memory_space<vmem_shared>> -> memref<640x128xf32, #tpu.memory_space<vmem_shared>>
        %dma_start3A_107 = arith.constant 0 : i32
        %dma_start3A_108 = tpu.memref_slice %arg4[%mul3A_102, %dma_start3A_107] : memref<10240x128xf32, #tpu.memory_space<hbm>> -> memref<640x128xf32, #tpu.memory_space<hbm>>
        tpu.enqueue_dma source(%dma_start3A_108 : memref<640x128xf32, #tpu.memory_space<hbm>>) target(%dma_start3A_106 : memref<640x128xf32, #tpu.memory_space<vmem_shared>>) target_semaphore(%run_scoped3A : memref<!tpu.dma_semaphore, #tpu.memory_space<semaphore_mem>>)
        %dma_wait3A = arith.constant 0 : i32
        %dma_wait3A_109 = tpu.memref_slice %arg11[%mul3A_104, %dma_wait3A] : memref<10240x128xf32, #tpu.memory_space<vmem_shared>> -> memref<640x128xf32, #tpu.memory_space<vmem_shared>>
        %dma_wait3A_110 = arith.constant 0 : i32
        %dma_wait3A_111 = tpu.memref_slice %arg4[%mul3A_102, %dma_wait3A_110] : memref<10240x128xf32, #tpu.memory_space<hbm>> -> memref<640x128xf32, #tpu.memory_space<hbm>>
        tpu.wait_dma2 semaphore(%run_scoped3A : memref<!tpu.dma_semaphore, #tpu.memory_space<semaphore_mem>>) src(%dma_wait3A_111 : memref<640x128xf32, #tpu.memory_space<hbm>>) dst(%dma_wait3A_109 : memref<640x128xf32, #tpu.memory_space<vmem_shared>>)
        tpu.yield
      }) : () -> ()
    } else {
    }
    %eq3A_3 = arith.constant 1 : i32
    %eq3A_4 = arith.cmpi eq, %arg0, %eq3A_3 : i32
    %convert_element_type3A_5 = arith.extui %eq3A_4 : i1 to i32
    %cond3A_6 = arith.constant 0 : i32
    %cond3A_7 = arith.cmpi ne, %convert_element_type3A_5, %cond3A_6 : i32
    scf.if %cond3A_7 {
      %mul3A_101 = arith.constant 640 : i32
      %mul3A_102 = arith.muli %arg1, %mul3A_101 : i32
      %mul3A_103 = arith.constant 640 : i32
      %mul3A_104 = arith.muli %arg1, %mul3A_103 : i32
      "tpu.region"() ({
        %run_scoped3A = tpu.sem_alloc : memref<!tpu.dma_semaphore, #tpu.memory_space<semaphore_mem>>
        %dma_start3A_105 = arith.constant 0 : i32
        %dma_start3A_106 = tpu.memref_slice %arg11[%mul3A_104, %dma_start3A_105] : memref<10240x128xf32, #tpu.memory_space<vmem_shared>> -> memref<640x128xf32, #tpu.memory_space<vmem_shared>>
        %dma_start3A_107 = arith.constant 0 : i32
        %dma_start3A_108 = tpu.memref_slice %arg5[%mul3A_102, %dma_start3A_107] : memref<10240x128xf32, #tpu.memory_space<hbm>> -> memref<640x128xf32, #tpu.memory_space<hbm>>
        tpu.enqueue_dma source(%dma_start3A_108 : memref<640x128xf32, #tpu.memory_space<hbm>>) target(%dma_start3A_106 : memref<640x128xf32, #tpu.memory_space<vmem_shared>>) target_semaphore(%run_scoped3A : memref<!tpu.dma_semaphore, #tpu.memory_space<semaphore_mem>>)
        %dma_wait3A = arith.constant 0 : i32
        %dma_wait3A_109 = tpu.memref_slice %arg11[%mul3A_104, %dma_wait3A] : memref<10240x128xf32, #tpu.memory_space<vmem_shared>> -> memref<640x128xf32, #tpu.memory_space<vmem_shared>>
        %dma_wait3A_110 = arith.constant 0 : i32
        %dma_wait3A_111 = tpu.memref_slice %arg5[%mul3A_102, %dma_wait3A_110] : memref<10240x128xf32, #tpu.memory_space<hbm>> -> memref<640x128xf32, #tpu.memory_space<hbm>>
        tpu.wait_dma2 semaphore(%run_scoped3A : memref<!tpu.dma_semaphore, #tpu.memory_space<semaphore_mem>>) src(%dma_wait3A_111 : memref<640x128xf32, #tpu.memory_space<hbm>>) dst(%dma_wait3A_109 : memref<640x128xf32, #tpu.memory_space<vmem_shared>>)
        tpu.yield
      }) : () -> ()
    } else {
    }
    %barrier3A = arith.constant 0 : index
    tpu.barrier barrier_id(%barrier3A)
    "tpu.region"() ({
      %run_scoped3A = tpu.sem_alloc : memref<!tpu.dma_semaphore, #tpu.memory_space<semaphore_mem>>
      %dma_start3A_101 = arith.constant 0 : i32
      %dma_start3A_102 = arith.constant 0 : i32
      %dma_start3A_103 = tpu.memref_slice %arg2[%add3A, %dma_start3A_101, %dma_start3A_102] : memref<32x80x128xi32, #tpu.memory_space<hbm>> -> memref<1x40x128xi32, #tpu.memory_space<hbm>>
      %dma_start3A_104 = tpu.memref_squeeze %dma_start3A_103 : memref<1x40x128xi32, #tpu.memory_space<hbm>> -> memref<40x128xi32, #tpu.memory_space<hbm>>
      %dma_start3A_105 = arith.constant 0 : i32
      %dma_start3A_106 = arith.constant 0 : i32
      %dma_start3A_107 = tpu.memref_slice %arg2[%add3A, %dma_start3A_105, %dma_start3A_106] : memref<32x80x128xi32, #tpu.memory_space<hbm>> -> memref<1x40x128xi32, #tpu.memory_space<hbm>>
      %dma_start3A_108 = tpu.memref_squeeze %dma_start3A_107 : memref<1x40x128xi32, #tpu.memory_space<hbm>> -> memref<40x128xi32, #tpu.memory_space<hbm>>
      tpu.enqueue_dma source(%dma_start3A_108 : memref<40x128xi32, #tpu.memory_space<hbm>>) target(%arg7 : memref<40x128xi32, #tpu.memory_space<vmem>>) target_semaphore(%run_scoped3A : memref<!tpu.dma_semaphore, #tpu.memory_space<semaphore_mem>>)
      %dma_wait3A = arith.constant 0 : i32
      %dma_wait3A_109 = arith.constant 0 : i32
      %dma_wait3A_110 = tpu.memref_slice %arg2[%add3A, %dma_wait3A, %dma_wait3A_109] : memref<32x80x128xi32, #tpu.memory_space<hbm>> -> memref<1x40x128xi32, #tpu.memory_space<hbm>>
      %dma_wait3A_111 = tpu.memref_squeeze %dma_wait3A_110 : memref<1x40x128xi32, #tpu.memory_space<hbm>> -> memref<40x128xi32, #tpu.memory_space<hbm>>
      %dma_wait3A_112 = arith.constant 0 : i32
      %dma_wait3A_113 = arith.constant 0 : i32
      %dma_wait3A_114 = tpu.memref_slice %arg2[%add3A, %dma_wait3A_112, %dma_wait3A_113] : memref<32x80x128xi32, #tpu.memory_space<hbm>> -> memref<1x40x128xi32, #tpu.memory_space<hbm>>
      %dma_wait3A_115 = tpu.memref_squeeze %dma_wait3A_114 : memref<1x40x128xi32, #tpu.memory_space<hbm>> -> memref<40x128xi32, #tpu.memory_space<hbm>>
      tpu.wait_dma2 semaphore(%run_scoped3A : memref<!tpu.dma_semaphore, #tpu.memory_space<semaphore_mem>>) src(%dma_wait3A_115 : memref<40x128xi32, #tpu.memory_space<hbm>>) dst(%arg7 : memref<40x128xi32, #tpu.memory_space<vmem>>)
      tpu.yield
    }) : () -> ()
    "tpu.region"() ({
      %run_scoped3A = tpu.sem_alloc : memref<!tpu.dma_semaphore, #tpu.memory_space<semaphore_mem>>
      %dma_start3A_101 = arith.constant 0 : i32
      %dma_start3A_102 = arith.constant 0 : i32
      %dma_start3A_103 = tpu.memref_slice %arg3[%add3A, %dma_start3A_101, %dma_start3A_102] : memref<32x80x128xi32, #tpu.memory_space<hbm>> -> memref<1x40x128xi32, #tpu.memory_space<hbm>>
      %dma_start3A_104 = tpu.memref_squeeze %dma_start3A_103 : memref<1x40x128xi32, #tpu.memory_space<hbm>> -> memref<40x128xi32, #tpu.memory_space<hbm>>
      %dma_start3A_105 = arith.constant 0 : i32
      %dma_start3A_106 = arith.constant 0 : i32
      %dma_start3A_107 = tpu.memref_slice %arg3[%add3A, %dma_start3A_105, %dma_start3A_106] : memref<32x80x128xi32, #tpu.memory_space<hbm>> -> memref<1x40x128xi32, #tpu.memory_space<hbm>>
      %dma_start3A_108 = tpu.memref_squeeze %dma_start3A_107 : memref<1x40x128xi32, #tpu.memory_space<hbm>> -> memref<40x128xi32, #tpu.memory_space<hbm>>
      tpu.enqueue_dma source(%dma_start3A_108 : memref<40x128xi32, #tpu.memory_space<hbm>>) target(%arg8 : memref<40x128xi32, #tpu.memory_space<vmem>>) target_semaphore(%run_scoped3A : memref<!tpu.dma_semaphore, #tpu.memory_space<semaphore_mem>>)
      %dma_wait3A = arith.constant 0 : i32
      %dma_wait3A_109 = arith.constant 0 : i32
      %dma_wait3A_110 = tpu.memref_slice %arg3[%add3A, %dma_wait3A, %dma_wait3A_109] : memref<32x80x128xi32, #tpu.memory_space<hbm>> -> memref<1x40x128xi32, #tpu.memory_space<hbm>>
      %dma_wait3A_111 = tpu.memref_squeeze %dma_wait3A_110 : memref<1x40x128xi32, #tpu.memory_space<hbm>> -> memref<40x128xi32, #tpu.memory_space<hbm>>
      %dma_wait3A_112 = arith.constant 0 : i32
      %dma_wait3A_113 = arith.constant 0 : i32
      %dma_wait3A_114 = tpu.memref_slice %arg3[%add3A, %dma_wait3A_112, %dma_wait3A_113] : memref<32x80x128xi32, #tpu.memory_space<hbm>> -> memref<1x40x128xi32, #tpu.memory_space<hbm>>
      %dma_wait3A_115 = tpu.memref_squeeze %dma_wait3A_114 : memref<1x40x128xi32, #tpu.memory_space<hbm>> -> memref<40x128xi32, #tpu.memory_space<hbm>>
      tpu.wait_dma2 semaphore(%run_scoped3A : memref<!tpu.dma_semaphore, #tpu.memory_space<semaphore_mem>>) src(%dma_wait3A_115 : memref<40x128xi32, #tpu.memory_space<hbm>>) dst(%arg8 : memref<40x128xi32, #tpu.memory_space<vmem>>)
      tpu.yield
    }) : () -> ()
    %dma_start3A = arith.constant 0 : i32
    %dma_start3A_8 = arith.constant 0 : i32
    %dma_start3A_9 = arith.constant 0 : i32
    %dma_start3A_10 = tpu.memref_slice %arg9[%dma_start3A_8, %dma_start3A_9] : memref<128x128xf32, #tpu.memory_space<vmem>> -> memref<64x128xf32, #tpu.memory_space<vmem>>
    %dma_start3A_11 = arith.constant 0 : i32
    %dma_start3A_12 = tpu.memref_slice %arg7[%dma_start3A, %dma_start3A_11] : memref<40x128xi32, #tpu.memory_space<vmem>> -> memref<1x64xi32, #tpu.memory_space<vmem>>
    %dma_start3A_13 = tpu.memref_squeeze %dma_start3A_12 : memref<1x64xi32, #tpu.memory_space<vmem>> -> memref<64xi32, #tpu.memory_space<vmem>>
    %dma_start3A_14 = arith.constant 0 : i32
    %dma_start3A_15 = arith.constant 0 : i32
    %dma_start3A_16 = tpu.memref_slice %arg4[%dma_start3A_14, %dma_start3A_15] : memref<10240x128xf32, #tpu.memory_space<hbm>> -> memref<10240x128xf32, #tpu.memory_space<hbm>>
    tpu.enqueue_indirect_dma source(%dma_start3A_16 : memref<10240x128xf32, #tpu.memory_space<hbm>>) target(%dma_start3A_10 : memref<64x128xf32, #tpu.memory_space<vmem>>) offsets(%dma_start3A_13 : memref<64xi32, #tpu.memory_space<vmem>>) semaphore(%arg12 : memref<!tpu.dma_semaphore, #tpu.memory_space<semaphore_mem>>)
    %dma_start3A_17 = arith.constant 0 : i32
    %dma_start3A_18 = arith.constant 64 : i32
    %dma_start3A_19 = arith.constant 0 : i32
    %dma_start3A_20 = tpu.memref_slice %arg9[%dma_start3A_18, %dma_start3A_19] : memref<128x128xf32, #tpu.memory_space<vmem>> -> memref<64x128xf32, #tpu.memory_space<vmem>>
    %dma_start3A_21 = arith.constant 64 : i32
    %dma_start3A_22 = tpu.memref_slice %arg7[%dma_start3A_17, %dma_start3A_21] : memref<40x128xi32, #tpu.memory_space<vmem>> -> memref<1x64xi32, #tpu.memory_space<vmem>>
    %dma_start3A_23 = tpu.memref_squeeze %dma_start3A_22 : memref<1x64xi32, #tpu.memory_space<vmem>> -> memref<64xi32, #tpu.memory_space<vmem>>
    %dma_start3A_24 = arith.constant 0 : i32
    %dma_start3A_25 = arith.constant 0 : i32
    %dma_start3A_26 = tpu.memref_slice %arg4[%dma_start3A_24, %dma_start3A_25] : memref<10240x128xf32, #tpu.memory_space<hbm>> -> memref<10240x128xf32, #tpu.memory_space<hbm>>
    tpu.enqueue_indirect_dma source(%dma_start3A_26 : memref<10240x128xf32, #tpu.memory_space<hbm>>) target(%dma_start3A_20 : memref<64x128xf32, #tpu.memory_space<vmem>>) offsets(%dma_start3A_23 : memref<64xi32, #tpu.memory_space<vmem>>) semaphore(%arg12 : memref<!tpu.dma_semaphore, #tpu.memory_space<semaphore_mem>>)
    %dma_start3A_27 = arith.constant 1 : i32
    %dma_start3A_28 = arith.constant 0 : i32
    %dma_start3A_29 = arith.constant 0 : i32
    %dma_start3A_30 = tpu.memref_slice %arg10[%dma_start3A_28, %dma_start3A_29] : memref<128x128xf32, #tpu.memory_space<vmem>> -> memref<64x128xf32, #tpu.memory_space<vmem>>
    %dma_start3A_31 = arith.constant 0 : i32
    %dma_start3A_32 = tpu.memref_slice %arg7[%dma_start3A_27, %dma_start3A_31] : memref<40x128xi32, #tpu.memory_space<vmem>> -> memref<1x64xi32, #tpu.memory_space<vmem>>
    %dma_start3A_33 = tpu.memref_squeeze %dma_start3A_32 : memref<1x64xi32, #tpu.memory_space<vmem>> -> memref<64xi32, #tpu.memory_space<vmem>>
    %dma_start3A_34 = arith.constant 0 : i32
    %dma_start3A_35 = arith.constant 0 : i32
    %dma_start3A_36 = tpu.memref_slice %arg4[%dma_start3A_34, %dma_start3A_35] : memref<10240x128xf32, #tpu.memory_space<hbm>> -> memref<10240x128xf32, #tpu.memory_space<hbm>>
    tpu.enqueue_indirect_dma source(%dma_start3A_36 : memref<10240x128xf32, #tpu.memory_space<hbm>>) target(%dma_start3A_30 : memref<64x128xf32, #tpu.memory_space<vmem>>) offsets(%dma_start3A_33 : memref<64xi32, #tpu.memory_space<vmem>>) semaphore(%arg13 : memref<!tpu.dma_semaphore, #tpu.memory_space<semaphore_mem>>)
    %dma_start3A_37 = arith.constant 1 : i32
    %dma_start3A_38 = arith.constant 64 : i32
    %dma_start3A_39 = arith.constant 0 : i32
    %dma_start3A_40 = tpu.memref_slice %arg10[%dma_start3A_38, %dma_start3A_39] : memref<128x128xf32, #tpu.memory_space<vmem>> -> memref<64x128xf32, #tpu.memory_space<vmem>>
    %dma_start3A_41 = arith.constant 64 : i32
    %dma_start3A_42 = tpu.memref_slice %arg7[%dma_start3A_37, %dma_start3A_41] : memref<40x128xi32, #tpu.memory_space<vmem>> -> memref<1x64xi32, #tpu.memory_space<vmem>>
    %dma_start3A_43 = tpu.memref_squeeze %dma_start3A_42 : memref<1x64xi32, #tpu.memory_space<vmem>> -> memref<64xi32, #tpu.memory_space<vmem>>
    %dma_start3A_44 = arith.constant 0 : i32
    %dma_start3A_45 = arith.constant 0 : i32
    %dma_start3A_46 = tpu.memref_slice %arg4[%dma_start3A_44, %dma_start3A_45] : memref<10240x128xf32, #tpu.memory_space<hbm>> -> memref<10240x128xf32, #tpu.memory_space<hbm>>
    tpu.enqueue_indirect_dma source(%dma_start3A_46 : memref<10240x128xf32, #tpu.memory_space<hbm>>) target(%dma_start3A_40 : memref<64x128xf32, #tpu.memory_space<vmem>>) offsets(%dma_start3A_43 : memref<64xi32, #tpu.memory_space<vmem>>) semaphore(%arg13 : memref<!tpu.dma_semaphore, #tpu.memory_space<semaphore_mem>>)
    %scan3A = arith.constant 0 : i32
    %scan3A_47 = arith.constant 20 : i32
    %scan3A_48 = arith.addi %scan3A, %scan3A_47 : i32
    %scan3A_49 = arith.constant 1 : i32
    scf.for %scan3A_101 = %scan3A to %scan3A_48 step %scan3A_49  : i32 {
      %mul3A_102 = arith.constant 2 : i32
      %mul3A_103 = arith.muli %scan3A_101, %mul3A_102 : i32
      %add3A_104 = arith.constant 0 : i32
      %add3A_105 = arith.addi %add3A_104, %mul3A_103 : i32
      %add3A_106 = arith.constant 0 : i32
      %add3A_107 = arith.addi %add3A_105, %add3A_106 : i32
      %dma_wait3A = arith.constant 0 : i32
      %dma_wait3A_108 = arith.constant 0 : i32
      %dma_wait3A_109 = arith.constant 0 : i32
      %dma_wait3A_110 = tpu.memref_slice %arg9[%dma_wait3A_108, %dma_wait3A_109] : memref<128x128xf32, #tpu.memory_space<vmem>> -> memref<64x128xf32, #tpu.memory_space<vmem>>
      %dma_wait3A_111 = arith.constant 0 : i32
      %dma_wait3A_112 = tpu.memref_slice %arg7[%dma_wait3A, %dma_wait3A_111] : memref<40x128xi32, #tpu.memory_space<vmem>> -> memref<1x64xi32, #tpu.memory_space<vmem>>
      %dma_wait3A_113 = tpu.memref_squeeze %dma_wait3A_112 : memref<1x64xi32, #tpu.memory_space<vmem>> -> memref<64xi32, #tpu.memory_space<vmem>>
      %dma_wait3A_114 = arith.constant 0 : i32
      %dma_wait3A_115 = arith.constant 0 : i32
      %dma_wait3A_116 = tpu.memref_slice %arg4[%dma_wait3A_114, %dma_wait3A_115] : memref<10240x128xf32, #tpu.memory_space<hbm>> -> memref<10240x128xf32, #tpu.memory_space<hbm>>
      tpu.wait_indirect_dma semaphore(%arg12 : memref<!tpu.dma_semaphore, #tpu.memory_space<semaphore_mem>>) src(%dma_wait3A_116 : memref<10240x128xf32, #tpu.memory_space<hbm>>) dst(%dma_wait3A_110 : memref<64x128xf32, #tpu.memory_space<vmem>>)
      %dma_wait3A_117 = arith.constant 0 : i32
      %dma_wait3A_118 = arith.constant 0 : i32
      %dma_wait3A_119 = arith.constant 0 : i32
      %dma_wait3A_120 = tpu.memref_slice %arg9[%dma_wait3A_118, %dma_wait3A_119] : memref<128x128xf32, #tpu.memory_space<vmem>> -> memref<64x128xf32, #tpu.memory_space<vmem>>
      %dma_wait3A_121 = arith.constant 0 : i32
      %dma_wait3A_122 = tpu.memref_slice %arg7[%dma_wait3A_117, %dma_wait3A_121] : memref<40x128xi32, #tpu.memory_space<vmem>> -> memref<1x64xi32, #tpu.memory_space<vmem>>
      %dma_wait3A_123 = tpu.memref_squeeze %dma_wait3A_122 : memref<1x64xi32, #tpu.memory_space<vmem>> -> memref<64xi32, #tpu.memory_space<vmem>>
      %dma_wait3A_124 = arith.constant 0 : i32
      %dma_wait3A_125 = arith.constant 0 : i32
      %dma_wait3A_126 = tpu.memref_slice %arg4[%dma_wait3A_124, %dma_wait3A_125] : memref<10240x128xf32, #tpu.memory_space<hbm>> -> memref<10240x128xf32, #tpu.memory_space<hbm>>
      tpu.wait_indirect_dma semaphore(%arg12 : memref<!tpu.dma_semaphore, #tpu.memory_space<semaphore_mem>>) src(%dma_wait3A_126 : memref<10240x128xf32, #tpu.memory_space<hbm>>) dst(%dma_wait3A_120 : memref<64x128xf32, #tpu.memory_space<vmem>>)
      "tpu.region"() ({
        %run_scoped3A = tpu.sem_alloc : memref<!tpu.dma_semaphore, #tpu.memory_space<semaphore_mem>>
        %dma_start3A_162 = arith.constant 0 : i32
        %dma_start3A_163 = tpu.memref_slice %arg8[%add3A_107, %dma_start3A_162] : memref<40x128xi32, #tpu.memory_space<vmem>> -> memref<1x128xi32, #tpu.memory_space<vmem>>
        %dma_start3A_164 = tpu.memref_squeeze %dma_start3A_163 : memref<1x128xi32, #tpu.memory_space<vmem>> -> memref<128xi32, #tpu.memory_space<vmem>>
        %dma_start3A_165 = arith.constant 0 : i32
        %dma_start3A_166 = arith.constant 0 : i32
        %dma_start3A_167 = tpu.memref_slice %arg11[%dma_start3A_165, %dma_start3A_166] : memref<10240x128xf32, #tpu.memory_space<vmem_shared>> -> memref<10240x128xf32, #tpu.memory_space<vmem_shared>>
        tpu.enqueue_indirect_dma source(%arg9 : memref<128x128xf32, #tpu.memory_space<vmem>>) target(%dma_start3A_167 : memref<10240x128xf32, #tpu.memory_space<vmem_shared>>) offsets(%dma_start3A_164 : memref<128xi32, #tpu.memory_space<vmem>>) semaphore(%run_scoped3A : memref<!tpu.dma_semaphore, #tpu.memory_space<semaphore_mem>>) {add = true}
        %dma_wait3A_168 = arith.constant 0 : i32
        %dma_wait3A_169 = tpu.memref_slice %arg8[%add3A_107, %dma_wait3A_168] : memref<40x128xi32, #tpu.memory_space<vmem>> -> memref<1x128xi32, #tpu.memory_space<vmem>>
        %dma_wait3A_170 = tpu.memref_squeeze %dma_wait3A_169 : memref<1x128xi32, #tpu.memory_space<vmem>> -> memref<128xi32, #tpu.memory_space<vmem>>
        %dma_wait3A_171 = arith.constant 0 : i32
        %dma_wait3A_172 = arith.constant 0 : i32
        %dma_wait3A_173 = tpu.memref_slice %arg11[%dma_wait3A_171, %dma_wait3A_172] : memref<10240x128xf32, #tpu.memory_space<vmem_shared>> -> memref<10240x128xf32, #tpu.memory_space<vmem_shared>>
        tpu.wait_indirect_dma semaphore(%run_scoped3A : memref<!tpu.dma_semaphore, #tpu.memory_space<semaphore_mem>>) src(%arg9 : memref<128x128xf32, #tpu.memory_space<vmem>>) dst(%dma_wait3A_173 : memref<10240x128xf32, #tpu.memory_space<vmem_shared>>)
        tpu.yield
      }) : () -> ()
      %add3A_127 = arith.constant 2 : i32
      %add3A_128 = arith.addi %add3A_107, %add3A_127 : i32
      %lt3A = arith.constant 40 : i32
      %lt3A_129 = arith.cmpi slt, %add3A_128, %lt3A : i32
      %convert_element_type3A_130 = arith.extui %lt3A_129 : i1 to i32
      %cond3A_131 = arith.constant 0 : i32
      %cond3A_132 = arith.cmpi ne, %convert_element_type3A_130, %cond3A_131 : i32
      scf.if %cond3A_132 {
        %dma_start3A_162 = arith.constant 0 : i32
        %dma_start3A_163 = arith.constant 0 : i32
        %dma_start3A_164 = tpu.memref_slice %arg9[%dma_start3A_162, %dma_start3A_163] : memref<128x128xf32, #tpu.memory_space<vmem>> -> memref<64x128xf32, #tpu.memory_space<vmem>>
        %dma_start3A_165 = arith.constant 0 : i32
        %dma_start3A_166 = tpu.memref_slice %arg7[%add3A_128, %dma_start3A_165] : memref<40x128xi32, #tpu.memory_space<vmem>> -> memref<1x64xi32, #tpu.memory_space<vmem>>
        %dma_start3A_167 = tpu.memref_squeeze %dma_start3A_166 : memref<1x64xi32, #tpu.memory_space<vmem>> -> memref<64xi32, #tpu.memory_space<vmem>>
        %dma_start3A_168 = arith.constant 0 : i32
        %dma_start3A_169 = arith.constant 0 : i32
        %dma_start3A_170 = tpu.memref_slice %arg4[%dma_start3A_168, %dma_start3A_169] : memref<10240x128xf32, #tpu.memory_space<hbm>> -> memref<10240x128xf32, #tpu.memory_space<hbm>>
        tpu.enqueue_indirect_dma source(%dma_start3A_170 : memref<10240x128xf32, #tpu.memory_space<hbm>>) target(%dma_start3A_164 : memref<64x128xf32, #tpu.memory_space<vmem>>) offsets(%dma_start3A_167 : memref<64xi32, #tpu.memory_space<vmem>>) semaphore(%arg12 : memref<!tpu.dma_semaphore, #tpu.memory_space<semaphore_mem>>)
        %dma_start3A_171 = arith.constant 64 : i32
        %dma_start3A_172 = arith.constant 0 : i32
        %dma_start3A_173 = tpu.memref_slice %arg9[%dma_start3A_171, %dma_start3A_172] : memref<128x128xf32, #tpu.memory_space<vmem>> -> memref<64x128xf32, #tpu.memory_space<vmem>>
        %dma_start3A_174 = arith.constant 64 : i32
        %dma_start3A_175 = tpu.memref_slice %arg7[%add3A_128, %dma_start3A_174] : memref<40x128xi32, #tpu.memory_space<vmem>> -> memref<1x64xi32, #tpu.memory_space<vmem>>
        %dma_start3A_176 = tpu.memref_squeeze %dma_start3A_175 : memref<1x64xi32, #tpu.memory_space<vmem>> -> memref<64xi32, #tpu.memory_space<vmem>>
        %dma_start3A_177 = arith.constant 0 : i32
        %dma_start3A_178 = arith.constant 0 : i32
        %dma_start3A_179 = tpu.memref_slice %arg4[%dma_start3A_177, %dma_start3A_178] : memref<10240x128xf32, #tpu.memory_space<hbm>> -> memref<10240x128xf32, #tpu.memory_space<hbm>>
        tpu.enqueue_indirect_dma source(%dma_start3A_179 : memref<10240x128xf32, #tpu.memory_space<hbm>>) target(%dma_start3A_173 : memref<64x128xf32, #tpu.memory_space<vmem>>) offsets(%dma_start3A_176 : memref<64xi32, #tpu.memory_space<vmem>>) semaphore(%arg12 : memref<!tpu.dma_semaphore, #tpu.memory_space<semaphore_mem>>)
      } else {
      }
      %add3A_133 = arith.constant 1 : i32
      %add3A_134 = arith.addi %add3A_105, %add3A_133 : i32
      %dma_wait3A_135 = arith.constant 0 : i32
      %dma_wait3A_136 = arith.constant 0 : i32
      %dma_wait3A_137 = arith.constant 0 : i32
      %dma_wait3A_138 = tpu.memref_slice %arg10[%dma_wait3A_136, %dma_wait3A_137] : memref<128x128xf32, #tpu.memory_space<vmem>> -> memref<64x128xf32, #tpu.memory_space<vmem>>
      %dma_wait3A_139 = arith.constant 0 : i32
      %dma_wait3A_140 = tpu.memref_slice %arg7[%dma_wait3A_135, %dma_wait3A_139] : memref<40x128xi32, #tpu.memory_space<vmem>> -> memref<1x64xi32, #tpu.memory_space<vmem>>
      %dma_wait3A_141 = tpu.memref_squeeze %dma_wait3A_140 : memref<1x64xi32, #tpu.memory_space<vmem>> -> memref<64xi32, #tpu.memory_space<vmem>>
      %dma_wait3A_142 = arith.constant 0 : i32
      %dma_wait3A_143 = arith.constant 0 : i32
      %dma_wait3A_144 = tpu.memref_slice %arg4[%dma_wait3A_142, %dma_wait3A_143] : memref<10240x128xf32, #tpu.memory_space<hbm>> -> memref<10240x128xf32, #tpu.memory_space<hbm>>
      tpu.wait_indirect_dma semaphore(%arg13 : memref<!tpu.dma_semaphore, #tpu.memory_space<semaphore_mem>>) src(%dma_wait3A_144 : memref<10240x128xf32, #tpu.memory_space<hbm>>) dst(%dma_wait3A_138 : memref<64x128xf32, #tpu.memory_space<vmem>>)
      %dma_wait3A_145 = arith.constant 0 : i32
      %dma_wait3A_146 = arith.constant 0 : i32
      %dma_wait3A_147 = arith.constant 0 : i32
      %dma_wait3A_148 = tpu.memref_slice %arg10[%dma_wait3A_146, %dma_wait3A_147] : memref<128x128xf32, #tpu.memory_space<vmem>> -> memref<64x128xf32, #tpu.memory_space<vmem>>
      %dma_wait3A_149 = arith.constant 0 : i32
      %dma_wait3A_150 = tpu.memref_slice %arg7[%dma_wait3A_145, %dma_wait3A_149] : memref<40x128xi32, #tpu.memory_space<vmem>> -> memref<1x64xi32, #tpu.memory_space<vmem>>
      %dma_wait3A_151 = tpu.memref_squeeze %dma_wait3A_150 : memref<1x64xi32, #tpu.memory_space<vmem>> -> memref<64xi32, #tpu.memory_space<vmem>>
      %dma_wait3A_152 = arith.constant 0 : i32
      %dma_wait3A_153 = arith.constant 0 : i32
      %dma_wait3A_154 = tpu.memref_slice %arg4[%dma_wait3A_152, %dma_wait3A_153] : memref<10240x128xf32, #tpu.memory_space<hbm>> -> memref<10240x128xf32, #tpu.memory_space<hbm>>
      tpu.wait_indirect_dma semaphore(%arg13 : memref<!tpu.dma_semaphore, #tpu.memory_space<semaphore_mem>>) src(%dma_wait3A_154 : memref<10240x128xf32, #tpu.memory_space<hbm>>) dst(%dma_wait3A_148 : memref<64x128xf32, #tpu.memory_space<vmem>>)
      "tpu.region"() ({
        %run_scoped3A = tpu.sem_alloc : memref<!tpu.dma_semaphore, #tpu.memory_space<semaphore_mem>>
        %dma_start3A_162 = arith.constant 0 : i32
        %dma_start3A_163 = tpu.memref_slice %arg8[%add3A_134, %dma_start3A_162] : memref<40x128xi32, #tpu.memory_space<vmem>> -> memref<1x128xi32, #tpu.memory_space<vmem>>
        %dma_start3A_164 = tpu.memref_squeeze %dma_start3A_163 : memref<1x128xi32, #tpu.memory_space<vmem>> -> memref<128xi32, #tpu.memory_space<vmem>>
        %dma_start3A_165 = arith.constant 0 : i32
        %dma_start3A_166 = arith.constant 0 : i32
        %dma_start3A_167 = tpu.memref_slice %arg11[%dma_start3A_165, %dma_start3A_166] : memref<10240x128xf32, #tpu.memory_space<vmem_shared>> -> memref<10240x128xf32, #tpu.memory_space<vmem_shared>>
        tpu.enqueue_indirect_dma source(%arg10 : memref<128x128xf32, #tpu.memory_space<vmem>>) target(%dma_start3A_167 : memref<10240x128xf32, #tpu.memory_space<vmem_shared>>) offsets(%dma_start3A_164 : memref<128xi32, #tpu.memory_space<vmem>>) semaphore(%run_scoped3A : memref<!tpu.dma_semaphore, #tpu.memory_space<semaphore_mem>>) {add = true}
        %dma_wait3A_168 = arith.constant 0 : i32
        %dma_wait3A_169 = tpu.memref_slice %arg8[%add3A_134, %dma_wait3A_168] : memref<40x128xi32, #tpu.memory_space<vmem>> -> memref<1x128xi32, #tpu.memory_space<vmem>>
        %dma_wait3A_170 = tpu.memref_squeeze %dma_wait3A_169 : memref<1x128xi32, #tpu.memory_space<vmem>> -> memref<128xi32, #tpu.memory_space<vmem>>
        %dma_wait3A_171 = arith.constant 0 : i32
        %dma_wait3A_172 = arith.constant 0 : i32
        %dma_wait3A_173 = tpu.memref_slice %arg11[%dma_wait3A_171, %dma_wait3A_172] : memref<10240x128xf32, #tpu.memory_space<vmem_shared>> -> memref<10240x128xf32, #tpu.memory_space<vmem_shared>>
        tpu.wait_indirect_dma semaphore(%run_scoped3A : memref<!tpu.dma_semaphore, #tpu.memory_space<semaphore_mem>>) src(%arg10 : memref<128x128xf32, #tpu.memory_space<vmem>>) dst(%dma_wait3A_173 : memref<10240x128xf32, #tpu.memory_space<vmem_shared>>)
        tpu.yield
      }) : () -> ()
      %add3A_155 = arith.constant 2 : i32
      %add3A_156 = arith.addi %add3A_134, %add3A_155 : i32
      %lt3A_157 = arith.constant 40 : i32
      %lt3A_158 = arith.cmpi slt, %add3A_156, %lt3A_157 : i32
      %convert_element_type3A_159 = arith.extui %lt3A_158 : i1 to i32
      %cond3A_160 = arith.constant 0 : i32
      %cond3A_161 = arith.cmpi ne, %convert_element_type3A_159, %cond3A_160 : i32
      scf.if %cond3A_161 {
        %dma_start3A_162 = arith.constant 0 : i32
        %dma_start3A_163 = arith.constant 0 : i32
        %dma_start3A_164 = tpu.memref_slice %arg10[%dma_start3A_162, %dma_start3A_163] : memref<128x128xf32, #tpu.memory_space<vmem>> -> memref<64x128xf32, #tpu.memory_space<vmem>>
        %dma_start3A_165 = arith.constant 0 : i32
        %dma_start3A_166 = tpu.memref_slice %arg7[%add3A_156, %dma_start3A_165] : memref<40x128xi32, #tpu.memory_space<vmem>> -> memref<1x64xi32, #tpu.memory_space<vmem>>
        %dma_start3A_167 = tpu.memref_squeeze %dma_start3A_166 : memref<1x64xi32, #tpu.memory_space<vmem>> -> memref<64xi32, #tpu.memory_space<vmem>>
        %dma_start3A_168 = arith.constant 0 : i32
        %dma_start3A_169 = arith.constant 0 : i32
        %dma_start3A_170 = tpu.memref_slice %arg4[%dma_start3A_168, %dma_start3A_169] : memref<10240x128xf32, #tpu.memory_space<hbm>> -> memref<10240x128xf32, #tpu.memory_space<hbm>>
        tpu.enqueue_indirect_dma source(%dma_start3A_170 : memref<10240x128xf32, #tpu.memory_space<hbm>>) target(%dma_start3A_164 : memref<64x128xf32, #tpu.memory_space<vmem>>) offsets(%dma_start3A_167 : memref<64xi32, #tpu.memory_space<vmem>>) semaphore(%arg13 : memref<!tpu.dma_semaphore, #tpu.memory_space<semaphore_mem>>)
        %dma_start3A_171 = arith.constant 64 : i32
        %dma_start3A_172 = arith.constant 0 : i32
        %dma_start3A_173 = tpu.memref_slice %arg10[%dma_start3A_171, %dma_start3A_172] : memref<128x128xf32, #tpu.memory_space<vmem>> -> memref<64x128xf32, #tpu.memory_space<vmem>>
        %dma_start3A_174 = arith.constant 64 : i32
        %dma_start3A_175 = tpu.memref_slice %arg7[%add3A_156, %dma_start3A_174] : memref<40x128xi32, #tpu.memory_space<vmem>> -> memref<1x64xi32, #tpu.memory_space<vmem>>
        %dma_start3A_176 = tpu.memref_squeeze %dma_start3A_175 : memref<1x64xi32, #tpu.memory_space<vmem>> -> memref<64xi32, #tpu.memory_space<vmem>>
        %dma_start3A_177 = arith.constant 0 : i32
        %dma_start3A_178 = arith.constant 0 : i32
        %dma_start3A_179 = tpu.memref_slice %arg4[%dma_start3A_177, %dma_start3A_178] : memref<10240x128xf32, #tpu.memory_space<hbm>> -> memref<10240x128xf32, #tpu.memory_space<hbm>>
        tpu.enqueue_indirect_dma source(%dma_start3A_179 : memref<10240x128xf32, #tpu.memory_space<hbm>>) target(%dma_start3A_173 : memref<64x128xf32, #tpu.memory_space<vmem>>) offsets(%dma_start3A_176 : memref<64xi32, #tpu.memory_space<vmem>>) semaphore(%arg13 : memref<!tpu.dma_semaphore, #tpu.memory_space<semaphore_mem>>)
      } else {
      }
    }
    %scan3A_50 = arith.constant 20 : i32
    "tpu.region"() ({
      %run_scoped3A = tpu.sem_alloc : memref<!tpu.dma_semaphore, #tpu.memory_space<semaphore_mem>>
      %dma_start3A_101 = arith.constant 40 : i32
      %dma_start3A_102 = arith.constant 0 : i32
      %dma_start3A_103 = tpu.memref_slice %arg2[%add3A, %dma_start3A_101, %dma_start3A_102] : memref<32x80x128xi32, #tpu.memory_space<hbm>> -> memref<1x40x128xi32, #tpu.memory_space<hbm>>
      %dma_start3A_104 = tpu.memref_squeeze %dma_start3A_103 : memref<1x40x128xi32, #tpu.memory_space<hbm>> -> memref<40x128xi32, #tpu.memory_space<hbm>>
      %dma_start3A_105 = arith.constant 40 : i32
      %dma_start3A_106 = arith.constant 0 : i32
      %dma_start3A_107 = tpu.memref_slice %arg2[%add3A, %dma_start3A_105, %dma_start3A_106] : memref<32x80x128xi32, #tpu.memory_space<hbm>> -> memref<1x40x128xi32, #tpu.memory_space<hbm>>
      %dma_start3A_108 = tpu.memref_squeeze %dma_start3A_107 : memref<1x40x128xi32, #tpu.memory_space<hbm>> -> memref<40x128xi32, #tpu.memory_space<hbm>>
      tpu.enqueue_dma source(%dma_start3A_108 : memref<40x128xi32, #tpu.memory_space<hbm>>) target(%arg7 : memref<40x128xi32, #tpu.memory_space<vmem>>) target_semaphore(%run_scoped3A : memref<!tpu.dma_semaphore, #tpu.memory_space<semaphore_mem>>)
      %dma_wait3A = arith.constant 40 : i32
      %dma_wait3A_109 = arith.constant 0 : i32
      %dma_wait3A_110 = tpu.memref_slice %arg2[%add3A, %dma_wait3A, %dma_wait3A_109] : memref<32x80x128xi32, #tpu.memory_space<hbm>> -> memref<1x40x128xi32, #tpu.memory_space<hbm>>
      %dma_wait3A_111 = tpu.memref_squeeze %dma_wait3A_110 : memref<1x40x128xi32, #tpu.memory_space<hbm>> -> memref<40x128xi32, #tpu.memory_space<hbm>>
      %dma_wait3A_112 = arith.constant 40 : i32
      %dma_wait3A_113 = arith.constant 0 : i32
      %dma_wait3A_114 = tpu.memref_slice %arg2[%add3A, %dma_wait3A_112, %dma_wait3A_113] : memref<32x80x128xi32, #tpu.memory_space<hbm>> -> memref<1x40x128xi32, #tpu.memory_space<hbm>>
      %dma_wait3A_115 = tpu.memref_squeeze %dma_wait3A_114 : memref<1x40x128xi32, #tpu.memory_space<hbm>> -> memref<40x128xi32, #tpu.memory_space<hbm>>
      tpu.wait_dma2 semaphore(%run_scoped3A : memref<!tpu.dma_semaphore, #tpu.memory_space<semaphore_mem>>) src(%dma_wait3A_115 : memref<40x128xi32, #tpu.memory_space<hbm>>) dst(%arg7 : memref<40x128xi32, #tpu.memory_space<vmem>>)
      tpu.yield
    }) : () -> ()
    "tpu.region"() ({
      %run_scoped3A = tpu.sem_alloc : memref<!tpu.dma_semaphore, #tpu.memory_space<semaphore_mem>>
      %dma_start3A_101 = arith.constant 40 : i32
      %dma_start3A_102 = arith.constant 0 : i32
      %dma_start3A_103 = tpu.memref_slice %arg3[%add3A, %dma_start3A_101, %dma_start3A_102] : memref<32x80x128xi32, #tpu.memory_space<hbm>> -> memref<1x40x128xi32, #tpu.memory_space<hbm>>
      %dma_start3A_104 = tpu.memref_squeeze %dma_start3A_103 : memref<1x40x128xi32, #tpu.memory_space<hbm>> -> memref<40x128xi32, #tpu.memory_space<hbm>>
      %dma_start3A_105 = arith.constant 40 : i32
      %dma_start3A_106 = arith.constant 0 : i32
      %dma_start3A_107 = tpu.memref_slice %arg3[%add3A, %dma_start3A_105, %dma_start3A_106] : memref<32x80x128xi32, #tpu.memory_space<hbm>> -> memref<1x40x128xi32, #tpu.memory_space<hbm>>
      %dma_start3A_108 = tpu.memref_squeeze %dma_start3A_107 : memref<1x40x128xi32, #tpu.memory_space<hbm>> -> memref<40x128xi32, #tpu.memory_space<hbm>>
      tpu.enqueue_dma source(%dma_start3A_108 : memref<40x128xi32, #tpu.memory_space<hbm>>) target(%arg8 : memref<40x128xi32, #tpu.memory_space<vmem>>) target_semaphore(%run_scoped3A : memref<!tpu.dma_semaphore, #tpu.memory_space<semaphore_mem>>)
      %dma_wait3A = arith.constant 40 : i32
      %dma_wait3A_109 = arith.constant 0 : i32
      %dma_wait3A_110 = tpu.memref_slice %arg3[%add3A, %dma_wait3A, %dma_wait3A_109] : memref<32x80x128xi32, #tpu.memory_space<hbm>> -> memref<1x40x128xi32, #tpu.memory_space<hbm>>
      %dma_wait3A_111 = tpu.memref_squeeze %dma_wait3A_110 : memref<1x40x128xi32, #tpu.memory_space<hbm>> -> memref<40x128xi32, #tpu.memory_space<hbm>>
      %dma_wait3A_112 = arith.constant 40 : i32
      %dma_wait3A_113 = arith.constant 0 : i32
      %dma_wait3A_114 = tpu.memref_slice %arg3[%add3A, %dma_wait3A_112, %dma_wait3A_113] : memref<32x80x128xi32, #tpu.memory_space<hbm>> -> memref<1x40x128xi32, #tpu.memory_space<hbm>>
      %dma_wait3A_115 = tpu.memref_squeeze %dma_wait3A_114 : memref<1x40x128xi32, #tpu.memory_space<hbm>> -> memref<40x128xi32, #tpu.memory_space<hbm>>
      tpu.wait_dma2 semaphore(%run_scoped3A : memref<!tpu.dma_semaphore, #tpu.memory_space<semaphore_mem>>) src(%dma_wait3A_115 : memref<40x128xi32, #tpu.memory_space<hbm>>) dst(%arg8 : memref<40x128xi32, #tpu.memory_space<vmem>>)
      tpu.yield
    }) : () -> ()
    %dma_start3A_51 = arith.constant 0 : i32
    %dma_start3A_52 = arith.constant 0 : i32
    %dma_start3A_53 = arith.constant 0 : i32
    %dma_start3A_54 = tpu.memref_slice %arg9[%dma_start3A_52, %dma_start3A_53] : memref<128x128xf32, #tpu.memory_space<vmem>> -> memref<64x128xf32, #tpu.memory_space<vmem>>
    %dma_start3A_55 = arith.constant 0 : i32
    %dma_start3A_56 = tpu.memref_slice %arg7[%dma_start3A_51, %dma_start3A_55] : memref<40x128xi32, #tpu.memory_space<vmem>> -> memref<1x64xi32, #tpu.memory_space<vmem>>
    %dma_start3A_57 = tpu.memref_squeeze %dma_start3A_56 : memref<1x64xi32, #tpu.memory_space<vmem>> -> memref<64xi32, #tpu.memory_space<vmem>>
    %dma_start3A_58 = arith.constant 0 : i32
    %dma_start3A_59 = arith.constant 0 : i32
    %dma_start3A_60 = tpu.memref_slice %arg4[%dma_start3A_58, %dma_start3A_59] : memref<10240x128xf32, #tpu.memory_space<hbm>> -> memref<10240x128xf32, #tpu.memory_space<hbm>>
    tpu.enqueue_indirect_dma source(%dma_start3A_60 : memref<10240x128xf32, #tpu.memory_space<hbm>>) target(%dma_start3A_54 : memref<64x128xf32, #tpu.memory_space<vmem>>) offsets(%dma_start3A_57 : memref<64xi32, #tpu.memory_space<vmem>>) semaphore(%arg12 : memref<!tpu.dma_semaphore, #tpu.memory_space<semaphore_mem>>)
    %dma_start3A_61 = arith.constant 0 : i32
    %dma_start3A_62 = arith.constant 64 : i32
    %dma_start3A_63 = arith.constant 0 : i32
    %dma_start3A_64 = tpu.memref_slice %arg9[%dma_start3A_62, %dma_start3A_63] : memref<128x128xf32, #tpu.memory_space<vmem>> -> memref<64x128xf32, #tpu.memory_space<vmem>>
    %dma_start3A_65 = arith.constant 64 : i32
    %dma_start3A_66 = tpu.memref_slice %arg7[%dma_start3A_61, %dma_start3A_65] : memref<40x128xi32, #tpu.memory_space<vmem>> -> memref<1x64xi32, #tpu.memory_space<vmem>>
    %dma_start3A_67 = tpu.memref_squeeze %dma_start3A_66 : memref<1x64xi32, #tpu.memory_space<vmem>> -> memref<64xi32, #tpu.memory_space<vmem>>
    %dma_start3A_68 = arith.constant 0 : i32
    %dma_start3A_69 = arith.constant 0 : i32
    %dma_start3A_70 = tpu.memref_slice %arg4[%dma_start3A_68, %dma_start3A_69] : memref<10240x128xf32, #tpu.memory_space<hbm>> -> memref<10240x128xf32, #tpu.memory_space<hbm>>
    tpu.enqueue_indirect_dma source(%dma_start3A_70 : memref<10240x128xf32, #tpu.memory_space<hbm>>) target(%dma_start3A_64 : memref<64x128xf32, #tpu.memory_space<vmem>>) offsets(%dma_start3A_67 : memref<64xi32, #tpu.memory_space<vmem>>) semaphore(%arg12 : memref<!tpu.dma_semaphore, #tpu.memory_space<semaphore_mem>>)
    %dma_start3A_71 = arith.constant 1 : i32
    %dma_start3A_72 = arith.constant 0 : i32
    %dma_start3A_73 = arith.constant 0 : i32
    %dma_start3A_74 = tpu.memref_slice %arg10[%dma_start3A_72, %dma_start3A_73] : memref<128x128xf32, #tpu.memory_space<vmem>> -> memref<64x128xf32, #tpu.memory_space<vmem>>
    %dma_start3A_75 = arith.constant 0 : i32
    %dma_start3A_76 = tpu.memref_slice %arg7[%dma_start3A_71, %dma_start3A_75] : memref<40x128xi32, #tpu.memory_space<vmem>> -> memref<1x64xi32, #tpu.memory_space<vmem>>
    %dma_start3A_77 = tpu.memref_squeeze %dma_start3A_76 : memref<1x64xi32, #tpu.memory_space<vmem>> -> memref<64xi32, #tpu.memory_space<vmem>>
    %dma_start3A_78 = arith.constant 0 : i32
    %dma_start3A_79 = arith.constant 0 : i32
    %dma_start3A_80 = tpu.memref_slice %arg4[%dma_start3A_78, %dma_start3A_79] : memref<10240x128xf32, #tpu.memory_space<hbm>> -> memref<10240x128xf32, #tpu.memory_space<hbm>>
    tpu.enqueue_indirect_dma source(%dma_start3A_80 : memref<10240x128xf32, #tpu.memory_space<hbm>>) target(%dma_start3A_74 : memref<64x128xf32, #tpu.memory_space<vmem>>) offsets(%dma_start3A_77 : memref<64xi32, #tpu.memory_space<vmem>>) semaphore(%arg13 : memref<!tpu.dma_semaphore, #tpu.memory_space<semaphore_mem>>)
    %dma_start3A_81 = arith.constant 1 : i32
    %dma_start3A_82 = arith.constant 64 : i32
    %dma_start3A_83 = arith.constant 0 : i32
    %dma_start3A_84 = tpu.memref_slice %arg10[%dma_start3A_82, %dma_start3A_83] : memref<128x128xf32, #tpu.memory_space<vmem>> -> memref<64x128xf32, #tpu.memory_space<vmem>>
    %dma_start3A_85 = arith.constant 64 : i32
    %dma_start3A_86 = tpu.memref_slice %arg7[%dma_start3A_81, %dma_start3A_85] : memref<40x128xi32, #tpu.memory_space<vmem>> -> memref<1x64xi32, #tpu.memory_space<vmem>>
    %dma_start3A_87 = tpu.memref_squeeze %dma_start3A_86 : memref<1x64xi32, #tpu.memory_space<vmem>> -> memref<64xi32, #tpu.memory_space<vmem>>
    %dma_start3A_88 = arith.constant 0 : i32
    %dma_start3A_89 = arith.constant 0 : i32
    %dma_start3A_90 = tpu.memref_slice %arg4[%dma_start3A_88, %dma_start3A_89] : memref<10240x128xf32, #tpu.memory_space<hbm>> -> memref<10240x128xf32, #tpu.memory_space<hbm>>
    tpu.enqueue_indirect_dma source(%dma_start3A_90 : memref<10240x128xf32, #tpu.memory_space<hbm>>) target(%dma_start3A_84 : memref<64x128xf32, #tpu.memory_space<vmem>>) offsets(%dma_start3A_87 : memref<64xi32, #tpu.memory_space<vmem>>) semaphore(%arg13 : memref<!tpu.dma_semaphore, #tpu.memory_space<semaphore_mem>>)
    %scan3A_91 = arith.constant 0 : i32
    %scan3A_92 = arith.constant 20 : i32
    %scan3A_93 = arith.addi %scan3A_91, %scan3A_92 : i32
    %scan3A_94 = arith.constant 1 : i32
    scf.for %scan3A_101 = %scan3A_91 to %scan3A_93 step %scan3A_94  : i32 {
      %mul3A_102 = arith.constant 2 : i32
      %mul3A_103 = arith.muli %scan3A_101, %mul3A_102 : i32
      %add3A_104 = arith.constant 0 : i32
      %add3A_105 = arith.addi %add3A_104, %mul3A_103 : i32
      %add3A_106 = arith.constant 0 : i32
      %add3A_107 = arith.addi %add3A_105, %add3A_106 : i32
      %dma_wait3A = arith.constant 0 : i32
      %dma_wait3A_108 = arith.constant 0 : i32
      %dma_wait3A_109 = arith.constant 0 : i32
      %dma_wait3A_110 = tpu.memref_slice %arg9[%dma_wait3A_108, %dma_wait3A_109] : memref<128x128xf32, #tpu.memory_space<vmem>> -> memref<64x128xf32, #tpu.memory_space<vmem>>
      %dma_wait3A_111 = arith.constant 0 : i32
      %dma_wait3A_112 = tpu.memref_slice %arg7[%dma_wait3A, %dma_wait3A_111] : memref<40x128xi32, #tpu.memory_space<vmem>> -> memref<1x64xi32, #tpu.memory_space<vmem>>
      %dma_wait3A_113 = tpu.memref_squeeze %dma_wait3A_112 : memref<1x64xi32, #tpu.memory_space<vmem>> -> memref<64xi32, #tpu.memory_space<vmem>>
      %dma_wait3A_114 = arith.constant 0 : i32
      %dma_wait3A_115 = arith.constant 0 : i32
      %dma_wait3A_116 = tpu.memref_slice %arg4[%dma_wait3A_114, %dma_wait3A_115] : memref<10240x128xf32, #tpu.memory_space<hbm>> -> memref<10240x128xf32, #tpu.memory_space<hbm>>
      tpu.wait_indirect_dma semaphore(%arg12 : memref<!tpu.dma_semaphore, #tpu.memory_space<semaphore_mem>>) src(%dma_wait3A_116 : memref<10240x128xf32, #tpu.memory_space<hbm>>) dst(%dma_wait3A_110 : memref<64x128xf32, #tpu.memory_space<vmem>>)
      %dma_wait3A_117 = arith.constant 0 : i32
      %dma_wait3A_118 = arith.constant 0 : i32
      %dma_wait3A_119 = arith.constant 0 : i32
      %dma_wait3A_120 = tpu.memref_slice %arg9[%dma_wait3A_118, %dma_wait3A_119] : memref<128x128xf32, #tpu.memory_space<vmem>> -> memref<64x128xf32, #tpu.memory_space<vmem>>
      %dma_wait3A_121 = arith.constant 0 : i32
      %dma_wait3A_122 = tpu.memref_slice %arg7[%dma_wait3A_117, %dma_wait3A_121] : memref<40x128xi32, #tpu.memory_space<vmem>> -> memref<1x64xi32, #tpu.memory_space<vmem>>
      %dma_wait3A_123 = tpu.memref_squeeze %dma_wait3A_122 : memref<1x64xi32, #tpu.memory_space<vmem>> -> memref<64xi32, #tpu.memory_space<vmem>>
      %dma_wait3A_124 = arith.constant 0 : i32
      %dma_wait3A_125 = arith.constant 0 : i32
      %dma_wait3A_126 = tpu.memref_slice %arg4[%dma_wait3A_124, %dma_wait3A_125] : memref<10240x128xf32, #tpu.memory_space<hbm>> -> memref<10240x128xf32, #tpu.memory_space<hbm>>
      tpu.wait_indirect_dma semaphore(%arg12 : memref<!tpu.dma_semaphore, #tpu.memory_space<semaphore_mem>>) src(%dma_wait3A_126 : memref<10240x128xf32, #tpu.memory_space<hbm>>) dst(%dma_wait3A_120 : memref<64x128xf32, #tpu.memory_space<vmem>>)
      "tpu.region"() ({
        %run_scoped3A = tpu.sem_alloc : memref<!tpu.dma_semaphore, #tpu.memory_space<semaphore_mem>>
        %dma_start3A_162 = arith.constant 0 : i32
        %dma_start3A_163 = tpu.memref_slice %arg8[%add3A_107, %dma_start3A_162] : memref<40x128xi32, #tpu.memory_space<vmem>> -> memref<1x128xi32, #tpu.memory_space<vmem>>
        %dma_start3A_164 = tpu.memref_squeeze %dma_start3A_163 : memref<1x128xi32, #tpu.memory_space<vmem>> -> memref<128xi32, #tpu.memory_space<vmem>>
        %dma_start3A_165 = arith.constant 0 : i32
        %dma_start3A_166 = arith.constant 0 : i32
        %dma_start3A_167 = tpu.memref_slice %arg11[%dma_start3A_165, %dma_start3A_166] : memref<10240x128xf32, #tpu.memory_space<vmem_shared>> -> memref<10240x128xf32, #tpu.memory_space<vmem_shared>>
        tpu.enqueue_indirect_dma source(%arg9 : memref<128x128xf32, #tpu.memory_space<vmem>>) target(%dma_start3A_167 : memref<10240x128xf32, #tpu.memory_space<vmem_shared>>) offsets(%dma_start3A_164 : memref<128xi32, #tpu.memory_space<vmem>>) semaphore(%run_scoped3A : memref<!tpu.dma_semaphore, #tpu.memory_space<semaphore_mem>>) {add = true}
        %dma_wait3A_168 = arith.constant 0 : i32
        %dma_wait3A_169 = tpu.memref_slice %arg8[%add3A_107, %dma_wait3A_168] : memref<40x128xi32, #tpu.memory_space<vmem>> -> memref<1x128xi32, #tpu.memory_space<vmem>>
        %dma_wait3A_170 = tpu.memref_squeeze %dma_wait3A_169 : memref<1x128xi32, #tpu.memory_space<vmem>> -> memref<128xi32, #tpu.memory_space<vmem>>
        %dma_wait3A_171 = arith.constant 0 : i32
        %dma_wait3A_172 = arith.constant 0 : i32
        %dma_wait3A_173 = tpu.memref_slice %arg11[%dma_wait3A_171, %dma_wait3A_172] : memref<10240x128xf32, #tpu.memory_space<vmem_shared>> -> memref<10240x128xf32, #tpu.memory_space<vmem_shared>>
        tpu.wait_indirect_dma semaphore(%run_scoped3A : memref<!tpu.dma_semaphore, #tpu.memory_space<semaphore_mem>>) src(%arg9 : memref<128x128xf32, #tpu.memory_space<vmem>>) dst(%dma_wait3A_173 : memref<10240x128xf32, #tpu.memory_space<vmem_shared>>)
        tpu.yield
      }) : () -> ()
      %add3A_127 = arith.constant 2 : i32
      %add3A_128 = arith.addi %add3A_107, %add3A_127 : i32
      %lt3A = arith.constant 40 : i32
      %lt3A_129 = arith.cmpi slt, %add3A_128, %lt3A : i32
      %convert_element_type3A_130 = arith.extui %lt3A_129 : i1 to i32
      %cond3A_131 = arith.constant 0 : i32
      %cond3A_132 = arith.cmpi ne, %convert_element_type3A_130, %cond3A_131 : i32
      scf.if %cond3A_132 {
        %dma_start3A_162 = arith.constant 0 : i32
        %dma_start3A_163 = arith.constant 0 : i32
        %dma_start3A_164 = tpu.memref_slice %arg9[%dma_start3A_162, %dma_start3A_163] : memref<128x128xf32, #tpu.memory_space<vmem>> -> memref<64x128xf32, #tpu.memory_space<vmem>>
        %dma_start3A_165 = arith.constant 0 : i32
        %dma_start3A_166 = tpu.memref_slice %arg7[%add3A_128, %dma_start3A_165] : memref<40x128xi32, #tpu.memory_space<vmem>> -> memref<1x64xi32, #tpu.memory_space<vmem>>
        %dma_start3A_167 = tpu.memref_squeeze %dma_start3A_166 : memref<1x64xi32, #tpu.memory_space<vmem>> -> memref<64xi32, #tpu.memory_space<vmem>>
        %dma_start3A_168 = arith.constant 0 : i32
        %dma_start3A_169 = arith.constant 0 : i32
        %dma_start3A_170 = tpu.memref_slice %arg4[%dma_start3A_168, %dma_start3A_169] : memref<10240x128xf32, #tpu.memory_space<hbm>> -> memref<10240x128xf32, #tpu.memory_space<hbm>>
        tpu.enqueue_indirect_dma source(%dma_start3A_170 : memref<10240x128xf32, #tpu.memory_space<hbm>>) target(%dma_start3A_164 : memref<64x128xf32, #tpu.memory_space<vmem>>) offsets(%dma_start3A_167 : memref<64xi32, #tpu.memory_space<vmem>>) semaphore(%arg12 : memref<!tpu.dma_semaphore, #tpu.memory_space<semaphore_mem>>)
        %dma_start3A_171 = arith.constant 64 : i32
        %dma_start3A_172 = arith.constant 0 : i32
        %dma_start3A_173 = tpu.memref_slice %arg9[%dma_start3A_171, %dma_start3A_172] : memref<128x128xf32, #tpu.memory_space<vmem>> -> memref<64x128xf32, #tpu.memory_space<vmem>>
        %dma_start3A_174 = arith.constant 64 : i32
        %dma_start3A_175 = tpu.memref_slice %arg7[%add3A_128, %dma_start3A_174] : memref<40x128xi32, #tpu.memory_space<vmem>> -> memref<1x64xi32, #tpu.memory_space<vmem>>
        %dma_start3A_176 = tpu.memref_squeeze %dma_start3A_175 : memref<1x64xi32, #tpu.memory_space<vmem>> -> memref<64xi32, #tpu.memory_space<vmem>>
        %dma_start3A_177 = arith.constant 0 : i32
        %dma_start3A_178 = arith.constant 0 : i32
        %dma_start3A_179 = tpu.memref_slice %arg4[%dma_start3A_177, %dma_start3A_178] : memref<10240x128xf32, #tpu.memory_space<hbm>> -> memref<10240x128xf32, #tpu.memory_space<hbm>>
        tpu.enqueue_indirect_dma source(%dma_start3A_179 : memref<10240x128xf32, #tpu.memory_space<hbm>>) target(%dma_start3A_173 : memref<64x128xf32, #tpu.memory_space<vmem>>) offsets(%dma_start3A_176 : memref<64xi32, #tpu.memory_space<vmem>>) semaphore(%arg12 : memref<!tpu.dma_semaphore, #tpu.memory_space<semaphore_mem>>)
      } else {
      }
      %add3A_133 = arith.constant 1 : i32
      %add3A_134 = arith.addi %add3A_105, %add3A_133 : i32
      %dma_wait3A_135 = arith.constant 0 : i32
      %dma_wait3A_136 = arith.constant 0 : i32
      %dma_wait3A_137 = arith.constant 0 : i32
      %dma_wait3A_138 = tpu.memref_slice %arg10[%dma_wait3A_136, %dma_wait3A_137] : memref<128x128xf32, #tpu.memory_space<vmem>> -> memref<64x128xf32, #tpu.memory_space<vmem>>
      %dma_wait3A_139 = arith.constant 0 : i32
      %dma_wait3A_140 = tpu.memref_slice %arg7[%dma_wait3A_135, %dma_wait3A_139] : memref<40x128xi32, #tpu.memory_space<vmem>> -> memref<1x64xi32, #tpu.memory_space<vmem>>
      %dma_wait3A_141 = tpu.memref_squeeze %dma_wait3A_140 : memref<1x64xi32, #tpu.memory_space<vmem>> -> memref<64xi32, #tpu.memory_space<vmem>>
      %dma_wait3A_142 = arith.constant 0 : i32
      %dma_wait3A_143 = arith.constant 0 : i32
      %dma_wait3A_144 = tpu.memref_slice %arg4[%dma_wait3A_142, %dma_wait3A_143] : memref<10240x128xf32, #tpu.memory_space<hbm>> -> memref<10240x128xf32, #tpu.memory_space<hbm>>
      tpu.wait_indirect_dma semaphore(%arg13 : memref<!tpu.dma_semaphore, #tpu.memory_space<semaphore_mem>>) src(%dma_wait3A_144 : memref<10240x128xf32, #tpu.memory_space<hbm>>) dst(%dma_wait3A_138 : memref<64x128xf32, #tpu.memory_space<vmem>>)
      %dma_wait3A_145 = arith.constant 0 : i32
      %dma_wait3A_146 = arith.constant 0 : i32
      %dma_wait3A_147 = arith.constant 0 : i32
      %dma_wait3A_148 = tpu.memref_slice %arg10[%dma_wait3A_146, %dma_wait3A_147] : memref<128x128xf32, #tpu.memory_space<vmem>> -> memref<64x128xf32, #tpu.memory_space<vmem>>
      %dma_wait3A_149 = arith.constant 0 : i32
      %dma_wait3A_150 = tpu.memref_slice %arg7[%dma_wait3A_145, %dma_wait3A_149] : memref<40x128xi32, #tpu.memory_space<vmem>> -> memref<1x64xi32, #tpu.memory_space<vmem>>
      %dma_wait3A_151 = tpu.memref_squeeze %dma_wait3A_150 : memref<1x64xi32, #tpu.memory_space<vmem>> -> memref<64xi32, #tpu.memory_space<vmem>>
      %dma_wait3A_152 = arith.constant 0 : i32
      %dma_wait3A_153 = arith.constant 0 : i32
      %dma_wait3A_154 = tpu.memref_slice %arg4[%dma_wait3A_152, %dma_wait3A_153] : memref<10240x128xf32, #tpu.memory_space<hbm>> -> memref<10240x128xf32, #tpu.memory_space<hbm>>
      tpu.wait_indirect_dma semaphore(%arg13 : memref<!tpu.dma_semaphore, #tpu.memory_space<semaphore_mem>>) src(%dma_wait3A_154 : memref<10240x128xf32, #tpu.memory_space<hbm>>) dst(%dma_wait3A_148 : memref<64x128xf32, #tpu.memory_space<vmem>>)
      "tpu.region"() ({
        %run_scoped3A = tpu.sem_alloc : memref<!tpu.dma_semaphore, #tpu.memory_space<semaphore_mem>>
        %dma_start3A_162 = arith.constant 0 : i32
        %dma_start3A_163 = tpu.memref_slice %arg8[%add3A_134, %dma_start3A_162] : memref<40x128xi32, #tpu.memory_space<vmem>> -> memref<1x128xi32, #tpu.memory_space<vmem>>
        %dma_start3A_164 = tpu.memref_squeeze %dma_start3A_163 : memref<1x128xi32, #tpu.memory_space<vmem>> -> memref<128xi32, #tpu.memory_space<vmem>>
        %dma_start3A_165 = arith.constant 0 : i32
        %dma_start3A_166 = arith.constant 0 : i32
        %dma_start3A_167 = tpu.memref_slice %arg11[%dma_start3A_165, %dma_start3A_166] : memref<10240x128xf32, #tpu.memory_space<vmem_shared>> -> memref<10240x128xf32, #tpu.memory_space<vmem_shared>>
        tpu.enqueue_indirect_dma source(%arg10 : memref<128x128xf32, #tpu.memory_space<vmem>>) target(%dma_start3A_167 : memref<10240x128xf32, #tpu.memory_space<vmem_shared>>) offsets(%dma_start3A_164 : memref<128xi32, #tpu.memory_space<vmem>>) semaphore(%run_scoped3A : memref<!tpu.dma_semaphore, #tpu.memory_space<semaphore_mem>>) {add = true}
        %dma_wait3A_168 = arith.constant 0 : i32
        %dma_wait3A_169 = tpu.memref_slice %arg8[%add3A_134, %dma_wait3A_168] : memref<40x128xi32, #tpu.memory_space<vmem>> -> memref<1x128xi32, #tpu.memory_space<vmem>>
        %dma_wait3A_170 = tpu.memref_squeeze %dma_wait3A_169 : memref<1x128xi32, #tpu.memory_space<vmem>> -> memref<128xi32, #tpu.memory_space<vmem>>
        %dma_wait3A_171 = arith.constant 0 : i32
        %dma_wait3A_172 = arith.constant 0 : i32
        %dma_wait3A_173 = tpu.memref_slice %arg11[%dma_wait3A_171, %dma_wait3A_172] : memref<10240x128xf32, #tpu.memory_space<vmem_shared>> -> memref<10240x128xf32, #tpu.memory_space<vmem_shared>>
        tpu.wait_indirect_dma semaphore(%run_scoped3A : memref<!tpu.dma_semaphore, #tpu.memory_space<semaphore_mem>>) src(%arg10 : memref<128x128xf32, #tpu.memory_space<vmem>>) dst(%dma_wait3A_173 : memref<10240x128xf32, #tpu.memory_space<vmem_shared>>)
        tpu.yield
      }) : () -> ()
      %add3A_155 = arith.constant 2 : i32
      %add3A_156 = arith.addi %add3A_134, %add3A_155 : i32
      %lt3A_157 = arith.constant 40 : i32
      %lt3A_158 = arith.cmpi slt, %add3A_156, %lt3A_157 : i32
      %convert_element_type3A_159 = arith.extui %lt3A_158 : i1 to i32
      %cond3A_160 = arith.constant 0 : i32
      %cond3A_161 = arith.cmpi ne, %convert_element_type3A_159, %cond3A_160 : i32
      scf.if %cond3A_161 {
        %dma_start3A_162 = arith.constant 0 : i32
        %dma_start3A_163 = arith.constant 0 : i32
        %dma_start3A_164 = tpu.memref_slice %arg10[%dma_start3A_162, %dma_start3A_163] : memref<128x128xf32, #tpu.memory_space<vmem>> -> memref<64x128xf32, #tpu.memory_space<vmem>>
        %dma_start3A_165 = arith.constant 0 : i32
        %dma_start3A_166 = tpu.memref_slice %arg7[%add3A_156, %dma_start3A_165] : memref<40x128xi32, #tpu.memory_space<vmem>> -> memref<1x64xi32, #tpu.memory_space<vmem>>
        %dma_start3A_167 = tpu.memref_squeeze %dma_start3A_166 : memref<1x64xi32, #tpu.memory_space<vmem>> -> memref<64xi32, #tpu.memory_space<vmem>>
        %dma_start3A_168 = arith.constant 0 : i32
        %dma_start3A_169 = arith.constant 0 : i32
        %dma_start3A_170 = tpu.memref_slice %arg4[%dma_start3A_168, %dma_start3A_169] : memref<10240x128xf32, #tpu.memory_space<hbm>> -> memref<10240x128xf32, #tpu.memory_space<hbm>>
        tpu.enqueue_indirect_dma source(%dma_start3A_170 : memref<10240x128xf32, #tpu.memory_space<hbm>>) target(%dma_start3A_164 : memref<64x128xf32, #tpu.memory_space<vmem>>) offsets(%dma_start3A_167 : memref<64xi32, #tpu.memory_space<vmem>>) semaphore(%arg13 : memref<!tpu.dma_semaphore, #tpu.memory_space<semaphore_mem>>)
        %dma_start3A_171 = arith.constant 64 : i32
        %dma_start3A_172 = arith.constant 0 : i32
        %dma_start3A_173 = tpu.memref_slice %arg10[%dma_start3A_171, %dma_start3A_172] : memref<128x128xf32, #tpu.memory_space<vmem>> -> memref<64x128xf32, #tpu.memory_space<vmem>>
        %dma_start3A_174 = arith.constant 64 : i32
        %dma_start3A_175 = tpu.memref_slice %arg7[%add3A_156, %dma_start3A_174] : memref<40x128xi32, #tpu.memory_space<vmem>> -> memref<1x64xi32, #tpu.memory_space<vmem>>
        %dma_start3A_176 = tpu.memref_squeeze %dma_start3A_175 : memref<1x64xi32, #tpu.memory_space<vmem>> -> memref<64xi32, #tpu.memory_space<vmem>>
        %dma_start3A_177 = arith.constant 0 : i32
        %dma_start3A_178 = arith.constant 0 : i32
        %dma_start3A_179 = tpu.memref_slice %arg4[%dma_start3A_177, %dma_start3A_178] : memref<10240x128xf32, #tpu.memory_space<hbm>> -> memref<10240x128xf32, #tpu.memory_space<hbm>>
        tpu.enqueue_indirect_dma source(%dma_start3A_179 : memref<10240x128xf32, #tpu.memory_space<hbm>>) target(%dma_start3A_173 : memref<64x128xf32, #tpu.memory_space<vmem>>) offsets(%dma_start3A_176 : memref<64xi32, #tpu.memory_space<vmem>>) semaphore(%arg13 : memref<!tpu.dma_semaphore, #tpu.memory_space<semaphore_mem>>)
      } else {
      }
    }
    %scan3A_95 = arith.constant 20 : i32
    %barrier3A_96 = arith.constant 0 : index
    tpu.barrier barrier_id(%barrier3A_96)
    %mul3A_97 = arith.constant 640 : i32
    %mul3A_98 = arith.muli %arg1, %mul3A_97 : i32
    %mul3A_99 = arith.constant 640 : i32
    %mul3A_100 = arith.muli %arg1, %mul3A_99 : i32
    "tpu.region"() ({
      %run_scoped3A = tpu.sem_alloc : memref<!tpu.dma_semaphore, #tpu.memory_space<semaphore_mem>>
      %dma_start3A_101 = arith.constant 0 : i32
      %dma_start3A_102 = tpu.memref_slice %arg6[%arg0, %mul3A_100, %dma_start3A_101] : memref<2x10240x128xf32, #tpu.memory_space<hbm>> -> memref<1x640x128xf32, #tpu.memory_space<hbm>>
      %dma_start3A_103 = tpu.memref_squeeze %dma_start3A_102 : memref<1x640x128xf32, #tpu.memory_space<hbm>> -> memref<640x128xf32, #tpu.memory_space<hbm>>
      %dma_start3A_104 = arith.constant 0 : i32
      %dma_start3A_105 = tpu.memref_slice %arg11[%mul3A_98, %dma_start3A_104] : memref<10240x128xf32, #tpu.memory_space<vmem_shared>> -> memref<640x128xf32, #tpu.memory_space<vmem_shared>>
      tpu.enqueue_dma source(%dma_start3A_105 : memref<640x128xf32, #tpu.memory_space<vmem_shared>>) target(%dma_start3A_103 : memref<640x128xf32, #tpu.memory_space<hbm>>) target_semaphore(%run_scoped3A : memref<!tpu.dma_semaphore, #tpu.memory_space<semaphore_mem>>)
      %dma_wait3A = arith.constant 0 : i32
      %dma_wait3A_106 = tpu.memref_slice %arg6[%arg0, %mul3A_100, %dma_wait3A] : memref<2x10240x128xf32, #tpu.memory_space<hbm>> -> memref<1x640x128xf32, #tpu.memory_space<hbm>>
      %dma_wait3A_107 = tpu.memref_squeeze %dma_wait3A_106 : memref<1x640x128xf32, #tpu.memory_space<hbm>> -> memref<640x128xf32, #tpu.memory_space<hbm>>
      %dma_wait3A_108 = arith.constant 0 : i32
      %dma_wait3A_109 = tpu.memref_slice %arg11[%mul3A_98, %dma_wait3A_108] : memref<10240x128xf32, #tpu.memory_space<vmem_shared>> -> memref<640x128xf32, #tpu.memory_space<vmem_shared>>
      tpu.wait_dma2 semaphore(%run_scoped3A : memref<!tpu.dma_semaphore, #tpu.memory_space<semaphore_mem>>) src(%dma_wait3A_109 : memref<640x128xf32, #tpu.memory_space<vmem_shared>>) dst(%dma_wait3A_107 : memref<640x128xf32, #tpu.memory_space<hbm>>)
      tpu.yield
    }) : () -> ()
    return
  }
}

#map = affine_map<(d0, d1) -> (0, 0, 0)>
#map1 = affine_map<(d0, d1) -> (0, 0)>
module attributes {stable_mosaic.version = 14 : i64} {
  func.func @_sc_agg_body(%arg0: i32, %arg1: i32, %arg2: memref<32x80x128xi32, #tpu.memory_space<hbm>>, %arg3: memref<32x80x128xi32, #tpu.memory_space<hbm>>, %arg4: memref<10240x128xf32, #tpu.memory_space<hbm>>, %arg5: memref<10240x128xf32, #tpu.memory_space<hbm>>, %arg6: memref<2x10240x128xf32, #tpu.memory_space<hbm>>, %arg7: memref<40x128xi32, #tpu.memory_space<vmem>>, %arg8: memref<40x128xi32, #tpu.memory_space<vmem>>, %arg9: memref<128x128xf32, #tpu.memory_space<vmem>>, %arg10: memref<128x128xf32, #tpu.memory_space<vmem>>, %arg11: memref<10240x128xf32, #tpu.memory_space<vmem_shared>>, %arg12: memref<!tpu.dma_semaphore, #tpu.memory_space<semaphore_mem>>, %arg13: memref<!tpu.dma_semaphore, #tpu.memory_space<semaphore_mem>>) attributes {dimension_semantics = [#tpu.dimension_semantics<core_parallel>, #tpu.dimension_semantics<subcore_parallel>], iteration_bounds = array<i64: 2, 16>, scalar_prefetch = 0 : i64, scratch_operands = 7 : i64, tpu.core_type = #tpu.core_type<sc_vector_subcore>, window_params = [{transform_indices = #map}, {transform_indices = #map}, {transform_indices = #map1}, {transform_indices = #map1}, {transform_indices = #map}]} {
    %mul3A = arith.constant 16 : i32
    %mul3A_0 = arith.muli %arg0, %mul3A : i32
    %add3A = arith.addi %mul3A_0, %arg1 : i32
    %eq3A = arith.constant 0 : i32
    %eq3A_1 = arith.cmpi eq, %arg0, %eq3A : i32
    %convert_element_type3A = arith.extui %eq3A_1 : i1 to i32
    %cond3A = arith.constant 0 : i32
    %cond3A_2 = arith.cmpi ne, %convert_element_type3A, %cond3A : i32
    scf.if %cond3A_2 {
      %mul3A_101 = arith.constant 640 : i32
      %mul3A_102 = arith.muli %arg1, %mul3A_101 : i32
      %mul3A_103 = arith.constant 640 : i32
      %mul3A_104 = arith.muli %arg1, %mul3A_103 : i32
      "tpu.region"() ({
        %run_scoped3A = tpu.sem_alloc : memref<!tpu.dma_semaphore, #tpu.memory_space<semaphore_mem>>
        %dma_start3A_105 = arith.constant 0 : i32
        %dma_start3A_106 = tpu.memref_slice %arg11[%mul3A_104, %dma_start3A_105] : memref<10240x128xf32, #tpu.memory_space<vmem_shared>> -> memref<640x128xf32, #tpu.memory_space<vmem_shared>>
        %dma_start3A_107 = arith.constant 0 : i32
        %dma_start3A_108 = tpu.memref_slice %arg4[%mul3A_102, %dma_start3A_107] : memref<10240x128xf32, #tpu.memory_space<hbm>> -> memref<640x128xf32, #tpu.memory_space<hbm>>
        tpu.enqueue_dma source(%dma_start3A_108 : memref<640x128xf32, #tpu.memory_space<hbm>>) target(%dma_start3A_106 : memref<640x128xf32, #tpu.memory_space<vmem_shared>>) target_semaphore(%run_scoped3A : memref<!tpu.dma_semaphore, #tpu.memory_space<semaphore_mem>>)
        %dma_wait3A = arith.constant 0 : i32
        %dma_wait3A_109 = tpu.memref_slice %arg11[%mul3A_104, %dma_wait3A] : memref<10240x128xf32, #tpu.memory_space<vmem_shared>> -> memref<640x128xf32, #tpu.memory_space<vmem_shared>>
        %dma_wait3A_110 = arith.constant 0 : i32
        %dma_wait3A_111 = tpu.memref_slice %arg4[%mul3A_102, %dma_wait3A_110] : memref<10240x128xf32, #tpu.memory_space<hbm>> -> memref<640x128xf32, #tpu.memory_space<hbm>>
        tpu.wait_dma2 semaphore(%run_scoped3A : memref<!tpu.dma_semaphore, #tpu.memory_space<semaphore_mem>>) src(%dma_wait3A_111 : memref<640x128xf32, #tpu.memory_space<hbm>>) dst(%dma_wait3A_109 : memref<640x128xf32, #tpu.memory_space<vmem_shared>>)
        tpu.yield
      }) : () -> ()
    } else {
    }
    %eq3A_3 = arith.constant 1 : i32
    %eq3A_4 = arith.cmpi eq, %arg0, %eq3A_3 : i32
    %convert_element_type3A_5 = arith.extui %eq3A_4 : i1 to i32
    %cond3A_6 = arith.constant 0 : i32
    %cond3A_7 = arith.cmpi ne, %convert_element_type3A_5, %cond3A_6 : i32
    scf.if %cond3A_7 {
      %mul3A_101 = arith.constant 640 : i32
      %mul3A_102 = arith.muli %arg1, %mul3A_101 : i32
      %mul3A_103 = arith.constant 640 : i32
      %mul3A_104 = arith.muli %arg1, %mul3A_103 : i32
      "tpu.region"() ({
        %run_scoped3A = tpu.sem_alloc : memref<!tpu.dma_semaphore, #tpu.memory_space<semaphore_mem>>
        %dma_start3A_105 = arith.constant 0 : i32
        %dma_start3A_106 = tpu.memref_slice %arg11[%mul3A_104, %dma_start3A_105] : memref<10240x128xf32, #tpu.memory_space<vmem_shared>> -> memref<640x128xf32, #tpu.memory_space<vmem_shared>>
        %dma_start3A_107 = arith.constant 0 : i32
        %dma_start3A_108 = tpu.memref_slice %arg5[%mul3A_102, %dma_start3A_107] : memref<10240x128xf32, #tpu.memory_space<hbm>> -> memref<640x128xf32, #tpu.memory_space<hbm>>
        tpu.enqueue_dma source(%dma_start3A_108 : memref<640x128xf32, #tpu.memory_space<hbm>>) target(%dma_start3A_106 : memref<640x128xf32, #tpu.memory_space<vmem_shared>>) target_semaphore(%run_scoped3A : memref<!tpu.dma_semaphore, #tpu.memory_space<semaphore_mem>>)
        %dma_wait3A = arith.constant 0 : i32
        %dma_wait3A_109 = tpu.memref_slice %arg11[%mul3A_104, %dma_wait3A] : memref<10240x128xf32, #tpu.memory_space<vmem_shared>> -> memref<640x128xf32, #tpu.memory_space<vmem_shared>>
        %dma_wait3A_110 = arith.constant 0 : i32
        %dma_wait3A_111 = tpu.memref_slice %arg5[%mul3A_102, %dma_wait3A_110] : memref<10240x128xf32, #tpu.memory_space<hbm>> -> memref<640x128xf32, #tpu.memory_space<hbm>>
        tpu.wait_dma2 semaphore(%run_scoped3A : memref<!tpu.dma_semaphore, #tpu.memory_space<semaphore_mem>>) src(%dma_wait3A_111 : memref<640x128xf32, #tpu.memory_space<hbm>>) dst(%dma_wait3A_109 : memref<640x128xf32, #tpu.memory_space<vmem_shared>>)
        tpu.yield
      }) : () -> ()
    } else {
    }
    %barrier3A = arith.constant 0 : index
    tpu.barrier barrier_id(%barrier3A)
    "tpu.region"() ({
      %run_scoped3A = tpu.sem_alloc : memref<!tpu.dma_semaphore, #tpu.memory_space<semaphore_mem>>
      %dma_start3A_101 = arith.constant 0 : i32
      %dma_start3A_102 = arith.constant 0 : i32
      %dma_start3A_103 = tpu.memref_slice %arg2[%add3A, %dma_start3A_101, %dma_start3A_102] : memref<32x80x128xi32, #tpu.memory_space<hbm>> -> memref<1x40x128xi32, #tpu.memory_space<hbm>>
      %dma_start3A_104 = tpu.memref_squeeze %dma_start3A_103 : memref<1x40x128xi32, #tpu.memory_space<hbm>> -> memref<40x128xi32, #tpu.memory_space<hbm>>
      %dma_start3A_105 = arith.constant 0 : i32
      %dma_start3A_106 = arith.constant 0 : i32
      %dma_start3A_107 = tpu.memref_slice %arg2[%add3A, %dma_start3A_105, %dma_start3A_106] : memref<32x80x128xi32, #tpu.memory_space<hbm>> -> memref<1x40x128xi32, #tpu.memory_space<hbm>>
      %dma_start3A_108 = tpu.memref_squeeze %dma_start3A_107 : memref<1x40x128xi32, #tpu.memory_space<hbm>> -> memref<40x128xi32, #tpu.memory_space<hbm>>
      tpu.enqueue_dma source(%dma_start3A_108 : memref<40x128xi32, #tpu.memory_space<hbm>>) target(%arg7 : memref<40x128xi32, #tpu.memory_space<vmem>>) target_semaphore(%run_scoped3A : memref<!tpu.dma_semaphore, #tpu.memory_space<semaphore_mem>>)
      %dma_wait3A = arith.constant 0 : i32
      %dma_wait3A_109 = arith.constant 0 : i32
      %dma_wait3A_110 = tpu.memref_slice %arg2[%add3A, %dma_wait3A, %dma_wait3A_109] : memref<32x80x128xi32, #tpu.memory_space<hbm>> -> memref<1x40x128xi32, #tpu.memory_space<hbm>>
      %dma_wait3A_111 = tpu.memref_squeeze %dma_wait3A_110 : memref<1x40x128xi32, #tpu.memory_space<hbm>> -> memref<40x128xi32, #tpu.memory_space<hbm>>
      %dma_wait3A_112 = arith.constant 0 : i32
      %dma_wait3A_113 = arith.constant 0 : i32
      %dma_wait3A_114 = tpu.memref_slice %arg2[%add3A, %dma_wait3A_112, %dma_wait3A_113] : memref<32x80x128xi32, #tpu.memory_space<hbm>> -> memref<1x40x128xi32, #tpu.memory_space<hbm>>
      %dma_wait3A_115 = tpu.memref_squeeze %dma_wait3A_114 : memref<1x40x128xi32, #tpu.memory_space<hbm>> -> memref<40x128xi32, #tpu.memory_space<hbm>>
      tpu.wait_dma2 semaphore(%run_scoped3A : memref<!tpu.dma_semaphore, #tpu.memory_space<semaphore_mem>>) src(%dma_wait3A_115 : memref<40x128xi32, #tpu.memory_space<hbm>>) dst(%arg7 : memref<40x128xi32, #tpu.memory_space<vmem>>)
      tpu.yield
    }) : () -> ()
    "tpu.region"() ({
      %run_scoped3A = tpu.sem_alloc : memref<!tpu.dma_semaphore, #tpu.memory_space<semaphore_mem>>
      %dma_start3A_101 = arith.constant 0 : i32
      %dma_start3A_102 = arith.constant 0 : i32
      %dma_start3A_103 = tpu.memref_slice %arg3[%add3A, %dma_start3A_101, %dma_start3A_102] : memref<32x80x128xi32, #tpu.memory_space<hbm>> -> memref<1x40x128xi32, #tpu.memory_space<hbm>>
      %dma_start3A_104 = tpu.memref_squeeze %dma_start3A_103 : memref<1x40x128xi32, #tpu.memory_space<hbm>> -> memref<40x128xi32, #tpu.memory_space<hbm>>
      %dma_start3A_105 = arith.constant 0 : i32
      %dma_start3A_106 = arith.constant 0 : i32
      %dma_start3A_107 = tpu.memref_slice %arg3[%add3A, %dma_start3A_105, %dma_start3A_106] : memref<32x80x128xi32, #tpu.memory_space<hbm>> -> memref<1x40x128xi32, #tpu.memory_space<hbm>>
      %dma_start3A_108 = tpu.memref_squeeze %dma_start3A_107 : memref<1x40x128xi32, #tpu.memory_space<hbm>> -> memref<40x128xi32, #tpu.memory_space<hbm>>
      tpu.enqueue_dma source(%dma_start3A_108 : memref<40x128xi32, #tpu.memory_space<hbm>>) target(%arg8 : memref<40x128xi32, #tpu.memory_space<vmem>>) target_semaphore(%run_scoped3A : memref<!tpu.dma_semaphore, #tpu.memory_space<semaphore_mem>>)
      %dma_wait3A = arith.constant 0 : i32
      %dma_wait3A_109 = arith.constant 0 : i32
      %dma_wait3A_110 = tpu.memref_slice %arg3[%add3A, %dma_wait3A, %dma_wait3A_109] : memref<32x80x128xi32, #tpu.memory_space<hbm>> -> memref<1x40x128xi32, #tpu.memory_space<hbm>>
      %dma_wait3A_111 = tpu.memref_squeeze %dma_wait3A_110 : memref<1x40x128xi32, #tpu.memory_space<hbm>> -> memref<40x128xi32, #tpu.memory_space<hbm>>
      %dma_wait3A_112 = arith.constant 0 : i32
      %dma_wait3A_113 = arith.constant 0 : i32
      %dma_wait3A_114 = tpu.memref_slice %arg3[%add3A, %dma_wait3A_112, %dma_wait3A_113] : memref<32x80x128xi32, #tpu.memory_space<hbm>> -> memref<1x40x128xi32, #tpu.memory_space<hbm>>
      %dma_wait3A_115 = tpu.memref_squeeze %dma_wait3A_114 : memref<1x40x128xi32, #tpu.memory_space<hbm>> -> memref<40x128xi32, #tpu.memory_space<hbm>>
      tpu.wait_dma2 semaphore(%run_scoped3A : memref<!tpu.dma_semaphore, #tpu.memory_space<semaphore_mem>>) src(%dma_wait3A_115 : memref<40x128xi32, #tpu.memory_space<hbm>>) dst(%arg8 : memref<40x128xi32, #tpu.memory_space<vmem>>)
      tpu.yield
    }) : () -> ()
    %dma_start3A = arith.constant 0 : i32
    %dma_start3A_8 = arith.constant 0 : i32
    %dma_start3A_9 = arith.constant 0 : i32
    %dma_start3A_10 = tpu.memref_slice %arg9[%dma_start3A_8, %dma_start3A_9] : memref<128x128xf32, #tpu.memory_space<vmem>> -> memref<64x128xf32, #tpu.memory_space<vmem>>
    %dma_start3A_11 = arith.constant 0 : i32
    %dma_start3A_12 = tpu.memref_slice %arg7[%dma_start3A, %dma_start3A_11] : memref<40x128xi32, #tpu.memory_space<vmem>> -> memref<1x64xi32, #tpu.memory_space<vmem>>
    %dma_start3A_13 = tpu.memref_squeeze %dma_start3A_12 : memref<1x64xi32, #tpu.memory_space<vmem>> -> memref<64xi32, #tpu.memory_space<vmem>>
    %dma_start3A_14 = arith.constant 0 : i32
    %dma_start3A_15 = arith.constant 0 : i32
    %dma_start3A_16 = tpu.memref_slice %arg4[%dma_start3A_14, %dma_start3A_15] : memref<10240x128xf32, #tpu.memory_space<hbm>> -> memref<10240x128xf32, #tpu.memory_space<hbm>>
    tpu.enqueue_indirect_dma source(%dma_start3A_16 : memref<10240x128xf32, #tpu.memory_space<hbm>>) target(%dma_start3A_10 : memref<64x128xf32, #tpu.memory_space<vmem>>) offsets(%dma_start3A_13 : memref<64xi32, #tpu.memory_space<vmem>>) semaphore(%arg12 : memref<!tpu.dma_semaphore, #tpu.memory_space<semaphore_mem>>)
    %dma_start3A_17 = arith.constant 0 : i32
    %dma_start3A_18 = arith.constant 64 : i32
    %dma_start3A_19 = arith.constant 0 : i32
    %dma_start3A_20 = tpu.memref_slice %arg9[%dma_start3A_18, %dma_start3A_19] : memref<128x128xf32, #tpu.memory_space<vmem>> -> memref<64x128xf32, #tpu.memory_space<vmem>>
    %dma_start3A_21 = arith.constant 64 : i32
    %dma_start3A_22 = tpu.memref_slice %arg7[%dma_start3A_17, %dma_start3A_21] : memref<40x128xi32, #tpu.memory_space<vmem>> -> memref<1x64xi32, #tpu.memory_space<vmem>>
    %dma_start3A_23 = tpu.memref_squeeze %dma_start3A_22 : memref<1x64xi32, #tpu.memory_space<vmem>> -> memref<64xi32, #tpu.memory_space<vmem>>
    %dma_start3A_24 = arith.constant 0 : i32
    %dma_start3A_25 = arith.constant 0 : i32
    %dma_start3A_26 = tpu.memref_slice %arg4[%dma_start3A_24, %dma_start3A_25] : memref<10240x128xf32, #tpu.memory_space<hbm>> -> memref<10240x128xf32, #tpu.memory_space<hbm>>
    tpu.enqueue_indirect_dma source(%dma_start3A_26 : memref<10240x128xf32, #tpu.memory_space<hbm>>) target(%dma_start3A_20 : memref<64x128xf32, #tpu.memory_space<vmem>>) offsets(%dma_start3A_23 : memref<64xi32, #tpu.memory_space<vmem>>) semaphore(%arg12 : memref<!tpu.dma_semaphore, #tpu.memory_space<semaphore_mem>>)
    %dma_start3A_27 = arith.constant 1 : i32
    %dma_start3A_28 = arith.constant 0 : i32
    %dma_start3A_29 = arith.constant 0 : i32
    %dma_start3A_30 = tpu.memref_slice %arg10[%dma_start3A_28, %dma_start3A_29] : memref<128x128xf32, #tpu.memory_space<vmem>> -> memref<64x128xf32, #tpu.memory_space<vmem>>
    %dma_start3A_31 = arith.constant 0 : i32
    %dma_start3A_32 = tpu.memref_slice %arg7[%dma_start3A_27, %dma_start3A_31] : memref<40x128xi32, #tpu.memory_space<vmem>> -> memref<1x64xi32, #tpu.memory_space<vmem>>
    %dma_start3A_33 = tpu.memref_squeeze %dma_start3A_32 : memref<1x64xi32, #tpu.memory_space<vmem>> -> memref<64xi32, #tpu.memory_space<vmem>>
    %dma_start3A_34 = arith.constant 0 : i32
    %dma_start3A_35 = arith.constant 0 : i32
    %dma_start3A_36 = tpu.memref_slice %arg4[%dma_start3A_34, %dma_start3A_35] : memref<10240x128xf32, #tpu.memory_space<hbm>> -> memref<10240x128xf32, #tpu.memory_space<hbm>>
    tpu.enqueue_indirect_dma source(%dma_start3A_36 : memref<10240x128xf32, #tpu.memory_space<hbm>>) target(%dma_start3A_30 : memref<64x128xf32, #tpu.memory_space<vmem>>) offsets(%dma_start3A_33 : memref<64xi32, #tpu.memory_space<vmem>>) semaphore(%arg13 : memref<!tpu.dma_semaphore, #tpu.memory_space<semaphore_mem>>)
    %dma_start3A_37 = arith.constant 1 : i32
    %dma_start3A_38 = arith.constant 64 : i32
    %dma_start3A_39 = arith.constant 0 : i32
    %dma_start3A_40 = tpu.memref_slice %arg10[%dma_start3A_38, %dma_start3A_39] : memref<128x128xf32, #tpu.memory_space<vmem>> -> memref<64x128xf32, #tpu.memory_space<vmem>>
    %dma_start3A_41 = arith.constant 64 : i32
    %dma_start3A_42 = tpu.memref_slice %arg7[%dma_start3A_37, %dma_start3A_41] : memref<40x128xi32, #tpu.memory_space<vmem>> -> memref<1x64xi32, #tpu.memory_space<vmem>>
    %dma_start3A_43 = tpu.memref_squeeze %dma_start3A_42 : memref<1x64xi32, #tpu.memory_space<vmem>> -> memref<64xi32, #tpu.memory_space<vmem>>
    %dma_start3A_44 = arith.constant 0 : i32
    %dma_start3A_45 = arith.constant 0 : i32
    %dma_start3A_46 = tpu.memref_slice %arg4[%dma_start3A_44, %dma_start3A_45] : memref<10240x128xf32, #tpu.memory_space<hbm>> -> memref<10240x128xf32, #tpu.memory_space<hbm>>
    tpu.enqueue_indirect_dma source(%dma_start3A_46 : memref<10240x128xf32, #tpu.memory_space<hbm>>) target(%dma_start3A_40 : memref<64x128xf32, #tpu.memory_space<vmem>>) offsets(%dma_start3A_43 : memref<64xi32, #tpu.memory_space<vmem>>) semaphore(%arg13 : memref<!tpu.dma_semaphore, #tpu.memory_space<semaphore_mem>>)
    %scan3A = arith.constant 0 : i32
    %scan3A_47 = arith.constant 20 : i32
    %scan3A_48 = arith.addi %scan3A, %scan3A_47 : i32
    %scan3A_49 = arith.constant 1 : i32
    scf.for %scan3A_101 = %scan3A to %scan3A_48 step %scan3A_49  : i32 {
      %mul3A_102 = arith.constant 2 : i32
      %mul3A_103 = arith.muli %scan3A_101, %mul3A_102 : i32
      %add3A_104 = arith.constant 0 : i32
      %add3A_105 = arith.addi %add3A_104, %mul3A_103 : i32
      %add3A_106 = arith.constant 0 : i32
      %add3A_107 = arith.addi %add3A_105, %add3A_106 : i32
      %dma_wait3A = arith.constant 0 : i32
      %dma_wait3A_108 = arith.constant 0 : i32
      %dma_wait3A_109 = arith.constant 0 : i32
      %dma_wait3A_110 = tpu.memref_slice %arg9[%dma_wait3A_108, %dma_wait3A_109] : memref<128x128xf32, #tpu.memory_space<vmem>> -> memref<64x128xf32, #tpu.memory_space<vmem>>
      %dma_wait3A_111 = arith.constant 0 : i32
      %dma_wait3A_112 = tpu.memref_slice %arg7[%dma_wait3A, %dma_wait3A_111] : memref<40x128xi32, #tpu.memory_space<vmem>> -> memref<1x64xi32, #tpu.memory_space<vmem>>
      %dma_wait3A_113 = tpu.memref_squeeze %dma_wait3A_112 : memref<1x64xi32, #tpu.memory_space<vmem>> -> memref<64xi32, #tpu.memory_space<vmem>>
      %dma_wait3A_114 = arith.constant 0 : i32
      %dma_wait3A_115 = arith.constant 0 : i32
      %dma_wait3A_116 = tpu.memref_slice %arg4[%dma_wait3A_114, %dma_wait3A_115] : memref<10240x128xf32, #tpu.memory_space<hbm>> -> memref<10240x128xf32, #tpu.memory_space<hbm>>
      tpu.wait_indirect_dma semaphore(%arg12 : memref<!tpu.dma_semaphore, #tpu.memory_space<semaphore_mem>>) src(%dma_wait3A_116 : memref<10240x128xf32, #tpu.memory_space<hbm>>) dst(%dma_wait3A_110 : memref<64x128xf32, #tpu.memory_space<vmem>>)
      %dma_wait3A_117 = arith.constant 0 : i32
      %dma_wait3A_118 = arith.constant 0 : i32
      %dma_wait3A_119 = arith.constant 0 : i32
      %dma_wait3A_120 = tpu.memref_slice %arg9[%dma_wait3A_118, %dma_wait3A_119] : memref<128x128xf32, #tpu.memory_space<vmem>> -> memref<64x128xf32, #tpu.memory_space<vmem>>
      %dma_wait3A_121 = arith.constant 0 : i32
      %dma_wait3A_122 = tpu.memref_slice %arg7[%dma_wait3A_117, %dma_wait3A_121] : memref<40x128xi32, #tpu.memory_space<vmem>> -> memref<1x64xi32, #tpu.memory_space<vmem>>
      %dma_wait3A_123 = tpu.memref_squeeze %dma_wait3A_122 : memref<1x64xi32, #tpu.memory_space<vmem>> -> memref<64xi32, #tpu.memory_space<vmem>>
      %dma_wait3A_124 = arith.constant 0 : i32
      %dma_wait3A_125 = arith.constant 0 : i32
      %dma_wait3A_126 = tpu.memref_slice %arg4[%dma_wait3A_124, %dma_wait3A_125] : memref<10240x128xf32, #tpu.memory_space<hbm>> -> memref<10240x128xf32, #tpu.memory_space<hbm>>
      tpu.wait_indirect_dma semaphore(%arg12 : memref<!tpu.dma_semaphore, #tpu.memory_space<semaphore_mem>>) src(%dma_wait3A_126 : memref<10240x128xf32, #tpu.memory_space<hbm>>) dst(%dma_wait3A_120 : memref<64x128xf32, #tpu.memory_space<vmem>>)
      "tpu.region"() ({
        %run_scoped3A = tpu.sem_alloc : memref<!tpu.dma_semaphore, #tpu.memory_space<semaphore_mem>>
        %dma_start3A_162 = arith.constant 0 : i32
        %dma_start3A_163 = tpu.memref_slice %arg8[%add3A_107, %dma_start3A_162] : memref<40x128xi32, #tpu.memory_space<vmem>> -> memref<1x128xi32, #tpu.memory_space<vmem>>
        %dma_start3A_164 = tpu.memref_squeeze %dma_start3A_163 : memref<1x128xi32, #tpu.memory_space<vmem>> -> memref<128xi32, #tpu.memory_space<vmem>>
        %dma_start3A_165 = arith.constant 0 : i32
        %dma_start3A_166 = arith.constant 0 : i32
        %dma_start3A_167 = tpu.memref_slice %arg11[%dma_start3A_165, %dma_start3A_166] : memref<10240x128xf32, #tpu.memory_space<vmem_shared>> -> memref<10240x128xf32, #tpu.memory_space<vmem_shared>>
        tpu.enqueue_indirect_dma source(%arg9 : memref<128x128xf32, #tpu.memory_space<vmem>>) target(%dma_start3A_167 : memref<10240x128xf32, #tpu.memory_space<vmem_shared>>) offsets(%dma_start3A_164 : memref<128xi32, #tpu.memory_space<vmem>>) semaphore(%run_scoped3A : memref<!tpu.dma_semaphore, #tpu.memory_space<semaphore_mem>>) {add = true}
        %dma_wait3A_168 = arith.constant 0 : i32
        %dma_wait3A_169 = tpu.memref_slice %arg8[%add3A_107, %dma_wait3A_168] : memref<40x128xi32, #tpu.memory_space<vmem>> -> memref<1x128xi32, #tpu.memory_space<vmem>>
        %dma_wait3A_170 = tpu.memref_squeeze %dma_wait3A_169 : memref<1x128xi32, #tpu.memory_space<vmem>> -> memref<128xi32, #tpu.memory_space<vmem>>
        %dma_wait3A_171 = arith.constant 0 : i32
        %dma_wait3A_172 = arith.constant 0 : i32
        %dma_wait3A_173 = tpu.memref_slice %arg11[%dma_wait3A_171, %dma_wait3A_172] : memref<10240x128xf32, #tpu.memory_space<vmem_shared>> -> memref<10240x128xf32, #tpu.memory_space<vmem_shared>>
        tpu.wait_indirect_dma semaphore(%run_scoped3A : memref<!tpu.dma_semaphore, #tpu.memory_space<semaphore_mem>>) src(%arg9 : memref<128x128xf32, #tpu.memory_space<vmem>>) dst(%dma_wait3A_173 : memref<10240x128xf32, #tpu.memory_space<vmem_shared>>)
        tpu.yield
      }) : () -> ()
      %add3A_127 = arith.constant 2 : i32
      %add3A_128 = arith.addi %add3A_107, %add3A_127 : i32
      %lt3A = arith.constant 40 : i32
      %lt3A_129 = arith.cmpi slt, %add3A_128, %lt3A : i32
      %convert_element_type3A_130 = arith.extui %lt3A_129 : i1 to i32
      %cond3A_131 = arith.constant 0 : i32
      %cond3A_132 = arith.cmpi ne, %convert_element_type3A_130, %cond3A_131 : i32
      scf.if %cond3A_132 {
        %dma_start3A_162 = arith.constant 0 : i32
        %dma_start3A_163 = arith.constant 0 : i32
        %dma_start3A_164 = tpu.memref_slice %arg9[%dma_start3A_162, %dma_start3A_163] : memref<128x128xf32, #tpu.memory_space<vmem>> -> memref<64x128xf32, #tpu.memory_space<vmem>>
        %dma_start3A_165 = arith.constant 0 : i32
        %dma_start3A_166 = tpu.memref_slice %arg7[%add3A_128, %dma_start3A_165] : memref<40x128xi32, #tpu.memory_space<vmem>> -> memref<1x64xi32, #tpu.memory_space<vmem>>
        %dma_start3A_167 = tpu.memref_squeeze %dma_start3A_166 : memref<1x64xi32, #tpu.memory_space<vmem>> -> memref<64xi32, #tpu.memory_space<vmem>>
        %dma_start3A_168 = arith.constant 0 : i32
        %dma_start3A_169 = arith.constant 0 : i32
        %dma_start3A_170 = tpu.memref_slice %arg4[%dma_start3A_168, %dma_start3A_169] : memref<10240x128xf32, #tpu.memory_space<hbm>> -> memref<10240x128xf32, #tpu.memory_space<hbm>>
        tpu.enqueue_indirect_dma source(%dma_start3A_170 : memref<10240x128xf32, #tpu.memory_space<hbm>>) target(%dma_start3A_164 : memref<64x128xf32, #tpu.memory_space<vmem>>) offsets(%dma_start3A_167 : memref<64xi32, #tpu.memory_space<vmem>>) semaphore(%arg12 : memref<!tpu.dma_semaphore, #tpu.memory_space<semaphore_mem>>)
        %dma_start3A_171 = arith.constant 64 : i32
        %dma_start3A_172 = arith.constant 0 : i32
        %dma_start3A_173 = tpu.memref_slice %arg9[%dma_start3A_171, %dma_start3A_172] : memref<128x128xf32, #tpu.memory_space<vmem>> -> memref<64x128xf32, #tpu.memory_space<vmem>>
        %dma_start3A_174 = arith.constant 64 : i32
        %dma_start3A_175 = tpu.memref_slice %arg7[%add3A_128, %dma_start3A_174] : memref<40x128xi32, #tpu.memory_space<vmem>> -> memref<1x64xi32, #tpu.memory_space<vmem>>
        %dma_start3A_176 = tpu.memref_squeeze %dma_start3A_175 : memref<1x64xi32, #tpu.memory_space<vmem>> -> memref<64xi32, #tpu.memory_space<vmem>>
        %dma_start3A_177 = arith.constant 0 : i32
        %dma_start3A_178 = arith.constant 0 : i32
        %dma_start3A_179 = tpu.memref_slice %arg4[%dma_start3A_177, %dma_start3A_178] : memref<10240x128xf32, #tpu.memory_space<hbm>> -> memref<10240x128xf32, #tpu.memory_space<hbm>>
        tpu.enqueue_indirect_dma source(%dma_start3A_179 : memref<10240x128xf32, #tpu.memory_space<hbm>>) target(%dma_start3A_173 : memref<64x128xf32, #tpu.memory_space<vmem>>) offsets(%dma_start3A_176 : memref<64xi32, #tpu.memory_space<vmem>>) semaphore(%arg12 : memref<!tpu.dma_semaphore, #tpu.memory_space<semaphore_mem>>)
      } else {
      }
      %add3A_133 = arith.constant 1 : i32
      %add3A_134 = arith.addi %add3A_105, %add3A_133 : i32
      %dma_wait3A_135 = arith.constant 0 : i32
      %dma_wait3A_136 = arith.constant 0 : i32
      %dma_wait3A_137 = arith.constant 0 : i32
      %dma_wait3A_138 = tpu.memref_slice %arg10[%dma_wait3A_136, %dma_wait3A_137] : memref<128x128xf32, #tpu.memory_space<vmem>> -> memref<64x128xf32, #tpu.memory_space<vmem>>
      %dma_wait3A_139 = arith.constant 0 : i32
      %dma_wait3A_140 = tpu.memref_slice %arg7[%dma_wait3A_135, %dma_wait3A_139] : memref<40x128xi32, #tpu.memory_space<vmem>> -> memref<1x64xi32, #tpu.memory_space<vmem>>
      %dma_wait3A_141 = tpu.memref_squeeze %dma_wait3A_140 : memref<1x64xi32, #tpu.memory_space<vmem>> -> memref<64xi32, #tpu.memory_space<vmem>>
      %dma_wait3A_142 = arith.constant 0 : i32
      %dma_wait3A_143 = arith.constant 0 : i32
      %dma_wait3A_144 = tpu.memref_slice %arg4[%dma_wait3A_142, %dma_wait3A_143] : memref<10240x128xf32, #tpu.memory_space<hbm>> -> memref<10240x128xf32, #tpu.memory_space<hbm>>
      tpu.wait_indirect_dma semaphore(%arg13 : memref<!tpu.dma_semaphore, #tpu.memory_space<semaphore_mem>>) src(%dma_wait3A_144 : memref<10240x128xf32, #tpu.memory_space<hbm>>) dst(%dma_wait3A_138 : memref<64x128xf32, #tpu.memory_space<vmem>>)
      %dma_wait3A_145 = arith.constant 0 : i32
      %dma_wait3A_146 = arith.constant 0 : i32
      %dma_wait3A_147 = arith.constant 0 : i32
      %dma_wait3A_148 = tpu.memref_slice %arg10[%dma_wait3A_146, %dma_wait3A_147] : memref<128x128xf32, #tpu.memory_space<vmem>> -> memref<64x128xf32, #tpu.memory_space<vmem>>
      %dma_wait3A_149 = arith.constant 0 : i32
      %dma_wait3A_150 = tpu.memref_slice %arg7[%dma_wait3A_145, %dma_wait3A_149] : memref<40x128xi32, #tpu.memory_space<vmem>> -> memref<1x64xi32, #tpu.memory_space<vmem>>
      %dma_wait3A_151 = tpu.memref_squeeze %dma_wait3A_150 : memref<1x64xi32, #tpu.memory_space<vmem>> -> memref<64xi32, #tpu.memory_space<vmem>>
      %dma_wait3A_152 = arith.constant 0 : i32
      %dma_wait3A_153 = arith.constant 0 : i32
      %dma_wait3A_154 = tpu.memref_slice %arg4[%dma_wait3A_152, %dma_wait3A_153] : memref<10240x128xf32, #tpu.memory_space<hbm>> -> memref<10240x128xf32, #tpu.memory_space<hbm>>
      tpu.wait_indirect_dma semaphore(%arg13 : memref<!tpu.dma_semaphore, #tpu.memory_space<semaphore_mem>>) src(%dma_wait3A_154 : memref<10240x128xf32, #tpu.memory_space<hbm>>) dst(%dma_wait3A_148 : memref<64x128xf32, #tpu.memory_space<vmem>>)
      "tpu.region"() ({
        %run_scoped3A = tpu.sem_alloc : memref<!tpu.dma_semaphore, #tpu.memory_space<semaphore_mem>>
        %dma_start3A_162 = arith.constant 0 : i32
        %dma_start3A_163 = tpu.memref_slice %arg8[%add3A_134, %dma_start3A_162] : memref<40x128xi32, #tpu.memory_space<vmem>> -> memref<1x128xi32, #tpu.memory_space<vmem>>
        %dma_start3A_164 = tpu.memref_squeeze %dma_start3A_163 : memref<1x128xi32, #tpu.memory_space<vmem>> -> memref<128xi32, #tpu.memory_space<vmem>>
        %dma_start3A_165 = arith.constant 0 : i32
        %dma_start3A_166 = arith.constant 0 : i32
        %dma_start3A_167 = tpu.memref_slice %arg11[%dma_start3A_165, %dma_start3A_166] : memref<10240x128xf32, #tpu.memory_space<vmem_shared>> -> memref<10240x128xf32, #tpu.memory_space<vmem_shared>>
        tpu.enqueue_indirect_dma source(%arg10 : memref<128x128xf32, #tpu.memory_space<vmem>>) target(%dma_start3A_167 : memref<10240x128xf32, #tpu.memory_space<vmem_shared>>) offsets(%dma_start3A_164 : memref<128xi32, #tpu.memory_space<vmem>>) semaphore(%run_scoped3A : memref<!tpu.dma_semaphore, #tpu.memory_space<semaphore_mem>>) {add = true}
        %dma_wait3A_168 = arith.constant 0 : i32
        %dma_wait3A_169 = tpu.memref_slice %arg8[%add3A_134, %dma_wait3A_168] : memref<40x128xi32, #tpu.memory_space<vmem>> -> memref<1x128xi32, #tpu.memory_space<vmem>>
        %dma_wait3A_170 = tpu.memref_squeeze %dma_wait3A_169 : memref<1x128xi32, #tpu.memory_space<vmem>> -> memref<128xi32, #tpu.memory_space<vmem>>
        %dma_wait3A_171 = arith.constant 0 : i32
        %dma_wait3A_172 = arith.constant 0 : i32
        %dma_wait3A_173 = tpu.memref_slice %arg11[%dma_wait3A_171, %dma_wait3A_172] : memref<10240x128xf32, #tpu.memory_space<vmem_shared>> -> memref<10240x128xf32, #tpu.memory_space<vmem_shared>>
        tpu.wait_indirect_dma semaphore(%run_scoped3A : memref<!tpu.dma_semaphore, #tpu.memory_space<semaphore_mem>>) src(%arg10 : memref<128x128xf32, #tpu.memory_space<vmem>>) dst(%dma_wait3A_173 : memref<10240x128xf32, #tpu.memory_space<vmem_shared>>)
        tpu.yield
      }) : () -> ()
      %add3A_155 = arith.constant 2 : i32
      %add3A_156 = arith.addi %add3A_134, %add3A_155 : i32
      %lt3A_157 = arith.constant 40 : i32
      %lt3A_158 = arith.cmpi slt, %add3A_156, %lt3A_157 : i32
      %convert_element_type3A_159 = arith.extui %lt3A_158 : i1 to i32
      %cond3A_160 = arith.constant 0 : i32
      %cond3A_161 = arith.cmpi ne, %convert_element_type3A_159, %cond3A_160 : i32
      scf.if %cond3A_161 {
        %dma_start3A_162 = arith.constant 0 : i32
        %dma_start3A_163 = arith.constant 0 : i32
        %dma_start3A_164 = tpu.memref_slice %arg10[%dma_start3A_162, %dma_start3A_163] : memref<128x128xf32, #tpu.memory_space<vmem>> -> memref<64x128xf32, #tpu.memory_space<vmem>>
        %dma_start3A_165 = arith.constant 0 : i32
        %dma_start3A_166 = tpu.memref_slice %arg7[%add3A_156, %dma_start3A_165] : memref<40x128xi32, #tpu.memory_space<vmem>> -> memref<1x64xi32, #tpu.memory_space<vmem>>
        %dma_start3A_167 = tpu.memref_squeeze %dma_start3A_166 : memref<1x64xi32, #tpu.memory_space<vmem>> -> memref<64xi32, #tpu.memory_space<vmem>>
        %dma_start3A_168 = arith.constant 0 : i32
        %dma_start3A_169 = arith.constant 0 : i32
        %dma_start3A_170 = tpu.memref_slice %arg4[%dma_start3A_168, %dma_start3A_169] : memref<10240x128xf32, #tpu.memory_space<hbm>> -> memref<10240x128xf32, #tpu.memory_space<hbm>>
        tpu.enqueue_indirect_dma source(%dma_start3A_170 : memref<10240x128xf32, #tpu.memory_space<hbm>>) target(%dma_start3A_164 : memref<64x128xf32, #tpu.memory_space<vmem>>) offsets(%dma_start3A_167 : memref<64xi32, #tpu.memory_space<vmem>>) semaphore(%arg13 : memref<!tpu.dma_semaphore, #tpu.memory_space<semaphore_mem>>)
        %dma_start3A_171 = arith.constant 64 : i32
        %dma_start3A_172 = arith.constant 0 : i32
        %dma_start3A_173 = tpu.memref_slice %arg10[%dma_start3A_171, %dma_start3A_172] : memref<128x128xf32, #tpu.memory_space<vmem>> -> memref<64x128xf32, #tpu.memory_space<vmem>>
        %dma_start3A_174 = arith.constant 64 : i32
        %dma_start3A_175 = tpu.memref_slice %arg7[%add3A_156, %dma_start3A_174] : memref<40x128xi32, #tpu.memory_space<vmem>> -> memref<1x64xi32, #tpu.memory_space<vmem>>
        %dma_start3A_176 = tpu.memref_squeeze %dma_start3A_175 : memref<1x64xi32, #tpu.memory_space<vmem>> -> memref<64xi32, #tpu.memory_space<vmem>>
        %dma_start3A_177 = arith.constant 0 : i32
        %dma_start3A_178 = arith.constant 0 : i32
        %dma_start3A_179 = tpu.memref_slice %arg4[%dma_start3A_177, %dma_start3A_178] : memref<10240x128xf32, #tpu.memory_space<hbm>> -> memref<10240x128xf32, #tpu.memory_space<hbm>>
        tpu.enqueue_indirect_dma source(%dma_start3A_179 : memref<10240x128xf32, #tpu.memory_space<hbm>>) target(%dma_start3A_173 : memref<64x128xf32, #tpu.memory_space<vmem>>) offsets(%dma_start3A_176 : memref<64xi32, #tpu.memory_space<vmem>>) semaphore(%arg13 : memref<!tpu.dma_semaphore, #tpu.memory_space<semaphore_mem>>)
      } else {
      }
    }
    %scan3A_50 = arith.constant 20 : i32
    "tpu.region"() ({
      %run_scoped3A = tpu.sem_alloc : memref<!tpu.dma_semaphore, #tpu.memory_space<semaphore_mem>>
      %dma_start3A_101 = arith.constant 40 : i32
      %dma_start3A_102 = arith.constant 0 : i32
      %dma_start3A_103 = tpu.memref_slice %arg2[%add3A, %dma_start3A_101, %dma_start3A_102] : memref<32x80x128xi32, #tpu.memory_space<hbm>> -> memref<1x40x128xi32, #tpu.memory_space<hbm>>
      %dma_start3A_104 = tpu.memref_squeeze %dma_start3A_103 : memref<1x40x128xi32, #tpu.memory_space<hbm>> -> memref<40x128xi32, #tpu.memory_space<hbm>>
      %dma_start3A_105 = arith.constant 40 : i32
      %dma_start3A_106 = arith.constant 0 : i32
      %dma_start3A_107 = tpu.memref_slice %arg2[%add3A, %dma_start3A_105, %dma_start3A_106] : memref<32x80x128xi32, #tpu.memory_space<hbm>> -> memref<1x40x128xi32, #tpu.memory_space<hbm>>
      %dma_start3A_108 = tpu.memref_squeeze %dma_start3A_107 : memref<1x40x128xi32, #tpu.memory_space<hbm>> -> memref<40x128xi32, #tpu.memory_space<hbm>>
      tpu.enqueue_dma source(%dma_start3A_108 : memref<40x128xi32, #tpu.memory_space<hbm>>) target(%arg7 : memref<40x128xi32, #tpu.memory_space<vmem>>) target_semaphore(%run_scoped3A : memref<!tpu.dma_semaphore, #tpu.memory_space<semaphore_mem>>)
      %dma_wait3A = arith.constant 40 : i32
      %dma_wait3A_109 = arith.constant 0 : i32
      %dma_wait3A_110 = tpu.memref_slice %arg2[%add3A, %dma_wait3A, %dma_wait3A_109] : memref<32x80x128xi32, #tpu.memory_space<hbm>> -> memref<1x40x128xi32, #tpu.memory_space<hbm>>
      %dma_wait3A_111 = tpu.memref_squeeze %dma_wait3A_110 : memref<1x40x128xi32, #tpu.memory_space<hbm>> -> memref<40x128xi32, #tpu.memory_space<hbm>>
      %dma_wait3A_112 = arith.constant 40 : i32
      %dma_wait3A_113 = arith.constant 0 : i32
      %dma_wait3A_114 = tpu.memref_slice %arg2[%add3A, %dma_wait3A_112, %dma_wait3A_113] : memref<32x80x128xi32, #tpu.memory_space<hbm>> -> memref<1x40x128xi32, #tpu.memory_space<hbm>>
      %dma_wait3A_115 = tpu.memref_squeeze %dma_wait3A_114 : memref<1x40x128xi32, #tpu.memory_space<hbm>> -> memref<40x128xi32, #tpu.memory_space<hbm>>
      tpu.wait_dma2 semaphore(%run_scoped3A : memref<!tpu.dma_semaphore, #tpu.memory_space<semaphore_mem>>) src(%dma_wait3A_115 : memref<40x128xi32, #tpu.memory_space<hbm>>) dst(%arg7 : memref<40x128xi32, #tpu.memory_space<vmem>>)
      tpu.yield
    }) : () -> ()
    "tpu.region"() ({
      %run_scoped3A = tpu.sem_alloc : memref<!tpu.dma_semaphore, #tpu.memory_space<semaphore_mem>>
      %dma_start3A_101 = arith.constant 40 : i32
      %dma_start3A_102 = arith.constant 0 : i32
      %dma_start3A_103 = tpu.memref_slice %arg3[%add3A, %dma_start3A_101, %dma_start3A_102] : memref<32x80x128xi32, #tpu.memory_space<hbm>> -> memref<1x40x128xi32, #tpu.memory_space<hbm>>
      %dma_start3A_104 = tpu.memref_squeeze %dma_start3A_103 : memref<1x40x128xi32, #tpu.memory_space<hbm>> -> memref<40x128xi32, #tpu.memory_space<hbm>>
      %dma_start3A_105 = arith.constant 40 : i32
      %dma_start3A_106 = arith.constant 0 : i32
      %dma_start3A_107 = tpu.memref_slice %arg3[%add3A, %dma_start3A_105, %dma_start3A_106] : memref<32x80x128xi32, #tpu.memory_space<hbm>> -> memref<1x40x128xi32, #tpu.memory_space<hbm>>
      %dma_start3A_108 = tpu.memref_squeeze %dma_start3A_107 : memref<1x40x128xi32, #tpu.memory_space<hbm>> -> memref<40x128xi32, #tpu.memory_space<hbm>>
      tpu.enqueue_dma source(%dma_start3A_108 : memref<40x128xi32, #tpu.memory_space<hbm>>) target(%arg8 : memref<40x128xi32, #tpu.memory_space<vmem>>) target_semaphore(%run_scoped3A : memref<!tpu.dma_semaphore, #tpu.memory_space<semaphore_mem>>)
      %dma_wait3A = arith.constant 40 : i32
      %dma_wait3A_109 = arith.constant 0 : i32
      %dma_wait3A_110 = tpu.memref_slice %arg3[%add3A, %dma_wait3A, %dma_wait3A_109] : memref<32x80x128xi32, #tpu.memory_space<hbm>> -> memref<1x40x128xi32, #tpu.memory_space<hbm>>
      %dma_wait3A_111 = tpu.memref_squeeze %dma_wait3A_110 : memref<1x40x128xi32, #tpu.memory_space<hbm>> -> memref<40x128xi32, #tpu.memory_space<hbm>>
      %dma_wait3A_112 = arith.constant 40 : i32
      %dma_wait3A_113 = arith.constant 0 : i32
      %dma_wait3A_114 = tpu.memref_slice %arg3[%add3A, %dma_wait3A_112, %dma_wait3A_113] : memref<32x80x128xi32, #tpu.memory_space<hbm>> -> memref<1x40x128xi32, #tpu.memory_space<hbm>>
      %dma_wait3A_115 = tpu.memref_squeeze %dma_wait3A_114 : memref<1x40x128xi32, #tpu.memory_space<hbm>> -> memref<40x128xi32, #tpu.memory_space<hbm>>
      tpu.wait_dma2 semaphore(%run_scoped3A : memref<!tpu.dma_semaphore, #tpu.memory_space<semaphore_mem>>) src(%dma_wait3A_115 : memref<40x128xi32, #tpu.memory_space<hbm>>) dst(%arg8 : memref<40x128xi32, #tpu.memory_space<vmem>>)
      tpu.yield
    }) : () -> ()
    %dma_start3A_51 = arith.constant 0 : i32
    %dma_start3A_52 = arith.constant 0 : i32
    %dma_start3A_53 = arith.constant 0 : i32
    %dma_start3A_54 = tpu.memref_slice %arg9[%dma_start3A_52, %dma_start3A_53] : memref<128x128xf32, #tpu.memory_space<vmem>> -> memref<64x128xf32, #tpu.memory_space<vmem>>
    %dma_start3A_55 = arith.constant 0 : i32
    %dma_start3A_56 = tpu.memref_slice %arg7[%dma_start3A_51, %dma_start3A_55] : memref<40x128xi32, #tpu.memory_space<vmem>> -> memref<1x64xi32, #tpu.memory_space<vmem>>
    %dma_start3A_57 = tpu.memref_squeeze %dma_start3A_56 : memref<1x64xi32, #tpu.memory_space<vmem>> -> memref<64xi32, #tpu.memory_space<vmem>>
    %dma_start3A_58 = arith.constant 0 : i32
    %dma_start3A_59 = arith.constant 0 : i32
    %dma_start3A_60 = tpu.memref_slice %arg4[%dma_start3A_58, %dma_start3A_59] : memref<10240x128xf32, #tpu.memory_space<hbm>> -> memref<10240x128xf32, #tpu.memory_space<hbm>>
    tpu.enqueue_indirect_dma source(%dma_start3A_60 : memref<10240x128xf32, #tpu.memory_space<hbm>>) target(%dma_start3A_54 : memref<64x128xf32, #tpu.memory_space<vmem>>) offsets(%dma_start3A_57 : memref<64xi32, #tpu.memory_space<vmem>>) semaphore(%arg12 : memref<!tpu.dma_semaphore, #tpu.memory_space<semaphore_mem>>)
    %dma_start3A_61 = arith.constant 0 : i32
    %dma_start3A_62 = arith.constant 64 : i32
    %dma_start3A_63 = arith.constant 0 : i32
    %dma_start3A_64 = tpu.memref_slice %arg9[%dma_start3A_62, %dma_start3A_63] : memref<128x128xf32, #tpu.memory_space<vmem>> -> memref<64x128xf32, #tpu.memory_space<vmem>>
    %dma_start3A_65 = arith.constant 64 : i32
    %dma_start3A_66 = tpu.memref_slice %arg7[%dma_start3A_61, %dma_start3A_65] : memref<40x128xi32, #tpu.memory_space<vmem>> -> memref<1x64xi32, #tpu.memory_space<vmem>>
    %dma_start3A_67 = tpu.memref_squeeze %dma_start3A_66 : memref<1x64xi32, #tpu.memory_space<vmem>> -> memref<64xi32, #tpu.memory_space<vmem>>
    %dma_start3A_68 = arith.constant 0 : i32
    %dma_start3A_69 = arith.constant 0 : i32
    %dma_start3A_70 = tpu.memref_slice %arg4[%dma_start3A_68, %dma_start3A_69] : memref<10240x128xf32, #tpu.memory_space<hbm>> -> memref<10240x128xf32, #tpu.memory_space<hbm>>
    tpu.enqueue_indirect_dma source(%dma_start3A_70 : memref<10240x128xf32, #tpu.memory_space<hbm>>) target(%dma_start3A_64 : memref<64x128xf32, #tpu.memory_space<vmem>>) offsets(%dma_start3A_67 : memref<64xi32, #tpu.memory_space<vmem>>) semaphore(%arg12 : memref<!tpu.dma_semaphore, #tpu.memory_space<semaphore_mem>>)
    %dma_start3A_71 = arith.constant 1 : i32
    %dma_start3A_72 = arith.constant 0 : i32
    %dma_start3A_73 = arith.constant 0 : i32
    %dma_start3A_74 = tpu.memref_slice %arg10[%dma_start3A_72, %dma_start3A_73] : memref<128x128xf32, #tpu.memory_space<vmem>> -> memref<64x128xf32, #tpu.memory_space<vmem>>
    %dma_start3A_75 = arith.constant 0 : i32
    %dma_start3A_76 = tpu.memref_slice %arg7[%dma_start3A_71, %dma_start3A_75] : memref<40x128xi32, #tpu.memory_space<vmem>> -> memref<1x64xi32, #tpu.memory_space<vmem>>
    %dma_start3A_77 = tpu.memref_squeeze %dma_start3A_76 : memref<1x64xi32, #tpu.memory_space<vmem>> -> memref<64xi32, #tpu.memory_space<vmem>>
    %dma_start3A_78 = arith.constant 0 : i32
    %dma_start3A_79 = arith.constant 0 : i32
    %dma_start3A_80 = tpu.memref_slice %arg4[%dma_start3A_78, %dma_start3A_79] : memref<10240x128xf32, #tpu.memory_space<hbm>> -> memref<10240x128xf32, #tpu.memory_space<hbm>>
    tpu.enqueue_indirect_dma source(%dma_start3A_80 : memref<10240x128xf32, #tpu.memory_space<hbm>>) target(%dma_start3A_74 : memref<64x128xf32, #tpu.memory_space<vmem>>) offsets(%dma_start3A_77 : memref<64xi32, #tpu.memory_space<vmem>>) semaphore(%arg13 : memref<!tpu.dma_semaphore, #tpu.memory_space<semaphore_mem>>)
    %dma_start3A_81 = arith.constant 1 : i32
    %dma_start3A_82 = arith.constant 64 : i32
    %dma_start3A_83 = arith.constant 0 : i32
    %dma_start3A_84 = tpu.memref_slice %arg10[%dma_start3A_82, %dma_start3A_83] : memref<128x128xf32, #tpu.memory_space<vmem>> -> memref<64x128xf32, #tpu.memory_space<vmem>>
    %dma_start3A_85 = arith.constant 64 : i32
    %dma_start3A_86 = tpu.memref_slice %arg7[%dma_start3A_81, %dma_start3A_85] : memref<40x128xi32, #tpu.memory_space<vmem>> -> memref<1x64xi32, #tpu.memory_space<vmem>>
    %dma_start3A_87 = tpu.memref_squeeze %dma_start3A_86 : memref<1x64xi32, #tpu.memory_space<vmem>> -> memref<64xi32, #tpu.memory_space<vmem>>
    %dma_start3A_88 = arith.constant 0 : i32
    %dma_start3A_89 = arith.constant 0 : i32
    %dma_start3A_90 = tpu.memref_slice %arg4[%dma_start3A_88, %dma_start3A_89] : memref<10240x128xf32, #tpu.memory_space<hbm>> -> memref<10240x128xf32, #tpu.memory_space<hbm>>
    tpu.enqueue_indirect_dma source(%dma_start3A_90 : memref<10240x128xf32, #tpu.memory_space<hbm>>) target(%dma_start3A_84 : memref<64x128xf32, #tpu.memory_space<vmem>>) offsets(%dma_start3A_87 : memref<64xi32, #tpu.memory_space<vmem>>) semaphore(%arg13 : memref<!tpu.dma_semaphore, #tpu.memory_space<semaphore_mem>>)
    %scan3A_91 = arith.constant 0 : i32
    %scan3A_92 = arith.constant 20 : i32
    %scan3A_93 = arith.addi %scan3A_91, %scan3A_92 : i32
    %scan3A_94 = arith.constant 1 : i32
    scf.for %scan3A_101 = %scan3A_91 to %scan3A_93 step %scan3A_94  : i32 {
      %mul3A_102 = arith.constant 2 : i32
      %mul3A_103 = arith.muli %scan3A_101, %mul3A_102 : i32
      %add3A_104 = arith.constant 0 : i32
      %add3A_105 = arith.addi %add3A_104, %mul3A_103 : i32
      %add3A_106 = arith.constant 0 : i32
      %add3A_107 = arith.addi %add3A_105, %add3A_106 : i32
      %dma_wait3A = arith.constant 0 : i32
      %dma_wait3A_108 = arith.constant 0 : i32
      %dma_wait3A_109 = arith.constant 0 : i32
      %dma_wait3A_110 = tpu.memref_slice %arg9[%dma_wait3A_108, %dma_wait3A_109] : memref<128x128xf32, #tpu.memory_space<vmem>> -> memref<64x128xf32, #tpu.memory_space<vmem>>
      %dma_wait3A_111 = arith.constant 0 : i32
      %dma_wait3A_112 = tpu.memref_slice %arg7[%dma_wait3A, %dma_wait3A_111] : memref<40x128xi32, #tpu.memory_space<vmem>> -> memref<1x64xi32, #tpu.memory_space<vmem>>
      %dma_wait3A_113 = tpu.memref_squeeze %dma_wait3A_112 : memref<1x64xi32, #tpu.memory_space<vmem>> -> memref<64xi32, #tpu.memory_space<vmem>>
      %dma_wait3A_114 = arith.constant 0 : i32
      %dma_wait3A_115 = arith.constant 0 : i32
      %dma_wait3A_116 = tpu.memref_slice %arg4[%dma_wait3A_114, %dma_wait3A_115] : memref<10240x128xf32, #tpu.memory_space<hbm>> -> memref<10240x128xf32, #tpu.memory_space<hbm>>
      tpu.wait_indirect_dma semaphore(%arg12 : memref<!tpu.dma_semaphore, #tpu.memory_space<semaphore_mem>>) src(%dma_wait3A_116 : memref<10240x128xf32, #tpu.memory_space<hbm>>) dst(%dma_wait3A_110 : memref<64x128xf32, #tpu.memory_space<vmem>>)
      %dma_wait3A_117 = arith.constant 0 : i32
      %dma_wait3A_118 = arith.constant 0 : i32
      %dma_wait3A_119 = arith.constant 0 : i32
      %dma_wait3A_120 = tpu.memref_slice %arg9[%dma_wait3A_118, %dma_wait3A_119] : memref<128x128xf32, #tpu.memory_space<vmem>> -> memref<64x128xf32, #tpu.memory_space<vmem>>
      %dma_wait3A_121 = arith.constant 0 : i32
      %dma_wait3A_122 = tpu.memref_slice %arg7[%dma_wait3A_117, %dma_wait3A_121] : memref<40x128xi32, #tpu.memory_space<vmem>> -> memref<1x64xi32, #tpu.memory_space<vmem>>
      %dma_wait3A_123 = tpu.memref_squeeze %dma_wait3A_122 : memref<1x64xi32, #tpu.memory_space<vmem>> -> memref<64xi32, #tpu.memory_space<vmem>>
      %dma_wait3A_124 = arith.constant 0 : i32
      %dma_wait3A_125 = arith.constant 0 : i32
      %dma_wait3A_126 = tpu.memref_slice %arg4[%dma_wait3A_124, %dma_wait3A_125] : memref<10240x128xf32, #tpu.memory_space<hbm>> -> memref<10240x128xf32, #tpu.memory_space<hbm>>
      tpu.wait_indirect_dma semaphore(%arg12 : memref<!tpu.dma_semaphore, #tpu.memory_space<semaphore_mem>>) src(%dma_wait3A_126 : memref<10240x128xf32, #tpu.memory_space<hbm>>) dst(%dma_wait3A_120 : memref<64x128xf32, #tpu.memory_space<vmem>>)
      "tpu.region"() ({
        %run_scoped3A = tpu.sem_alloc : memref<!tpu.dma_semaphore, #tpu.memory_space<semaphore_mem>>
        %dma_start3A_162 = arith.constant 0 : i32
        %dma_start3A_163 = tpu.memref_slice %arg8[%add3A_107, %dma_start3A_162] : memref<40x128xi32, #tpu.memory_space<vmem>> -> memref<1x128xi32, #tpu.memory_space<vmem>>
        %dma_start3A_164 = tpu.memref_squeeze %dma_start3A_163 : memref<1x128xi32, #tpu.memory_space<vmem>> -> memref<128xi32, #tpu.memory_space<vmem>>
        %dma_start3A_165 = arith.constant 0 : i32
        %dma_start3A_166 = arith.constant 0 : i32
        %dma_start3A_167 = tpu.memref_slice %arg11[%dma_start3A_165, %dma_start3A_166] : memref<10240x128xf32, #tpu.memory_space<vmem_shared>> -> memref<10240x128xf32, #tpu.memory_space<vmem_shared>>
        tpu.enqueue_indirect_dma source(%arg9 : memref<128x128xf32, #tpu.memory_space<vmem>>) target(%dma_start3A_167 : memref<10240x128xf32, #tpu.memory_space<vmem_shared>>) offsets(%dma_start3A_164 : memref<128xi32, #tpu.memory_space<vmem>>) semaphore(%run_scoped3A : memref<!tpu.dma_semaphore, #tpu.memory_space<semaphore_mem>>) {add = true}
        %dma_wait3A_168 = arith.constant 0 : i32
        %dma_wait3A_169 = tpu.memref_slice %arg8[%add3A_107, %dma_wait3A_168] : memref<40x128xi32, #tpu.memory_space<vmem>> -> memref<1x128xi32, #tpu.memory_space<vmem>>
        %dma_wait3A_170 = tpu.memref_squeeze %dma_wait3A_169 : memref<1x128xi32, #tpu.memory_space<vmem>> -> memref<128xi32, #tpu.memory_space<vmem>>
        %dma_wait3A_171 = arith.constant 0 : i32
        %dma_wait3A_172 = arith.constant 0 : i32
        %dma_wait3A_173 = tpu.memref_slice %arg11[%dma_wait3A_171, %dma_wait3A_172] : memref<10240x128xf32, #tpu.memory_space<vmem_shared>> -> memref<10240x128xf32, #tpu.memory_space<vmem_shared>>
        tpu.wait_indirect_dma semaphore(%run_scoped3A : memref<!tpu.dma_semaphore, #tpu.memory_space<semaphore_mem>>) src(%arg9 : memref<128x128xf32, #tpu.memory_space<vmem>>) dst(%dma_wait3A_173 : memref<10240x128xf32, #tpu.memory_space<vmem_shared>>)
        tpu.yield
      }) : () -> ()
      %add3A_127 = arith.constant 2 : i32
      %add3A_128 = arith.addi %add3A_107, %add3A_127 : i32
      %lt3A = arith.constant 40 : i32
      %lt3A_129 = arith.cmpi slt, %add3A_128, %lt3A : i32
      %convert_element_type3A_130 = arith.extui %lt3A_129 : i1 to i32
      %cond3A_131 = arith.constant 0 : i32
      %cond3A_132 = arith.cmpi ne, %convert_element_type3A_130, %cond3A_131 : i32
      scf.if %cond3A_132 {
        %dma_start3A_162 = arith.constant 0 : i32
        %dma_start3A_163 = arith.constant 0 : i32
        %dma_start3A_164 = tpu.memref_slice %arg9[%dma_start3A_162, %dma_start3A_163] : memref<128x128xf32, #tpu.memory_space<vmem>> -> memref<64x128xf32, #tpu.memory_space<vmem>>
        %dma_start3A_165 = arith.constant 0 : i32
        %dma_start3A_166 = tpu.memref_slice %arg7[%add3A_128, %dma_start3A_165] : memref<40x128xi32, #tpu.memory_space<vmem>> -> memref<1x64xi32, #tpu.memory_space<vmem>>
        %dma_start3A_167 = tpu.memref_squeeze %dma_start3A_166 : memref<1x64xi32, #tpu.memory_space<vmem>> -> memref<64xi32, #tpu.memory_space<vmem>>
        %dma_start3A_168 = arith.constant 0 : i32
        %dma_start3A_169 = arith.constant 0 : i32
        %dma_start3A_170 = tpu.memref_slice %arg4[%dma_start3A_168, %dma_start3A_169] : memref<10240x128xf32, #tpu.memory_space<hbm>> -> memref<10240x128xf32, #tpu.memory_space<hbm>>
        tpu.enqueue_indirect_dma source(%dma_start3A_170 : memref<10240x128xf32, #tpu.memory_space<hbm>>) target(%dma_start3A_164 : memref<64x128xf32, #tpu.memory_space<vmem>>) offsets(%dma_start3A_167 : memref<64xi32, #tpu.memory_space<vmem>>) semaphore(%arg12 : memref<!tpu.dma_semaphore, #tpu.memory_space<semaphore_mem>>)
        %dma_start3A_171 = arith.constant 64 : i32
        %dma_start3A_172 = arith.constant 0 : i32
        %dma_start3A_173 = tpu.memref_slice %arg9[%dma_start3A_171, %dma_start3A_172] : memref<128x128xf32, #tpu.memory_space<vmem>> -> memref<64x128xf32, #tpu.memory_space<vmem>>
        %dma_start3A_174 = arith.constant 64 : i32
        %dma_start3A_175 = tpu.memref_slice %arg7[%add3A_128, %dma_start3A_174] : memref<40x128xi32, #tpu.memory_space<vmem>> -> memref<1x64xi32, #tpu.memory_space<vmem>>
        %dma_start3A_176 = tpu.memref_squeeze %dma_start3A_175 : memref<1x64xi32, #tpu.memory_space<vmem>> -> memref<64xi32, #tpu.memory_space<vmem>>
        %dma_start3A_177 = arith.constant 0 : i32
        %dma_start3A_178 = arith.constant 0 : i32
        %dma_start3A_179 = tpu.memref_slice %arg4[%dma_start3A_177, %dma_start3A_178] : memref<10240x128xf32, #tpu.memory_space<hbm>> -> memref<10240x128xf32, #tpu.memory_space<hbm>>
        tpu.enqueue_indirect_dma source(%dma_start3A_179 : memref<10240x128xf32, #tpu.memory_space<hbm>>) target(%dma_start3A_173 : memref<64x128xf32, #tpu.memory_space<vmem>>) offsets(%dma_start3A_176 : memref<64xi32, #tpu.memory_space<vmem>>) semaphore(%arg12 : memref<!tpu.dma_semaphore, #tpu.memory_space<semaphore_mem>>)
      } else {
      }
      %add3A_133 = arith.constant 1 : i32
      %add3A_134 = arith.addi %add3A_105, %add3A_133 : i32
      %dma_wait3A_135 = arith.constant 0 : i32
      %dma_wait3A_136 = arith.constant 0 : i32
      %dma_wait3A_137 = arith.constant 0 : i32
      %dma_wait3A_138 = tpu.memref_slice %arg10[%dma_wait3A_136, %dma_wait3A_137] : memref<128x128xf32, #tpu.memory_space<vmem>> -> memref<64x128xf32, #tpu.memory_space<vmem>>
      %dma_wait3A_139 = arith.constant 0 : i32
      %dma_wait3A_140 = tpu.memref_slice %arg7[%dma_wait3A_135, %dma_wait3A_139] : memref<40x128xi32, #tpu.memory_space<vmem>> -> memref<1x64xi32, #tpu.memory_space<vmem>>
      %dma_wait3A_141 = tpu.memref_squeeze %dma_wait3A_140 : memref<1x64xi32, #tpu.memory_space<vmem>> -> memref<64xi32, #tpu.memory_space<vmem>>
      %dma_wait3A_142 = arith.constant 0 : i32
      %dma_wait3A_143 = arith.constant 0 : i32
      %dma_wait3A_144 = tpu.memref_slice %arg4[%dma_wait3A_142, %dma_wait3A_143] : memref<10240x128xf32, #tpu.memory_space<hbm>> -> memref<10240x128xf32, #tpu.memory_space<hbm>>
      tpu.wait_indirect_dma semaphore(%arg13 : memref<!tpu.dma_semaphore, #tpu.memory_space<semaphore_mem>>) src(%dma_wait3A_144 : memref<10240x128xf32, #tpu.memory_space<hbm>>) dst(%dma_wait3A_138 : memref<64x128xf32, #tpu.memory_space<vmem>>)
      %dma_wait3A_145 = arith.constant 0 : i32
      %dma_wait3A_146 = arith.constant 0 : i32
      %dma_wait3A_147 = arith.constant 0 : i32
      %dma_wait3A_148 = tpu.memref_slice %arg10[%dma_wait3A_146, %dma_wait3A_147] : memref<128x128xf32, #tpu.memory_space<vmem>> -> memref<64x128xf32, #tpu.memory_space<vmem>>
      %dma_wait3A_149 = arith.constant 0 : i32
      %dma_wait3A_150 = tpu.memref_slice %arg7[%dma_wait3A_145, %dma_wait3A_149] : memref<40x128xi32, #tpu.memory_space<vmem>> -> memref<1x64xi32, #tpu.memory_space<vmem>>
      %dma_wait3A_151 = tpu.memref_squeeze %dma_wait3A_150 : memref<1x64xi32, #tpu.memory_space<vmem>> -> memref<64xi32, #tpu.memory_space<vmem>>
      %dma_wait3A_152 = arith.constant 0 : i32
      %dma_wait3A_153 = arith.constant 0 : i32
      %dma_wait3A_154 = tpu.memref_slice %arg4[%dma_wait3A_152, %dma_wait3A_153] : memref<10240x128xf32, #tpu.memory_space<hbm>> -> memref<10240x128xf32, #tpu.memory_space<hbm>>
      tpu.wait_indirect_dma semaphore(%arg13 : memref<!tpu.dma_semaphore, #tpu.memory_space<semaphore_mem>>) src(%dma_wait3A_154 : memref<10240x128xf32, #tpu.memory_space<hbm>>) dst(%dma_wait3A_148 : memref<64x128xf32, #tpu.memory_space<vmem>>)
      "tpu.region"() ({
        %run_scoped3A = tpu.sem_alloc : memref<!tpu.dma_semaphore, #tpu.memory_space<semaphore_mem>>
        %dma_start3A_162 = arith.constant 0 : i32
        %dma_start3A_163 = tpu.memref_slice %arg8[%add3A_134, %dma_start3A_162] : memref<40x128xi32, #tpu.memory_space<vmem>> -> memref<1x128xi32, #tpu.memory_space<vmem>>
        %dma_start3A_164 = tpu.memref_squeeze %dma_start3A_163 : memref<1x128xi32, #tpu.memory_space<vmem>> -> memref<128xi32, #tpu.memory_space<vmem>>
        %dma_start3A_165 = arith.constant 0 : i32
        %dma_start3A_166 = arith.constant 0 : i32
        %dma_start3A_167 = tpu.memref_slice %arg11[%dma_start3A_165, %dma_start3A_166] : memref<10240x128xf32, #tpu.memory_space<vmem_shared>> -> memref<10240x128xf32, #tpu.memory_space<vmem_shared>>
        tpu.enqueue_indirect_dma source(%arg10 : memref<128x128xf32, #tpu.memory_space<vmem>>) target(%dma_start3A_167 : memref<10240x128xf32, #tpu.memory_space<vmem_shared>>) offsets(%dma_start3A_164 : memref<128xi32, #tpu.memory_space<vmem>>) semaphore(%run_scoped3A : memref<!tpu.dma_semaphore, #tpu.memory_space<semaphore_mem>>) {add = true}
        %dma_wait3A_168 = arith.constant 0 : i32
        %dma_wait3A_169 = tpu.memref_slice %arg8[%add3A_134, %dma_wait3A_168] : memref<40x128xi32, #tpu.memory_space<vmem>> -> memref<1x128xi32, #tpu.memory_space<vmem>>
        %dma_wait3A_170 = tpu.memref_squeeze %dma_wait3A_169 : memref<1x128xi32, #tpu.memory_space<vmem>> -> memref<128xi32, #tpu.memory_space<vmem>>
        %dma_wait3A_171 = arith.constant 0 : i32
        %dma_wait3A_172 = arith.constant 0 : i32
        %dma_wait3A_173 = tpu.memref_slice %arg11[%dma_wait3A_171, %dma_wait3A_172] : memref<10240x128xf32, #tpu.memory_space<vmem_shared>> -> memref<10240x128xf32, #tpu.memory_space<vmem_shared>>
        tpu.wait_indirect_dma semaphore(%run_scoped3A : memref<!tpu.dma_semaphore, #tpu.memory_space<semaphore_mem>>) src(%arg10 : memref<128x128xf32, #tpu.memory_space<vmem>>) dst(%dma_wait3A_173 : memref<10240x128xf32, #tpu.memory_space<vmem_shared>>)
        tpu.yield
      }) : () -> ()
      %add3A_155 = arith.constant 2 : i32
      %add3A_156 = arith.addi %add3A_134, %add3A_155 : i32
      %lt3A_157 = arith.constant 40 : i32
      %lt3A_158 = arith.cmpi slt, %add3A_156, %lt3A_157 : i32
      %convert_element_type3A_159 = arith.extui %lt3A_158 : i1 to i32
      %cond3A_160 = arith.constant 0 : i32
      %cond3A_161 = arith.cmpi ne, %convert_element_type3A_159, %cond3A_160 : i32
      scf.if %cond3A_161 {
        %dma_start3A_162 = arith.constant 0 : i32
        %dma_start3A_163 = arith.constant 0 : i32
        %dma_start3A_164 = tpu.memref_slice %arg10[%dma_start3A_162, %dma_start3A_163] : memref<128x128xf32, #tpu.memory_space<vmem>> -> memref<64x128xf32, #tpu.memory_space<vmem>>
        %dma_start3A_165 = arith.constant 0 : i32
        %dma_start3A_166 = tpu.memref_slice %arg7[%add3A_156, %dma_start3A_165] : memref<40x128xi32, #tpu.memory_space<vmem>> -> memref<1x64xi32, #tpu.memory_space<vmem>>
        %dma_start3A_167 = tpu.memref_squeeze %dma_start3A_166 : memref<1x64xi32, #tpu.memory_space<vmem>> -> memref<64xi32, #tpu.memory_space<vmem>>
        %dma_start3A_168 = arith.constant 0 : i32
        %dma_start3A_169 = arith.constant 0 : i32
        %dma_start3A_170 = tpu.memref_slice %arg4[%dma_start3A_168, %dma_start3A_169] : memref<10240x128xf32, #tpu.memory_space<hbm>> -> memref<10240x128xf32, #tpu.memory_space<hbm>>
        tpu.enqueue_indirect_dma source(%dma_start3A_170 : memref<10240x128xf32, #tpu.memory_space<hbm>>) target(%dma_start3A_164 : memref<64x128xf32, #tpu.memory_space<vmem>>) offsets(%dma_start3A_167 : memref<64xi32, #tpu.memory_space<vmem>>) semaphore(%arg13 : memref<!tpu.dma_semaphore, #tpu.memory_space<semaphore_mem>>)
        %dma_start3A_171 = arith.constant 64 : i32
        %dma_start3A_172 = arith.constant 0 : i32
        %dma_start3A_173 = tpu.memref_slice %arg10[%dma_start3A_171, %dma_start3A_172] : memref<128x128xf32, #tpu.memory_space<vmem>> -> memref<64x128xf32, #tpu.memory_space<vmem>>
        %dma_start3A_174 = arith.constant 64 : i32
        %dma_start3A_175 = tpu.memref_slice %arg7[%add3A_156, %dma_start3A_174] : memref<40x128xi32, #tpu.memory_space<vmem>> -> memref<1x64xi32, #tpu.memory_space<vmem>>
        %dma_start3A_176 = tpu.memref_squeeze %dma_start3A_175 : memref<1x64xi32, #tpu.memory_space<vmem>> -> memref<64xi32, #tpu.memory_space<vmem>>
        %dma_start3A_177 = arith.constant 0 : i32
        %dma_start3A_178 = arith.constant 0 : i32
        %dma_start3A_179 = tpu.memref_slice %arg4[%dma_start3A_177, %dma_start3A_178] : memref<10240x128xf32, #tpu.memory_space<hbm>> -> memref<10240x128xf32, #tpu.memory_space<hbm>>
        tpu.enqueue_indirect_dma source(%dma_start3A_179 : memref<10240x128xf32, #tpu.memory_space<hbm>>) target(%dma_start3A_173 : memref<64x128xf32, #tpu.memory_space<vmem>>) offsets(%dma_start3A_176 : memref<64xi32, #tpu.memory_space<vmem>>) semaphore(%arg13 : memref<!tpu.dma_semaphore, #tpu.memory_space<semaphore_mem>>)
      } else {
      }
    }
    %scan3A_95 = arith.constant 20 : i32
    %barrier3A_96 = arith.constant 0 : index
    tpu.barrier barrier_id(%barrier3A_96)
    %mul3A_97 = arith.constant 640 : i32
    %mul3A_98 = arith.muli %arg1, %mul3A_97 : i32
    %mul3A_99 = arith.constant 640 : i32
    %mul3A_100 = arith.muli %arg1, %mul3A_99 : i32
    "tpu.region"() ({
      %run_scoped3A = tpu.sem_alloc : memref<!tpu.dma_semaphore, #tpu.memory_space<semaphore_mem>>
      %dma_start3A_101 = arith.constant 0 : i32
      %dma_start3A_102 = tpu.memref_slice %arg6[%arg0, %mul3A_100, %dma_start3A_101] : memref<2x10240x128xf32, #tpu.memory_space<hbm>> -> memref<1x640x128xf32, #tpu.memory_space<hbm>>
      %dma_start3A_103 = tpu.memref_squeeze %dma_start3A_102 : memref<1x640x128xf32, #tpu.memory_space<hbm>> -> memref<640x128xf32, #tpu.memory_space<hbm>>
      %dma_start3A_104 = arith.constant 0 : i32
      %dma_start3A_105 = tpu.memref_slice %arg11[%mul3A_98, %dma_start3A_104] : memref<10240x128xf32, #tpu.memory_space<vmem_shared>> -> memref<640x128xf32, #tpu.memory_space<vmem_shared>>
      tpu.enqueue_dma source(%dma_start3A_105 : memref<640x128xf32, #tpu.memory_space<vmem_shared>>) target(%dma_start3A_103 : memref<640x128xf32, #tpu.memory_space<hbm>>) target_semaphore(%run_scoped3A : memref<!tpu.dma_semaphore, #tpu.memory_space<semaphore_mem>>)
      %dma_wait3A = arith.constant 0 : i32
      %dma_wait3A_106 = tpu.memref_slice %arg6[%arg0, %mul3A_100, %dma_wait3A] : memref<2x10240x128xf32, #tpu.memory_space<hbm>> -> memref<1x640x128xf32, #tpu.memory_space<hbm>>
      %dma_wait3A_107 = tpu.memref_squeeze %dma_wait3A_106 : memref<1x640x128xf32, #tpu.memory_space<hbm>> -> memref<640x128xf32, #tpu.memory_space<hbm>>
      %dma_wait3A_108 = arith.constant 0 : i32
      %dma_wait3A_109 = tpu.memref_slice %arg11[%mul3A_98, %dma_wait3A_108] : memref<10240x128xf32, #tpu.memory_space<vmem_shared>> -> memref<640x128xf32, #tpu.memory_space<vmem_shared>>
      tpu.wait_dma2 semaphore(%run_scoped3A : memref<!tpu.dma_semaphore, #tpu.memory_space<semaphore_mem>>) src(%dma_wait3A_109 : memref<640x128xf32, #tpu.memory_space<vmem_shared>>) dst(%dma_wait3A_107 : memref<640x128xf32, #tpu.memory_space<hbm>>)
      tpu.yield
    }) : () -> ()
    return
  }
}

module attributes {stable_mosaic.version = 14 : i64} {
  func.func @_tc_deg_body(%arg0: i32, %arg1: memref<2x2560xf32, #tpu.memory_space<vmem>>, %arg2: memref<1x2560xf32, #tpu.memory_space<vmem>>) attributes {dimension_semantics = [#tpu.dimension_semantics<arbitrary>], iteration_bounds = array<i64: 4>, scalar_prefetch = 0 : i64, scratch_operands = 0 : i64, tpu.core_type = #tpu.core_type<tc>, window_params = [{transform_indices = @transform_0, window_bounds = array<i64: 2, 2560>}, {transform_indices = @transform_1, window_bounds = array<i64: 1, 2560>}]} {
    %get3A = arith.constant 0 : index
    %get3A_0 = arith.constant 0 : index
    %get3A_1 = vector.load %arg1[%get3A, %get3A_0] : memref<2x2560xf32, #tpu.memory_space<vmem>>, vector<2x2560xf32>
    %reduce_sum3A = arith.constant dense<0.000000e+00> : vector<2560xf32>
    %reduce_sum3A_2 = vector.multi_reduction <add>, %get3A_1, %reduce_sum3A [0] : vector<2x2560xf32> to vector<2560xf32>
    %broadcast_in_dim3A = vector.shape_cast %reduce_sum3A_2 : vector<2560xf32> to vector<1x2560xf32>
    %add3A = arith.constant 1.000000e+00 : f32
    %add3A_3 = vector.broadcast %add3A : f32 to vector<1x2560xf32>
    %add3A_4 = arith.addf %broadcast_in_dim3A, %add3A_3 : vector<1x2560xf32>
    %rsqrt3A = math.rsqrt %add3A_4 : vector<1x2560xf32>
    %swap3A = arith.constant 0 : index
    %swap3A_5 = arith.constant 0 : index
    %swap3A_6 = vector.load %arg2[%swap3A, %swap3A_5] : memref<1x2560xf32, #tpu.memory_space<vmem>>, vector<1x2560xf32>
    tpu.vector_store %arg2[%swap3A, %swap3A_5], %rsqrt3A {strides = array<i32>} : memref<1x2560xf32, #tpu.memory_space<vmem>>, vector<1x2560xf32>,
    return
  }
  func.func @transform_0(%arg0: i32) -> (i32, i32) {
    %c0_i32 = arith.constant 0 : i32
    %c0_i32_0 = arith.constant 0 : i32
    return %c0_i32, %arg0 : i32, i32
  }
  func.func @transform_1(%arg0: i32) -> (i32, i32) {
    %c0_i32 = arith.constant 0 : i32
    %c0_i32_0 = arith.constant 0 : i32
    return %c0_i32, %arg0 : i32, i32
  }
}

module attributes {stable_mosaic.version = 14 : i64} {
  func.func @_tc_u1_body(%arg0: i32, %arg1: memref<2560x128xf32, #tpu.memory_space<vmem>>, %arg2: memref<128x128xf32, #tpu.memory_space<vmem>>, %arg3: memref<1x128xf32, #tpu.memory_space<vmem>>, %arg4: memref<2560x1xf32, #tpu.memory_space<vmem>>, %arg5: memref<128x128xf32, #tpu.memory_space<vmem>>, %arg6: memref<2560x128xf32, #tpu.memory_space<vmem>>) attributes {dimension_semantics = [#tpu.dimension_semantics<arbitrary>], iteration_bounds = array<i64: 4>, scalar_prefetch = 0 : i64, scratch_operands = 0 : i64, tpu.core_type = #tpu.core_type<tc>, window_params = [{transform_indices = @transform_0, window_bounds = array<i64: 2560, 128>}, {pipeline_mode = #tpu.pipeline_mode<synchronous>, transform_indices = @transform_1, window_bounds = array<i64: 128, 128>}, {pipeline_mode = #tpu.pipeline_mode<synchronous>, transform_indices = @transform_2, window_bounds = array<i64: 1, 128>}, {transform_indices = @transform_3, window_bounds = array<i64: 2560, 1>}, {pipeline_mode = #tpu.pipeline_mode<synchronous>, transform_indices = @transform_4, window_bounds = array<i64: 128, 128>}, {transform_indices = @transform_5, window_bounds = array<i64: 2560, 128>}]} {
    %get3A = arith.constant 0 : index
    %get3A_0 = arith.constant 0 : index
    %get3A_1 = vector.load %arg1[%get3A, %get3A_0] : memref<2560x128xf32, #tpu.memory_space<vmem>>, vector<2560x128xf32>
    %get3A_2 = arith.constant 0 : index
    %get3A_3 = arith.constant 0 : index
    %get3A_4 = vector.load %arg2[%get3A_2, %get3A_3] : memref<128x128xf32, #tpu.memory_space<vmem>>, vector<128x128xf32>
    %dot_general3A = arith.constant dense<0.000000e+00> : vector<2560x128xf32>
    %dot_general3A_5 = tpu.matmul %get3A_1, %get3A_4, %dot_general3A {dimension_numbers = #tpu.dot_dimension_numbers<[1], [0], [0], [1], [0, 0, 1, 1], [], []>, transpose_lhs_hint = false} : vector<2560x128xf32>, vector<128x128xf32>, vector<2560x128xf32> -> vector<2560x128xf32>
    %get3A_6 = arith.constant 0 : index
    %get3A_7 = arith.constant 0 : index
    %get3A_8 = vector.load %arg3[%get3A_6, %get3A_7] : memref<1x128xf32, #tpu.memory_space<vmem>>, vector<1x128xf32>
    %add3A = vector.broadcast %get3A_8 : vector<1x128xf32> to vector<2560x128xf32>
    %add3A_9 = arith.addf %dot_general3A_5, %add3A : vector<2560x128xf32>
    %get3A_10 = arith.constant 0 : index
    %get3A_11 = arith.constant 0 : index
    %get3A_12 = vector.load %arg4[%get3A_10, %get3A_11] : memref<2560x1xf32, #tpu.memory_space<vmem>>, vector<2560x1xf32>
    %mul3A = vector.broadcast %get3A_12 : vector<2560x1xf32> to vector<2560x128xf32>
    %mul3A_13 = arith.mulf %mul3A, %add3A_9 : vector<2560x128xf32>
    %get3A_14 = arith.constant 0 : index
    %get3A_15 = arith.constant 0 : index
    %get3A_16 = vector.load %arg5[%get3A_14, %get3A_15] : memref<128x128xf32, #tpu.memory_space<vmem>>, vector<128x128xf32>
    %dot_general3A_17 = arith.constant dense<0.000000e+00> : vector<2560x128xf32>
    %dot_general3A_18 = tpu.matmul %mul3A_13, %get3A_16, %dot_general3A_17 {dimension_numbers = #tpu.dot_dimension_numbers<[1], [0], [0], [1], [0, 0, 1, 1], [], []>, transpose_lhs_hint = false} : vector<2560x128xf32>, vector<128x128xf32>, vector<2560x128xf32> -> vector<2560x128xf32>
    %swap3A = arith.constant 0 : index
    %swap3A_19 = arith.constant 0 : index
    %swap3A_20 = vector.load %arg6[%swap3A, %swap3A_19] : memref<2560x128xf32, #tpu.memory_space<vmem>>, vector<2560x128xf32>
    tpu.vector_store %arg6[%swap3A, %swap3A_19], %dot_general3A_18 {strides = array<i32>} : memref<2560x128xf32, #tpu.memory_space<vmem>>, vector<2560x128xf32>,
    return
  }
  func.func @transform_0(%arg0: i32) -> (i32, i32) {
    %c0_i32 = arith.constant 0 : i32
    %c0_i32_0 = arith.constant 0 : i32
    return %arg0, %c0_i32 : i32, i32
  }
  func.func @transform_1(%arg0: i32) -> (i32, i32) {
    %c0_i32 = arith.constant 0 : i32
    %c0_i32_0 = arith.constant 0 : i32
    %c0_i32_1 = arith.constant 0 : i32
    return %c0_i32, %c0_i32_0 : i32, i32
  }
  func.func @transform_2(%arg0: i32) -> (i32, i32) {
    %c0_i32 = arith.constant 0 : i32
    %c0_i32_0 = arith.constant 0 : i32
    %c0_i32_1 = arith.constant 0 : i32
    return %c0_i32, %c0_i32_0 : i32, i32
  }
  func.func @transform_3(%arg0: i32) -> (i32, i32) {
    %c0_i32 = arith.constant 0 : i32
    %c0_i32_0 = arith.constant 0 : i32
    return %arg0, %c0_i32 : i32, i32
  }
  func.func @transform_4(%arg0: i32) -> (i32, i32) {
    %c0_i32 = arith.constant 0 : i32
    %c0_i32_0 = arith.constant 0 : i32
    %c0_i32_1 = arith.constant 0 : i32
    return %c0_i32, %c0_i32_0 : i32, i32
  }
  func.func @transform_5(%arg0: i32) -> (i32, i32) {
    %c0_i32 = arith.constant 0 : i32
    %c0_i32_0 = arith.constant 0 : i32
    return %arg0, %c0_i32 : i32, i32
  }
}

module attributes {stable_mosaic.version = 14 : i64} {
  func.func @_tc_layer_body(%arg0: i32, %arg1: memref<2x2560x128xf32, #tpu.memory_space<vmem>>, %arg2: memref<2560x1xf32, #tpu.memory_space<vmem>>, %arg3: memref<1x128xf32, #tpu.memory_space<vmem>>, %arg4: memref<128x128xf32, #tpu.memory_space<vmem>>, %arg5: memref<2560x128xf32, #tpu.memory_space<vmem>>, %arg6: memref<2560x128xf32, #tpu.memory_space<vmem>>) attributes {dimension_semantics = [#tpu.dimension_semantics<arbitrary>], iteration_bounds = array<i64: 4>, scalar_prefetch = 0 : i64, scratch_operands = 0 : i64, tpu.core_type = #tpu.core_type<tc>, window_params = [{transform_indices = @transform_0, window_bounds = array<i64: 2, 2560, 128>}, {transform_indices = @transform_1, window_bounds = array<i64: 2560, 1>}, {pipeline_mode = #tpu.pipeline_mode<synchronous>, transform_indices = @transform_2, window_bounds = array<i64: 1, 128>}, {pipeline_mode = #tpu.pipeline_mode<synchronous>, transform_indices = @transform_3, window_bounds = array<i64: 128, 128>}, {transform_indices = @transform_4, window_bounds = array<i64: 2560, 128>}, {transform_indices = @transform_5, window_bounds = array<i64: 2560, 128>}]} {
    %get3A = arith.constant 0 : index
    %get3A_0 = arith.constant 0 : index
    %get3A_1 = arith.constant 0 : index
    %get3A_2 = vector.load %arg1[%get3A, %get3A_0, %get3A_1] : memref<2x2560x128xf32, #tpu.memory_space<vmem>>, vector<1x2560x128xf32>
    %get3A_3 = vector.shape_cast %get3A_2 : vector<1x2560x128xf32> to vector<2560x128xf32>
    %get3A_4 = arith.constant 1 : index
    %get3A_5 = arith.constant 0 : index
    %get3A_6 = arith.constant 0 : index
    %get3A_7 = vector.load %arg1[%get3A_4, %get3A_5, %get3A_6] : memref<2x2560x128xf32, #tpu.memory_space<vmem>>, vector<1x2560x128xf32>
    %get3A_8 = vector.shape_cast %get3A_7 : vector<1x2560x128xf32> to vector<2560x128xf32>
    %add3A = arith.addf %get3A_3, %get3A_8 : vector<2560x128xf32>
    %get3A_9 = arith.constant 0 : index
    %get3A_10 = arith.constant 0 : index
    %get3A_11 = vector.load %arg2[%get3A_9, %get3A_10] : memref<2560x1xf32, #tpu.memory_space<vmem>>, vector<2560x1xf32>
    %mul3A = vector.broadcast %get3A_11 : vector<2560x1xf32> to vector<2560x128xf32>
    %mul3A_12 = arith.mulf %mul3A, %add3A : vector<2560x128xf32>
    %get3A_13 = arith.constant 0 : index
    %get3A_14 = arith.constant 0 : index
    %get3A_15 = vector.load %arg3[%get3A_13, %get3A_14] : memref<1x128xf32, #tpu.memory_space<vmem>>, vector<1x128xf32>
    %add3A_16 = vector.broadcast %get3A_15 : vector<1x128xf32> to vector<2560x128xf32>
    %add3A_17 = arith.addf %mul3A_12, %add3A_16 : vector<2560x128xf32>
    %max3A = arith.constant 0.000000e+00 : f32
    %max3A_18 = vector.broadcast %max3A : f32 to vector<2560x128xf32>
    %max3A_19 = arith.maximumf %add3A_17, %max3A_18 : vector<2560x128xf32>
    %swap3A = arith.constant 0 : index
    %swap3A_20 = arith.constant 0 : index
    %swap3A_21 = vector.load %arg5[%swap3A, %swap3A_20] : memref<2560x128xf32, #tpu.memory_space<vmem>>, vector<2560x128xf32>
    tpu.vector_store %arg5[%swap3A, %swap3A_20], %max3A_19 {strides = array<i32>} : memref<2560x128xf32, #tpu.memory_space<vmem>>, vector<2560x128xf32>,
    %mul3A_22 = vector.broadcast %get3A_11 : vector<2560x1xf32> to vector<2560x128xf32>
    %mul3A_23 = arith.mulf %mul3A_22, %max3A_19 : vector<2560x128xf32>
    %get3A_24 = arith.constant 0 : index
    %get3A_25 = arith.constant 0 : index
    %get3A_26 = vector.load %arg4[%get3A_24, %get3A_25] : memref<128x128xf32, #tpu.memory_space<vmem>>, vector<128x128xf32>
    %dot_general3A = arith.constant dense<0.000000e+00> : vector<2560x128xf32>
    %dot_general3A_27 = tpu.matmul %mul3A_23, %get3A_26, %dot_general3A {dimension_numbers = #tpu.dot_dimension_numbers<[1], [0], [0], [1], [0, 0, 1, 1], [], []>, transpose_lhs_hint = false} : vector<2560x128xf32>, vector<128x128xf32>, vector<2560x128xf32> -> vector<2560x128xf32>
    %swap3A_28 = arith.constant 0 : index
    %swap3A_29 = arith.constant 0 : index
    %swap3A_30 = vector.load %arg6[%swap3A_28, %swap3A_29] : memref<2560x128xf32, #tpu.memory_space<vmem>>, vector<2560x128xf32>
    tpu.vector_store %arg6[%swap3A_28, %swap3A_29], %dot_general3A_27 {strides = array<i32>} : memref<2560x128xf32, #tpu.memory_space<vmem>>, vector<2560x128xf32>,
    return
  }
  func.func @transform_0(%arg0: i32) -> (i32, i32, i32) {
    %c0_i32 = arith.constant 0 : i32
    %c0_i32_0 = arith.constant 0 : i32
    %c0_i32_1 = arith.constant 0 : i32
    return %c0_i32, %arg0, %c0_i32_0 : i32, i32, i32
  }
  func.func @transform_1(%arg0: i32) -> (i32, i32) {
    %c0_i32 = arith.constant 0 : i32
    %c0_i32_0 = arith.constant 0 : i32
    return %arg0, %c0_i32 : i32, i32
  }
  func.func @transform_2(%arg0: i32) -> (i32, i32) {
    %c0_i32 = arith.constant 0 : i32
    %c0_i32_0 = arith.constant 0 : i32
    %c0_i32_1 = arith.constant 0 : i32
    return %c0_i32, %c0_i32_0 : i32, i32
  }
  func.func @transform_3(%arg0: i32) -> (i32, i32) {
    %c0_i32 = arith.constant 0 : i32
    %c0_i32_0 = arith.constant 0 : i32
    %c0_i32_1 = arith.constant 0 : i32
    return %c0_i32, %c0_i32_0 : i32, i32
  }
  func.func @transform_4(%arg0: i32) -> (i32, i32) {
    %c0_i32 = arith.constant 0 : i32
    %c0_i32_0 = arith.constant 0 : i32
    return %arg0, %c0_i32 : i32, i32
  }
  func.func @transform_5(%arg0: i32) -> (i32, i32) {
    %c0_i32 = arith.constant 0 : i32
    %c0_i32_0 = arith.constant 0 : i32
    return %arg0, %c0_i32 : i32, i32
  }
}

module attributes {stable_mosaic.version = 14 : i64} {
  func.func @_tc_final_body(%arg0: i32, %arg1: memref<2x2560x128xf32, #tpu.memory_space<vmem>>, %arg2: memref<2560x1xf32, #tpu.memory_space<vmem>>, %arg3: memref<1x128xf32, #tpu.memory_space<vmem>>, %arg4: memref<2560x128xf32, #tpu.memory_space<vmem>>, %arg5: memref<2560x128xf32, #tpu.memory_space<vmem>>, %arg6: memref<128x128xf32, #tpu.memory_space<vmem>>, %arg7: memref<128x128xf32, #tpu.memory_space<vmem>>, %arg8: memref<128x128xf32, #tpu.memory_space<vmem>>, %arg9: memref<1x128xf32, #tpu.memory_space<vmem>>, %arg10: memref<1x2560xi32, #tpu.memory_space<vmem>>, %arg11: memref<128x128xf32, #tpu.memory_space<vmem>>, %arg12: memref<128x128xf32, #tpu.memory_space<vmem>>, %arg13: memref<128x1xf32, #tpu.memory_space<vmem>>) attributes {dimension_semantics = [#tpu.dimension_semantics<arbitrary>], iteration_bounds = array<i64: 4>, scalar_prefetch = 0 : i64, scratch_operands = 2 : i64, tpu.core_type = #tpu.core_type<tc>, window_params = [{transform_indices = @transform_0, window_bounds = array<i64: 2, 2560, 128>}, {transform_indices = @transform_1, window_bounds = array<i64: 2560, 1>}, {pipeline_mode = #tpu.pipeline_mode<synchronous>, transform_indices = @transform_2, window_bounds = array<i64: 1, 128>}, {transform_indices = @transform_3, window_bounds = array<i64: 2560, 128>}, {transform_indices = @transform_4, window_bounds = array<i64: 2560, 128>}, {pipeline_mode = #tpu.pipeline_mode<synchronous>, transform_indices = @transform_5, window_bounds = array<i64: 128, 128>}, {pipeline_mode = #tpu.pipeline_mode<synchronous>, transform_indices = @transform_6, window_bounds = array<i64: 128, 128>}, {pipeline_mode = #tpu.pipeline_mode<synchronous>, transform_indices = @transform_7, window_bounds = array<i64: 128, 128>}, {pipeline_mode = #tpu.pipeline_mode<synchronous>, transform_indices = @transform_8, window_bounds = array<i64: 1, 128>}, {transform_indices = @transform_9, window_bounds = array<i64: 1, 2560>}, {pipeline_mode = #tpu.pipeline_mode<synchronous>, transform_indices = @transform_10, window_bounds = array<i64: 128, 128>}]} {
    %get3A = arith.constant 0 : index
    %get3A_0 = arith.constant 0 : index
    %get3A_1 = arith.constant 0 : index
    %get3A_2 = vector.load %arg1[%get3A, %get3A_0, %get3A_1] : memref<2x2560x128xf32, #tpu.memory_space<vmem>>, vector<1x2560x128xf32>
    %get3A_3 = vector.shape_cast %get3A_2 : vector<1x2560x128xf32> to vector<2560x128xf32>
    %get3A_4 = arith.constant 1 : index
    %get3A_5 = arith.constant 0 : index
    %get3A_6 = arith.constant 0 : index
    %get3A_7 = vector.load %arg1[%get3A_4, %get3A_5, %get3A_6] : memref<2x2560x128xf32, #tpu.memory_space<vmem>>, vector<1x2560x128xf32>
    %get3A_8 = vector.shape_cast %get3A_7 : vector<1x2560x128xf32> to vector<2560x128xf32>
    %add3A = arith.addf %get3A_3, %get3A_8 : vector<2560x128xf32>
    %get3A_9 = arith.constant 0 : index
    %get3A_10 = arith.constant 0 : index
    %get3A_11 = vector.load %arg2[%get3A_9, %get3A_10] : memref<2560x1xf32, #tpu.memory_space<vmem>>, vector<2560x1xf32>
    %mul3A = vector.broadcast %get3A_11 : vector<2560x1xf32> to vector<2560x128xf32>
    %mul3A_12 = arith.mulf %mul3A, %add3A : vector<2560x128xf32>
    %get3A_13 = arith.constant 0 : index
    %get3A_14 = arith.constant 0 : index
    %get3A_15 = vector.load %arg3[%get3A_13, %get3A_14] : memref<1x128xf32, #tpu.memory_space<vmem>>, vector<1x128xf32>
    %add3A_16 = vector.broadcast %get3A_15 : vector<1x128xf32> to vector<2560x128xf32>
    %add3A_17 = arith.addf %mul3A_12, %add3A_16 : vector<2560x128xf32>
    %max3A = arith.constant 0.000000e+00 : f32
    %max3A_18 = vector.broadcast %max3A : f32 to vector<2560x128xf32>
    %max3A_19 = arith.maximumf %add3A_17, %max3A_18 : vector<2560x128xf32>
    %get3A_20 = arith.constant 0 : index
    %get3A_21 = arith.constant 0 : index
    %get3A_22 = vector.load %arg4[%get3A_20, %get3A_21] : memref<2560x128xf32, #tpu.memory_space<vmem>>, vector<2560x128xf32>
    %get3A_23 = arith.constant 0 : index
    %get3A_24 = arith.constant 0 : index
    %get3A_25 = vector.load %arg6[%get3A_23, %get3A_24] : memref<128x128xf32, #tpu.memory_space<vmem>>, vector<128x128xf32>
    %dot_general3A = arith.constant dense<0.000000e+00> : vector<2560x128xf32>
    %dot_general3A_26 = tpu.matmul %get3A_22, %get3A_25, %dot_general3A {dimension_numbers = #tpu.dot_dimension_numbers<[1], [0], [0], [1], [0, 0, 1, 1], [], []>, transpose_lhs_hint = false} : vector<2560x128xf32>, vector<128x128xf32>, vector<2560x128xf32> -> vector<2560x128xf32>
    %get3A_27 = arith.constant 0 : index
    %get3A_28 = arith.constant 0 : index
    %get3A_29 = vector.load %arg5[%get3A_27, %get3A_28] : memref<2560x128xf32, #tpu.memory_space<vmem>>, vector<2560x128xf32>
    %get3A_30 = arith.constant 0 : index
    %get3A_31 = arith.constant 0 : index
    %get3A_32 = vector.load %arg7[%get3A_30, %get3A_31] : memref<128x128xf32, #tpu.memory_space<vmem>>, vector<128x128xf32>
    %dot_general3A_33 = arith.constant dense<0.000000e+00> : vector<2560x128xf32>
    %dot_general3A_34 = tpu.matmul %get3A_29, %get3A_32, %dot_general3A_33 {dimension_numbers = #tpu.dot_dimension_numbers<[1], [0], [0], [1], [0, 0, 1, 1], [], []>, transpose_lhs_hint = false} : vector<2560x128xf32>, vector<128x128xf32>, vector<2560x128xf32> -> vector<2560x128xf32>
    %add3A_35 = arith.addf %dot_general3A_26, %dot_general3A_34 : vector<2560x128xf32>
    %get3A_36 = arith.constant 0 : index
    %get3A_37 = arith.constant 0 : index
    %get3A_38 = vector.load %arg8[%get3A_36, %get3A_37] : memref<128x128xf32, #tpu.memory_space<vmem>>, vector<128x128xf32>
    %dot_general3A_39 = arith.constant dense<0.000000e+00> : vector<2560x128xf32>
    %dot_general3A_40 = tpu.matmul %max3A_19, %get3A_38, %dot_general3A_39 {dimension_numbers = #tpu.dot_dimension_numbers<[1], [0], [0], [1], [0, 0, 1, 1], [], []>, transpose_lhs_hint = false} : vector<2560x128xf32>, vector<128x128xf32>, vector<2560x128xf32> -> vector<2560x128xf32>
    %add3A_41 = arith.addf %add3A_35, %dot_general3A_40 : vector<2560x128xf32>
    %get3A_42 = arith.constant 0 : index
    %get3A_43 = arith.constant 0 : index
    %get3A_44 = vector.load %arg9[%get3A_42, %get3A_43] : memref<1x128xf32, #tpu.memory_space<vmem>>, vector<1x128xf32>
    %add3A_45 = vector.broadcast %get3A_44 : vector<1x128xf32> to vector<2560x128xf32>
    %add3A_46 = arith.addf %add3A_41, %add3A_45 : vector<2560x128xf32>
    %get3A_47 = arith.constant 0 : index
    %get3A_48 = arith.constant 0 : index
    %get3A_49 = vector.load %arg10[%get3A_47, %get3A_48] : memref<1x2560xi32, #tpu.memory_space<vmem>>, vector<1x2560xi32>
    %iota3A = tpu.iota {dimensions = array<i32: 0>} : vector<128x2560xi32>
    %eq3A = vector.broadcast %get3A_49 : vector<1x2560xi32> to vector<128x2560xi32>
    %eq3A_50 = arith.cmpi eq, %iota3A, %eq3A : vector<128x2560xi32>
    %convert_element_type3A = arith.extui %eq3A_50 : vector<128x2560xi1> to vector<128x2560xi32>
    %convert_element_type3A_51 = arith.sitofp %convert_element_type3A : vector<128x2560xi32> to vector<128x2560xf32>
    %dot_general3A_52 = arith.constant dense<0.000000e+00> : vector<128x128xf32>
    %dot_general3A_53 = tpu.matmul %convert_element_type3A_51, %add3A_46, %dot_general3A_52 {dimension_numbers = #tpu.dot_dimension_numbers<[1], [0], [0], [1], [0, 0, 1, 1], [], []>, transpose_lhs_hint = false} : vector<128x2560xf32>, vector<2560x128xf32>, vector<128x128xf32> -> vector<128x128xf32>
    %reduce_sum3A = arith.constant dense<0.000000e+00> : vector<128xf32>
    %reduce_sum3A_54 = vector.multi_reduction <add>, %convert_element_type3A_51, %reduce_sum3A [1] : vector<128x2560xf32> to vector<128xf32>
    %broadcast_in_dim3A = vector.shape_cast %reduce_sum3A_54 : vector<128xf32> to vector<128x1xf32>
    %eq3A_55 = arith.constant 0 : i32
    %eq3A_56 = arith.cmpi eq, %arg0, %eq3A_55 : i32
    %convert_element_type3A_57 = arith.extui %eq3A_56 : i1 to i32
    %cond3A = arith.constant 0 : i32
    %cond3A_58 = arith.cmpi ne, %convert_element_type3A_57, %cond3A : i32
    scf.if %cond3A_58 {
      %swap3A = arith.constant 0 : index
      %swap3A_68 = arith.constant 0 : index
      %swap3A_69 = vector.load %arg12[%swap3A, %swap3A_68] : memref<128x128xf32, #tpu.memory_space<vmem>>, vector<128x128xf32>
      tpu.vector_store %arg12[%swap3A, %swap3A_68], %dot_general3A_53 {strides = array<i32>} : memref<128x128xf32, #tpu.memory_space<vmem>>, vector<128x128xf32>,
      %swap3A_70 = arith.constant 0 : index
      %swap3A_71 = arith.constant 0 : index
      %swap3A_72 = vector.load %arg13[%swap3A_70, %swap3A_71] : memref<128x1xf32, #tpu.memory_space<vmem>>, vector<128x1xf32>
      tpu.vector_store %arg13[%swap3A_70, %swap3A_71], %broadcast_in_dim3A {strides = array<i32>} : memref<128x1xf32, #tpu.memory_space<vmem>>, vector<128x1xf32>,
    } else {
    }
    %gt3A = arith.constant 0 : i32
    %gt3A_59 = arith.cmpi sgt, %arg0, %gt3A : i32
    %convert_element_type3A_60 = arith.extui %gt3A_59 : i1 to i32
    %cond3A_61 = arith.constant 0 : i32
    %cond3A_62 = arith.cmpi ne, %convert_element_type3A_60, %cond3A_61 : i32
    scf.if %cond3A_62 {
      %get3A_68 = arith.constant 0 : index
      %get3A_69 = arith.constant 0 : index
      %get3A_70 = vector.load %arg12[%get3A_68, %get3A_69] : memref<128x128xf32, #tpu.memory_space<vmem>>, vector<128x128xf32>
      %add3A_71 = arith.addf %get3A_70, %dot_general3A_53 : vector<128x128xf32>
      %swap3A = arith.constant 0 : index
      %swap3A_72 = arith.constant 0 : index
      %swap3A_73 = vector.load %arg12[%swap3A, %swap3A_72] : memref<128x128xf32, #tpu.memory_space<vmem>>, vector<128x128xf32>
      tpu.vector_store %arg12[%swap3A, %swap3A_72], %add3A_71 {strides = array<i32>} : memref<128x128xf32, #tpu.memory_space<vmem>>, vector<128x128xf32>,
      %get3A_74 = arith.constant 0 : index
      %get3A_75 = arith.constant 0 : index
      %get3A_76 = vector.load %arg13[%get3A_74, %get3A_75] : memref<128x1xf32, #tpu.memory_space<vmem>>, vector<128x1xf32>
      %add3A_77 = arith.addf %get3A_76, %broadcast_in_dim3A : vector<128x1xf32>
      %swap3A_78 = arith.constant 0 : index
      %swap3A_79 = arith.constant 0 : index
      %swap3A_80 = vector.load %arg13[%swap3A_78, %swap3A_79] : memref<128x1xf32, #tpu.memory_space<vmem>>, vector<128x1xf32>
      tpu.vector_store %arg13[%swap3A_78, %swap3A_79], %add3A_77 {strides = array<i32>} : memref<128x1xf32, #tpu.memory_space<vmem>>, vector<128x1xf32>,
    } else {
    }
    %eq3A_63 = arith.constant 3 : i32
    %eq3A_64 = arith.cmpi eq, %arg0, %eq3A_63 : i32
    %convert_element_type3A_65 = arith.extui %eq3A_64 : i1 to i32
    %cond3A_66 = arith.constant 0 : i32
    %cond3A_67 = arith.cmpi ne, %convert_element_type3A_65, %cond3A_66 : i32
    scf.if %cond3A_67 {
      %get3A_68 = arith.constant 0 : index
      %get3A_69 = arith.constant 0 : index
      %get3A_70 = vector.load %arg12[%get3A_68, %get3A_69] : memref<128x128xf32, #tpu.memory_space<vmem>>, vector<128x128xf32>
      %get3A_71 = arith.constant 0 : index
      %get3A_72 = arith.constant 0 : index
      %get3A_73 = vector.load %arg13[%get3A_71, %get3A_72] : memref<128x1xf32, #tpu.memory_space<vmem>>, vector<128x1xf32>
      %max3A_74 = arith.constant 1.000000e+00 : f32
      %max3A_75 = vector.broadcast %max3A_74 : f32 to vector<128x1xf32>
      %max3A_76 = arith.maximumf %get3A_73, %max3A_75 : vector<128x1xf32>
      %div3A = vector.broadcast %max3A_76 : vector<128x1xf32> to vector<128x128xf32>
      %div3A_77 = arith.divf %get3A_70, %div3A : vector<128x128xf32>
      %swap3A = arith.constant 0 : index
      %swap3A_78 = arith.constant 0 : index
      %swap3A_79 = vector.load %arg11[%swap3A, %swap3A_78] : memref<128x128xf32, #tpu.memory_space<vmem>>, vector<128x128xf32>
      tpu.vector_store %arg11[%swap3A, %swap3A_78], %div3A_77 {strides = array<i32>} : memref<128x128xf32, #tpu.memory_space<vmem>>, vector<128x128xf32>,
    } else {
    }
    return
  }
  func.func @transform_0(%arg0: i32) -> (i32, i32, i32) {
    %c0_i32 = arith.constant 0 : i32
    %c0_i32_0 = arith.constant 0 : i32
    %c0_i32_1 = arith.constant 0 : i32
    return %c0_i32, %arg0, %c0_i32_0 : i32, i32, i32
  }
  func.func @transform_1(%arg0: i32) -> (i32, i32) {
    %c0_i32 = arith.constant 0 : i32
    %c0_i32_0 = arith.constant 0 : i32
    return %arg0, %c0_i32 : i32, i32
  }
  func.func @transform_2(%arg0: i32) -> (i32, i32) {
    %c0_i32 = arith.constant 0 : i32
    %c0_i32_0 = arith.constant 0 : i32
    %c0_i32_1 = arith.constant 0 : i32
    return %c0_i32, %c0_i32_0 : i32, i32
  }
  func.func @transform_3(%arg0: i32) -> (i32, i32) {
    %c0_i32 = arith.constant 0 : i32
    %c0_i32_0 = arith.constant 0 : i32
    return %arg0, %c0_i32 : i32, i32
  }
  func.func @transform_4(%arg0: i32) -> (i32, i32) {
    %c0_i32 = arith.constant 0 : i32
    %c0_i32_0 = arith.constant 0 : i32
    return %arg0, %c0_i32 : i32, i32
  }
  func.func @transform_5(%arg0: i32) -> (i32, i32) {
    %c0_i32 = arith.constant 0 : i32
    %c0_i32_0 = arith.constant 0 : i32
    %c0_i32_1 = arith.constant 0 : i32
    return %c0_i32, %c0_i32_0 : i32, i32
  }
  func.func @transform_6(%arg0: i32) -> (i32, i32) {
    %c0_i32 = arith.constant 0 : i32
    %c0_i32_0 = arith.constant 0 : i32
    %c0_i32_1 = arith.constant 0 : i32
    return %c0_i32, %c0_i32_0 : i32, i32
  }
  func.func @transform_7(%arg0: i32) -> (i32, i32) {
    %c0_i32 = arith.constant 0 : i32
    %c0_i32_0 = arith.constant 0 : i32
    %c0_i32_1 = arith.constant 0 : i32
    return %c0_i32, %c0_i32_0 : i32, i32
  }
  func.func @transform_8(%arg0: i32) -> (i32, i32) {
    %c0_i32 = arith.constant 0 : i32
    %c0_i32_0 = arith.constant 0 : i32
    %c0_i32_1 = arith.constant 0 : i32
    return %c0_i32, %c0_i32_0 : i32, i32
  }
  func.func @transform_9(%arg0: i32) -> (i32, i32) {
    %c0_i32 = arith.constant 0 : i32
    %c0_i32_0 = arith.constant 0 : i32
    return %c0_i32, %arg0 : i32, i32
  }
  func.func @transform_10(%arg0: i32) -> (i32, i32) {
    %c0_i32 = arith.constant 0 : i32
    %c0_i32_0 = arith.constant 0 : i32
    %c0_i32_1 = arith.constant 0 : i32
    return %c0_i32, %c0_i32_0 : i32, i32
  }
}

</mosaic_0001>

<sc_bundles>
// kernel: kernel.11.cloned.1.call-start
scs
__scs_entry_jumppad:
0x0: {  	(pc) =	sbr.rel $0x88, $3  }
0x1: {  	(tag) =	ssettag $0x0;
	lr =	simm.s32 $0x1  }
0x2: {  	[smem:$0x3F94] =	sst lr;
	_ =	strace $0xD0000000  }
0x3: {  	_ = 	snop  }
0x4: {  	_ = 	snop  }
0x5: {  	_ = 	snop  }
0x6: {  	_ = 	snop  }
0x7: {  	_ = 	snop  }
__scs_overlays_trampoline_lowered:
0x8: {  	[smem:$0x3FA3] =	sst s0  }
0x9: {  	[smem:$0x3FA4] =	sst s1  }
0xa: {  	[smem:$0x3FA5] =	sst s2  }
0xb: {  	[smem:$0x3FA6] =	sst s3  }
0xc: {  	[smem:$0x3FA7] =	sst s4  }
0xd: {  	[smem:$0x3FA8] =	sst s5  }
0xe: {  	[smem:$0x3FA9] =	sst s6  }
0xf: {  	[smem:$0x3FAA] =	sst s7  }
0x10: {  	[smem:$0x3FAB] =	sst s8  }
0x11: {  	[smem:$0x3FAC] =	sst s9;
	s0 =	simm.s32 @!p0 $0x0  }
0x12: {  	s1 =	sld [smem:$0x3F92];
	s0 =	simm.s32 @p0 $0x1  }
0x13: {  	[smem:$0x3FAD] =	sst s0;
	s0 =	simm.s32 @!p1 $0x0  }
0x14: {  	s2 =	sld [smem:$0x3F91];
	s0 =	simm.s32 @p1 $0x1  }
0x15: {  	[smem:$0x3FAE] =	sst s0;
	s0 =	simm.s32 @!p2 $0x0  }
0x16: {  	s3 =	sld [smem:$0x3FDB];
	s0 =	simm.s32 @p2 $0x1  }
0x17: {  	s4 =	simm.s32 $0x1BF5;
	[smem:$0x3FB0] =	sst s0  }
0x18: {  	s0 =	sld [smem:$0x3F93];
	_ =	swait.ge [sflag:s4], $0x0  }
0x19: {  	s7 =	sld [smem:$0x3F94]  }
0x1a: {  	s8 =	sadd.s32 $0xFFFFE003, lr  }
0x1b: {  	s9 =	sadd.s32 $0xFFFFFEF7, lr;
	s5 =	simm.s32 $0xFFFFFFFF;
	p2 =	slt.u32 s8, $0xFFFFF086  }
0x1c: {  	p1 =	slt.u32 s9, $0xF7A;
	s5 =	simm.s32 @!p2 $0x0  }
0x1d: {  	s5 =	simm.s32 @p1 $0x1;
	p0 =	seq.s32 s7, s2  }
0x1e: {  	s7 =	smul.u32 @!p0 $0xF7A, s2;
	p2 =	seq.s32 @!p0 s5, $0x0  }
0x1f: {  	s9 =	smul.u32 $0xF7A, s1;
	s8 =	simm.s32 @!p0 $0x1BF5;
	p2 =	por !p2, p0  }
0x20: {  	[sflag:s8] =	ssyncset.s32 @!p0 $0xFFFFF086;
	s6 =	sadd.s32 @!p0 s3, s7;
	s7 =	simm.s32 @!p0 $0x108  }
0x21: {  	s3 =	sadd.s32 s3, s9;
	s6 =	sadd.s32 @!p0 $0x88, s6;
	s7 =	simm.s32 @p2 $0x1082  }
0x22: {  	[simem:s7], [sflag:s8] =	dma.local @!p0 [hbm:s6], $0xF7A  }
0x23: {  	s9 =	sor.u32 $0xD0000000, s2;
	s6 =	simm.s32 $0x108;
	_ =	swait.ge @!p0 [sflag:s8], $0x0  }
0x24: {  	s3 =	sadd.s32 $0x88, s3;
	s6 =	simm.s32 @!p1 $0x1082;
	[sflag:s4] =	ssyncset.s32 $0xFFFFF086  }
0x25: {  	[simem:s6], [sflag:s4] =	dma.local [hbm:s3], $0xF7A  }
0x26: {  	[smem:$0x3F94] =	sst s1;
	(tag) =	ssettag s2;
	_ =	strace s9  }
0x27: {  	s1 =	sld [smem:$0x3FA4]  }
0x28: {  	s2 =	sld [smem:$0x3FA5]  }
0x29: {  	s4 =	sld [smem:$0x3FA7]  }
0x2a: {  	p0 =	seq.s32 s5, $0x0;
	s5 =	sld [smem:$0x3FA8]  }
0x2b: {  	s6 =	sld [smem:$0x3FA9]  }
0x2c: {  	s7 =	sld [smem:$0x3FAA]  }
0x2d: {  	s3 =	simm.s32 $0x108;
	s8 =	sld [smem:$0x3FAB]  }
0x2e: {  	s3 =	simm.s32 @!p0 $0x1082;
	s9 =	sld [smem:$0x3FAC]  }
0x2f: {  	lr =	sadd.s32 s0, s3;
	s0 =	sld [smem:$0x3FA3]  }
0x30: {  	s3 =	sld [smem:$0x3FA6]  }
0x31: {  	[smem:$0x3FAF] =	sst s10  }
0x32: {  	s10 =	sld [smem:$0x3FAD];
	_ =	sdelay $0x3  }
0x33: {  	p0 =	seq.s32 s10, $0x1;
	s10 =	sld [smem:$0x3FAF];
	_ =	sdelay $0x3  }
0x34: {  	[smem:$0x3FAF] =	sst s10  }
0x35: {  	s10 =	sld [smem:$0x3FAE];
	_ =	sdelay $0x3  }
0x36: {  	p1 =	seq.s32 s10, $0x1;
	s10 =	sld [smem:$0x3FAF];
	_ =	sdelay $0x3  }
0x37: {  	[smem:$0x3FAF] =	sst s10  }
0x38: {  	s10 =	sld [smem:$0x3FB0]  }
0x39: {  	_ = 	snop;
	(pc) =	sbr.ind lr, $3  }
0x3a: {  	_ = 	snop  }
0x3b: {  	_ = 	snop  }
0x3c: {  	p2 =	seq.s32 s10, $0x1;
	s10 =	sld [smem:$0x3FAF]  }
0x3d: {  	_ =	shalt  }
0x3e: {  	_ =	shalt  }
0x3f: {  	_ =	shalt  }
0x40: {  	_ =	shalt  }
0x41: {  	_ =	shalt  }
0x42: {  	_ =	shalt  }
0x43: {  	_ =	shalt  }
0x44: {  	_ =	shalt  }
0x45: {  	_ =	shalt  }
0x46: {  	_ =	shalt  }
0x47: {  	_ =	shalt  }
0x48: {  	_ =	shalt  }
0x49: {  	_ =	shalt  }
0x4a: {  	_ =	shalt  }
0x4b: {  	_ =	shalt  }
0x4c: {  	_ =	shalt  }
0x4d: {  	_ =	shalt  }
0x4e: {  	_ =	shalt  }
0x4f: {  	_ =	shalt  }
0x50: {  	_ =	shalt  }
0x51: {  	_ =	shalt  }
0x52: {  	_ =	shalt  }
0x53: {  	_ =	shalt  }
0x54: {  	_ =	shalt  }
0x55: {  	_ =	shalt  }
0x56: {  	_ =	shalt  }
0x57: {  	_ =	shalt  }
0x58: {  	_ =	shalt  }
0x59: {  	_ =	shalt  }
0x5a: {  	_ =	shalt  }
0x5b: {  	_ =	shalt  }
0x5c: {  	_ =	shalt  }
0x5d: {  	_ =	shalt  }
0x5e: {  	_ =	shalt  }
0x5f: {  	_ =	shalt  }
0x60: {  	_ =	shalt  }
0x61: {  	_ =	shalt  }
0x62: {  	_ =	shalt  }
0x63: {  	_ =	shalt  }
0x64: {  	_ =	shalt  }
0x65: {  	_ =	shalt  }
0x66: {  	_ =	shalt  }
0x67: {  	_ =	shalt  }
0x68: {  	_ =	shalt  }
0x69: {  	_ =	shalt  }
0x6a: {  	_ =	shalt  }
0x6b: {  	_ =	shalt  }
0x6c: {  	_ =	shalt  }
0x6d: {  	_ =	shalt  }
0x6e: {  	_ =	shalt  }
0x6f: {  	_ =	shalt  }
0x70: {  	_ =	shalt  }
0x71: {  	_ =	shalt  }
0x72: {  	_ =	shalt  }
0x73: {  	_ =	shalt  }
0x74: {  	_ =	shalt  }
0x75: {  	_ =	shalt  }
0x76: {  	_ =	shalt  }
0x77: {  	_ =	shalt  }
0x78: {  	_ =	shalt  }
0x79: {  	_ =	shalt  }
0x7a: {  	_ =	shalt  }
0x7b: {  	_ =	shalt  }
0x7c: {  	_ =	shalt  }
0x7d: {  	_ =	shalt  }
0x7e: {  	_ =	shalt  }
0x7f: {  	_ =	shalt  }
0x80: {  	_ =	shalt  }
0x81: {  	_ =	shalt  }
0x82: {  	_ =	shalt  }
0x83: {  	_ =	shalt  }
0x84: {  	_ =	shalt  }
0x85: {  	_ =	shalt  }
0x86: {  	_ =	shalt  }
0x87: {  	_ =	shalt  }
.Lfunc_end0:
.L_simem_size_0:
called_computation_lowered:
.L_overlay_start_0:
0x88: {  	s2 =	sld [smem:$0x3FD9]  }
0x89: {  	s3 =	sld [smem:$0x3FFE];
	_ =	sdelay $0x1  }
0x8a: {  	s1 =	srdreg.scid  }
0x8b: {  	s0 =	sand.u32 $0x1, s1  }
0x8c: {  	s17 =	sshll.u32 s0, $0xA;
	s2 =	sadd.s32 s3, s2  }
0x8d: {  	s2 =	sadd.s32 s2, s17  }
0x8e: {  	[smem:$0x3FBB] =	sst s2  }
0x8f: {  	_ = 	snop  }
0x90: {  	s2 =	sld [smem:$0x3FD0];
	(tm) =	ssettm $0x1  }
0x91: {  	s18 =	sld [smem:$0x3FFB];
	_ =	sdelay $0x3  }
0x92: {  	_ =	strace s18  }
0x93: {  	s3 =	sld [smem:$0x3FFC];
	_ =	sdelay $0x3  }
0x94: {  	_ =	strace s3  }
0x95: {  	s3 =	sld [smem:$0x3FFD];
	_ =	sdelay $0x3  }
0x96: {  	_ =	strace s3  }
0x97: {  	_ =	strace $0x8FFFFFFF  }
0x98: {  	s19 =	sld [smem:$0x3FDB];
	_ =	sdelay $0x1  }
0x99: {  	s4 =	simm.s32 $_scs_section_size  }
0x9a: {  	s5 =	simm.s32 $_size__tile_overlayer_lowered;
	s6 =	simm.s32 $_tile_overlayer_lowered  }
0x9b: {  	s22 =	simm.s32 $0x1BFF;
	s21 =	sshll.u32 s6, $0x1;
	s3 =	sadd.s32 s4, s19  }
0x9c: {  	s7 =	simm.s32 $0x0;
	s20 =	sshll.u32 s5, $0x1;
	s5 =	sadd.s32 s21, s3  }
0x9d: {  	[timem:s7], [sflag:s22] =	dma.local [hbm:s5], s20  }
0x9e: {  	_ =	swait.ge [sflag:s22], s20  }
0x9f: {  	s4 =	ssub.s32 $0x0, s20;
	[sflag:s22] =	ssyncset.done $0x0  }
0xa0: {  	[sflag:s22] =	ssyncadd.s32 s4;
	_ =	sdelay $0x1  }
0xa1: {  	s23 =	simm.s32 $0x1B8B  }
0xa2: {  	_ =	swait.ge [sflag:s23], $0x1  }
0xa3: {  	[sflag:s23] =	ssyncset.done $0x0  }
0xa4: {  	s25 =	simm.s32 $0x1B8E;
	s24 =	sld [smem:$0x3FFE];
	[sflag:s23] =	ssyncadd.s32 $0xFFFFFFFF  }
0xa5: {  	s26 =	simm.s32 $execute0_lowered;
	[smem:$0x3FD2] =	sst s25  }
0xa6: {  	s5 =	sshll.u32 s26, $0x1;
	_ =	strace $0x80000046;
	[dreg:$0x1] =	wrdreg $0xFFFFFFFF  }
0xa7: {  	s28 =	simm.s32 $_size_execute0_lowered;
	s3 =	sadd.s32 s3, s5;
	[dreg:$0x0] =	wrdreg $0x0  }
0xa8: {  	s5 =	sshll.u32 s28, $0x1;
	[dreg:$0x2] =	wrdreg s3  }
0xa9: {  	[dreg:$0x3] =	wrdreg s5  }
0xaa: {  	[dreg:$0x4] =	wrdreg $0xC0  }
0xab: {  	_ =	task [dreg:s7], $0x5FFFF  }
0xac: {  	[dreg:$0x1] =	wrdreg $0xFFFFFFFF  }
0xad: {  	[dreg:$0x0] =	wrdreg $0x60  }
0xae: {  	[dreg:$0x2] =	wrdreg s24  }
0xaf: {  	[dreg:$0x3] =	wrdreg s2  }
0xb0: {  	[dreg:$0x4] =	wrdreg $0x28800  }
0xb1: {  	[dreg:$0x5] =	wrdreg $0x9  }
0xb2: {  	_ =	task.clear_ibuf [dreg:s7], $0x6FFFF;
	_ =	strace $0x90000046  }
0xb3: {  	s29 =	simm.s32 $0x9;
	_ =	strace $0x80000048  }
0xb4: {  	_ =	swait.ge [sflag:s29], $0x1  }
0xb5: {  	[sflag:s29] =	ssyncadd.s32 $0xFFFFFFFF  }
0xb6: {  	_ =	strace $0x90000048  }
0xb7: {  	_ =	sfence  }
0xb8: {  	s30 =	sld [smem:$0x0];
	_ =	sdelay $0x2  }
0xb9: {  	s31 =	sshll.u32 s1, $0xD;
	s1 =	sshrl.u32 s1, $0x2  }
0xba: {  	s3 =	sand.u32 $0x4000, s31;
	s1 =	sadd.s32 s1, s30  }
0xbb: {  	s0 =	sor.u32 s3, s0;
	s1 =	sshll.u32 s1, $0x11  }
0xbc: {  	s0 =	sor.u32 s1, s0  }
0xbd: {  	s0 =	sadd.s32 $0x8F2B, s0  }
0xbe: {  	[sflag:s0] =	ssyncadd.remote.s32 $0x1  }
0xbf: {  	_ =	sfence.sel $0xFFFF  }
0xc0: {  	[dreg:$0x0] =	wrdreg $0xFFFFFFFF;
	(pc) =	sbr.abs _section_cstart, $3  }
0xc1: {  	[dreg:$0x1] =	wrdreg $0xFFFFFFFF  }
0xc2: {  	_ =	task.clear_ibuf [dreg:s7], $0x2FFFF;
	_ =	strace $0x9FFFFFFF  }
0xc3: {  	(tm) =	ssettm $0x7FFFFFFF  }
tec
execute0_lowered:
.L_overlay_start_1:
0x0: {  	(tag) =	ssettag $0x1  }
0x1: {  	s4 =	rddreg [dreg:$0x0]  }
0x2: {  	s5 =	rddreg [dreg:$0x1]  }
0x3: {  	s1 =	rddreg [dreg:$0x2]  }
0x4: {  	s2 =	srdreg.scid;
	s0 =	rddreg [dreg:$0x3];
	s3 =	simm.s32 $0x0  }
0x5: {  	s11 =	simm.s32 $0x80;
	s12 =	simm.s32 $0x2800;
	s13 =	simm.s32 $0x1  }
0x6: {  	s14 =	simm.s32 $0x20;
	s15 =	simm.s32 $0x10;
	s16 =	simm.s32 $0x0  }
0x7: {  	s6 =	sand.u32 $0x1, s2;
	s2 =	stileid.u32;
	[smem:$0x7FF] =	sst s3  }
0x8: {  	s7 =	sshll.u32 s6, $0x4;
	s8 =	smul.u32 $0x500, s2;
	_ =	strace $0x80000047  }
0x9: {  	s9 =	sshll.u32 s6, $0x7;
	s6 =	ssub.s32 $0x2, s6;
	s29 =	smul.u32 $0x280, s2  }
0xa: {  	s31 =	sshll.u32 s2, $0x6;
	s7 =	sor.u32 s2, s7;
	s10 =	sshrl.u32 s6, $0x1  }
0xb: {  	s7 =	smul.u32 $0x500, s7;
	s8 =	sor.u32 s9, s8;
	s10 =	ssub.s32 s6, s10  }
0xc: {  	s30 =	sshrl.u32 s29, $0x3;
	s9 =	sadd.s32 s29, s1;
	s8 =	sshrl.u32 s8, $0x3  }
0xd: {  	s9 =	sshrl.u32 s9, $0x3;
	s7 =	sadd.s32 s7, s4;
	s8 =	sadd.s32 s8, s4  }
0xe: {  	s4 =	sadd.s32 s5, s30;
	s5 =	sor.u32 $0x1C02, s31;
	s6 =	sadd.s32 $0x3600, s7  }
0xf: {  	v0 =	vimm.f32 $1.000000000e+00;
	s7 =	sadd.s32 $0x17600, s8;
	s8 =	smax.u32 s10, $0x1;
	s10 =	simm.s32 $0x2  }
.LBB2_1:
0x10: {  	[spmem:s9], [sflag:s5] =	dma.local [hbm:s4], $0x50  }
0x11: {  	_ =	swait.ge [sflag:s10], $0x50  }
0x12: {  	[sflag:s10] =	ssyncset.done $0x0  }
0x13: {  	[sflag:s10] =	ssyncadd.s32 $0xFFFFFFB0  }
0x14: {  	[tilespmem:s3], [sflag:$0x2] =	stream.linear.gather [hbm4b:s6+s3], $0x2800, $0x38;
	[tilespmem:$0x2B00] =	vst v63  }
0x15: {  	_ =	swait.ge [sflag:s10], $0x2800  }
0x16: {  	[sflag:s10] =	ssyncset.done $0x0  }
0x17: {  	[sflag:s10] =	ssyncadd.s32 $0xFFFFD800  }
0x18: {  	[tilespmem:$0x2800] =	vst v0  }
0x19: {  	[tilespmem:$0x2810] =	vst v0  }
0x1a: {  	[tilespmem:$0x2820] =	vst v0  }
0x1b: {  	[tilespmem:$0x2830] =	vst v0  }
0x1c: {  	[tilespmem:$0x2840] =	vst v0  }
0x1d: {  	[tilespmem:$0x2850] =	vst v0  }
0x1e: {  	[tilespmem:$0x2860] =	vst v0  }
0x1f: {  	[tilespmem:$0x2870] =	vst v0  }
0x20: {  	s17 =	simm.s32 $0x0;
	[bflag:$0x0] =	sbarrier.arrive $0xFFFF  }
0x21: {  	[spmem:s1] =	stream.indirect.scatter.add.f32 [tilespmem:s12], [sflag:$0x1], $0x1, s17, s11, $0xb8;
	[tilespmem:$0x2B00] =	vst v63  }
0x22: {  	s24 =	simm.s32 $0x80  }
0x23: {  	[spmem:s1] =	stream.indirect.scatter.add.f32 [tilespmem:s12], [sflag:$0x1], $0x1, s24, s11, $0xb8;
	[tilespmem:$0x2B00] =	vst v63  }
0x24: {  	s25 =	simm.s32 $0x100  }
0x25: {  	[spmem:s1] =	stream.indirect.scatter.add.f32 [tilespmem:s12], [sflag:$0x1], $0x1, s25, s11, $0xb8;
	[tilespmem:$0x2B00] =	vst v63  }
0x26: {  	s26 =	simm.s32 $0x180  }
0x27: {  	[spmem:s1] =	stream.indirect.scatter.add.f32 [tilespmem:s12], [sflag:$0x1], $0x1, s26, s11, $0xb8;
	[tilespmem:$0x2B00] =	vst v63  }
0x28: {  	s28 =	simm.s32 $0x200  }
0x29: {  	[spmem:s1] =	stream.indirect.scatter.add.f32 [tilespmem:s12], [sflag:$0x1], $0x1, s28, s11, $0xb8;
	[tilespmem:$0x2B00] =	vst v63  }
0x2a: {  	s29 =	simm.s32 $0x280  }
0x2b: {  	[spmem:s1] =	stream.indirect.scatter.add.f32 [tilespmem:s12], [sflag:$0x1], $0x1, s29, s11, $0xb8;
	[tilespmem:$0x2B00] =	vst v63  }
0x2c: {  	s30 =	simm.s32 $0x300  }
0x2d: {  	[spmem:s1] =	stream.indirect.scatter.add.f32 [tilespmem:s12], [sflag:$0x1], $0x1, s30, s11, $0xb8;
	[tilespmem:$0x2B00] =	vst v63  }
0x2e: {  	s31 =	simm.s32 $0x380  }
0x2f: {  	[spmem:s1] =	stream.indirect.scatter.add.f32 [tilespmem:s12], [sflag:$0x1], $0x1, s31, s11, $0xb8;
	[tilespmem:$0x2B00] =	vst v63  }
0x30: {  	_ =	swait.ge [sflag:s13], $0x80  }
0x31: {  	[sflag:s13] =	ssyncset.done $0x0  }
0x32: {  	[sflag:s13] =	ssyncadd.s32 $0xFFFFFF80  }
0x33: {  	_ =	swait.ge [sflag:s13], $0x80  }
0x34: {  	[sflag:s13] =	ssyncset.done $0x0  }
0x35: {  	[sflag:s13] =	ssyncadd.s32 $0xFFFFFF80  }
0x36: {  	_ =	swait.ge [sflag:s13], $0x80  }
0x37: {  	[sflag:s13] =	ssyncset.done $0x0  }
0x38: {  	[sflag:s13] =	ssyncadd.s32 $0xFFFFFF80  }
0x39: {  	_ =	swait.ge [sflag:s13], $0x80  }
0x3a: {  	[sflag:s13] =	ssyncset.done $0x0  }
0x3b: {  	[sflag:s13] =	ssyncadd.s32 $0xFFFFFF80  }
0x3c: {  	_ =	swait.ge [sflag:s13], $0x80  }
0x3d: {  	[sflag:s13] =	ssyncset.done $0x0  }
0x3e: {  	[sflag:s13] =	ssyncadd.s32 $0xFFFFFF80  }
0x3f: {  	_ =	swait.ge [sflag:s13], $0x80  }
0x40: {  	[sflag:s13] =	ssyncset.done $0x0  }
0x41: {  	[sflag:s13] =	ssyncadd.s32 $0xFFFFFF80  }
0x42: {  	_ =	swait.ge [sflag:s13], $0x80  }
0x43: {  	[sflag:s13] =	ssyncset.done $0x0  }
0x44: {  	[sflag:s13] =	ssyncadd.s32 $0xFFFFFF80  }
0x45: {  	_ =	swait.ge [sflag:s13], $0x80  }
0x46: {  	s19 =	simm.s32 $0x2000;
	s17 =	simm.s32 $0x1000;
	[sflag:s13] =	ssyncset.done $0x0  }
.LBB2_2:
0x47: {  	s20 =	sshra.s32 s17, $0x2  }
0x48: {  	[sflag:s13] =	ssyncadd.s32 $0xFFFFFF80;
	s17 =	smov.u32 s19;
	s18 =	sadd.s32 $0x1000, s19  }
0x49: {  	[spmem:s1] =	stream.indirect.scatter.add.f32 [tilespmem:s12], [sflag:$0x1], $0x1, s20, s11, $0xb8;
	[tilespmem:$0x2B00] =	vst v63  }
0x4a: {  	p0 =	sne.s32 s19, $0x9000;
	s19 =	sadd.s32 $0x80, s20  }
0x4b: {  	[spmem:s1] =	stream.indirect.scatter.add.f32 [tilespmem:s12], [sflag:$0x1], $0x1, s19, s11, $0xb8;
	[tilespmem:$0x2B00] =	vst v63  }
0x4c: {  	s19 =	sadd.s32 $0x100, s20  }
0x4d: {  	[spmem:s1] =	stream.indirect.scatter.add.f32 [tilespmem:s12], [sflag:$0x1], $0x1, s19, s11, $0xb8;
	[tilespmem:$0x2B00] =	vst v63  }
0x4e: {  	s19 =	sadd.s32 $0x180, s20  }
0x4f: {  	[spmem:s1] =	stream.indirect.scatter.add.f32 [tilespmem:s12], [sflag:$0x1], $0x1, s19, s11, $0xb8;
	[tilespmem:$0x2B00] =	vst v63  }
0x50: {  	s19 =	sadd.s32 $0x200, s20  }
0x51: {  	[spmem:s1] =	stream.indirect.scatter.add.f32 [tilespmem:s12], [sflag:$0x1], $0x1, s19, s11, $0xb8;
	[tilespmem:$0x2B00] =	vst v63  }
0x52: {  	s19 =	sadd.s32 $0x280, s20  }
0x53: {  	[spmem:s1] =	stream.indirect.scatter.add.f32 [tilespmem:s12], [sflag:$0x1], $0x1, s19, s11, $0xb8;
	[tilespmem:$0x2B00] =	vst v63  }
0x54: {  	s19 =	sadd.s32 $0x300, s20  }
0x55: {  	[spmem:s1] =	stream.indirect.scatter.add.f32 [tilespmem:s12], [sflag:$0x1], $0x1, s19, s11, $0xb8;
	[tilespmem:$0x2B00] =	vst v63  }
0x56: {  	s19 =	sadd.s32 $0x380, s20  }
0x57: {  	[spmem:s1] =	stream.indirect.scatter.add.f32 [tilespmem:s12], [sflag:$0x1], $0x1, s19, s11, $0xb8;
	[tilespmem:$0x2B00] =	vst v63  }
0x58: {  	_ =	swait.ge [sflag:s13], $0x80  }
0x59: {  	[sflag:s13] =	ssyncset.done $0x0  }
0x5a: {  	[sflag:s13] =	ssyncadd.s32 $0xFFFFFF80  }
0x5b: {  	_ =	swait.ge [sflag:s13], $0x80  }
0x5c: {  	[sflag:s13] =	ssyncset.done $0x0  }
0x5d: {  	[sflag:s13] =	ssyncadd.s32 $0xFFFFFF80  }
0x5e: {  	_ =	swait.ge [sflag:s13], $0x80  }
0x5f: {  	[sflag:s13] =	ssyncset.done $0x0  }
0x60: {  	[sflag:s13] =	ssyncadd.s32 $0xFFFFFF80  }
0x61: {  	_ =	swait.ge [sflag:s13], $0x80  }
0x62: {  	[sflag:s13] =	ssyncset.done $0x0  }
0x63: {  	[sflag:s13] =	ssyncadd.s32 $0xFFFFFF80  }
0x64: {  	_ =	swait.ge [sflag:s13], $0x80  }
0x65: {  	[sflag:s13] =	ssyncset.done $0x0  }
0x66: {  	[sflag:s13] =	ssyncadd.s32 $0xFFFFFF80  }
0x67: {  	_ =	swait.ge [sflag:s13], $0x80  }
0x68: {  	[sflag:s13] =	ssyncset.done $0x0  }
0x69: {  	[sflag:s13] =	ssyncadd.s32 $0xFFFFFF80  }
.Ltmp0:
0x6a: {  	_ =	swait.ge [sflag:s13], $0x80;
	(pc) =	sbr.rel @p0 .LBB2_2-.Ltmp0, $4  }
0x6b: {  	[sflag:s13] =	ssyncset.done $0x0  }
0x6c: {  	[sflag:s13] =	ssyncadd.s32 $0xFFFFFF80  }
0x6d: {  	_ =	swait.ge [sflag:s13], $0x80  }
0x6e: {  	s19 =	smov.u32 s18;
	[sflag:s13] =	ssyncset.done $0x0  }
0x6f: {  	s17 =	sshra.s32 s17, $0x2;
	[sflag:s13] =	ssyncadd.s32 $0xFFFFFF80  }
0x70: {  	[spmem:s1] =	stream.indirect.scatter.add.f32 [tilespmem:s12], [sflag:$0x1], $0x1, s17, s11, $0xb8;
	[tilespmem:$0x2B00] =	vst v63  }
0x71: {  	s18 =	sadd.s32 $0x80, s17  }
0x72: {  	[spmem:s1] =	stream.indirect.scatter.add.f32 [tilespmem:s12], [sflag:$0x1], $0x1, s18, s11, $0xb8;
	[tilespmem:$0x2B00] =	vst v63  }
0x73: {  	s26 =	sadd.s32 $0x100, s17  }
0x74: {  	[spmem:s1] =	stream.indirect.scatter.add.f32 [tilespmem:s12], [sflag:$0x1], $0x1, s26, s11, $0xb8;
	[tilespmem:$0x2B00] =	vst v63  }
0x75: {  	s28 =	sadd.s32 $0x180, s17  }
0x76: {  	[spmem:s1] =	stream.indirect.scatter.add.f32 [tilespmem:s12], [sflag:$0x1], $0x1, s28, s11, $0xb8;
	[tilespmem:$0x2B00] =	vst v63  }
0x77: {  	s29 =	sadd.s32 $0x200, s17  }
0x78: {  	[spmem:s1] =	stream.indirect.scatter.add.f32 [tilespmem:s12], [sflag:$0x1], $0x1, s29, s11, $0xb8;
	[tilespmem:$0x2B00] =	vst v63  }
0x79: {  	s30 =	sadd.s32 $0x280, s17  }
0x7a: {  	[spmem:s1] =	stream.indirect.scatter.add.f32 [tilespmem:s12], [sflag:$0x1], $0x1, s30, s11, $0xb8;
	[tilespmem:$0x2B00] =	vst v63  }
0x7b: {  	s31 =	sadd.s32 $0x300, s17  }
0x7c: {  	[spmem:s1] =	stream.indirect.scatter.add.f32 [tilespmem:s12], [sflag:$0x1], $0x1, s31, s11, $0xb8;
	[tilespmem:$0x2B00] =	vst v63  }
0x7d: {  	s17 =	sadd.s32 $0x380, s17  }
0x7e: {  	[spmem:s1] =	stream.indirect.scatter.add.f32 [tilespmem:s12], [sflag:$0x1], $0x1, s17, s11, $0xb8;
	[tilespmem:$0x2B00] =	vst v63  }
0x7f: {  	_ =	swait.ge [sflag:s13], $0x80  }
0x80: {  	[sflag:s13] =	ssyncset.done $0x0  }
0x81: {  	[sflag:s13] =	ssyncadd.s32 $0xFFFFFF80  }
0x82: {  	_ =	swait.ge [sflag:s13], $0x80  }
0x83: {  	[sflag:s13] =	ssyncset.done $0x0  }
0x84: {  	[sflag:s13] =	ssyncadd.s32 $0xFFFFFF80  }
0x85: {  	_ =	swait.ge [sflag:s13], $0x80  }
0x86: {  	[sflag:s13] =	ssyncset.done $0x0  }
0x87: {  	[sflag:s13] =	ssyncadd.s32 $0xFFFFFF80  }
0x88: {  	_ =	swait.ge [sflag:s13], $0x80  }
0x89: {  	[sflag:s13] =	ssyncset.done $0x0  }
0x8a: {  	[sflag:s13] =	ssyncadd.s32 $0xFFFFFF80  }
0x8b: {  	_ =	swait.ge [sflag:s13], $0x80  }
0x8c: {  	[sflag:s13] =	ssyncset.done $0x0  }
0x8d: {  	[sflag:s13] =	ssyncadd.s32 $0xFFFFFF80  }
0x8e: {  	_ =	swait.ge [sflag:s13], $0x80  }
0x8f: {  	[sflag:s13] =	ssyncset.done $0x0  }
0x90: {  	[sflag:s13] =	ssyncadd.s32 $0xFFFFFF80  }
0x91: {  	_ =	swait.ge [sflag:s13], $0x80  }
0x92: {  	[sflag:s13] =	ssyncset.done $0x0  }
0x93: {  	[sflag:s13] =	ssyncadd.s32 $0xFFFFFF80  }
0x94: {  	_ =	swait.ge [sflag:s13], $0x80  }
0x95: {  	s16 =	sadd.s32 $0x1, s16;
	[sflag:s13] =	ssyncset.done $0x0  }
0x96: {  	p0 =	sne.s32 s16, s8;
	[sflag:s13] =	ssyncadd.s32 $0xFFFFFF80  }
.Ltmp1:
0x97: {  	[bflag:$0x0] =	sbarrier.arrive $0xFFFF;
	(pc) =	sbr.rel @p0 .LBB2_1-.Ltmp1, $4  }
0x98: {  	[hbm:s7@s14], [sflag:s5] =	dma.strided [spmem:s9@s15], $0x50, s13, $0x10   }
0x99: {  	_ =	swait.ge [sflag:s10], $0x50  }
0x9a: {  	[sflag:s10] =	ssyncset.done $0x0  }
0x9b: {  	[sflag:s10] =	ssyncadd.s32 $0xFFFFFFB0  }
0x9c: {  	_ =	sfence.sel $0x180000  }
0x9d: {  	[bflag:$0x0] =	sbarrier.arrive $0xFFFF  }
0x9e: {  	p0 =	sne.s32 s2, $0x0;
	_ =	strace $0x90000047  }
0x9f: {  	s0 =	sadd.s32 @!p0 $0x100000, s0;
	[bflag:$0x2] =	sbarrier.arrive $0xFFFF  }
0xa0: {  	[sflag:s0] =	ssyncadd.tile.s32 @!p0 $0x1;
	_ =	shalt  }
.Lfunc_end2:
_tile_overlayer_lowered:
.L_overlay_start_2:
0xa1: {  	(tag) =	ssettag $0x2  }
0xa2: {  	s0 =	rddreg [dreg:$0x0];
	s2 =	stileid.u32  }
0xa3: {  	s1 =	rddreg [dreg:$0x1];
	p0 =	sne.s32 s2, $0x0  }
0xa4: {  	s3 =	rddreg [dreg:$0x2];
	[bflag:$0x3] =	sbarrier.arrive $0xFFFF;
	s2 =	simm.s32 @!p0 $0x1C02  }
0xa5: {  	[timem:s3], [sflag:s2] =	dma.local @!p0 [hbm:s0], s1  }
0xa6: {  	s0 =	simm.s32 @!p0 $0x2  }
0xa7: {  	_ =	swait.ge @!p0 [sflag:s0], s1  }
0xa8: {  	s1 =	ssub.s32 @!p0 $0x0, s1;
	[sflag:s0] =	ssyncset.done @!p0 $0x0  }
0xa9: {  	[sflag:s0] =	ssyncadd.s32 @!p0 s1  }
0xaa: {  	[bflag:$0x3] =	sbarrier.arrive $0xFFFF  }
0xab: {  	_ =	shalt  }

// kernel: kernel.14.cloned.1.call-start
scs
__scs_entry_jumppad:
0x0: {  	(pc) =	sbr.rel $0x88, $3  }
0x1: {  	(tag) =	ssettag $0x0;
	lr =	simm.s32 $0x1  }
0x2: {  	[smem:$0x3F94] =	sst lr;
	_ =	strace $0xD0000000  }
0x3: {  	_ = 	snop  }
0x4: {  	_ = 	snop  }
0x5: {  	_ = 	snop  }
0x6: {  	_ = 	snop  }
0x7: {  	_ = 	snop  }
__scs_overlays_trampoline_lowered:
0x8: {  	[smem:$0x3FA3] =	sst s0  }
0x9: {  	[smem:$0x3FA4] =	sst s1  }
0xa: {  	[smem:$0x3FA5] =	sst s2  }
0xb: {  	[smem:$0x3FA6] =	sst s3  }
0xc: {  	[smem:$0x3FA7] =	sst s4  }
0xd: {  	[smem:$0x3FA8] =	sst s5  }
0xe: {  	[smem:$0x3FA9] =	sst s6  }
0xf: {  	[smem:$0x3FAA] =	sst s7  }
0x10: {  	[smem:$0x3FAB] =	sst s8  }
0x11: {  	[smem:$0x3FAC] =	sst s9;
	s0 =	simm.s32 @!p0 $0x0  }
0x12: {  	s1 =	sld [smem:$0x3F92];
	s0 =	simm.s32 @p0 $0x1  }
0x13: {  	[smem:$0x3FAD] =	sst s0;
	s0 =	simm.s32 @!p1 $0x0  }
0x14: {  	s2 =	sld [smem:$0x3F91];
	s0 =	simm.s32 @p1 $0x1  }
0x15: {  	[smem:$0x3FAE] =	sst s0;
	s0 =	simm.s32 @!p2 $0x0  }
0x16: {  	s3 =	sld [smem:$0x3FDB];
	s0 =	simm.s32 @p2 $0x1  }
0x17: {  	s4 =	simm.s32 $0x1BF5;
	[smem:$0x3FB0] =	sst s0  }
0x18: {  	s0 =	sld [smem:$0x3F93];
	_ =	swait.ge [sflag:s4], $0x0  }
0x19: {  	s7 =	sld [smem:$0x3F94]  }
0x1a: {  	s8 =	sadd.s32 $0xFFFFE003, lr  }
0x1b: {  	s9 =	sadd.s32 $0xFFFFFEF7, lr;
	s5 =	simm.s32 $0xFFFFFFFF;
	p2 =	slt.u32 s8, $0xFFFFF086  }
0x1c: {  	p1 =	slt.u32 s9, $0xF7A;
	s5 =	simm.s32 @!p2 $0x0  }
0x1d: {  	s5 =	simm.s32 @p1 $0x1;
	p0 =	seq.s32 s7, s2  }
0x1e: {  	s7 =	smul.u32 @!p0 $0xF7A, s2;
	p2 =	seq.s32 @!p0 s5, $0x0  }
0x1f: {  	s9 =	smul.u32 $0xF7A, s1;
	s8 =	simm.s32 @!p0 $0x1BF5;
	p2 =	por !p2, p0  }
0x20: {  	[sflag:s8] =	ssyncset.s32 @!p0 $0xFFFFF086;
	s6 =	sadd.s32 @!p0 s3, s7;
	s7 =	simm.s32 @!p0 $0x108  }
0x21: {  	s3 =	sadd.s32 s3, s9;
	s6 =	sadd.s32 @!p0 $0x88, s6;
	s7 =	simm.s32 @p2 $0x1082  }
0x22: {  	[simem:s7], [sflag:s8] =	dma.local @!p0 [hbm:s6], $0xF7A  }
0x23: {  	s9 =	sor.u32 $0xD0000000, s2;
	s6 =	simm.s32 $0x108;
	_ =	swait.ge @!p0 [sflag:s8], $0x0  }
0x24: {  	s3 =	sadd.s32 $0x88, s3;
	s6 =	simm.s32 @!p1 $0x1082;
	[sflag:s4] =	ssyncset.s32 $0xFFFFF086  }
0x25: {  	[simem:s6], [sflag:s4] =	dma.local [hbm:s3], $0xF7A  }
0x26: {  	[smem:$0x3F94] =	sst s1;
	(tag) =	ssettag s2;
	_ =	strace s9  }
0x27: {  	s1 =	sld [smem:$0x3FA4]  }
0x28: {  	s2 =	sld [smem:$0x3FA5]  }
0x29: {  	s4 =	sld [smem:$0x3FA7]  }
0x2a: {  	p0 =	seq.s32 s5, $0x0;
	s5 =	sld [smem:$0x3FA8]  }
0x2b: {  	s6 =	sld [smem:$0x3FA9]  }
0x2c: {  	s7 =	sld [smem:$0x3FAA]  }
0x2d: {  	s3 =	simm.s32 $0x108;
	s8 =	sld [smem:$0x3FAB]  }
0x2e: {  	s3 =	simm.s32 @!p0 $0x1082;
	s9 =	sld [smem:$0x3FAC]  }
0x2f: {  	lr =	sadd.s32 s0, s3;
	s0 =	sld [smem:$0x3FA3]  }
0x30: {  	s3 =	sld [smem:$0x3FA6]  }
0x31: {  	[smem:$0x3FAF] =	sst s10  }
0x32: {  	s10 =	sld [smem:$0x3FAD];
	_ =	sdelay $0x3  }
0x33: {  	p0 =	seq.s32 s10, $0x1;
	s10 =	sld [smem:$0x3FAF];
	_ =	sdelay $0x3  }
0x34: {  	[smem:$0x3FAF] =	sst s10  }
0x35: {  	s10 =	sld [smem:$0x3FAE];
	_ =	sdelay $0x3  }
0x36: {  	p1 =	seq.s32 s10, $0x1;
	s10 =	sld [smem:$0x3FAF];
	_ =	sdelay $0x3  }
0x37: {  	[smem:$0x3FAF] =	sst s10  }
0x38: {  	s10 =	sld [smem:$0x3FB0]  }
0x39: {  	_ = 	snop;
	(pc) =	sbr.ind lr, $3  }
0x3a: {  	_ = 	snop  }
0x3b: {  	_ = 	snop  }
0x3c: {  	p2 =	seq.s32 s10, $0x1;
	s10 =	sld [smem:$0x3FAF]  }
0x3d: {  	_ =	shalt  }
0x3e: {  	_ =	shalt  }
0x3f: {  	_ =	shalt  }
0x40: {  	_ =	shalt  }
0x41: {  	_ =	shalt  }
0x42: {  	_ =	shalt  }
0x43: {  	_ =	shalt  }
0x44: {  	_ =	shalt  }
0x45: {  	_ =	shalt  }
0x46: {  	_ =	shalt  }
0x47: {  	_ =	shalt  }
0x48: {  	_ =	shalt  }
0x49: {  	_ =	shalt  }
0x4a: {  	_ =	shalt  }
0x4b: {  	_ =	shalt  }
0x4c: {  	_ =	shalt  }
0x4d: {  	_ =	shalt  }
0x4e: {  	_ =	shalt  }
0x4f: {  	_ =	shalt  }
0x50: {  	_ =	shalt  }
0x51: {  	_ =	shalt  }
0x52: {  	_ =	shalt  }
0x53: {  	_ =	shalt  }
0x54: {  	_ =	shalt  }
0x55: {  	_ =	shalt  }
0x56: {  	_ =	shalt  }
0x57: {  	_ =	shalt  }
0x58: {  	_ =	shalt  }
0x59: {  	_ =	shalt  }
0x5a: {  	_ =	shalt  }
0x5b: {  	_ =	shalt  }
0x5c: {  	_ =	shalt  }
0x5d: {  	_ =	shalt  }
0x5e: {  	_ =	shalt  }
0x5f: {  	_ =	shalt  }
0x60: {  	_ =	shalt  }
0x61: {  	_ =	shalt  }
0x62: {  	_ =	shalt  }
0x63: {  	_ =	shalt  }
0x64: {  	_ =	shalt  }
0x65: {  	_ =	shalt  }
0x66: {  	_ =	shalt  }
0x67: {  	_ =	shalt  }
0x68: {  	_ =	shalt  }
0x69: {  	_ =	shalt  }
0x6a: {  	_ =	shalt  }
0x6b: {  	_ =	shalt  }
0x6c: {  	_ =	shalt  }
0x6d: {  	_ =	shalt  }
0x6e: {  	_ =	shalt  }
0x6f: {  	_ =	shalt  }
0x70: {  	_ =	shalt  }
0x71: {  	_ =	shalt  }
0x72: {  	_ =	shalt  }
0x73: {  	_ =	shalt  }
0x74: {  	_ =	shalt  }
0x75: {  	_ =	shalt  }
0x76: {  	_ =	shalt  }
0x77: {  	_ =	shalt  }
0x78: {  	_ =	shalt  }
0x79: {  	_ =	shalt  }
0x7a: {  	_ =	shalt  }
0x7b: {  	_ =	shalt  }
0x7c: {  	_ =	shalt  }
0x7d: {  	_ =	shalt  }
0x7e: {  	_ =	shalt  }
0x7f: {  	_ =	shalt  }
0x80: {  	_ =	shalt  }
0x81: {  	_ =	shalt  }
0x82: {  	_ =	shalt  }
0x83: {  	_ =	shalt  }
0x84: {  	_ =	shalt  }
0x85: {  	_ =	shalt  }
0x86: {  	_ =	shalt  }
0x87: {  	_ =	shalt  }
.Lfunc_end0:
.L_simem_size_0:
called_computation.1_lowered:
.L_overlay_start_0:
0x88: {  	s2 =	sld [smem:$0x3FD9]  }
0x89: {  	s3 =	sld [smem:$0x3FFE];
	_ =	sdelay $0x1  }
0x8a: {  	s1 =	srdreg.scid  }
0x8b: {  	s0 =	sand.u32 $0x1, s1  }
0x8c: {  	s16 =	sshll.u32 s0, $0xA;
	s2 =	sadd.s32 s3, s2  }
0x8d: {  	s2 =	sadd.s32 s2, s16  }
0x8e: {  	[smem:$0x3FBB] =	sst s2  }
0x8f: {  	_ = 	snop  }
0x90: {  	(tm) =	ssettm $0x1  }
0x91: {  	s17 =	sld [smem:$0x3FFB];
	_ =	sdelay $0x3  }
0x92: {  	_ =	strace s17  }
0x93: {  	s2 =	sld [smem:$0x3FFC];
	_ =	sdelay $0x3  }
0x94: {  	_ =	strace s2  }
0x95: {  	s2 =	sld [smem:$0x3FFD];
	_ =	sdelay $0x3  }
0x96: {  	_ =	strace s2  }
0x97: {  	_ =	strace $0x8FFFFFFF  }
0x98: {  	s18 =	sld [smem:$0x3FDB];
	_ =	sdelay $0x1  }
0x99: {  	s19 =	simm.s32 $_scs_section_size  }
0x9a: {  	s4 =	simm.s32 $_size__tile_overlayer_lowered;
	s5 =	simm.s32 $_tile_overlayer_lowered  }
0x9b: {  	s22 =	simm.s32 $0x1BFF;
	s21 =	sshll.u32 s5, $0x1;
	s2 =	sadd.s32 s19, s18  }
0x9c: {  	s6 =	simm.s32 $0x0;
	s20 =	sshll.u32 s4, $0x1;
	s4 =	sadd.s32 s21, s2  }
0x9d: {  	[timem:s6], [sflag:s22] =	dma.local [hbm:s4], s20  }
0x9e: {  	_ =	swait.ge [sflag:s22], s20  }
0x9f: {  	s3 =	ssub.s32 $0x0, s20;
	[sflag:s22] =	ssyncset.done $0x0  }
0xa0: {  	[sflag:s22] =	ssyncadd.s32 s3;
	_ =	sdelay $0x1  }
0xa1: {  	s23 =	simm.s32 $0x1B8B  }
0xa2: {  	_ =	swait.ge [sflag:s23], $0x1  }
0xa3: {  	[sflag:s23] =	ssyncset.done $0x0  }
0xa4: {  	s25 =	simm.s32 $0x1B8E;
	s24 =	sld [smem:$0x3FFE];
	[sflag:s23] =	ssyncadd.s32 $0xFFFFFFFF  }
0xa5: {  	s26 =	simm.s32 $execute0_lowered;
	[smem:$0x3FD2] =	sst s25  }
0xa6: {  	s4 =	sshll.u32 s26, $0x1;
	_ =	strace $0x80000049;
	[dreg:$0x1] =	wrdreg $0xFFFFFFFF  }
0xa7: {  	s28 =	simm.s32 $_size_execute0_lowered;
	s2 =	sadd.s32 s2, s4;
	[dreg:$0x0] =	wrdreg $0x0  }
0xa8: {  	s4 =	sshll.u32 s28, $0x1;
	[dreg:$0x2] =	wrdreg s2  }
0xa9: {  	[dreg:$0x3] =	wrdreg s4  }
0xaa: {  	[dreg:$0x4] =	wrdreg $0xC0  }
0xab: {  	_ =	task [dreg:s6], $0x5FFFF  }
0xac: {  	[dreg:$0x1] =	wrdreg $0xFFFFFFFF  }
0xad: {  	[dreg:$0x0] =	wrdreg $0x60  }
0xae: {  	[dreg:$0x2] =	wrdreg s24  }
0xaf: {  	[dreg:$0x3] =	wrdreg $0xA8000  }
0xb0: {  	[dreg:$0x4] =	wrdreg $0x9  }
0xb1: {  	_ =	task.clear_ibuf [dreg:s6], $0x5FFFF;
	_ =	strace $0x90000049  }
0xb2: {  	s29 =	simm.s32 $0x9;
	_ =	strace $0x8000004B  }
0xb3: {  	_ =	swait.ge [sflag:s29], $0x1  }
0xb4: {  	[sflag:s29] =	ssyncadd.s32 $0xFFFFFFFF  }
0xb5: {  	_ =	strace $0x9000004B  }
0xb6: {  	_ =	sfence  }
0xb7: {  	s30 =	sld [smem:$0x0];
	_ =	sdelay $0x2  }
0xb8: {  	s31 =	sshll.u32 s1, $0xD;
	s1 =	sshrl.u32 s1, $0x2  }
0xb9: {  	s3 =	sand.u32 $0x4000, s31;
	s1 =	sadd.s32 s1, s30  }
0xba: {  	s0 =	sor.u32 s3, s0;
	s1 =	sshll.u32 s1, $0x11  }
0xbb: {  	s0 =	sor.u32 s1, s0  }
0xbc: {  	s0 =	sadd.s32 $0x8F2B, s0  }
0xbd: {  	[sflag:s0] =	ssyncadd.remote.s32 $0x1  }
0xbe: {  	_ =	sfence.sel $0xFFFF  }
0xbf: {  	[dreg:$0x0] =	wrdreg $0xFFFFFFFF;
	(pc) =	sbr.abs _section_cstart, $3  }
0xc0: {  	[dreg:$0x1] =	wrdreg $0xFFFFFFFF  }
0xc1: {  	_ =	task.clear_ibuf [dreg:s6], $0x2FFFF;
	_ =	strace $0x9FFFFFFF  }
0xc2: {  	(tm) =	ssettm $0x7FFFFFFF  }
0xc3: {  	_ =	shalt  }
tec
execute0_lowered:
.L_overlay_start_1:
0x0: {  	(tag) =	ssettag $0x1  }
0x1: {  	s5 =	rddreg [dreg:$0x0]  }
0x2: {  	s1 =	rddreg [dreg:$0x1]  }
0x3: {  	s0 =	rddreg [dreg:$0x2]  }
0x4: {  	s3 =	simm.s32 $0x0;
	s2 =	srdreg.scid;
	s17 =	simm.s32 $0x2800  }
0x5: {  	s18 =	simm.s32 $0x4800;
	s19 =	simm.s32 $0x80;
	s20 =	simm.s32 $0x6800  }
0x6: {  	s21 =	simm.s32 $0xC0;
	s22 =	simm.s32 $0x8800;
	s23 =	simm.s32 $0x1  }
0x7: {  	s24 =	simm.s32 $0x2;
	s28 =	simm.s32 $0x0;
	[smem:$0x7FF] =	sst s3  }
0x8: {  	s6 =	sand.u32 $0x1, s2;
	s2 =	stileid.u32;
	s9 =	sadd.s32 $0xD600, s5  }
0x9: {  	s10 =	sadd.s32 $0x3600, s5;
	s4 =	sadd.s32 $0x17600, s5;
	s7 =	smul.u32 $0x140000, s6  }
0xa: {  	s11 =	sadd.s32 $0x3F600, s5;
	_ =	strace $0x8000004A;
	s8 =	smul.u32 $0x14000, s2  }
0xb: {  	s25 =	sshll.u32 s6, $0x4;
	s12 =	ssub.s32 $0x2, s6;
	s13 =	smul.u32 $0x50000, s2  }
0xc: {  	p0 =	seq.s32 s6, $0x1;
	s30 =	smul.u32 $0x2800, s2;
	s16 =	smov.u32 s4  }
0xd: {  	s31 =	sshll.u32 s2, $0x6;
	s14 =	sshrl.u32 s12, $0x1;
	s16 =	smov.u32 @p0 s11  }
0xe: {  	s7 =	sadd.s32 s8, s7;
	s8 =	sor.u32 s2, s25;
	s12 =	ssub.s32 s12, s14  }
0xf: {  	s26 =	sshrl.u32 s13, $0x2;
	s11 =	sadd.s32 s16, s30;
	s14 =	simm.s32 $0x3  }
0x10: {  	s16 =	simm.s32 $0x40;
	s25 =	simm.s32 $0x2700;
	s8 =	smul.u32 $0x2800, s8  }
0x11: {  	s7 =	sshrl.u32 s7, $0x3;
	s13 =	sadd.s32 s26, s1;
	s26 =	simm.s32 $0x2780  }
0x12: {  	s15 =	sadd.s32 s7, s5;
	s13 =	sshrl.u32 s13, $0x3;
	s29 =	sshrl.u32 s8, $0x3  }
0x13: {  	s5 =	sadd.s32 s9, s29;
	s8 =	sadd.s32 $0x280, s29;
	s6 =	sadd.s32 s10, s29  }
0x14: {  	s7 =	sadd.s32 s9, s8;
	s8 =	sadd.s32 s10, s8;
	s9 =	sadd.s32 $0x67600, s15  }
0x15: {  	s10 =	smax.u32 s12, $0x1;
	s12 =	sor.u32 $0x1C03, s31;
	s15 =	simm.s32 $0x1400  }
.LBB2_1:
0x16: {  	[spmem:s13], [sflag:s12] =	dma.local [hbm:s11], $0x2800  }
0x17: {  	_ =	swait.ge [sflag:s14], $0x2800  }
0x18: {  	[sflag:s14] =	ssyncset.done $0x0  }
0x19: {  	[sflag:s14] =	ssyncadd.s32 $0xFFFFD800  }
0x1a: {  	[bflag:$0x0] =	sbarrier.arrive $0xFFFF  }
0x1b: {  	[tilespmem:s3], [sflag:$0x3] =	stream.linear.gather [hbm4b:s5+s3], $0x1400, $0x38;
	[tilespmem:$0x1E800] =	vst v63  }
0x1c: {  	_ =	swait.ge [sflag:s14], $0x1400  }
0x1d: {  	[sflag:s14] =	ssyncset.done $0x0  }
0x1e: {  	[sflag:s14] =	ssyncadd.s32 $0xFFFFEC00  }
0x1f: {  	[tilespmem:s15], [sflag:$0x3] =	stream.linear.gather [hbm4b:s6+s3], $0x1400, $0x38;
	[tilespmem:$0x1E800] =	vst v63  }
0x20: {  	_ =	swait.ge [sflag:s14], $0x1400  }
0x21: {  	[sflag:s14] =	ssyncset.done $0x0  }
0x22: {  	[sflag:s14] =	ssyncadd.s32 $0xFFFFEC00  }
0x23: {  	[tilespmem:s17], [sflag:$0x1] =	stream.indirect.gather [hbm4b:s4+s16], $0x80, s3, s16, $0xb8;
	[tilespmem:$0x1E800] =	vst v63  }
0x24: {  	_ = 	snop  }
0x25: {  	[tilespmem:s18], [sflag:$0x1] =	stream.indirect.gather [hbm4b:s4+s16], $0x80, s16, s16, $0xb8;
	[tilespmem:$0x1E800] =	vst v63  }
0x26: {  	_ = 	snop  }
0x27: {  	[tilespmem:s20], [sflag:$0x2] =	stream.indirect.gather [hbm4b:s4+s16], $0x80, s19, s16, $0xb8;
	[tilespmem:$0x1E800] =	vst v63  }
0x28: {  	_ = 	snop  }
0x29: {  	[tilespmem:s22], [sflag:$0x2] =	stream.indirect.gather [hbm4b:s4+s16], $0x80, s21, s16, $0xb8;
	[tilespmem:$0x1E800] =	vst v63  }
0x2a: {  	_ =	swait.ge [sflag:s23], $0x2000  }
0x2b: {  	[sflag:s23] =	ssyncset.done $0x0  }
0x2c: {  	[sflag:s23] =	ssyncadd.s32 $0xFFFFE000  }
0x2d: {  	_ =	swait.ge [sflag:s23], $0x2000  }
0x2e: {  	[sflag:s23] =	ssyncset.done $0x0  }
0x2f: {  	s29 =	simm.s32 $0x1400;
	[sflag:s23] =	ssyncadd.s32 $0xFFFFE000  }
0x30: {  	[spmem:s1] =	stream.indirect.scatter.add.f32 [tilespmem:s17], [sflag:$0x3], $0x80, s29, s19, $0xb8;
	[tilespmem:$0x1E800] =	vst v63  }
0x31: {  	_ =	swait.ge [sflag:s14], $0x4000  }
0x32: {  	[sflag:s14] =	ssyncset.done $0x0  }
0x33: {  	s29 =	simm.s32 $0x100;
	[sflag:s14] =	ssyncadd.s32 $0xFFFFC000  }
0x34: {  	[tilespmem:s17], [sflag:$0x1] =	stream.indirect.gather [hbm4b:s4+s16], $0x80, s29, s16, $0xb8;
	[tilespmem:$0x1E800] =	vst v63  }
0x35: {  	s29 =	simm.s32 $0x140  }
0x36: {  	[tilespmem:s18], [sflag:$0x1] =	stream.indirect.gather [hbm4b:s4+s16], $0x80, s29, s16, $0xb8;
	[tilespmem:$0x1E800] =	vst v63  }
0x37: {  	_ =	swait.ge [sflag:s24], $0x2000  }
0x38: {  	[sflag:s24] =	ssyncset.done $0x0  }
0x39: {  	[sflag:s24] =	ssyncadd.s32 $0xFFFFE000  }
0x3a: {  	_ =	swait.ge [sflag:s24], $0x2000  }
0x3b: {  	[sflag:s24] =	ssyncset.done $0x0  }
0x3c: {  	s29 =	simm.s32 $0x1480;
	[sflag:s24] =	ssyncadd.s32 $0xFFFFE000  }
0x3d: {  	[spmem:s1] =	stream.indirect.scatter.add.f32 [tilespmem:s20], [sflag:$0x3], $0x80, s29, s19, $0xb8;
	[tilespmem:$0x1E800] =	vst v63  }
0x3e: {  	_ =	swait.ge [sflag:s14], $0x4000  }
0x3f: {  	[sflag:s14] =	ssyncset.done $0x0  }
0x40: {  	s29 =	simm.s32 $0x180;
	[sflag:s14] =	ssyncadd.s32 $0xFFFFC000  }
0x41: {  	[tilespmem:s20], [sflag:$0x2] =	stream.indirect.gather [hbm4b:s4+s16], $0x80, s29, s16, $0xb8;
	[tilespmem:$0x1E800] =	vst v63  }
0x42: {  	s30 =	simm.s32 $0x1C0;
	s29 =	simm.s32 $0x400  }
.LBB2_2:
0x43: {  	[tilespmem:s22], [sflag:$0x2] =	stream.indirect.gather [hbm4b:s4+s16], $0x80, s30, s16, $0xb8;
	[tilespmem:$0x1E800] =	vst v63  }
0x44: {  	s30 =	smov.u32 s29  }
0x45: {  	p0 =	sne.s32 s29, $0x4800;
	s29 =	sadd.s32 $0x400, s29;
	_ =	swait.ge [sflag:s23], $0x2000  }
0x46: {  	[sflag:s23] =	ssyncset.done $0x0  }
0x47: {  	[sflag:s23] =	ssyncadd.s32 $0xFFFFE000  }
0x48: {  	_ =	swait.ge [sflag:s23], $0x2000  }
0x49: {  	s30 =	sshra.s32 s30, $0x2;
	[sflag:s23] =	ssyncset.done $0x0  }
0x4a: {  	s31 =	sadd.s32 $0x1400, s30;
	[sflag:s23] =	ssyncadd.s32 $0xFFFFE000  }
0x4b: {  	[spmem:s1] =	stream.indirect.scatter.add.f32 [tilespmem:s17], [sflag:$0x3], $0x80, s31, s19, $0xb8;
	[tilespmem:$0x1E800] =	vst v63  }
0x4c: {  	_ =	swait.ge [sflag:s14], $0x4000  }
0x4d: {  	[sflag:s14] =	ssyncset.done $0x0  }
0x4e: {  	s31 =	sadd.s32 $0x100, s30;
	[sflag:s14] =	ssyncadd.s32 $0xFFFFC000  }
0x4f: {  	[tilespmem:s17], [sflag:$0x1] =	stream.indirect.gather [hbm4b:s4+s16], $0x80, s31, s16, $0xb8;
	[tilespmem:$0x1E800] =	vst v63  }
0x50: {  	s31 =	sadd.s32 $0x140, s30  }
0x51: {  	[tilespmem:s18], [sflag:$0x1] =	stream.indirect.gather [hbm4b:s4+s16], $0x80, s31, s16, $0xb8;
	[tilespmem:$0x1E800] =	vst v63  }
0x52: {  	_ =	swait.ge [sflag:s24], $0x2000  }
0x53: {  	[sflag:s24] =	ssyncset.done $0x0  }
0x54: {  	[sflag:s24] =	ssyncadd.s32 $0xFFFFE000  }
0x55: {  	_ =	swait.ge [sflag:s24], $0x2000  }
0x56: {  	[sflag:s24] =	ssyncset.done $0x0  }
0x57: {  	s31 =	sadd.s32 $0x1480, s30;
	[sflag:s24] =	ssyncadd.s32 $0xFFFFE000  }
0x58: {  	[spmem:s1] =	stream.indirect.scatter.add.f32 [tilespmem:s20], [sflag:$0x3], $0x80, s31, s19, $0xb8;
	[tilespmem:$0x1E800] =	vst v63  }
.Ltmp0:
0x59: {  	_ =	swait.ge [sflag:s14], $0x4000;
	(pc) =	sbr.rel @p0 .LBB2_2-.Ltmp0, $4  }
0x5a: {  	[sflag:s14] =	ssyncset.done $0x0  }
0x5b: {  	s31 =	sadd.s32 $0x180, s30;
	[sflag:s14] =	ssyncadd.s32 $0xFFFFC000  }
0x5c: {  	[tilespmem:s20], [sflag:$0x2] =	stream.indirect.gather [hbm4b:s4+s16], $0x80, s31, s16, $0xb8;
	[tilespmem:$0x1E800] =	vst v63  }
0x5d: {  	s30 =	sadd.s32 $0x1C0, s30  }
0x5e: {  	[tilespmem:s22], [sflag:$0x2] =	stream.indirect.gather [hbm4b:s4+s16], $0x80, s30, s16, $0xb8;
	[tilespmem:$0x1E800] =	vst v63  }
0x5f: {  	_ =	swait.ge [sflag:s23], $0x2000  }
0x60: {  	[sflag:s23] =	ssyncset.done $0x0  }
0x61: {  	[sflag:s23] =	ssyncadd.s32 $0xFFFFE000  }
0x62: {  	_ =	swait.ge [sflag:s23], $0x2000  }
0x63: {  	[sflag:s23] =	ssyncset.done $0x0  }
0x64: {  	[sflag:s23] =	ssyncadd.s32 $0xFFFFE000  }
0x65: {  	[spmem:s1] =	stream.indirect.scatter.add.f32 [tilespmem:s17], [sflag:$0x3], $0x80, s25, s19, $0xb8;
	[tilespmem:$0x1E800] =	vst v63  }
0x66: {  	_ =	swait.ge [sflag:s14], $0x4000  }
0x67: {  	[sflag:s14] =	ssyncset.done $0x0  }
0x68: {  	[sflag:s14] =	ssyncadd.s32 $0xFFFFC000  }
0x69: {  	_ =	swait.ge [sflag:s24], $0x2000  }
0x6a: {  	[sflag:s24] =	ssyncset.done $0x0  }
0x6b: {  	[sflag:s24] =	ssyncadd.s32 $0xFFFFE000  }
0x6c: {  	_ =	swait.ge [sflag:s24], $0x2000  }
0x6d: {  	[sflag:s24] =	ssyncset.done $0x0  }
0x6e: {  	[sflag:s24] =	ssyncadd.s32 $0xFFFFE000  }
0x6f: {  	[spmem:s1] =	stream.indirect.scatter.add.f32 [tilespmem:s20], [sflag:$0x3], $0x80, s26, s19, $0xb8;
	[tilespmem:$0x1E800] =	vst v63  }
0x70: {  	_ =	swait.ge [sflag:s14], $0x4000  }
0x71: {  	[sflag:s14] =	ssyncset.done $0x0  }
0x72: {  	s29 =	simm.s32 $0x0;
	[sflag:s14] =	ssyncadd.s32 $0xFFFFC000  }
0x73: {  	[tilespmem:s29], [sflag:$0x3] =	stream.linear.gather [hbm4b:s7+s29], $0x1400, $0x38;
	[tilespmem:$0x1E800] =	vst v63  }
0x74: {  	_ =	swait.ge [sflag:s14], $0x1400  }
0x75: {  	[sflag:s14] =	ssyncset.done $0x0  }
0x76: {  	[sflag:s14] =	ssyncadd.s32 $0xFFFFEC00  }
0x77: {  	[tilespmem:s15], [sflag:$0x3] =	stream.linear.gather [hbm4b:s8+s29], $0x1400, $0x38;
	[tilespmem:$0x1E800] =	vst v63  }
0x78: {  	_ =	swait.ge [sflag:s14], $0x1400  }
0x79: {  	[sflag:s14] =	ssyncset.done $0x0  }
0x7a: {  	[sflag:s14] =	ssyncadd.s32 $0xFFFFEC00  }
0x7b: {  	[tilespmem:s17], [sflag:$0x1] =	stream.indirect.gather [hbm4b:s4+s16], $0x80, s29, s16, $0xb8;
	[tilespmem:$0x1E800] =	vst v63  }
0x7c: {  	_ = 	snop  }
0x7d: {  	[tilespmem:s18], [sflag:$0x1] =	stream.indirect.gather [hbm4b:s4+s16], $0x80, s16, s16, $0xb8;
	[tilespmem:$0x1E800] =	vst v63  }
0x7e: {  	_ = 	snop  }
0x7f: {  	[tilespmem:s20], [sflag:$0x2] =	stream.indirect.gather [hbm4b:s4+s16], $0x80, s19, s16, $0xb8;
	[tilespmem:$0x1E800] =	vst v63  }
0x80: {  	_ = 	snop  }
0x81: {  	[tilespmem:s22], [sflag:$0x2] =	stream.indirect.gather [hbm4b:s4+s16], $0x80, s21, s16, $0xb8;
	[tilespmem:$0x1E800] =	vst v63  }
0x82: {  	_ =	swait.ge [sflag:s23], $0x2000  }
0x83: {  	[sflag:s23] =	ssyncset.done $0x0  }
0x84: {  	[sflag:s23] =	ssyncadd.s32 $0xFFFFE000  }
0x85: {  	_ =	swait.ge [sflag:s23], $0x2000  }
0x86: {  	[sflag:s23] =	ssyncset.done $0x0  }
0x87: {  	s29 =	simm.s32 $0x1400;
	[sflag:s23] =	ssyncadd.s32 $0xFFFFE000  }
0x88: {  	[spmem:s1] =	stream.indirect.scatter.add.f32 [tilespmem:s17], [sflag:$0x3], $0x80, s29, s19, $0xb8;
	[tilespmem:$0x1E800] =	vst v63  }
0x89: {  	_ =	swait.ge [sflag:s14], $0x4000  }
0x8a: {  	[sflag:s14] =	ssyncset.done $0x0  }
0x8b: {  	s29 =	simm.s32 $0x100;
	[sflag:s14] =	ssyncadd.s32 $0xFFFFC000  }
0x8c: {  	[tilespmem:s17], [sflag:$0x1] =	stream.indirect.gather [hbm4b:s4+s16], $0x80, s29, s16, $0xb8;
	[tilespmem:$0x1E800] =	vst v63  }
0x8d: {  	s29 =	simm.s32 $0x140  }
0x8e: {  	[tilespmem:s18], [sflag:$0x1] =	stream.indirect.gather [hbm4b:s4+s16], $0x80, s29, s16, $0xb8;
	[tilespmem:$0x1E800] =	vst v63  }
0x8f: {  	_ =	swait.ge [sflag:s24], $0x2000  }
0x90: {  	[sflag:s24] =	ssyncset.done $0x0  }
0x91: {  	[sflag:s24] =	ssyncadd.s32 $0xFFFFE000  }
0x92: {  	_ =	swait.ge [sflag:s24], $0x2000  }
0x93: {  	[sflag:s24] =	ssyncset.done $0x0  }
0x94: {  	s29 =	simm.s32 $0x1480;
	[sflag:s24] =	ssyncadd.s32 $0xFFFFE000  }
0x95: {  	[spmem:s1] =	stream.indirect.scatter.add.f32 [tilespmem:s20], [sflag:$0x3], $0x80, s29, s19, $0xb8;
	[tilespmem:$0x1E800] =	vst v63  }
0x96: {  	_ =	swait.ge [sflag:s14], $0x4000  }
0x97: {  	[sflag:s14] =	ssyncset.done $0x0  }
0x98: {  	s29 =	simm.s32 $0x180;
	[sflag:s14] =	ssyncadd.s32 $0xFFFFC000  }
0x99: {  	[tilespmem:s20], [sflag:$0x2] =	stream.indirect.gather [hbm4b:s4+s16], $0x80, s29, s16, $0xb8;
	[tilespmem:$0x1E800] =	vst v63  }
0x9a: {  	s30 =	simm.s32 $0x1C0;
	s29 =	simm.s32 $0x400  }
.LBB2_4:
0x9b: {  	[tilespmem:s22], [sflag:$0x2] =	stream.indirect.gather [hbm4b:s4+s16], $0x80, s30, s16, $0xb8;
	[tilespmem:$0x1E800] =	vst v63  }
0x9c: {  	s30 =	smov.u32 s29  }
0x9d: {  	p0 =	sne.s32 s29, $0x4800;
	s29 =	sadd.s32 $0x400, s29;
	_ =	swait.ge [sflag:s23], $0x2000  }
0x9e: {  	[sflag:s23] =	ssyncset.done $0x0  }
0x9f: {  	[sflag:s23] =	ssyncadd.s32 $0xFFFFE000  }
0xa0: {  	_ =	swait.ge [sflag:s23], $0x2000  }
0xa1: {  	s30 =	sshra.s32 s30, $0x2;
	[sflag:s23] =	ssyncset.done $0x0  }
0xa2: {  	s31 =	sadd.s32 $0x1400, s30;
	[sflag:s23] =	ssyncadd.s32 $0xFFFFE000  }
0xa3: {  	[spmem:s1] =	stream.indirect.scatter.add.f32 [tilespmem:s17], [sflag:$0x3], $0x80, s31, s19, $0xb8;
	[tilespmem:$0x1E800] =	vst v63  }
0xa4: {  	_ =	swait.ge [sflag:s14], $0x4000  }
0xa5: {  	[sflag:s14] =	ssyncset.done $0x0  }
0xa6: {  	s31 =	sadd.s32 $0x100, s30;
	[sflag:s14] =	ssyncadd.s32 $0xFFFFC000  }
0xa7: {  	[tilespmem:s17], [sflag:$0x1] =	stream.indirect.gather [hbm4b:s4+s16], $0x80, s31, s16, $0xb8;
	[tilespmem:$0x1E800] =	vst v63  }
0xa8: {  	s31 =	sadd.s32 $0x140, s30  }
0xa9: {  	[tilespmem:s18], [sflag:$0x1] =	stream.indirect.gather [hbm4b:s4+s16], $0x80, s31, s16, $0xb8;
	[tilespmem:$0x1E800] =	vst v63  }
0xaa: {  	_ =	swait.ge [sflag:s24], $0x2000  }
0xab: {  	[sflag:s24] =	ssyncset.done $0x0  }
0xac: {  	[sflag:s24] =	ssyncadd.s32 $0xFFFFE000  }
0xad: {  	_ =	swait.ge [sflag:s24], $0x2000  }
0xae: {  	[sflag:s24] =	ssyncset.done $0x0  }
0xaf: {  	s31 =	sadd.s32 $0x1480, s30;
	[sflag:s24] =	ssyncadd.s32 $0xFFFFE000  }
0xb0: {  	[spmem:s1] =	stream.indirect.scatter.add.f32 [tilespmem:s20], [sflag:$0x3], $0x80, s31, s19, $0xb8;
	[tilespmem:$0x1E800] =	vst v63  }
.Ltmp1:
0xb1: {  	_ =	swait.ge [sflag:s14], $0x4000;
	(pc) =	sbr.rel @p0 .LBB2_4-.Ltmp1, $4  }
0xb2: {  	[sflag:s14] =	ssyncset.done $0x0  }
0xb3: {  	s31 =	sadd.s32 $0x180, s30;
	[sflag:s14] =	ssyncadd.s32 $0xFFFFC000  }
0xb4: {  	[tilespmem:s20], [sflag:$0x2] =	stream.indirect.gather [hbm4b:s4+s16], $0x80, s31, s16, $0xb8;
	[tilespmem:$0x1E800] =	vst v63  }
0xb5: {  	s30 =	sadd.s32 $0x1C0, s30  }
0xb6: {  	[tilespmem:s22], [sflag:$0x2] =	stream.indirect.gather [hbm4b:s4+s16], $0x80, s30, s16, $0xb8;
	[tilespmem:$0x1E800] =	vst v63  }
0xb7: {  	_ =	swait.ge [sflag:s23], $0x2000  }
0xb8: {  	[sflag:s23] =	ssyncset.done $0x0  }
0xb9: {  	[sflag:s23] =	ssyncadd.s32 $0xFFFFE000  }
0xba: {  	_ =	swait.ge [sflag:s23], $0x2000  }
0xbb: {  	[sflag:s23] =	ssyncset.done $0x0  }
0xbc: {  	[sflag:s23] =	ssyncadd.s32 $0xFFFFE000  }
0xbd: {  	[spmem:s1] =	stream.indirect.scatter.add.f32 [tilespmem:s17], [sflag:$0x3], $0x80, s25, s19, $0xb8;
	[tilespmem:$0x1E800] =	vst v63  }
0xbe: {  	_ =	swait.ge [sflag:s14], $0x4000  }
0xbf: {  	[sflag:s14] =	ssyncset.done $0x0  }
0xc0: {  	[sflag:s14] =	ssyncadd.s32 $0xFFFFC000  }
0xc1: {  	_ =	swait.ge [sflag:s24], $0x2000  }
0xc2: {  	[sflag:s24] =	ssyncset.done $0x0  }
0xc3: {  	[sflag:s24] =	ssyncadd.s32 $0xFFFFE000  }
0xc4: {  	_ =	swait.ge [sflag:s24], $0x2000  }
0xc5: {  	[sflag:s24] =	ssyncset.done $0x0  }
0xc6: {  	[sflag:s24] =	ssyncadd.s32 $0xFFFFE000  }
0xc7: {  	[spmem:s1] =	stream.indirect.scatter.add.f32 [tilespmem:s20], [sflag:$0x3], $0x80, s26, s19, $0xb8;
	[tilespmem:$0x1E800] =	vst v63  }
0xc8: {  	_ =	swait.ge [sflag:s14], $0x4000  }
0xc9: {  	s28 =	sadd.s32 $0x1, s28;
	[sflag:s14] =	ssyncset.done $0x0  }
0xca: {  	p0 =	sne.s32 s28, s10;
	[sflag:s14] =	ssyncadd.s32 $0xFFFFC000  }
.Ltmp2:
0xcb: {  	[bflag:$0x0] =	sbarrier.arrive $0xFFFF;
	(pc) =	sbr.rel @p0 .LBB2_1-.Ltmp2, $4  }
0xcc: {  	[hbm:s9], [sflag:s12] =	dma.local [spmem:s13], $0x2800  }
0xcd: {  	_ =	swait.ge [sflag:s14], $0x2800  }
0xce: {  	[sflag:s14] =	ssyncset.done $0x0  }
0xcf: {  	[sflag:s14] =	ssyncadd.s32 $0xFFFFD800  }
0xd0: {  	_ =	sfence.sel $0x180000  }
0xd1: {  	[bflag:$0x0] =	sbarrier.arrive $0xFFFF  }
0xd2: {  	p0 =	sne.s32 s2, $0x0;
	_ =	strace $0x9000004A  }
0xd3: {  	s0 =	sadd.s32 @!p0 $0x100000, s0;
	[bflag:$0x2] =	sbarrier.arrive $0xFFFF  }
0xd4: {  	[sflag:s0] =	ssyncadd.tile.s32 @!p0 $0x1;
	_ =	shalt  }
.Lfunc_end2:
_tile_overlayer_lowered:
.L_overlay_start_2:
0xd5: {  	(tag) =	ssettag $0x2  }
0xd6: {  	s0 =	rddreg [dreg:$0x0];
	s2 =	stileid.u32  }
0xd7: {  	s1 =	rddreg [dreg:$0x1];
	p0 =	sne.s32 s2, $0x0  }
0xd8: {  	s3 =	rddreg [dreg:$0x2];
	[bflag:$0x3] =	sbarrier.arrive $0xFFFF;
	s2 =	simm.s32 @!p0 $0x1C03  }
0xd9: {  	[timem:s3], [sflag:s2] =	dma.local @!p0 [hbm:s0], s1  }
0xda: {  	s0 =	simm.s32 @!p0 $0x3  }
0xdb: {  	_ =	swait.ge @!p0 [sflag:s0], s1  }
0xdc: {  	s1 =	ssub.s32 @!p0 $0x0, s1;
	[sflag:s0] =	ssyncset.done @!p0 $0x0  }
0xdd: {  	[sflag:s0] =	ssyncadd.s32 @!p0 s1  }
0xde: {  	[bflag:$0x3] =	sbarrier.arrive $0xFFFF  }
0xdf: {  	_ =	shalt  }

// kernel: kernel.17.cloned.1.call-start
scs
__scs_entry_jumppad:
0x0: {  	(pc) =	sbr.rel $0x88, $3  }
0x1: {  	(tag) =	ssettag $0x0;
	lr =	simm.s32 $0x1  }
0x2: {  	[smem:$0x3F94] =	sst lr;
	_ =	strace $0xD0000000  }
0x3: {  	_ = 	snop  }
0x4: {  	_ = 	snop  }
0x5: {  	_ = 	snop  }
0x6: {  	_ = 	snop  }
0x7: {  	_ = 	snop  }
__scs_overlays_trampoline_lowered:
0x8: {  	[smem:$0x3FA3] =	sst s0  }
0x9: {  	[smem:$0x3FA4] =	sst s1  }
0xa: {  	[smem:$0x3FA5] =	sst s2  }
0xb: {  	[smem:$0x3FA6] =	sst s3  }
0xc: {  	[smem:$0x3FA7] =	sst s4  }
0xd: {  	[smem:$0x3FA8] =	sst s5  }
0xe: {  	[smem:$0x3FA9] =	sst s6  }
0xf: {  	[smem:$0x3FAA] =	sst s7  }
0x10: {  	[smem:$0x3FAB] =	sst s8  }
0x11: {  	[smem:$0x3FAC] =	sst s9;
	s0 =	simm.s32 @!p0 $0x0  }
0x12: {  	s1 =	sld [smem:$0x3F92];
	s0 =	simm.s32 @p0 $0x1  }
0x13: {  	[smem:$0x3FAD] =	sst s0;
	s0 =	simm.s32 @!p1 $0x0  }
0x14: {  	s2 =	sld [smem:$0x3F91];
	s0 =	simm.s32 @p1 $0x1  }
0x15: {  	[smem:$0x3FAE] =	sst s0;
	s0 =	simm.s32 @!p2 $0x0  }
0x16: {  	s3 =	sld [smem:$0x3FDB];
	s0 =	simm.s32 @p2 $0x1  }
0x17: {  	s4 =	simm.s32 $0x1BF5;
	[smem:$0x3FB0] =	sst s0  }
0x18: {  	s0 =	sld [smem:$0x3F93];
	_ =	swait.ge [sflag:s4], $0x0  }
0x19: {  	s7 =	sld [smem:$0x3F94]  }
0x1a: {  	s8 =	sadd.s32 $0xFFFFE003, lr  }
0x1b: {  	s9 =	sadd.s32 $0xFFFFFEF7, lr;
	s5 =	simm.s32 $0xFFFFFFFF;
	p2 =	slt.u32 s8, $0xFFFFF086  }
0x1c: {  	p1 =	slt.u32 s9, $0xF7A;
	s5 =	simm.s32 @!p2 $0x0  }
0x1d: {  	s5 =	simm.s32 @p1 $0x1;
	p0 =	seq.s32 s7, s2  }
0x1e: {  	s7 =	smul.u32 @!p0 $0xF7A, s2;
	p2 =	seq.s32 @!p0 s5, $0x0  }
0x1f: {  	s9 =	smul.u32 $0xF7A, s1;
	s8 =	simm.s32 @!p0 $0x1BF5;
	p2 =	por !p2, p0  }
0x20: {  	[sflag:s8] =	ssyncset.s32 @!p0 $0xFFFFF086;
	s6 =	sadd.s32 @!p0 s3, s7;
	s7 =	simm.s32 @!p0 $0x108  }
0x21: {  	s3 =	sadd.s32 s3, s9;
	s6 =	sadd.s32 @!p0 $0x88, s6;
	s7 =	simm.s32 @p2 $0x1082  }
0x22: {  	[simem:s7], [sflag:s8] =	dma.local @!p0 [hbm:s6], $0xF7A  }
0x23: {  	s9 =	sor.u32 $0xD0000000, s2;
	s6 =	simm.s32 $0x108;
	_ =	swait.ge @!p0 [sflag:s8], $0x0  }
0x24: {  	s3 =	sadd.s32 $0x88, s3;
	s6 =	simm.s32 @!p1 $0x1082;
	[sflag:s4] =	ssyncset.s32 $0xFFFFF086  }
0x25: {  	[simem:s6], [sflag:s4] =	dma.local [hbm:s3], $0xF7A  }
0x26: {  	[smem:$0x3F94] =	sst s1;
	(tag) =	ssettag s2;
	_ =	strace s9  }
0x27: {  	s1 =	sld [smem:$0x3FA4]  }
0x28: {  	s2 =	sld [smem:$0x3FA5]  }
0x29: {  	s4 =	sld [smem:$0x3FA7]  }
0x2a: {  	p0 =	seq.s32 s5, $0x0;
	s5 =	sld [smem:$0x3FA8]  }
0x2b: {  	s6 =	sld [smem:$0x3FA9]  }
0x2c: {  	s7 =	sld [smem:$0x3FAA]  }
0x2d: {  	s3 =	simm.s32 $0x108;
	s8 =	sld [smem:$0x3FAB]  }
0x2e: {  	s3 =	simm.s32 @!p0 $0x1082;
	s9 =	sld [smem:$0x3FAC]  }
0x2f: {  	lr =	sadd.s32 s0, s3;
	s0 =	sld [smem:$0x3FA3]  }
0x30: {  	s3 =	sld [smem:$0x3FA6]  }
0x31: {  	[smem:$0x3FAF] =	sst s10  }
0x32: {  	s10 =	sld [smem:$0x3FAD];
	_ =	sdelay $0x3  }
0x33: {  	p0 =	seq.s32 s10, $0x1;
	s10 =	sld [smem:$0x3FAF];
	_ =	sdelay $0x3  }
0x34: {  	[smem:$0x3FAF] =	sst s10  }
0x35: {  	s10 =	sld [smem:$0x3FAE];
	_ =	sdelay $0x3  }
0x36: {  	p1 =	seq.s32 s10, $0x1;
	s10 =	sld [smem:$0x3FAF];
	_ =	sdelay $0x3  }
0x37: {  	[smem:$0x3FAF] =	sst s10  }
0x38: {  	s10 =	sld [smem:$0x3FB0]  }
0x39: {  	_ = 	snop;
	(pc) =	sbr.ind lr, $3  }
0x3a: {  	_ = 	snop  }
0x3b: {  	_ = 	snop  }
0x3c: {  	p2 =	seq.s32 s10, $0x1;
	s10 =	sld [smem:$0x3FAF]  }
0x3d: {  	_ =	shalt  }
0x3e: {  	_ =	shalt  }
0x3f: {  	_ =	shalt  }
0x40: {  	_ =	shalt  }
0x41: {  	_ =	shalt  }
0x42: {  	_ =	shalt  }
0x43: {  	_ =	shalt  }
0x44: {  	_ =	shalt  }
0x45: {  	_ =	shalt  }
0x46: {  	_ =	shalt  }
0x47: {  	_ =	shalt  }
0x48: {  	_ =	shalt  }
0x49: {  	_ =	shalt  }
0x4a: {  	_ =	shalt  }
0x4b: {  	_ =	shalt  }
0x4c: {  	_ =	shalt  }
0x4d: {  	_ =	shalt  }
0x4e: {  	_ =	shalt  }
0x4f: {  	_ =	shalt  }
0x50: {  	_ =	shalt  }
0x51: {  	_ =	shalt  }
0x52: {  	_ =	shalt  }
0x53: {  	_ =	shalt  }
0x54: {  	_ =	shalt  }
0x55: {  	_ =	shalt  }
0x56: {  	_ =	shalt  }
0x57: {  	_ =	shalt  }
0x58: {  	_ =	shalt  }
0x59: {  	_ =	shalt  }
0x5a: {  	_ =	shalt  }
0x5b: {  	_ =	shalt  }
0x5c: {  	_ =	shalt  }
0x5d: {  	_ =	shalt  }
0x5e: {  	_ =	shalt  }
0x5f: {  	_ =	shalt  }
0x60: {  	_ =	shalt  }
0x61: {  	_ =	shalt  }
0x62: {  	_ =	shalt  }
0x63: {  	_ =	shalt  }
0x64: {  	_ =	shalt  }
0x65: {  	_ =	shalt  }
0x66: {  	_ =	shalt  }
0x67: {  	_ =	shalt  }
0x68: {  	_ =	shalt  }
0x69: {  	_ =	shalt  }
0x6a: {  	_ =	shalt  }
0x6b: {  	_ =	shalt  }
0x6c: {  	_ =	shalt  }
0x6d: {  	_ =	shalt  }
0x6e: {  	_ =	shalt  }
0x6f: {  	_ =	shalt  }
0x70: {  	_ =	shalt  }
0x71: {  	_ =	shalt  }
0x72: {  	_ =	shalt  }
0x73: {  	_ =	shalt  }
0x74: {  	_ =	shalt  }
0x75: {  	_ =	shalt  }
0x76: {  	_ =	shalt  }
0x77: {  	_ =	shalt  }
0x78: {  	_ =	shalt  }
0x79: {  	_ =	shalt  }
0x7a: {  	_ =	shalt  }
0x7b: {  	_ =	shalt  }
0x7c: {  	_ =	shalt  }
0x7d: {  	_ =	shalt  }
0x7e: {  	_ =	shalt  }
0x7f: {  	_ =	shalt  }
0x80: {  	_ =	shalt  }
0x81: {  	_ =	shalt  }
0x82: {  	_ =	shalt  }
0x83: {  	_ =	shalt  }
0x84: {  	_ =	shalt  }
0x85: {  	_ =	shalt  }
0x86: {  	_ =	shalt  }
0x87: {  	_ =	shalt  }
.Lfunc_end0:
.L_simem_size_0:
called_computation.2_lowered:
.L_overlay_start_0:
0x88: {  	s2 =	sld [smem:$0x3FD9]  }
0x89: {  	s3 =	sld [smem:$0x3FFE];
	_ =	sdelay $0x1  }
0x8a: {  	s1 =	srdreg.scid  }
0x8b: {  	s0 =	sand.u32 $0x1, s1  }
0x8c: {  	s16 =	sshll.u32 s0, $0xA;
	s2 =	sadd.s32 s3, s2  }
0x8d: {  	s2 =	sadd.s32 s2, s16  }
0x8e: {  	[smem:$0x3FBB] =	sst s2  }
0x8f: {  	_ = 	snop  }
0x90: {  	(tm) =	ssettm $0x1  }
0x91: {  	s17 =	sld [smem:$0x3FFB];
	_ =	sdelay $0x3  }
0x92: {  	_ =	strace s17  }
0x93: {  	s2 =	sld [smem:$0x3FFC];
	_ =	sdelay $0x3  }
0x94: {  	_ =	strace s2  }
0x95: {  	s2 =	sld [smem:$0x3FFD];
	_ =	sdelay $0x3  }
0x96: {  	_ =	strace s2  }
0x97: {  	_ =	strace $0x8FFFFFFF  }
0x98: {  	s18 =	sld [smem:$0x3FDB];
	_ =	sdelay $0x1  }
0x99: {  	s19 =	simm.s32 $_scs_section_size  }
0x9a: {  	s4 =	simm.s32 $_size__tile_overlayer_lowered;
	s5 =	simm.s32 $_tile_overlayer_lowered  }
0x9b: {  	s22 =	simm.s32 $0x1BFF;
	s21 =	sshll.u32 s5, $0x1;
	s2 =	sadd.s32 s19, s18  }
0x9c: {  	s6 =	simm.s32 $0x0;
	s20 =	sshll.u32 s4, $0x1;
	s4 =	sadd.s32 s21, s2  }
0x9d: {  	[timem:s6], [sflag:s22] =	dma.local [hbm:s4], s20  }
0x9e: {  	_ =	swait.ge [sflag:s22], s20  }
0x9f: {  	s3 =	ssub.s32 $0x0, s20;
	[sflag:s22] =	ssyncset.done $0x0  }
0xa0: {  	[sflag:s22] =	ssyncadd.s32 s3;
	_ =	sdelay $0x1  }
0xa1: {  	s23 =	simm.s32 $0x1B8B  }
0xa2: {  	_ =	swait.ge [sflag:s23], $0x1  }
0xa3: {  	[sflag:s23] =	ssyncset.done $0x0  }
0xa4: {  	s25 =	simm.s32 $0x1B8E;
	s24 =	sld [smem:$0x3FFE];
	[sflag:s23] =	ssyncadd.s32 $0xFFFFFFFF  }
0xa5: {  	s26 =	simm.s32 $execute0_lowered;
	[smem:$0x3FD2] =	sst s25  }
0xa6: {  	s4 =	sshll.u32 s26, $0x1;
	_ =	strace $0x8000004C;
	[dreg:$0x1] =	wrdreg $0xFFFFFFFF  }
0xa7: {  	s28 =	simm.s32 $_size_execute0_lowered;
	s2 =	sadd.s32 s2, s4;
	[dreg:$0x0] =	wrdreg $0x0  }
0xa8: {  	s4 =	sshll.u32 s28, $0x1;
	[dreg:$0x2] =	wrdreg s2  }
0xa9: {  	[dreg:$0x3] =	wrdreg s4  }
0xaa: {  	[dreg:$0x4] =	wrdreg $0xC0  }
0xab: {  	_ =	task [dreg:s6], $0x5FFFF  }
0xac: {  	[dreg:$0x1] =	wrdreg $0xFFFFFFFF  }
0xad: {  	[dreg:$0x0] =	wrdreg $0x60  }
0xae: {  	[dreg:$0x2] =	wrdreg s24  }
0xaf: {  	[dreg:$0x3] =	wrdreg $0xA8000  }
0xb0: {  	[dreg:$0x4] =	wrdreg $0x9  }
0xb1: {  	_ =	task.clear_ibuf [dreg:s6], $0x5FFFF;
	_ =	strace $0x9000004C  }
0xb2: {  	s29 =	simm.s32 $0x9;
	_ =	strace $0x8000004E  }
0xb3: {  	_ =	swait.ge [sflag:s29], $0x1  }
0xb4: {  	[sflag:s29] =	ssyncadd.s32 $0xFFFFFFFF  }
0xb5: {  	_ =	strace $0x9000004E  }
0xb6: {  	_ =	sfence  }
0xb7: {  	s30 =	sld [smem:$0x0];
	_ =	sdelay $0x2  }
0xb8: {  	s31 =	sshll.u32 s1, $0xD;
	s1 =	sshrl.u32 s1, $0x2  }
0xb9: {  	s3 =	sand.u32 $0x4000, s31;
	s1 =	sadd.s32 s1, s30  }
0xba: {  	s0 =	sor.u32 s3, s0;
	s1 =	sshll.u32 s1, $0x11  }
0xbb: {  	s0 =	sor.u32 s1, s0  }
0xbc: {  	s0 =	sadd.s32 $0x8F2B, s0  }
0xbd: {  	[sflag:s0] =	ssyncadd.remote.s32 $0x1  }
0xbe: {  	_ =	sfence.sel $0xFFFF  }
0xbf: {  	[dreg:$0x0] =	wrdreg $0xFFFFFFFF;
	(pc) =	sbr.abs _section_cstart, $3  }
0xc0: {  	[dreg:$0x1] =	wrdreg $0xFFFFFFFF  }
0xc1: {  	_ =	task.clear_ibuf [dreg:s6], $0x2FFFF;
	_ =	strace $0x9FFFFFFF  }
0xc2: {  	(tm) =	ssettm $0x7FFFFFFF  }
0xc3: {  	_ =	shalt  }
tec
execute0_lowered:
.L_overlay_start_1:
0x0: {  	(tag) =	ssettag $0x1  }
0x1: {  	s5 =	rddreg [dreg:$0x0]  }
0x2: {  	s1 =	rddreg [dreg:$0x1]  }
0x3: {  	s0 =	rddreg [dreg:$0x2]  }
0x4: {  	s3 =	simm.s32 $0x0;
	s2 =	srdreg.scid;
	s17 =	simm.s32 $0x2800  }
0x5: {  	s18 =	simm.s32 $0x4800;
	s19 =	simm.s32 $0x80;
	s20 =	simm.s32 $0x6800  }
0x6: {  	s21 =	simm.s32 $0xC0;
	s22 =	simm.s32 $0x8800;
	s23 =	simm.s32 $0x1  }
0x7: {  	s24 =	simm.s32 $0x2;
	s28 =	simm.s32 $0x0;
	[smem:$0x7FF] =	sst s3  }
0x8: {  	s6 =	sand.u32 $0x1, s2;
	s2 =	stileid.u32;
	s9 =	sadd.s32 $0xD600, s5  }
0x9: {  	s10 =	sadd.s32 $0x3600, s5;
	s4 =	sadd.s32 $0x17600, s5;
	s7 =	smul.u32 $0x140000, s6  }
0xa: {  	s11 =	sadd.s32 $0x3F600, s5;
	_ =	strace $0x8000004D;
	s8 =	smul.u32 $0x14000, s2  }
0xb: {  	s25 =	sshll.u32 s6, $0x4;
	s12 =	ssub.s32 $0x2, s6;
	s13 =	smul.u32 $0x50000, s2  }
0xc: {  	p0 =	seq.s32 s6, $0x1;
	s30 =	smul.u32 $0x2800, s2;
	s16 =	smov.u32 s4  }
0xd: {  	s31 =	sshll.u32 s2, $0x6;
	s14 =	sshrl.u32 s12, $0x1;
	s16 =	smov.u32 @p0 s11  }
0xe: {  	s7 =	sadd.s32 s8, s7;
	s8 =	sor.u32 s2, s25;
	s12 =	ssub.s32 s12, s14  }
0xf: {  	s26 =	sshrl.u32 s13, $0x2;
	s11 =	sadd.s32 s16, s30;
	s14 =	simm.s32 $0x3  }
0x10: {  	s16 =	simm.s32 $0x40;
	s25 =	simm.s32 $0x2700;
	s8 =	smul.u32 $0x2800, s8  }
0x11: {  	s7 =	sshrl.u32 s7, $0x3;
	s13 =	sadd.s32 s26, s1;
	s26 =	simm.s32 $0x2780  }
0x12: {  	s15 =	sadd.s32 s7, s5;
	s13 =	sshrl.u32 s13, $0x3;
	s29 =	sshrl.u32 s8, $0x3  }
0x13: {  	s5 =	sadd.s32 s9, s29;
	s8 =	sadd.s32 $0x280, s29;
	s6 =	sadd.s32 s10, s29  }
0x14: {  	s7 =	sadd.s32 s9, s8;
	s8 =	sadd.s32 s10, s8;
	s9 =	sadd.s32 $0x67600, s15  }
0x15: {  	s10 =	smax.u32 s12, $0x1;
	s12 =	sor.u32 $0x1C03, s31;
	s15 =	simm.s32 $0x1400  }
.LBB2_1:
0x16: {  	[spmem:s13], [sflag:s12] =	dma.local [hbm:s11], $0x2800  }
0x17: {  	_ =	swait.ge [sflag:s14], $0x2800  }
0x18: {  	[sflag:s14] =	ssyncset.done $0x0  }
0x19: {  	[sflag:s14] =	ssyncadd.s32 $0xFFFFD800  }
0x1a: {  	[bflag:$0x0] =	sbarrier.arrive $0xFFFF  }
0x1b: {  	[tilespmem:s3], [sflag:$0x3] =	stream.linear.gather [hbm4b:s5+s3], $0x1400, $0x38;
	[tilespmem:$0x1E800] =	vst v63  }
0x1c: {  	_ =	swait.ge [sflag:s14], $0x1400  }
0x1d: {  	[sflag:s14] =	ssyncset.done $0x0  }
0x1e: {  	[sflag:s14] =	ssyncadd.s32 $0xFFFFEC00  }
0x1f: {  	[tilespmem:s15], [sflag:$0x3] =	stream.linear.gather [hbm4b:s6+s3], $0x1400, $0x38;
	[tilespmem:$0x1E800] =	vst v63  }
0x20: {  	_ =	swait.ge [sflag:s14], $0x1400  }
0x21: {  	[sflag:s14] =	ssyncset.done $0x0  }
0x22: {  	[sflag:s14] =	ssyncadd.s32 $0xFFFFEC00  }
0x23: {  	[tilespmem:s17], [sflag:$0x1] =	stream.indirect.gather [hbm4b:s4+s16], $0x80, s3, s16, $0xb8;
	[tilespmem:$0x1E800] =	vst v63  }
0x24: {  	_ = 	snop  }
0x25: {  	[tilespmem:s18], [sflag:$0x1] =	stream.indirect.gather [hbm4b:s4+s16], $0x80, s16, s16, $0xb8;
	[tilespmem:$0x1E800] =	vst v63  }
0x26: {  	_ = 	snop  }
0x27: {  	[tilespmem:s20], [sflag:$0x2] =	stream.indirect.gather [hbm4b:s4+s16], $0x80, s19, s16, $0xb8;
	[tilespmem:$0x1E800] =	vst v63  }
0x28: {  	_ = 	snop  }
0x29: {  	[tilespmem:s22], [sflag:$0x2] =	stream.indirect.gather [hbm4b:s4+s16], $0x80, s21, s16, $0xb8;
	[tilespmem:$0x1E800] =	vst v63  }
0x2a: {  	_ =	swait.ge [sflag:s23], $0x2000  }
0x2b: {  	[sflag:s23] =	ssyncset.done $0x0  }
0x2c: {  	[sflag:s23] =	ssyncadd.s32 $0xFFFFE000  }
0x2d: {  	_ =	swait.ge [sflag:s23], $0x2000  }
0x2e: {  	[sflag:s23] =	ssyncset.done $0x0  }
0x2f: {  	s29 =	simm.s32 $0x1400;
	[sflag:s23] =	ssyncadd.s32 $0xFFFFE000  }
0x30: {  	[spmem:s1] =	stream.indirect.scatter.add.f32 [tilespmem:s17], [sflag:$0x3], $0x80, s29, s19, $0xb8;
	[tilespmem:$0x1E800] =	vst v63  }
0x31: {  	_ =	swait.ge [sflag:s14], $0x4000  }
0x32: {  	[sflag:s14] =	ssyncset.done $0x0  }
0x33: {  	s29 =	simm.s32 $0x100;
	[sflag:s14] =	ssyncadd.s32 $0xFFFFC000  }
0x34: {  	[tilespmem:s17], [sflag:$0x1] =	stream.indirect.gather [hbm4b:s4+s16], $0x80, s29, s16, $0xb8;
	[tilespmem:$0x1E800] =	vst v63  }
0x35: {  	s29 =	simm.s32 $0x140  }
0x36: {  	[tilespmem:s18], [sflag:$0x1] =	stream.indirect.gather [hbm4b:s4+s16], $0x80, s29, s16, $0xb8;
	[tilespmem:$0x1E800] =	vst v63  }
0x37: {  	_ =	swait.ge [sflag:s24], $0x2000  }
0x38: {  	[sflag:s24] =	ssyncset.done $0x0  }
0x39: {  	[sflag:s24] =	ssyncadd.s32 $0xFFFFE000  }
0x3a: {  	_ =	swait.ge [sflag:s24], $0x2000  }
0x3b: {  	[sflag:s24] =	ssyncset.done $0x0  }
0x3c: {  	s29 =	simm.s32 $0x1480;
	[sflag:s24] =	ssyncadd.s32 $0xFFFFE000  }
0x3d: {  	[spmem:s1] =	stream.indirect.scatter.add.f32 [tilespmem:s20], [sflag:$0x3], $0x80, s29, s19, $0xb8;
	[tilespmem:$0x1E800] =	vst v63  }
0x3e: {  	_ =	swait.ge [sflag:s14], $0x4000  }
0x3f: {  	[sflag:s14] =	ssyncset.done $0x0  }
0x40: {  	s29 =	simm.s32 $0x180;
	[sflag:s14] =	ssyncadd.s32 $0xFFFFC000  }
0x41: {  	[tilespmem:s20], [sflag:$0x2] =	stream.indirect.gather [hbm4b:s4+s16], $0x80, s29, s16, $0xb8;
	[tilespmem:$0x1E800] =	vst v63  }
0x42: {  	s30 =	simm.s32 $0x1C0;
	s29 =	simm.s32 $0x400  }
.LBB2_2:
0x43: {  	[tilespmem:s22], [sflag:$0x2] =	stream.indirect.gather [hbm4b:s4+s16], $0x80, s30, s16, $0xb8;
	[tilespmem:$0x1E800] =	vst v63  }
0x44: {  	s30 =	smov.u32 s29  }
0x45: {  	p0 =	sne.s32 s29, $0x4800;
	s29 =	sadd.s32 $0x400, s29;
	_ =	swait.ge [sflag:s23], $0x2000  }
0x46: {  	[sflag:s23] =	ssyncset.done $0x0  }
0x47: {  	[sflag:s23] =	ssyncadd.s32 $0xFFFFE000  }
0x48: {  	_ =	swait.ge [sflag:s23], $0x2000  }
0x49: {  	s30 =	sshra.s32 s30, $0x2;
	[sflag:s23] =	ssyncset.done $0x0  }
0x4a: {  	s31 =	sadd.s32 $0x1400, s30;
	[sflag:s23] =	ssyncadd.s32 $0xFFFFE000  }
0x4b: {  	[spmem:s1] =	stream.indirect.scatter.add.f32 [tilespmem:s17], [sflag:$0x3], $0x80, s31, s19, $0xb8;
	[tilespmem:$0x1E800] =	vst v63  }
0x4c: {  	_ =	swait.ge [sflag:s14], $0x4000  }
0x4d: {  	[sflag:s14] =	ssyncset.done $0x0  }
0x4e: {  	s31 =	sadd.s32 $0x100, s30;
	[sflag:s14] =	ssyncadd.s32 $0xFFFFC000  }
0x4f: {  	[tilespmem:s17], [sflag:$0x1] =	stream.indirect.gather [hbm4b:s4+s16], $0x80, s31, s16, $0xb8;
	[tilespmem:$0x1E800] =	vst v63  }
0x50: {  	s31 =	sadd.s32 $0x140, s30  }
0x51: {  	[tilespmem:s18], [sflag:$0x1] =	stream.indirect.gather [hbm4b:s4+s16], $0x80, s31, s16, $0xb8;
	[tilespmem:$0x1E800] =	vst v63  }
0x52: {  	_ =	swait.ge [sflag:s24], $0x2000  }
0x53: {  	[sflag:s24] =	ssyncset.done $0x0  }
0x54: {  	[sflag:s24] =	ssyncadd.s32 $0xFFFFE000  }
0x55: {  	_ =	swait.ge [sflag:s24], $0x2000  }
0x56: {  	[sflag:s24] =	ssyncset.done $0x0  }
0x57: {  	s31 =	sadd.s32 $0x1480, s30;
	[sflag:s24] =	ssyncadd.s32 $0xFFFFE000  }
0x58: {  	[spmem:s1] =	stream.indirect.scatter.add.f32 [tilespmem:s20], [sflag:$0x3], $0x80, s31, s19, $0xb8;
	[tilespmem:$0x1E800] =	vst v63  }
.Ltmp0:
0x59: {  	_ =	swait.ge [sflag:s14], $0x4000;
	(pc) =	sbr.rel @p0 .LBB2_2-.Ltmp0, $4  }
0x5a: {  	[sflag:s14] =	ssyncset.done $0x0  }
0x5b: {  	s31 =	sadd.s32 $0x180, s30;
	[sflag:s14] =	ssyncadd.s32 $0xFFFFC000  }
0x5c: {  	[tilespmem:s20], [sflag:$0x2] =	stream.indirect.gather [hbm4b:s4+s16], $0x80, s31, s16, $0xb8;
	[tilespmem:$0x1E800] =	vst v63  }
0x5d: {  	s30 =	sadd.s32 $0x1C0, s30  }
0x5e: {  	[tilespmem:s22], [sflag:$0x2] =	stream.indirect.gather [hbm4b:s4+s16], $0x80, s30, s16, $0xb8;
	[tilespmem:$0x1E800] =	vst v63  }
0x5f: {  	_ =	swait.ge [sflag:s23], $0x2000  }
0x60: {  	[sflag:s23] =	ssyncset.done $0x0  }
0x61: {  	[sflag:s23] =	ssyncadd.s32 $0xFFFFE000  }
0x62: {  	_ =	swait.ge [sflag:s23], $0x2000  }
0x63: {  	[sflag:s23] =	ssyncset.done $0x0  }
0x64: {  	[sflag:s23] =	ssyncadd.s32 $0xFFFFE000  }
0x65: {  	[spmem:s1] =	stream.indirect.scatter.add.f32 [tilespmem:s17], [sflag:$0x3], $0x80, s25, s19, $0xb8;
	[tilespmem:$0x1E800] =	vst v63  }
0x66: {  	_ =	swait.ge [sflag:s14], $0x4000  }
0x67: {  	[sflag:s14] =	ssyncset.done $0x0  }
0x68: {  	[sflag:s14] =	ssyncadd.s32 $0xFFFFC000  }
0x69: {  	_ =	swait.ge [sflag:s24], $0x2000  }
0x6a: {  	[sflag:s24] =	ssyncset.done $0x0  }
0x6b: {  	[sflag:s24] =	ssyncadd.s32 $0xFFFFE000  }
0x6c: {  	_ =	swait.ge [sflag:s24], $0x2000  }
0x6d: {  	[sflag:s24] =	ssyncset.done $0x0  }
0x6e: {  	[sflag:s24] =	ssyncadd.s32 $0xFFFFE000  }
0x6f: {  	[spmem:s1] =	stream.indirect.scatter.add.f32 [tilespmem:s20], [sflag:$0x3], $0x80, s26, s19, $0xb8;
	[tilespmem:$0x1E800] =	vst v63  }
0x70: {  	_ =	swait.ge [sflag:s14], $0x4000  }
0x71: {  	[sflag:s14] =	ssyncset.done $0x0  }
0x72: {  	s29 =	simm.s32 $0x0;
	[sflag:s14] =	ssyncadd.s32 $0xFFFFC000  }
0x73: {  	[tilespmem:s29], [sflag:$0x3] =	stream.linear.gather [hbm4b:s7+s29], $0x1400, $0x38;
	[tilespmem:$0x1E800] =	vst v63  }
0x74: {  	_ =	swait.ge [sflag:s14], $0x1400  }
0x75: {  	[sflag:s14] =	ssyncset.done $0x0  }
0x76: {  	[sflag:s14] =	ssyncadd.s32 $0xFFFFEC00  }
0x77: {  	[tilespmem:s15], [sflag:$0x3] =	stream.linear.gather [hbm4b:s8+s29], $0x1400, $0x38;
	[tilespmem:$0x1E800] =	vst v63  }
0x78: {  	_ =	swait.ge [sflag:s14], $0x1400  }
0x79: {  	[sflag:s14] =	ssyncset.done $0x0  }
0x7a: {  	[sflag:s14] =	ssyncadd.s32 $0xFFFFEC00  }
0x7b: {  	[tilespmem:s17], [sflag:$0x1] =	stream.indirect.gather [hbm4b:s4+s16], $0x80, s29, s16, $0xb8;
	[tilespmem:$0x1E800] =	vst v63  }
0x7c: {  	_ = 	snop  }
0x7d: {  	[tilespmem:s18], [sflag:$0x1] =	stream.indirect.gather [hbm4b:s4+s16], $0x80, s16, s16, $0xb8;
	[tilespmem:$0x1E800] =	vst v63  }
0x7e: {  	_ = 	snop  }
0x7f: {  	[tilespmem:s20], [sflag:$0x2] =	stream.indirect.gather [hbm4b:s4+s16], $0x80, s19, s16, $0xb8;
	[tilespmem:$0x1E800] =	vst v63  }
0x80: {  	_ = 	snop  }
0x81: {  	[tilespmem:s22], [sflag:$0x2] =	stream.indirect.gather [hbm4b:s4+s16], $0x80, s21, s16, $0xb8;
	[tilespmem:$0x1E800] =	vst v63  }
0x82: {  	_ =	swait.ge [sflag:s23], $0x2000  }
0x83: {  	[sflag:s23] =	ssyncset.done $0x0  }
0x84: {  	[sflag:s23] =	ssyncadd.s32 $0xFFFFE000  }
0x85: {  	_ =	swait.ge [sflag:s23], $0x2000  }
0x86: {  	[sflag:s23] =	ssyncset.done $0x0  }
0x87: {  	s29 =	simm.s32 $0x1400;
	[sflag:s23] =	ssyncadd.s32 $0xFFFFE000  }
0x88: {  	[spmem:s1] =	stream.indirect.scatter.add.f32 [tilespmem:s17], [sflag:$0x3], $0x80, s29, s19, $0xb8;
	[tilespmem:$0x1E800] =	vst v63  }
0x89: {  	_ =	swait.ge [sflag:s14], $0x4000  }
0x8a: {  	[sflag:s14] =	ssyncset.done $0x0  }
0x8b: {  	s29 =	simm.s32 $0x100;
	[sflag:s14] =	ssyncadd.s32 $0xFFFFC000  }
0x8c: {  	[tilespmem:s17], [sflag:$0x1] =	stream.indirect.gather [hbm4b:s4+s16], $0x80, s29, s16, $0xb8;
	[tilespmem:$0x1E800] =	vst v63  }
0x8d: {  	s29 =	simm.s32 $0x140  }
0x8e: {  	[tilespmem:s18], [sflag:$0x1] =	stream.indirect.gather [hbm4b:s4+s16], $0x80, s29, s16, $0xb8;
	[tilespmem:$0x1E800] =	vst v63  }
0x8f: {  	_ =	swait.ge [sflag:s24], $0x2000  }
0x90: {  	[sflag:s24] =	ssyncset.done $0x0  }
0x91: {  	[sflag:s24] =	ssyncadd.s32 $0xFFFFE000  }
0x92: {  	_ =	swait.ge [sflag:s24], $0x2000  }
0x93: {  	[sflag:s24] =	ssyncset.done $0x0  }
0x94: {  	s29 =	simm.s32 $0x1480;
	[sflag:s24] =	ssyncadd.s32 $0xFFFFE000  }
0x95: {  	[spmem:s1] =	stream.indirect.scatter.add.f32 [tilespmem:s20], [sflag:$0x3], $0x80, s29, s19, $0xb8;
	[tilespmem:$0x1E800] =	vst v63  }
0x96: {  	_ =	swait.ge [sflag:s14], $0x4000  }
0x97: {  	[sflag:s14] =	ssyncset.done $0x0  }
0x98: {  	s29 =	simm.s32 $0x180;
	[sflag:s14] =	ssyncadd.s32 $0xFFFFC000  }
0x99: {  	[tilespmem:s20], [sflag:$0x2] =	stream.indirect.gather [hbm4b:s4+s16], $0x80, s29, s16, $0xb8;
	[tilespmem:$0x1E800] =	vst v63  }
0x9a: {  	s30 =	simm.s32 $0x1C0;
	s29 =	simm.s32 $0x400  }
.LBB2_4:
0x9b: {  	[tilespmem:s22], [sflag:$0x2] =	stream.indirect.gather [hbm4b:s4+s16], $0x80, s30, s16, $0xb8;
	[tilespmem:$0x1E800] =	vst v63  }
0x9c: {  	s30 =	smov.u32 s29  }
0x9d: {  	p0 =	sne.s32 s29, $0x4800;
	s29 =	sadd.s32 $0x400, s29;
	_ =	swait.ge [sflag:s23], $0x2000  }
0x9e: {  	[sflag:s23] =	ssyncset.done $0x0  }
0x9f: {  	[sflag:s23] =	ssyncadd.s32 $0xFFFFE000  }
0xa0: {  	_ =	swait.ge [sflag:s23], $0x2000  }
0xa1: {  	s30 =	sshra.s32 s30, $0x2;
	[sflag:s23] =	ssyncset.done $0x0  }
0xa2: {  	s31 =	sadd.s32 $0x1400, s30;
	[sflag:s23] =	ssyncadd.s32 $0xFFFFE000  }
0xa3: {  	[spmem:s1] =	stream.indirect.scatter.add.f32 [tilespmem:s17], [sflag:$0x3], $0x80, s31, s19, $0xb8;
	[tilespmem:$0x1E800] =	vst v63  }
0xa4: {  	_ =	swait.ge [sflag:s14], $0x4000  }
0xa5: {  	[sflag:s14] =	ssyncset.done $0x0  }
0xa6: {  	s31 =	sadd.s32 $0x100, s30;
	[sflag:s14] =	ssyncadd.s32 $0xFFFFC000  }
0xa7: {  	[tilespmem:s17], [sflag:$0x1] =	stream.indirect.gather [hbm4b:s4+s16], $0x80, s31, s16, $0xb8;
	[tilespmem:$0x1E800] =	vst v63  }
0xa8: {  	s31 =	sadd.s32 $0x140, s30  }
0xa9: {  	[tilespmem:s18], [sflag:$0x1] =	stream.indirect.gather [hbm4b:s4+s16], $0x80, s31, s16, $0xb8;
	[tilespmem:$0x1E800] =	vst v63  }
0xaa: {  	_ =	swait.ge [sflag:s24], $0x2000  }
0xab: {  	[sflag:s24] =	ssyncset.done $0x0  }
0xac: {  	[sflag:s24] =	ssyncadd.s32 $0xFFFFE000  }
0xad: {  	_ =	swait.ge [sflag:s24], $0x2000  }
0xae: {  	[sflag:s24] =	ssyncset.done $0x0  }
0xaf: {  	s31 =	sadd.s32 $0x1480, s30;
	[sflag:s24] =	ssyncadd.s32 $0xFFFFE000  }
0xb0: {  	[spmem:s1] =	stream.indirect.scatter.add.f32 [tilespmem:s20], [sflag:$0x3], $0x80, s31, s19, $0xb8;
	[tilespmem:$0x1E800] =	vst v63  }
.Ltmp1:
0xb1: {  	_ =	swait.ge [sflag:s14], $0x4000;
	(pc) =	sbr.rel @p0 .LBB2_4-.Ltmp1, $4  }
0xb2: {  	[sflag:s14] =	ssyncset.done $0x0  }
0xb3: {  	s31 =	sadd.s32 $0x180, s30;
	[sflag:s14] =	ssyncadd.s32 $0xFFFFC000  }
0xb4: {  	[tilespmem:s20], [sflag:$0x2] =	stream.indirect.gather [hbm4b:s4+s16], $0x80, s31, s16, $0xb8;
	[tilespmem:$0x1E800] =	vst v63  }
0xb5: {  	s30 =	sadd.s32 $0x1C0, s30  }
0xb6: {  	[tilespmem:s22], [sflag:$0x2] =	stream.indirect.gather [hbm4b:s4+s16], $0x80, s30, s16, $0xb8;
	[tilespmem:$0x1E800] =	vst v63  }
0xb7: {  	_ =	swait.ge [sflag:s23], $0x2000  }
0xb8: {  	[sflag:s23] =	ssyncset.done $0x0  }
0xb9: {  	[sflag:s23] =	ssyncadd.s32 $0xFFFFE000  }
0xba: {  	_ =	swait.ge [sflag:s23], $0x2000  }
0xbb: {  	[sflag:s23] =	ssyncset.done $0x0  }
0xbc: {  	[sflag:s23] =	ssyncadd.s32 $0xFFFFE000  }
0xbd: {  	[spmem:s1] =	stream.indirect.scatter.add.f32 [tilespmem:s17], [sflag:$0x3], $0x80, s25, s19, $0xb8;
	[tilespmem:$0x1E800] =	vst v63  }
0xbe: {  	_ =	swait.ge [sflag:s14], $0x4000  }
0xbf: {  	[sflag:s14] =	ssyncset.done $0x0  }
0xc0: {  	[sflag:s14] =	ssyncadd.s32 $0xFFFFC000  }
0xc1: {  	_ =	swait.ge [sflag:s24], $0x2000  }
0xc2: {  	[sflag:s24] =	ssyncset.done $0x0  }
0xc3: {  	[sflag:s24] =	ssyncadd.s32 $0xFFFFE000  }
0xc4: {  	_ =	swait.ge [sflag:s24], $0x2000  }
0xc5: {  	[sflag:s24] =	ssyncset.done $0x0  }
0xc6: {  	[sflag:s24] =	ssyncadd.s32 $0xFFFFE000  }
0xc7: {  	[spmem:s1] =	stream.indirect.scatter.add.f32 [tilespmem:s20], [sflag:$0x3], $0x80, s26, s19, $0xb8;
	[tilespmem:$0x1E800] =	vst v63  }
0xc8: {  	_ =	swait.ge [sflag:s14], $0x4000  }
0xc9: {  	s28 =	sadd.s32 $0x1, s28;
	[sflag:s14] =	ssyncset.done $0x0  }
0xca: {  	p0 =	sne.s32 s28, s10;
	[sflag:s14] =	ssyncadd.s32 $0xFFFFC000  }
.Ltmp2:
0xcb: {  	[bflag:$0x0] =	sbarrier.arrive $0xFFFF;
	(pc) =	sbr.rel @p0 .LBB2_1-.Ltmp2, $4  }
0xcc: {  	[hbm:s9], [sflag:s12] =	dma.local [spmem:s13], $0x2800  }
0xcd: {  	_ =	swait.ge [sflag:s14], $0x2800  }
0xce: {  	[sflag:s14] =	ssyncset.done $0x0  }
0xcf: {  	[sflag:s14] =	ssyncadd.s32 $0xFFFFD800  }
0xd0: {  	_ =	sfence.sel $0x180000  }
0xd1: {  	[bflag:$0x0] =	sbarrier.arrive $0xFFFF  }
0xd2: {  	p0 =	sne.s32 s2, $0x0;
	_ =	strace $0x9000004D  }
0xd3: {  	s0 =	sadd.s32 @!p0 $0x100000, s0;
	[bflag:$0x2] =	sbarrier.arrive $0xFFFF  }
0xd4: {  	[sflag:s0] =	ssyncadd.tile.s32 @!p0 $0x1;
	_ =	shalt  }
.Lfunc_end2:
_tile_overlayer_lowered:
.L_overlay_start_2:
0xd5: {  	(tag) =	ssettag $0x2  }
0xd6: {  	s0 =	rddreg [dreg:$0x0];
	s2 =	stileid.u32  }
0xd7: {  	s1 =	rddreg [dreg:$0x1];
	p0 =	sne.s32 s2, $0x0  }
0xd8: {  	s3 =	rddreg [dreg:$0x2];
	[bflag:$0x3] =	sbarrier.arrive $0xFFFF;
	s2 =	simm.s32 @!p0 $0x1C03  }
0xd9: {  	[timem:s3], [sflag:s2] =	dma.local @!p0 [hbm:s0], s1  }
0xda: {  	s0 =	simm.s32 @!p0 $0x3  }
0xdb: {  	_ =	swait.ge @!p0 [sflag:s0], s1  }
0xdc: {  	s1 =	ssub.s32 @!p0 $0x0, s1;
	[sflag:s0] =	ssyncset.done @!p0 $0x0  }
0xdd: {  	[sflag:s0] =	ssyncadd.s32 @!p0 s1  }
0xde: {  	[bflag:$0x3] =	sbarrier.arrive $0xFFFF  }
0xdf: {  	_ =	shalt  }

// kernel: kernel.20.cloned.1.call-start
scs
__scs_entry_jumppad:
0x0: {  	(pc) =	sbr.rel $0x88, $3  }
0x1: {  	(tag) =	ssettag $0x0;
	lr =	simm.s32 $0x1  }
0x2: {  	[smem:$0x3F94] =	sst lr;
	_ =	strace $0xD0000000  }
0x3: {  	_ = 	snop  }
0x4: {  	_ = 	snop  }
0x5: {  	_ = 	snop  }
0x6: {  	_ = 	snop  }
0x7: {  	_ = 	snop  }
__scs_overlays_trampoline_lowered:
0x8: {  	[smem:$0x3FA3] =	sst s0  }
0x9: {  	[smem:$0x3FA4] =	sst s1  }
0xa: {  	[smem:$0x3FA5] =	sst s2  }
0xb: {  	[smem:$0x3FA6] =	sst s3  }
0xc: {  	[smem:$0x3FA7] =	sst s4  }
0xd: {  	[smem:$0x3FA8] =	sst s5  }
0xe: {  	[smem:$0x3FA9] =	sst s6  }
0xf: {  	[smem:$0x3FAA] =	sst s7  }
0x10: {  	[smem:$0x3FAB] =	sst s8  }
0x11: {  	[smem:$0x3FAC] =	sst s9;
	s0 =	simm.s32 @!p0 $0x0  }
0x12: {  	s1 =	sld [smem:$0x3F92];
	s0 =	simm.s32 @p0 $0x1  }
0x13: {  	[smem:$0x3FAD] =	sst s0;
	s0 =	simm.s32 @!p1 $0x0  }
0x14: {  	s2 =	sld [smem:$0x3F91];
	s0 =	simm.s32 @p1 $0x1  }
0x15: {  	[smem:$0x3FAE] =	sst s0;
	s0 =	simm.s32 @!p2 $0x0  }
0x16: {  	s3 =	sld [smem:$0x3FDB];
	s0 =	simm.s32 @p2 $0x1  }
0x17: {  	s4 =	simm.s32 $0x1BF5;
	[smem:$0x3FB0] =	sst s0  }
0x18: {  	s0 =	sld [smem:$0x3F93];
	_ =	swait.ge [sflag:s4], $0x0  }
0x19: {  	s7 =	sld [smem:$0x3F94]  }
0x1a: {  	s8 =	sadd.s32 $0xFFFFE003, lr  }
0x1b: {  	s9 =	sadd.s32 $0xFFFFFEF7, lr;
	s5 =	simm.s32 $0xFFFFFFFF;
	p2 =	slt.u32 s8, $0xFFFFF086  }
0x1c: {  	p1 =	slt.u32 s9, $0xF7A;
	s5 =	simm.s32 @!p2 $0x0  }
0x1d: {  	s5 =	simm.s32 @p1 $0x1;
	p0 =	seq.s32 s7, s2  }
0x1e: {  	s7 =	smul.u32 @!p0 $0xF7A, s2;
	p2 =	seq.s32 @!p0 s5, $0x0  }
0x1f: {  	s9 =	smul.u32 $0xF7A, s1;
	s8 =	simm.s32 @!p0 $0x1BF5;
	p2 =	por !p2, p0  }
0x20: {  	[sflag:s8] =	ssyncset.s32 @!p0 $0xFFFFF086;
	s6 =	sadd.s32 @!p0 s3, s7;
	s7 =	simm.s32 @!p0 $0x108  }
0x21: {  	s3 =	sadd.s32 s3, s9;
	s6 =	sadd.s32 @!p0 $0x88, s6;
	s7 =	simm.s32 @p2 $0x1082  }
0x22: {  	[simem:s7], [sflag:s8] =	dma.local @!p0 [hbm:s6], $0xF7A  }
0x23: {  	s9 =	sor.u32 $0xD0000000, s2;
	s6 =	simm.s32 $0x108;
	_ =	swait.ge @!p0 [sflag:s8], $0x0  }
0x24: {  	s3 =	sadd.s32 $0x88, s3;
	s6 =	simm.s32 @!p1 $0x1082;
	[sflag:s4] =	ssyncset.s32 $0xFFFFF086  }
0x25: {  	[simem:s6], [sflag:s4] =	dma.local [hbm:s3], $0xF7A  }
0x26: {  	[smem:$0x3F94] =	sst s1;
	(tag) =	ssettag s2;
	_ =	strace s9  }
0x27: {  	s1 =	sld [smem:$0x3FA4]  }
0x28: {  	s2 =	sld [smem:$0x3FA5]  }
0x29: {  	s4 =	sld [smem:$0x3FA7]  }
0x2a: {  	p0 =	seq.s32 s5, $0x0;
	s5 =	sld [smem:$0x3FA8]  }
0x2b: {  	s6 =	sld [smem:$0x3FA9]  }
0x2c: {  	s7 =	sld [smem:$0x3FAA]  }
0x2d: {  	s3 =	simm.s32 $0x108;
	s8 =	sld [smem:$0x3FAB]  }
0x2e: {  	s3 =	simm.s32 @!p0 $0x1082;
	s9 =	sld [smem:$0x3FAC]  }
0x2f: {  	lr =	sadd.s32 s0, s3;
	s0 =	sld [smem:$0x3FA3]  }
0x30: {  	s3 =	sld [smem:$0x3FA6]  }
0x31: {  	[smem:$0x3FAF] =	sst s10  }
0x32: {  	s10 =	sld [smem:$0x3FAD];
	_ =	sdelay $0x3  }
0x33: {  	p0 =	seq.s32 s10, $0x1;
	s10 =	sld [smem:$0x3FAF];
	_ =	sdelay $0x3  }
0x34: {  	[smem:$0x3FAF] =	sst s10  }
0x35: {  	s10 =	sld [smem:$0x3FAE];
	_ =	sdelay $0x3  }
0x36: {  	p1 =	seq.s32 s10, $0x1;
	s10 =	sld [smem:$0x3FAF];
	_ =	sdelay $0x3  }
0x37: {  	[smem:$0x3FAF] =	sst s10  }
0x38: {  	s10 =	sld [smem:$0x3FB0]  }
0x39: {  	_ = 	snop;
	(pc) =	sbr.ind lr, $3  }
0x3a: {  	_ = 	snop  }
0x3b: {  	_ = 	snop  }
0x3c: {  	p2 =	seq.s32 s10, $0x1;
	s10 =	sld [smem:$0x3FAF]  }
0x3d: {  	_ =	shalt  }
0x3e: {  	_ =	shalt  }
0x3f: {  	_ =	shalt  }
0x40: {  	_ =	shalt  }
0x41: {  	_ =	shalt  }
0x42: {  	_ =	shalt  }
0x43: {  	_ =	shalt  }
0x44: {  	_ =	shalt  }
0x45: {  	_ =	shalt  }
0x46: {  	_ =	shalt  }
0x47: {  	_ =	shalt  }
0x48: {  	_ =	shalt  }
0x49: {  	_ =	shalt  }
0x4a: {  	_ =	shalt  }
0x4b: {  	_ =	shalt  }
0x4c: {  	_ =	shalt  }
0x4d: {  	_ =	shalt  }
0x4e: {  	_ =	shalt  }
0x4f: {  	_ =	shalt  }
0x50: {  	_ =	shalt  }
0x51: {  	_ =	shalt  }
0x52: {  	_ =	shalt  }
0x53: {  	_ =	shalt  }
0x54: {  	_ =	shalt  }
0x55: {  	_ =	shalt  }
0x56: {  	_ =	shalt  }
0x57: {  	_ =	shalt  }
0x58: {  	_ =	shalt  }
0x59: {  	_ =	shalt  }
0x5a: {  	_ =	shalt  }
0x5b: {  	_ =	shalt  }
0x5c: {  	_ =	shalt  }
0x5d: {  	_ =	shalt  }
0x5e: {  	_ =	shalt  }
0x5f: {  	_ =	shalt  }
0x60: {  	_ =	shalt  }
0x61: {  	_ =	shalt  }
0x62: {  	_ =	shalt  }
0x63: {  	_ =	shalt  }
0x64: {  	_ =	shalt  }
0x65: {  	_ =	shalt  }
0x66: {  	_ =	shalt  }
0x67: {  	_ =	shalt  }
0x68: {  	_ =	shalt  }
0x69: {  	_ =	shalt  }
0x6a: {  	_ =	shalt  }
0x6b: {  	_ =	shalt  }
0x6c: {  	_ =	shalt  }
0x6d: {  	_ =	shalt  }
0x6e: {  	_ =	shalt  }
0x6f: {  	_ =	shalt  }
0x70: {  	_ =	shalt  }
0x71: {  	_ =	shalt  }
0x72: {  	_ =	shalt  }
0x73: {  	_ =	shalt  }
0x74: {  	_ =	shalt  }
0x75: {  	_ =	shalt  }
0x76: {  	_ =	shalt  }
0x77: {  	_ =	shalt  }
0x78: {  	_ =	shalt  }
0x79: {  	_ =	shalt  }
0x7a: {  	_ =	shalt  }
0x7b: {  	_ =	shalt  }
0x7c: {  	_ =	shalt  }
0x7d: {  	_ =	shalt  }
0x7e: {  	_ =	shalt  }
0x7f: {  	_ =	shalt  }
0x80: {  	_ =	shalt  }
0x81: {  	_ =	shalt  }
0x82: {  	_ =	shalt  }
0x83: {  	_ =	shalt  }
0x84: {  	_ =	shalt  }
0x85: {  	_ =	shalt  }
0x86: {  	_ =	shalt  }
0x87: {  	_ =	shalt  }
.Lfunc_end0:
.L_simem_size_0:
called_computation.3_lowered:
.L_overlay_start_0:
0x88: {  	s2 =	sld [smem:$0x3FD9]  }
0x89: {  	s3 =	sld [smem:$0x3FFE];
	_ =	sdelay $0x1  }
0x8a: {  	s1 =	srdreg.scid  }
0x8b: {  	s0 =	sand.u32 $0x1, s1  }
0x8c: {  	s16 =	sshll.u32 s0, $0xA;
	s2 =	sadd.s32 s3, s2  }
0x8d: {  	s2 =	sadd.s32 s2, s16  }
0x8e: {  	[smem:$0x3FBB] =	sst s2  }
0x8f: {  	_ = 	snop  }
0x90: {  	(tm) =	ssettm $0x1  }
0x91: {  	s17 =	sld [smem:$0x3FFB];
	_ =	sdelay $0x3  }
0x92: {  	_ =	strace s17  }
0x93: {  	s2 =	sld [smem:$0x3FFC];
	_ =	sdelay $0x3  }
0x94: {  	_ =	strace s2  }
0x95: {  	s2 =	sld [smem:$0x3FFD];
	_ =	sdelay $0x3  }
0x96: {  	_ =	strace s2  }
0x97: {  	_ =	strace $0x8FFFFFFF  }
0x98: {  	s18 =	sld [smem:$0x3FDB];
	_ =	sdelay $0x1  }
0x99: {  	s19 =	simm.s32 $_scs_section_size  }
0x9a: {  	s4 =	simm.s32 $_size__tile_overlayer_lowered;
	s5 =	simm.s32 $_tile_overlayer_lowered  }
0x9b: {  	s22 =	simm.s32 $0x1BFF;
	s21 =	sshll.u32 s5, $0x1;
	s2 =	sadd.s32 s19, s18  }
0x9c: {  	s6 =	simm.s32 $0x0;
	s20 =	sshll.u32 s4, $0x1;
	s4 =	sadd.s32 s21, s2  }
0x9d: {  	[timem:s6], [sflag:s22] =	dma.local [hbm:s4], s20  }
0x9e: {  	_ =	swait.ge [sflag:s22], s20  }
0x9f: {  	s3 =	ssub.s32 $0x0, s20;
	[sflag:s22] =	ssyncset.done $0x0  }
0xa0: {  	[sflag:s22] =	ssyncadd.s32 s3;
	_ =	sdelay $0x1  }
0xa1: {  	s23 =	simm.s32 $0x1B8B  }
0xa2: {  	_ =	swait.ge [sflag:s23], $0x1  }
0xa3: {  	[sflag:s23] =	ssyncset.done $0x0  }
0xa4: {  	s25 =	simm.s32 $0x1B8E;
	s24 =	sld [smem:$0x3FFE];
	[sflag:s23] =	ssyncadd.s32 $0xFFFFFFFF  }
0xa5: {  	s26 =	simm.s32 $execute0_lowered;
	[smem:$0x3FD2] =	sst s25  }
0xa6: {  	s4 =	sshll.u32 s26, $0x1;
	_ =	strace $0x8000004F;
	[dreg:$0x1] =	wrdreg $0xFFFFFFFF  }
0xa7: {  	s28 =	simm.s32 $_size_execute0_lowered;
	s2 =	sadd.s32 s2, s4;
	[dreg:$0x0] =	wrdreg $0x0  }
0xa8: {  	s4 =	sshll.u32 s28, $0x1;
	[dreg:$0x2] =	wrdreg s2  }
0xa9: {  	[dreg:$0x3] =	wrdreg s4  }
0xaa: {  	[dreg:$0x4] =	wrdreg $0xC0  }
0xab: {  	_ =	task [dreg:s6], $0x5FFFF  }
0xac: {  	[dreg:$0x1] =	wrdreg $0xFFFFFFFF  }
0xad: {  	[dreg:$0x0] =	wrdreg $0x60  }
0xae: {  	[dreg:$0x2] =	wrdreg s24  }
0xaf: {  	[dreg:$0x3] =	wrdreg $0xA8000  }
0xb0: {  	[dreg:$0x4] =	wrdreg $0x9  }
0xb1: {  	_ =	task.clear_ibuf [dreg:s6], $0x5FFFF;
	_ =	strace $0x9000004F  }
0xb2: {  	s29 =	simm.s32 $0x9;
	_ =	strace $0x80000051  }
0xb3: {  	_ =	swait.ge [sflag:s29], $0x1  }
0xb4: {  	[sflag:s29] =	ssyncadd.s32 $0xFFFFFFFF  }
0xb5: {  	_ =	strace $0x90000051  }
0xb6: {  	_ =	sfence  }
0xb7: {  	s30 =	sld [smem:$0x0];
	_ =	sdelay $0x2  }
0xb8: {  	s31 =	sshll.u32 s1, $0xD;
	s1 =	sshrl.u32 s1, $0x2  }
0xb9: {  	s3 =	sand.u32 $0x4000, s31;
	s1 =	sadd.s32 s1, s30  }
0xba: {  	s0 =	sor.u32 s3, s0;
	s1 =	sshll.u32 s1, $0x11  }
0xbb: {  	s0 =	sor.u32 s1, s0  }
0xbc: {  	s0 =	sadd.s32 $0x8F2B, s0  }
0xbd: {  	[sflag:s0] =	ssyncadd.remote.s32 $0x1  }
0xbe: {  	_ =	sfence.sel $0xFFFF  }
0xbf: {  	[dreg:$0x0] =	wrdreg $0xFFFFFFFF;
	(pc) =	sbr.abs _section_cstart, $3  }
0xc0: {  	[dreg:$0x1] =	wrdreg $0xFFFFFFFF  }
0xc1: {  	_ =	task.clear_ibuf [dreg:s6], $0x2FFFF;
	_ =	strace $0x9FFFFFFF  }
0xc2: {  	(tm) =	ssettm $0x7FFFFFFF  }
0xc3: {  	_ =	shalt  }
tec
execute0_lowered:
.L_overlay_start_1:
0x0: {  	(tag) =	ssettag $0x1  }
0x1: {  	s5 =	rddreg [dreg:$0x0]  }
0x2: {  	s1 =	rddreg [dreg:$0x1]  }
0x3: {  	s0 =	rddreg [dreg:$0x2]  }
0x4: {  	s3 =	simm.s32 $0x0;
	s2 =	srdreg.scid;
	s17 =	simm.s32 $0x2800  }
0x5: {  	s18 =	simm.s32 $0x4800;
	s19 =	simm.s32 $0x80;
	s20 =	simm.s32 $0x6800  }
0x6: {  	s21 =	simm.s32 $0xC0;
	s22 =	simm.s32 $0x8800;
	s23 =	simm.s32 $0x1  }
0x7: {  	s24 =	simm.s32 $0x2;
	s28 =	simm.s32 $0x0;
	[smem:$0x7FF] =	sst s3  }
0x8: {  	s6 =	sand.u32 $0x1, s2;
	s2 =	stileid.u32;
	s9 =	sadd.s32 $0xD600, s5  }
0x9: {  	s10 =	sadd.s32 $0x3600, s5;
	s4 =	sadd.s32 $0x17600, s5;
	s7 =	smul.u32 $0x140000, s6  }
0xa: {  	s11 =	sadd.s32 $0x3F600, s5;
	_ =	strace $0x80000050;
	s8 =	smul.u32 $0x14000, s2  }
0xb: {  	s25 =	sshll.u32 s6, $0x4;
	s12 =	ssub.s32 $0x2, s6;
	s13 =	smul.u32 $0x50000, s2  }
0xc: {  	p0 =	seq.s32 s6, $0x1;
	s30 =	smul.u32 $0x2800, s2;
	s16 =	smov.u32 s4  }
0xd: {  	s31 =	sshll.u32 s2, $0x6;
	s14 =	sshrl.u32 s12, $0x1;
	s16 =	smov.u32 @p0 s11  }
0xe: {  	s7 =	sadd.s32 s8, s7;
	s8 =	sor.u32 s2, s25;
	s12 =	ssub.s32 s12, s14  }
0xf: {  	s26 =	sshrl.u32 s13, $0x2;
	s11 =	sadd.s32 s16, s30;
	s14 =	simm.s32 $0x3  }
0x10: {  	s16 =	simm.s32 $0x40;
	s25 =	simm.s32 $0x2700;
	s8 =	smul.u32 $0x2800, s8  }
0x11: {  	s7 =	sshrl.u32 s7, $0x3;
	s13 =	sadd.s32 s26, s1;
	s26 =	simm.s32 $0x2780  }
0x12: {  	s15 =	sadd.s32 s7, s5;
	s13 =	sshrl.u32 s13, $0x3;
	s29 =	sshrl.u32 s8, $0x3  }
0x13: {  	s5 =	sadd.s32 s9, s29;
	s8 =	sadd.s32 $0x280, s29;
	s6 =	sadd.s32 s10, s29  }
0x14: {  	s7 =	sadd.s32 s9, s8;
	s8 =	sadd.s32 s10, s8;
	s9 =	sadd.s32 $0x67600, s15  }
0x15: {  	s10 =	smax.u32 s12, $0x1;
	s12 =	sor.u32 $0x1C03, s31;
	s15 =	simm.s32 $0x1400  }
.LBB2_1:
0x16: {  	[spmem:s13], [sflag:s12] =	dma.local [hbm:s11], $0x2800  }
0x17: {  	_ =	swait.ge [sflag:s14], $0x2800  }
0x18: {  	[sflag:s14] =	ssyncset.done $0x0  }
0x19: {  	[sflag:s14] =	ssyncadd.s32 $0xFFFFD800  }
0x1a: {  	[bflag:$0x0] =	sbarrier.arrive $0xFFFF  }
0x1b: {  	[tilespmem:s3], [sflag:$0x3] =	stream.linear.gather [hbm4b:s5+s3], $0x1400, $0x38;
	[tilespmem:$0x1E800] =	vst v63  }
0x1c: {  	_ =	swait.ge [sflag:s14], $0x1400  }
0x1d: {  	[sflag:s14] =	ssyncset.done $0x0  }
0x1e: {  	[sflag:s14] =	ssyncadd.s32 $0xFFFFEC00  }
0x1f: {  	[tilespmem:s15], [sflag:$0x3] =	stream.linear.gather [hbm4b:s6+s3], $0x1400, $0x38;
	[tilespmem:$0x1E800] =	vst v63  }
0x20: {  	_ =	swait.ge [sflag:s14], $0x1400  }
0x21: {  	[sflag:s14] =	ssyncset.done $0x0  }
0x22: {  	[sflag:s14] =	ssyncadd.s32 $0xFFFFEC00  }
0x23: {  	[tilespmem:s17], [sflag:$0x1] =	stream.indirect.gather [hbm4b:s4+s16], $0x80, s3, s16, $0xb8;
	[tilespmem:$0x1E800] =	vst v63  }
0x24: {  	_ = 	snop  }
0x25: {  	[tilespmem:s18], [sflag:$0x1] =	stream.indirect.gather [hbm4b:s4+s16], $0x80, s16, s16, $0xb8;
	[tilespmem:$0x1E800] =	vst v63  }
0x26: {  	_ = 	snop  }
0x27: {  	[tilespmem:s20], [sflag:$0x2] =	stream.indirect.gather [hbm4b:s4+s16], $0x80, s19, s16, $0xb8;
	[tilespmem:$0x1E800] =	vst v63  }
0x28: {  	_ = 	snop  }
0x29: {  	[tilespmem:s22], [sflag:$0x2] =	stream.indirect.gather [hbm4b:s4+s16], $0x80, s21, s16, $0xb8;
	[tilespmem:$0x1E800] =	vst v63  }
0x2a: {  	_ =	swait.ge [sflag:s23], $0x2000  }
0x2b: {  	[sflag:s23] =	ssyncset.done $0x0  }
0x2c: {  	[sflag:s23] =	ssyncadd.s32 $0xFFFFE000  }
0x2d: {  	_ =	swait.ge [sflag:s23], $0x2000  }
0x2e: {  	[sflag:s23] =	ssyncset.done $0x0  }
0x2f: {  	s29 =	simm.s32 $0x1400;
	[sflag:s23] =	ssyncadd.s32 $0xFFFFE000  }
0x30: {  	[spmem:s1] =	stream.indirect.scatter.add.f32 [tilespmem:s17], [sflag:$0x3], $0x80, s29, s19, $0xb8;
	[tilespmem:$0x1E800] =	vst v63  }
0x31: {  	_ =	swait.ge [sflag:s14], $0x4000  }
0x32: {  	[sflag:s14] =	ssyncset.done $0x0  }
0x33: {  	s29 =	simm.s32 $0x100;
	[sflag:s14] =	ssyncadd.s32 $0xFFFFC000  }
0x34: {  	[tilespmem:s17], [sflag:$0x1] =	stream.indirect.gather [hbm4b:s4+s16], $0x80, s29, s16, $0xb8;
	[tilespmem:$0x1E800] =	vst v63  }
0x35: {  	s29 =	simm.s32 $0x140  }
0x36: {  	[tilespmem:s18], [sflag:$0x1] =	stream.indirect.gather [hbm4b:s4+s16], $0x80, s29, s16, $0xb8;
	[tilespmem:$0x1E800] =	vst v63  }
0x37: {  	_ =	swait.ge [sflag:s24], $0x2000  }
0x38: {  	[sflag:s24] =	ssyncset.done $0x0  }
0x39: {  	[sflag:s24] =	ssyncadd.s32 $0xFFFFE000  }
0x3a: {  	_ =	swait.ge [sflag:s24], $0x2000  }
0x3b: {  	[sflag:s24] =	ssyncset.done $0x0  }
0x3c: {  	s29 =	simm.s32 $0x1480;
	[sflag:s24] =	ssyncadd.s32 $0xFFFFE000  }
0x3d: {  	[spmem:s1] =	stream.indirect.scatter.add.f32 [tilespmem:s20], [sflag:$0x3], $0x80, s29, s19, $0xb8;
	[tilespmem:$0x1E800] =	vst v63  }
0x3e: {  	_ =	swait.ge [sflag:s14], $0x4000  }
0x3f: {  	[sflag:s14] =	ssyncset.done $0x0  }
0x40: {  	s29 =	simm.s32 $0x180;
	[sflag:s14] =	ssyncadd.s32 $0xFFFFC000  }
0x41: {  	[tilespmem:s20], [sflag:$0x2] =	stream.indirect.gather [hbm4b:s4+s16], $0x80, s29, s16, $0xb8;
	[tilespmem:$0x1E800] =	vst v63  }
0x42: {  	s30 =	simm.s32 $0x1C0;
	s29 =	simm.s32 $0x400  }
.LBB2_2:
0x43: {  	[tilespmem:s22], [sflag:$0x2] =	stream.indirect.gather [hbm4b:s4+s16], $0x80, s30, s16, $0xb8;
	[tilespmem:$0x1E800] =	vst v63  }
0x44: {  	s30 =	smov.u32 s29  }
0x45: {  	p0 =	sne.s32 s29, $0x4800;
	s29 =	sadd.s32 $0x400, s29;
	_ =	swait.ge [sflag:s23], $0x2000  }
0x46: {  	[sflag:s23] =	ssyncset.done $0x0  }
0x47: {  	[sflag:s23] =	ssyncadd.s32 $0xFFFFE000  }
0x48: {  	_ =	swait.ge [sflag:s23], $0x2000  }
0x49: {  	s30 =	sshra.s32 s30, $0x2;
	[sflag:s23] =	ssyncset.done $0x0  }
0x4a: {  	s31 =	sadd.s32 $0x1400, s30;
	[sflag:s23] =	ssyncadd.s32 $0xFFFFE000  }
0x4b: {  	[spmem:s1] =	stream.indirect.scatter.add.f32 [tilespmem:s17], [sflag:$0x3], $0x80, s31, s19, $0xb8;
	[tilespmem:$0x1E800] =	vst v63  }
0x4c: {  	_ =	swait.ge [sflag:s14], $0x4000  }
0x4d: {  	[sflag:s14] =	ssyncset.done $0x0  }
0x4e: {  	s31 =	sadd.s32 $0x100, s30;
	[sflag:s14] =	ssyncadd.s32 $0xFFFFC000  }
0x4f: {  	[tilespmem:s17], [sflag:$0x1] =	stream.indirect.gather [hbm4b:s4+s16], $0x80, s31, s16, $0xb8;
	[tilespmem:$0x1E800] =	vst v63  }
0x50: {  	s31 =	sadd.s32 $0x140, s30  }
0x51: {  	[tilespmem:s18], [sflag:$0x1] =	stream.indirect.gather [hbm4b:s4+s16], $0x80, s31, s16, $0xb8;
	[tilespmem:$0x1E800] =	vst v63  }
0x52: {  	_ =	swait.ge [sflag:s24], $0x2000  }
0x53: {  	[sflag:s24] =	ssyncset.done $0x0  }
0x54: {  	[sflag:s24] =	ssyncadd.s32 $0xFFFFE000  }
0x55: {  	_ =	swait.ge [sflag:s24], $0x2000  }
0x56: {  	[sflag:s24] =	ssyncset.done $0x0  }
0x57: {  	s31 =	sadd.s32 $0x1480, s30;
	[sflag:s24] =	ssyncadd.s32 $0xFFFFE000  }
0x58: {  	[spmem:s1] =	stream.indirect.scatter.add.f32 [tilespmem:s20], [sflag:$0x3], $0x80, s31, s19, $0xb8;
	[tilespmem:$0x1E800] =	vst v63  }
.Ltmp0:
0x59: {  	_ =	swait.ge [sflag:s14], $0x4000;
	(pc) =	sbr.rel @p0 .LBB2_2-.Ltmp0, $4  }
0x5a: {  	[sflag:s14] =	ssyncset.done $0x0  }
0x5b: {  	s31 =	sadd.s32 $0x180, s30;
	[sflag:s14] =	ssyncadd.s32 $0xFFFFC000  }
0x5c: {  	[tilespmem:s20], [sflag:$0x2] =	stream.indirect.gather [hbm4b:s4+s16], $0x80, s31, s16, $0xb8;
	[tilespmem:$0x1E800] =	vst v63  }
0x5d: {  	s30 =	sadd.s32 $0x1C0, s30  }
0x5e: {  	[tilespmem:s22], [sflag:$0x2] =	stream.indirect.gather [hbm4b:s4+s16], $0x80, s30, s16, $0xb8;
	[tilespmem:$0x1E800] =	vst v63  }
0x5f: {  	_ =	swait.ge [sflag:s23], $0x2000  }
0x60: {  	[sflag:s23] =	ssyncset.done $0x0  }
0x61: {  	[sflag:s23] =	ssyncadd.s32 $0xFFFFE000  }
0x62: {  	_ =	swait.ge [sflag:s23], $0x2000  }
0x63: {  	[sflag:s23] =	ssyncset.done $0x0  }
0x64: {  	[sflag:s23] =	ssyncadd.s32 $0xFFFFE000  }
0x65: {  	[spmem:s1] =	stream.indirect.scatter.add.f32 [tilespmem:s17], [sflag:$0x3], $0x80, s25, s19, $0xb8;
	[tilespmem:$0x1E800] =	vst v63  }
0x66: {  	_ =	swait.ge [sflag:s14], $0x4000  }
0x67: {  	[sflag:s14] =	ssyncset.done $0x0  }
0x68: {  	[sflag:s14] =	ssyncadd.s32 $0xFFFFC000  }
0x69: {  	_ =	swait.ge [sflag:s24], $0x2000  }
0x6a: {  	[sflag:s24] =	ssyncset.done $0x0  }
0x6b: {  	[sflag:s24] =	ssyncadd.s32 $0xFFFFE000  }
0x6c: {  	_ =	swait.ge [sflag:s24], $0x2000  }
0x6d: {  	[sflag:s24] =	ssyncset.done $0x0  }
0x6e: {  	[sflag:s24] =	ssyncadd.s32 $0xFFFFE000  }
0x6f: {  	[spmem:s1] =	stream.indirect.scatter.add.f32 [tilespmem:s20], [sflag:$0x3], $0x80, s26, s19, $0xb8;
	[tilespmem:$0x1E800] =	vst v63  }
0x70: {  	_ =	swait.ge [sflag:s14], $0x4000  }
0x71: {  	[sflag:s14] =	ssyncset.done $0x0  }
0x72: {  	s29 =	simm.s32 $0x0;
	[sflag:s14] =	ssyncadd.s32 $0xFFFFC000  }
0x73: {  	[tilespmem:s29], [sflag:$0x3] =	stream.linear.gather [hbm4b:s7+s29], $0x1400, $0x38;
	[tilespmem:$0x1E800] =	vst v63  }
0x74: {  	_ =	swait.ge [sflag:s14], $0x1400  }
0x75: {  	[sflag:s14] =	ssyncset.done $0x0  }
0x76: {  	[sflag:s14] =	ssyncadd.s32 $0xFFFFEC00  }
0x77: {  	[tilespmem:s15], [sflag:$0x3] =	stream.linear.gather [hbm4b:s8+s29], $0x1400, $0x38;
	[tilespmem:$0x1E800] =	vst v63  }
0x78: {  	_ =	swait.ge [sflag:s14], $0x1400  }
0x79: {  	[sflag:s14] =	ssyncset.done $0x0  }
0x7a: {  	[sflag:s14] =	ssyncadd.s32 $0xFFFFEC00  }
0x7b: {  	[tilespmem:s17], [sflag:$0x1] =	stream.indirect.gather [hbm4b:s4+s16], $0x80, s29, s16, $0xb8;
	[tilespmem:$0x1E800] =	vst v63  }
0x7c: {  	_ = 	snop  }
0x7d: {  	[tilespmem:s18], [sflag:$0x1] =	stream.indirect.gather [hbm4b:s4+s16], $0x80, s16, s16, $0xb8;
	[tilespmem:$0x1E800] =	vst v63  }
0x7e: {  	_ = 	snop  }
0x7f: {  	[tilespmem:s20], [sflag:$0x2] =	stream.indirect.gather [hbm4b:s4+s16], $0x80, s19, s16, $0xb8;
	[tilespmem:$0x1E800] =	vst v63  }
0x80: {  	_ = 	snop  }
0x81: {  	[tilespmem:s22], [sflag:$0x2] =	stream.indirect.gather [hbm4b:s4+s16], $0x80, s21, s16, $0xb8;
	[tilespmem:$0x1E800] =	vst v63  }
0x82: {  	_ =	swait.ge [sflag:s23], $0x2000  }
0x83: {  	[sflag:s23] =	ssyncset.done $0x0  }
0x84: {  	[sflag:s23] =	ssyncadd.s32 $0xFFFFE000  }
0x85: {  	_ =	swait.ge [sflag:s23], $0x2000  }
0x86: {  	[sflag:s23] =	ssyncset.done $0x0  }
0x87: {  	s29 =	simm.s32 $0x1400;
	[sflag:s23] =	ssyncadd.s32 $0xFFFFE000  }
0x88: {  	[spmem:s1] =	stream.indirect.scatter.add.f32 [tilespmem:s17], [sflag:$0x3], $0x80, s29, s19, $0xb8;
	[tilespmem:$0x1E800] =	vst v63  }
0x89: {  	_ =	swait.ge [sflag:s14], $0x4000  }
0x8a: {  	[sflag:s14] =	ssyncset.done $0x0  }
0x8b: {  	s29 =	simm.s32 $0x100;
	[sflag:s14] =	ssyncadd.s32 $0xFFFFC000  }
0x8c: {  	[tilespmem:s17], [sflag:$0x1] =	stream.indirect.gather [hbm4b:s4+s16], $0x80, s29, s16, $0xb8;
	[tilespmem:$0x1E800] =	vst v63  }
0x8d: {  	s29 =	simm.s32 $0x140  }
0x8e: {  	[tilespmem:s18], [sflag:$0x1] =	stream.indirect.gather [hbm4b:s4+s16], $0x80, s29, s16, $0xb8;
	[tilespmem:$0x1E800] =	vst v63  }
0x8f: {  	_ =	swait.ge [sflag:s24], $0x2000  }
0x90: {  	[sflag:s24] =	ssyncset.done $0x0  }
0x91: {  	[sflag:s24] =	ssyncadd.s32 $0xFFFFE000  }
0x92: {  	_ =	swait.ge [sflag:s24], $0x2000  }
0x93: {  	[sflag:s24] =	ssyncset.done $0x0  }
0x94: {  	s29 =	simm.s32 $0x1480;
	[sflag:s24] =	ssyncadd.s32 $0xFFFFE000  }
0x95: {  	[spmem:s1] =	stream.indirect.scatter.add.f32 [tilespmem:s20], [sflag:$0x3], $0x80, s29, s19, $0xb8;
	[tilespmem:$0x1E800] =	vst v63  }
0x96: {  	_ =	swait.ge [sflag:s14], $0x4000  }
0x97: {  	[sflag:s14] =	ssyncset.done $0x0  }
0x98: {  	s29 =	simm.s32 $0x180;
	[sflag:s14] =	ssyncadd.s32 $0xFFFFC000  }
0x99: {  	[tilespmem:s20], [sflag:$0x2] =	stream.indirect.gather [hbm4b:s4+s16], $0x80, s29, s16, $0xb8;
	[tilespmem:$0x1E800] =	vst v63  }
0x9a: {  	s30 =	simm.s32 $0x1C0;
	s29 =	simm.s32 $0x400  }
.LBB2_4:
0x9b: {  	[tilespmem:s22], [sflag:$0x2] =	stream.indirect.gather [hbm4b:s4+s16], $0x80, s30, s16, $0xb8;
	[tilespmem:$0x1E800] =	vst v63  }
0x9c: {  	s30 =	smov.u32 s29  }
0x9d: {  	p0 =	sne.s32 s29, $0x4800;
	s29 =	sadd.s32 $0x400, s29;
	_ =	swait.ge [sflag:s23], $0x2000  }
0x9e: {  	[sflag:s23] =	ssyncset.done $0x0  }
0x9f: {  	[sflag:s23] =	ssyncadd.s32 $0xFFFFE000  }
0xa0: {  	_ =	swait.ge [sflag:s23], $0x2000  }
0xa1: {  	s30 =	sshra.s32 s30, $0x2;
	[sflag:s23] =	ssyncset.done $0x0  }
0xa2: {  	s31 =	sadd.s32 $0x1400, s30;
	[sflag:s23] =	ssyncadd.s32 $0xFFFFE000  }
0xa3: {  	[spmem:s1] =	stream.indirect.scatter.add.f32 [tilespmem:s17], [sflag:$0x3], $0x80, s31, s19, $0xb8;
	[tilespmem:$0x1E800] =	vst v63  }
0xa4: {  	_ =	swait.ge [sflag:s14], $0x4000  }
0xa5: {  	[sflag:s14] =	ssyncset.done $0x0  }
0xa6: {  	s31 =	sadd.s32 $0x100, s30;
	[sflag:s14] =	ssyncadd.s32 $0xFFFFC000  }
0xa7: {  	[tilespmem:s17], [sflag:$0x1] =	stream.indirect.gather [hbm4b:s4+s16], $0x80, s31, s16, $0xb8;
	[tilespmem:$0x1E800] =	vst v63  }
0xa8: {  	s31 =	sadd.s32 $0x140, s30  }
0xa9: {  	[tilespmem:s18], [sflag:$0x1] =	stream.indirect.gather [hbm4b:s4+s16], $0x80, s31, s16, $0xb8;
	[tilespmem:$0x1E800] =	vst v63  }
0xaa: {  	_ =	swait.ge [sflag:s24], $0x2000  }
0xab: {  	[sflag:s24] =	ssyncset.done $0x0  }
0xac: {  	[sflag:s24] =	ssyncadd.s32 $0xFFFFE000  }
0xad: {  	_ =	swait.ge [sflag:s24], $0x2000  }
0xae: {  	[sflag:s24] =	ssyncset.done $0x0  }
0xaf: {  	s31 =	sadd.s32 $0x1480, s30;
	[sflag:s24] =	ssyncadd.s32 $0xFFFFE000  }
0xb0: {  	[spmem:s1] =	stream.indirect.scatter.add.f32 [tilespmem:s20], [sflag:$0x3], $0x80, s31, s19, $0xb8;
	[tilespmem:$0x1E800] =	vst v63  }
.Ltmp1:
0xb1: {  	_ =	swait.ge [sflag:s14], $0x4000;
	(pc) =	sbr.rel @p0 .LBB2_4-.Ltmp1, $4  }
0xb2: {  	[sflag:s14] =	ssyncset.done $0x0  }
0xb3: {  	s31 =	sadd.s32 $0x180, s30;
	[sflag:s14] =	ssyncadd.s32 $0xFFFFC000  }
0xb4: {  	[tilespmem:s20], [sflag:$0x2] =	stream.indirect.gather [hbm4b:s4+s16], $0x80, s31, s16, $0xb8;
	[tilespmem:$0x1E800] =	vst v63  }
0xb5: {  	s30 =	sadd.s32 $0x1C0, s30  }
0xb6: {  	[tilespmem:s22], [sflag:$0x2] =	stream.indirect.gather [hbm4b:s4+s16], $0x80, s30, s16, $0xb8;
	[tilespmem:$0x1E800] =	vst v63  }
0xb7: {  	_ =	swait.ge [sflag:s23], $0x2000  }
0xb8: {  	[sflag:s23] =	ssyncset.done $0x0  }
0xb9: {  	[sflag:s23] =	ssyncadd.s32 $0xFFFFE000  }
0xba: {  	_ =	swait.ge [sflag:s23], $0x2000  }
0xbb: {  	[sflag:s23] =	ssyncset.done $0x0  }
0xbc: {  	[sflag:s23] =	ssyncadd.s32 $0xFFFFE000  }
0xbd: {  	[spmem:s1] =	stream.indirect.scatter.add.f32 [tilespmem:s17], [sflag:$0x3], $0x80, s25, s19, $0xb8;
	[tilespmem:$0x1E800] =	vst v63  }
0xbe: {  	_ =	swait.ge [sflag:s14], $0x4000  }
0xbf: {  	[sflag:s14] =	ssyncset.done $0x0  }
0xc0: {  	[sflag:s14] =	ssyncadd.s32 $0xFFFFC000  }
0xc1: {  	_ =	swait.ge [sflag:s24], $0x2000  }
0xc2: {  	[sflag:s24] =	ssyncset.done $0x0  }
0xc3: {  	[sflag:s24] =	ssyncadd.s32 $0xFFFFE000  }
0xc4: {  	_ =	swait.ge [sflag:s24], $0x2000  }
0xc5: {  	[sflag:s24] =	ssyncset.done $0x0  }
0xc6: {  	[sflag:s24] =	ssyncadd.s32 $0xFFFFE000  }
0xc7: {  	[spmem:s1] =	stream.indirect.scatter.add.f32 [tilespmem:s20], [sflag:$0x3], $0x80, s26, s19, $0xb8;
	[tilespmem:$0x1E800] =	vst v63  }
0xc8: {  	_ =	swait.ge [sflag:s14], $0x4000  }
0xc9: {  	s28 =	sadd.s32 $0x1, s28;
	[sflag:s14] =	ssyncset.done $0x0  }
0xca: {  	p0 =	sne.s32 s28, s10;
	[sflag:s14] =	ssyncadd.s32 $0xFFFFC000  }
.Ltmp2:
0xcb: {  	[bflag:$0x0] =	sbarrier.arrive $0xFFFF;
	(pc) =	sbr.rel @p0 .LBB2_1-.Ltmp2, $4  }
0xcc: {  	[hbm:s9], [sflag:s12] =	dma.local [spmem:s13], $0x2800  }
0xcd: {  	_ =	swait.ge [sflag:s14], $0x2800  }
0xce: {  	[sflag:s14] =	ssyncset.done $0x0  }
0xcf: {  	[sflag:s14] =	ssyncadd.s32 $0xFFFFD800  }
0xd0: {  	_ =	sfence.sel $0x180000  }
0xd1: {  	[bflag:$0x0] =	sbarrier.arrive $0xFFFF  }
0xd2: {  	p0 =	sne.s32 s2, $0x0;
	_ =	strace $0x90000050  }
0xd3: {  	s0 =	sadd.s32 @!p0 $0x100000, s0;
	[bflag:$0x2] =	sbarrier.arrive $0xFFFF  }
0xd4: {  	[sflag:s0] =	ssyncadd.tile.s32 @!p0 $0x1;
	_ =	shalt  }
.Lfunc_end2:
_tile_overlayer_lowered:
.L_overlay_start_2:
0xd5: {  	(tag) =	ssettag $0x2  }
0xd6: {  	s0 =	rddreg [dreg:$0x0];
	s2 =	stileid.u32  }
0xd7: {  	s1 =	rddreg [dreg:$0x1];
	p0 =	sne.s32 s2, $0x0  }
0xd8: {  	s3 =	rddreg [dreg:$0x2];
	[bflag:$0x3] =	sbarrier.arrive $0xFFFF;
	s2 =	simm.s32 @!p0 $0x1C03  }
0xd9: {  	[timem:s3], [sflag:s2] =	dma.local @!p0 [hbm:s0], s1  }
0xda: {  	s0 =	simm.s32 @!p0 $0x3  }
0xdb: {  	_ =	swait.ge @!p0 [sflag:s0], s1  }
0xdc: {  	s1 =	ssub.s32 @!p0 $0x0, s1;
	[sflag:s0] =	ssyncset.done @!p0 $0x0  }
0xdd: {  	[sflag:s0] =	ssyncadd.s32 @!p0 s1  }
0xde: {  	[bflag:$0x3] =	sbarrier.arrive $0xFFFF  }
0xdf: {  	_ =	shalt  }

</sc_bundles>
